<compile_context>
chip_gen: v7x
topology: tpu7x:2x2x1
jax: 0.10.2.dev20260603
libtpu: 0.0.44.dev20260713+nightly
codegen_flags: <defaults>
</compile_context>

<pallas_src>
import jax
import jax.numpy as jnp
from jax import lax
from jax.experimental import pallas as pl
from jax.experimental.pallas import tpu as pltpu
from jax.experimental.pallas import tpu_sc as plsc

N_POINTS = 200000
N_PX = 512
N_PY = 512
IN_F = 6
OUT_F = 64
EPS = 1e-5

P_PAD = 200704
FBK = 4096


NCORE = 2
NSUB = 16
PT = P_PAD // NSUB
CHUNK = 8192
SHIFT = 13
NBUCKETS = (N_PX * N_PY) // CHUNK
PASSES = NBUCKETS // NCORE
WAVE = 128
BIGWAVE = 256
LIST_CAP = PT + NBUCKETS * WAVE
ROWS_PER_SUB = CHUNK // NSUB
DUMMY_CELL = CHUNK
DUMMY_FLAG = 1 << 19


def _stats_fold_kernel(xt_ref, wt_ref, b_ref, g_ref, beta_ref,
                       w2_ref, b2_ref):
    xt = xt_ref[...]
    mu = jnp.sum(xt, axis=1, keepdims=True).T / N_POINTS
    m2 = jnp.concatenate(
        [jnp.sum(xt[f:f + 1, :] * xt, axis=1, keepdims=True).T
         for f in range(IN_F)], axis=0) / N_POINTS
    wt = wt_ref[...]
    b = b_ref[...]
    mean = lax.dot_general(mu, wt, (((1,), (0,)), ((), ())),
                           preferred_element_type=jnp.float32) + b
    m2w = lax.dot_general(m2, wt, (((1,), (0,)), ((), ())),
                          preferred_element_type=jnp.float32)
    quad = jnp.sum(wt * m2w, axis=0, keepdims=True)
    var = quad + 2.0 * b * mean - b * b - mean * mean
    sc = g_ref[...] * lax.rsqrt(var + EPS)
    w2_ref[...] = wt * sc
    b2_ref[...] = (b - mean) * sc + beta_ref[...]


def _forward_kernel(xt_ref, w2_ref, b2_ref, h_ref):
    h = lax.dot_general(xt_ref[...], w2_ref[...], (((0,), (0,)), ((), ())),
                        preferred_element_type=jnp.float32)
    h_ref[...] = jnp.maximum(h + b2_ref[...], 0.0)


def _scatter_kernel(xi_hbm, yi_hbm, h_hbm, out_hbm,
                    sp_list, flat_v, hist, tails, starts, bcount,
                    cell_buf, pid_buf, rows_v, cell_bb0, pid_bb0, rows_b0,
                    cell_bb1, pid_bb1, rows_b1, gsem0, gsem1, asem0, asem1,
                    zbuf, chunk):
    c = lax.axis_index("c")
    s = lax.axis_index("s")
    base = s * PT
    iota = lax.iota(jnp.int32, 16)
    zeros16i = jnp.zeros((16,), jnp.int32)
    ones_m = iota < 16
    lanebase = iota * NBUCKETS

    pltpu.sync_copy(xi_hbm.at[pl.ds(base, PT)], flat_v)
    pltpu.sync_copy(yi_hbm.at[pl.ds(base, PT)], sp_list.at[pl.ds(0, PT)])

    def _flat_body(i, carry):
        xv = flat_v[pl.ds(i * 16, 16)]
        yv = sp_list[pl.ds(i * 16, 16)]
        flat_v[pl.ds(i * 16, 16)] = xv * N_PY + yv
        return carry

    lax.fori_loop(0, PT // 16, _flat_body, 0)

    zeros16f = jnp.zeros((16,), jnp.float32)

    def _zero_body(i, carry):
        for j in range(OUT_F // 16):
            zbuf[i, pl.ds(j * 16, 16)] = zeros16f
        return carry

    lax.fori_loop(0, zbuf.shape[0], _zero_body, 0)

    def _hzero_body(b, carry):
        plsc.store_scatter(hist, [lanebase + b], zeros16i, mask=ones_m)
        return carry

    lax.fori_loop(0, NBUCKETS, _hzero_body, 0)

    def _hist_body(i, carry):
        fv = flat_v[pl.ds(i * 16, 16)]
        ch = lax.shift_right_logical(fv, SHIFT)
        valid = ch < NBUCKETS
        chc = jnp.minimum(ch, NBUCKETS - 1)
        cur = plsc.load_gather(hist, [lanebase + chc], mask=valid)
        plsc.store_scatter(hist, [lanebase + chc], cur + 1, mask=valid)
        return carry

    lax.fori_loop(0, PT // 16, _hist_body, 0)

    def _off_body(b, carry):
        bb = zeros16i + b
        cv = plsc.load_gather(hist, [lanebase + bb], mask=ones_m)
        inc = plsc.cumsum(cv)
        total = inc[15]
        plsc.store_scatter(tails, [lanebase + bb], carry + inc - cv,
                           mask=ones_m)
        lane0 = iota < 1
        plsc.store_scatter(starts, [bb], zeros16i + carry, mask=lane0)
        plsc.store_scatter(bcount, [bb], zeros16i + total, mask=lane0)
        return carry + ((total // WAVE) + 1) * WAVE

    lax.fori_loop(0, NBUCKETS, _off_body, 0)

    def _place_body(i, carry):
        fv = flat_v[pl.ds(i * 16, 16)]
        ch = lax.shift_right_logical(fv, SHIFT)
        valid = ch < NBUCKETS
        chc = jnp.minimum(ch, NBUCKETS - 1)
        dest = plsc.load_gather(tails, [lanebase + chc], mask=valid)
        plsc.store_scatter(sp_list, [dest], iota + (base + i * 16),
                           mask=valid)
        plsc.store_scatter(tails, [lanebase + chc], dest + 1, mask=valid)
        return carry

    lax.fori_loop(0, PT // 16, _place_body, 0)

    dummyv = zeros16i + (base + DUMMY_FLAG)

    def _fill_body(b, carry):
        bb = zeros16i + b
        st = plsc.load_gather(starts, [bb])[0]
        cnt = plsc.load_gather(bcount, [bb])[0]
        t = st + cnt
        end = st + ((cnt + WAVE - 1) // WAVE) * WAVE
        for k in range(WAVE // 16):
            offs = t + k * 16 + iota
            mfill = offs < end
            plsc.store_scatter(sp_list, [offs], dummyv, mask=mfill)
        return carry

    lax.fori_loop(0, NBUCKETS, _fill_body, 0)

    zrows = zbuf.shape[0]

    def _stage(buf_cell, buf_pid, off, nvreg):
        for k in range(nvreg):
            pidv = sp_list[pl.ds(off + k * 16, 16)]
            isd = pidv >= DUMMY_FLAG
            rp = pidv & (DUMMY_FLAG - 1)
            buf_pid[pl.ds(k * 16, 16)] = rp
            fl = plsc.load_gather(flat_v, [rp - base])
            buf_cell[pl.ds(k * 16, 16)] = jnp.where(
                isd, DUMMY_CELL, fl & (CHUNK - 1))

    def _pass_body(p, carry):
        chunk_id = c * PASSES + p
        lo = chunk_id * CHUNK
        bb = zeros16i + chunk_id
        st = pl.multiple_of(plsc.load_gather(starts, [bb])[0], WAVE)
        cnt = plsc.load_gather(bcount, [bb])[0]
        n_waves = (cnt + WAVE - 1) // WAVE

        def _clear_body(q, carry2):
            pltpu.sync_copy(
                zbuf, chunk.at[pl.ds(s * ROWS_PER_SUB + q * zrows, zrows)])
            return carry2

        lax.fori_loop(0, ROWS_PER_SUB // zrows, _clear_body, 0)
        plsc.subcore_barrier()

        n_big = cnt // BIGWAVE
        bb_cell = (cell_bb0, cell_bb1)
        bb_pid = (pid_bb0, pid_bb1)
        bb_rows = (rows_b0, rows_b1)
        bb_gsem = (gsem0, gsem1)
        bb_asem = (asem0, asem1)

        def _bigpair(jj, carry2):
            for par in range(2):
                j = jj * 2 + par

                @pl.when(j < n_big)
                def _(par=par, j=j):
                    @pl.when(j >= 2)
                    def _():
                        pltpu.make_async_copy(
                            bb_rows[par], chunk.at[bb_cell[par]],
                            bb_asem[par]).wait()

                    _stage(bb_cell[par], bb_pid[par], st + j * BIGWAVE,
                           BIGWAVE // 16)
                    pltpu.async_copy(h_hbm.at[bb_pid[par]], bb_rows[par],
                                     bb_gsem[par])
            for par in range(2):
                j = jj * 2 + par

                @pl.when(j < n_big)
                def _(par=par, j=j):
                    pltpu.make_async_copy(h_hbm.at[bb_pid[par]],
                                          bb_rows[par], bb_gsem[par]).wait()
                    pltpu.async_copy(bb_rows[par], chunk.at[bb_cell[par]],
                                     bb_asem[par], add=True)
            return carry2

        lax.fori_loop(0, (n_big + 1) // 2, _bigpair, 0)
        for par in range(2):

            @pl.when(n_big > par)
            def _(par=par):
                pltpu.make_async_copy(bb_rows[par], chunk.at[bb_cell[par]],
                                      bb_asem[par]).wait()

        def _wave_body(j, carry2):
            _stage(cell_buf, pid_buf, st + j * WAVE, WAVE // 16)
            pltpu.sync_copy(h_hbm.at[pid_buf], rows_v)
            pltpu.sync_copy(rows_v, chunk.at[cell_buf], add=True)
            return carry2

        lax.fori_loop(n_big * (BIGWAVE // WAVE), n_waves, _wave_body, 0)
        plsc.subcore_barrier()

        pltpu.sync_copy(
            chunk.at[pl.ds(s * ROWS_PER_SUB, ROWS_PER_SUB)],
            out_hbm.at[pl.ds(lo + s * ROWS_PER_SUB, ROWS_PER_SUB),
                       pl.ds(0, OUT_F)])
        plsc.subcore_barrier()
        return carry

    lax.fori_loop(0, PASSES, _pass_body, 0)


def kernel(x, indices, W, b, gamma, beta):
    x = x.astype(jnp.float32)
    indices = indices.astype(jnp.int32)
    xi = jnp.pad(indices[:, 0], (0, P_PAD - N_POINTS),
                 constant_values=1 << 20)
    yi = jnp.pad(indices[:, 1], (0, P_PAD - N_POINTS))
    xt = jnp.pad(x, ((0, P_PAD - N_POINTS), (0, 0))).T
    wt = W.astype(jnp.float32).T
    b2d = b.astype(jnp.float32).reshape(1, OUT_F)
    g2d = gamma.astype(jnp.float32).reshape(1, OUT_F)
    beta2d = beta.astype(jnp.float32).reshape(1, OUT_F)

    w2, b2 = pl.pallas_call(
        _stats_fold_kernel,
        out_shape=[jax.ShapeDtypeStruct((IN_F, OUT_F), jnp.float32),
                   jax.ShapeDtypeStruct((1, OUT_F), jnp.float32)],
    )(xt, wt, b2d, g2d, beta2d)

    h = pl.pallas_call(
        _forward_kernel,
        grid=(P_PAD // FBK,),
        in_specs=[pl.BlockSpec((IN_F, FBK), lambda i: (0, i)),
                  pl.BlockSpec((IN_F, OUT_F), lambda i: (0, 0)),
                  pl.BlockSpec((1, OUT_F), lambda i: (0, 0))],
        out_specs=pl.BlockSpec((FBK, OUT_F), lambda i: (i, 0)),
        out_shape=jax.ShapeDtypeStruct((P_PAD, OUT_F), jnp.float32),
    )(xt, w2, b2)

    mesh = plsc.VectorSubcoreMesh(core_axis_name="c", subcore_axis_name="s")
    grid_flat = pl.kernel(
        _scatter_kernel,
        mesh=mesh,
        out_type=jax.ShapeDtypeStruct((N_PX * N_PY, 2 * OUT_F),
                                      jnp.float32),
        compiler_params=pltpu.CompilerParams(use_tc_tiling_on_sc=False,
                                             needs_layout_passes=False),
        scratch_types=[
            pltpu.VMEM((LIST_CAP,), jnp.int32),
            pltpu.VMEM((PT,), jnp.int32),
            pltpu.VMEM((16 * NBUCKETS,), jnp.int32),
            pltpu.VMEM((16 * NBUCKETS,), jnp.int32),
            pltpu.VMEM((NBUCKETS,), jnp.int32),
            pltpu.VMEM((NBUCKETS,), jnp.int32),
            pltpu.VMEM((WAVE,), jnp.int32),
            pltpu.VMEM((WAVE,), jnp.int32),
            pltpu.VMEM((WAVE, OUT_F), jnp.float32),
            pltpu.VMEM((BIGWAVE,), jnp.int32),
            pltpu.VMEM((BIGWAVE,), jnp.int32),
            pltpu.VMEM((BIGWAVE, OUT_F), jnp.float32),
            pltpu.VMEM((BIGWAVE,), jnp.int32),
            pltpu.VMEM((BIGWAVE,), jnp.int32),
            pltpu.VMEM((BIGWAVE, OUT_F), jnp.float32),
            pltpu.SemaphoreType.DMA,
            pltpu.SemaphoreType.DMA,
            pltpu.SemaphoreType.DMA,
            pltpu.SemaphoreType.DMA,
            pltpu.VMEM((128, OUT_F), jnp.float32),
            pltpu.VMEM_SHARED((CHUNK + 8, OUT_F), jnp.float32),
        ],
    )(xi, yi, h)

    return grid_flat[:, :OUT_F].reshape(N_PX, N_PY, OUT_F)

# --- scband reference (transcript-rebuilt; emitter-appended) ---
"""Pipeline reference for scband-pillar-feature-net-79989470921164 (READ-ONLY COPY).

The authoritative reference and input builder live on the scoring server;
editing this copy changes nothing except your own understanding.
"""

import jax, jax.numpy as jnp
import numpy as np

N_POINTS = 200000
N_PX = 512
N_PY = 512
IN_F = 6
OUT_F = 64
EPS = 1e-5

def setup_inputs(seed: int = 0) -> dict:
    key = jax.random.key(seed)
    k1, k2, k3, k4 = jax.random.split(key, 4)
    x = jax.random.normal(k1, (N_POINTS, IN_F), dtype=jnp.float32)
    indices = jax.random.randint(k2, (N_POINTS, 2), 0, N_PX, dtype=jnp.int64 if jax.config.jax_enable_x64 else jnp.int32)
    # Linear params (torch default init scale ~ 1/sqrt(fan_in))
    W = jax.random.normal(k3, (OUT_F, IN_F), dtype=jnp.float32) * (1.0 / np.sqrt(IN_F))
    b = jax.random.normal(k4, (OUT_F,), dtype=jnp.float32) * (1.0 / np.sqrt(IN_F))
    # BatchNorm affine params (torch default init)
    gamma = jnp.ones((OUT_F,), dtype=jnp.float32)
    beta = jnp.zeros((OUT_F,), dtype=jnp.float32)
    return {"x": x, "indices": indices, "W": W, "b": b, "gamma": gamma, "beta": beta}

def reference(x, indices, W, b, gamma, beta):
    # Linear
    h = x @ W.T + b
    # BatchNorm1d (training-mode batch statistics, biased variance, eps=1e-5)
    mean = jnp.mean(h, axis=0)
    var = jnp.mean((h - mean) ** 2, axis=0)
    h = (h - mean) / jnp.sqrt(var + EPS) * gamma + beta
    # ReLU
    h = jax.nn.relu(h)
    # Scatter points into the pillar grid (scatter-add by (x_idx, y_idx))
    flat_idx = indices[:, 0].astype(jnp.int32) * N_PY + indices[:, 1].astype(jnp.int32)
    grid_flat = jnp.zeros((N_PX * N_PY, OUT_F), dtype=jnp.float32)
    grid_flat = grid_flat.at[flat_idx].add(h)
    return grid_flat.reshape(N_PX, N_PY, OUT_F)

if __name__ == "__main__":
    import jax
    _d = setup_inputs()
    print(jax.jit(kernel)(*tuple(_d.values())))

</pallas_src>

<mosaic_0001>
#map = affine_map<(d0, d1) -> (0)>
#map1 = affine_map<(d0, d1) -> (0, 0)>
module attributes {stable_mosaic.version = 14 : i64} {
  func.func @_scatter_kernel(%arg0: i32, %arg1: i32, %arg2: memref<200704xi32, #tpu.memory_space<hbm>>, %arg3: memref<200704xi32, #tpu.memory_space<hbm>>, %arg4: memref<200704x64xf32, #tpu.memory_space<hbm>>, %arg5: memref<262144x128xf32, #tpu.memory_space<hbm>>, %arg6: memref<16640xi32, #tpu.memory_space<vmem>>, %arg7: memref<12544xi32, #tpu.memory_space<vmem>>, %arg8: memref<512xi32, #tpu.memory_space<vmem>>, %arg9: memref<512xi32, #tpu.memory_space<vmem>>, %arg10: memref<32xi32, #tpu.memory_space<vmem>>, %arg11: memref<32xi32, #tpu.memory_space<vmem>>, %arg12: memref<128xi32, #tpu.memory_space<vmem>>, %arg13: memref<128xi32, #tpu.memory_space<vmem>>, %arg14: memref<128x64xf32, #tpu.memory_space<vmem>>, %arg15: memref<256xi32, #tpu.memory_space<vmem>>, %arg16: memref<256xi32, #tpu.memory_space<vmem>>, %arg17: memref<256x64xf32, #tpu.memory_space<vmem>>, %arg18: memref<256xi32, #tpu.memory_space<vmem>>, %arg19: memref<256xi32, #tpu.memory_space<vmem>>, %arg20: memref<256x64xf32, #tpu.memory_space<vmem>>, %arg21: memref<!tpu.dma_semaphore, #tpu.memory_space<semaphore_mem>>, %arg22: memref<!tpu.dma_semaphore, #tpu.memory_space<semaphore_mem>>, %arg23: memref<!tpu.dma_semaphore, #tpu.memory_space<semaphore_mem>>, %arg24: memref<!tpu.dma_semaphore, #tpu.memory_space<semaphore_mem>>, %arg25: memref<128x64xf32, #tpu.memory_space<vmem>>, %arg26: memref<8200x64xf32, #tpu.memory_space<vmem_shared>>) attributes {dimension_semantics = [#tpu.dimension_semantics<core_parallel>, #tpu.dimension_semantics<subcore_parallel>], iteration_bounds = array<i64: 2, 16>, scalar_prefetch = 0 : i64, scratch_operands = 21 : i64, tpu.core_type = #tpu.core_type<sc_vector_subcore>, window_params = [{transform_indices = #map}, {transform_indices = #map}, {transform_indices = #map1}, {transform_indices = #map1}]} {
    %mul3A = arith.constant 12544 : i32
    %mul3A_0 = arith.muli %arg1, %mul3A : i32
    %iota3A = tpu.iota {dimensions = array<i32: 0>} : vector<16xi32>
    %broadcast_in_dim3A = arith.constant 0 : i32
    %broadcast_in_dim3A_1 = vector.broadcast %broadcast_in_dim3A : i32 to vector<16xi32>
    %lt3A = arith.constant 16 : i32
    %lt3A_2 = vector.broadcast %lt3A : i32 to vector<16xi32>
    %lt3A_3 = arith.cmpi slt, %iota3A, %lt3A_2 : vector<16xi32>
    %mul3A_4 = arith.constant 32 : i32
    %mul3A_5 = vector.broadcast %mul3A_4 : i32 to vector<16xi32>
    %mul3A_6 = arith.muli %iota3A, %mul3A_5 : vector<16xi32>
    "tpu.region"() ({
      %run_scoped3A = tpu.sem_alloc : memref<!tpu.dma_semaphore, #tpu.memory_space<semaphore_mem>>
      %dma_start3A = tpu.memref_slice %arg2[%mul3A_0] : memref<200704xi32, #tpu.memory_space<hbm>> -> memref<12544xi32, #tpu.memory_space<hbm>>
      %dma_start3A_60 = tpu.memref_slice %arg2[%mul3A_0] : memref<200704xi32, #tpu.memory_space<hbm>> -> memref<12544xi32, #tpu.memory_space<hbm>>
      tpu.enqueue_dma source(%dma_start3A_60 : memref<12544xi32, #tpu.memory_space<hbm>>) target(%arg7 : memref<12544xi32, #tpu.memory_space<vmem>>) target_semaphore(%run_scoped3A : memref<!tpu.dma_semaphore, #tpu.memory_space<semaphore_mem>>)
      %dma_wait3A = tpu.memref_slice %arg2[%mul3A_0] : memref<200704xi32, #tpu.memory_space<hbm>> -> memref<12544xi32, #tpu.memory_space<hbm>>
      %dma_wait3A_61 = tpu.memref_slice %arg2[%mul3A_0] : memref<200704xi32, #tpu.memory_space<hbm>> -> memref<12544xi32, #tpu.memory_space<hbm>>
      tpu.wait_dma2 semaphore(%run_scoped3A : memref<!tpu.dma_semaphore, #tpu.memory_space<semaphore_mem>>) src(%dma_wait3A_61 : memref<12544xi32, #tpu.memory_space<hbm>>) dst(%arg7 : memref<12544xi32, #tpu.memory_space<vmem>>)
      tpu.yield
    }) : () -> ()
    "tpu.region"() ({
      %run_scoped3A = tpu.sem_alloc : memref<!tpu.dma_semaphore, #tpu.memory_space<semaphore_mem>>
      %dma_start3A = arith.constant 0 : i32
      %dma_start3A_60 = tpu.memref_slice %arg6[%dma_start3A] : memref<16640xi32, #tpu.memory_space<vmem>> -> memref<12544xi32, #tpu.memory_space<vmem>>
      %dma_start3A_61 = tpu.memref_slice %arg3[%mul3A_0] : memref<200704xi32, #tpu.memory_space<hbm>> -> memref<12544xi32, #tpu.memory_space<hbm>>
      %dma_start3A_62 = arith.constant 0 : i32
      %dma_start3A_63 = tpu.memref_slice %arg6[%dma_start3A_62] : memref<16640xi32, #tpu.memory_space<vmem>> -> memref<12544xi32, #tpu.memory_space<vmem>>
      %dma_start3A_64 = tpu.memref_slice %arg3[%mul3A_0] : memref<200704xi32, #tpu.memory_space<hbm>> -> memref<12544xi32, #tpu.memory_space<hbm>>
      tpu.enqueue_dma source(%dma_start3A_64 : memref<12544xi32, #tpu.memory_space<hbm>>) target(%dma_start3A_63 : memref<12544xi32, #tpu.memory_space<vmem>>) target_semaphore(%run_scoped3A : memref<!tpu.dma_semaphore, #tpu.memory_space<semaphore_mem>>)
      %dma_wait3A = arith.constant 0 : i32
      %dma_wait3A_65 = tpu.memref_slice %arg6[%dma_wait3A] : memref<16640xi32, #tpu.memory_space<vmem>> -> memref<12544xi32, #tpu.memory_space<vmem>>
      %dma_wait3A_66 = tpu.memref_slice %arg3[%mul3A_0] : memref<200704xi32, #tpu.memory_space<hbm>> -> memref<12544xi32, #tpu.memory_space<hbm>>
      %dma_wait3A_67 = arith.constant 0 : i32
      %dma_wait3A_68 = tpu.memref_slice %arg6[%dma_wait3A_67] : memref<16640xi32, #tpu.memory_space<vmem>> -> memref<12544xi32, #tpu.memory_space<vmem>>
      %dma_wait3A_69 = tpu.memref_slice %arg3[%mul3A_0] : memref<200704xi32, #tpu.memory_space<hbm>> -> memref<12544xi32, #tpu.memory_space<hbm>>
      tpu.wait_dma2 semaphore(%run_scoped3A : memref<!tpu.dma_semaphore, #tpu.memory_space<semaphore_mem>>) src(%dma_wait3A_69 : memref<12544xi32, #tpu.memory_space<hbm>>) dst(%dma_wait3A_68 : memref<12544xi32, #tpu.memory_space<vmem>>)
      tpu.yield
    }) : () -> ()
    %scan3A = arith.constant 0 : i32
    %scan3A_7 = arith.constant 0 : i32
    %scan3A_8 = arith.constant 784 : i32
    %scan3A_9 = arith.addi %scan3A_7, %scan3A_8 : i32
    %scan3A_10 = arith.constant 1 : i32
    scf.for %scan3A_60 = %scan3A_7 to %scan3A_9 step %scan3A_10  : i32 {
      %mul3A_61 = arith.constant 16 : i32
      %mul3A_62 = arith.muli %scan3A_60, %mul3A_61 : i32
      %get3A = arith.index_cast %mul3A_62 : i32 to index
      %get3A_63 = tpu.vector_load %arg7[%get3A] {strides = array<i32>} : memref<12544xi32, #tpu.memory_space<vmem>>, vector<16xi32>,
      %mul3A_64 = arith.constant 16 : i32
      %mul3A_65 = arith.muli %scan3A_60, %mul3A_64 : i32
      %get3A_66 = arith.index_cast %mul3A_65 : i32 to index
      %get3A_67 = tpu.vector_load %arg6[%get3A_66] {strides = array<i32>} : memref<16640xi32, #tpu.memory_space<vmem>>, vector<16xi32>,
      %mul3A_68 = arith.constant 512 : i32
      %mul3A_69 = vector.broadcast %mul3A_68 : i32 to vector<16xi32>
      %mul3A_70 = arith.muli %get3A_63, %mul3A_69 : vector<16xi32>
      %add3A_71 = arith.addi %mul3A_70, %get3A_67 : vector<16xi32>
      %mul3A_72 = arith.constant 16 : i32
      %mul3A_73 = arith.muli %scan3A_60, %mul3A_72 : i32
      %swap3A = arith.index_cast %mul3A_73 : i32 to index
      %swap3A_74 = tpu.vector_load %arg7[%swap3A] {strides = array<i32>} : memref<12544xi32, #tpu.memory_space<vmem>>, vector<16xi32>,
      tpu.vector_store %arg7[%swap3A], %add3A_71 {strides = array<i32>} : memref<12544xi32, #tpu.memory_space<vmem>>, vector<16xi32>,
    }
    %scan3A_11 = arith.constant 784 : i32
    %broadcast_in_dim3A_12 = arith.constant 0.000000e+00 : f32
    %broadcast_in_dim3A_13 = vector.broadcast %broadcast_in_dim3A_12 : f32 to vector<16xf32>
    %scan3A_14 = arith.constant 0 : i32
    %scan3A_15 = arith.constant 0 : i32
    %scan3A_16 = arith.constant 128 : i32
    %scan3A_17 = arith.addi %scan3A_15, %scan3A_16 : i32
    %scan3A_18 = arith.constant 1 : i32
    scf.for %scan3A_60 = %scan3A_15 to %scan3A_17 step %scan3A_18  : i32 {
      %swap3A = arith.index_cast %scan3A_60 : i32 to index
      %swap3A_61 = arith.constant 0 : index
      %swap3A_62 = tpu.vector_load %arg25[%swap3A, %swap3A_61] {strides = array<i32>} : memref<128x64xf32, #tpu.memory_space<vmem>>, vector<16xf32>,
      tpu.vector_store %arg25[%swap3A, %swap3A_61], %broadcast_in_dim3A_13 {strides = array<i32>} : memref<128x64xf32, #tpu.memory_space<vmem>>, vector<16xf32>,
      %swap3A_63 = arith.index_cast %scan3A_60 : i32 to index
      %swap3A_64 = arith.constant 16 : index
      %swap3A_65 = tpu.vector_load %arg25[%swap3A_63, %swap3A_64] {strides = array<i32>} : memref<128x64xf32, #tpu.memory_space<vmem>>, vector<16xf32>,
      tpu.vector_store %arg25[%swap3A_63, %swap3A_64], %broadcast_in_dim3A_13 {strides = array<i32>} : memref<128x64xf32, #tpu.memory_space<vmem>>, vector<16xf32>,
      %swap3A_66 = arith.index_cast %scan3A_60 : i32 to index
      %swap3A_67 = arith.constant 32 : index
      %swap3A_68 = tpu.vector_load %arg25[%swap3A_66, %swap3A_67] {strides = array<i32>} : memref<128x64xf32, #tpu.memory_space<vmem>>, vector<16xf32>,
      tpu.vector_store %arg25[%swap3A_66, %swap3A_67], %broadcast_in_dim3A_13 {strides = array<i32>} : memref<128x64xf32, #tpu.memory_space<vmem>>, vector<16xf32>,
      %swap3A_69 = arith.index_cast %scan3A_60 : i32 to index
      %swap3A_70 = arith.constant 48 : index
      %swap3A_71 = tpu.vector_load %arg25[%swap3A_69, %swap3A_70] {strides = array<i32>} : memref<128x64xf32, #tpu.memory_space<vmem>>, vector<16xf32>,
      tpu.vector_store %arg25[%swap3A_69, %swap3A_70], %broadcast_in_dim3A_13 {strides = array<i32>} : memref<128x64xf32, #tpu.memory_space<vmem>>, vector<16xf32>,
    }
    %scan3A_19 = arith.constant 128 : i32
    %scan3A_20 = arith.constant 0 : i32
    %scan3A_21 = arith.constant 0 : i32
    %scan3A_22 = arith.constant 32 : i32
    %scan3A_23 = arith.addi %scan3A_21, %scan3A_22 : i32
    %scan3A_24 = arith.constant 1 : i32
    scf.for %scan3A_60 = %scan3A_21 to %scan3A_23 step %scan3A_24  : i32 {
      %add3A_61 = vector.broadcast %scan3A_60 : i32 to vector<16xi32>
      %add3A_62 = arith.addi %mul3A_6, %add3A_61 : vector<16xi32>
      tpu.vector_store_idx %arg8[%add3A_62], %broadcast_in_dim3A_1 masked %lt3A_3 : memref<512xi32, #tpu.memory_space<vmem>>[vector<16xi32>], vector<16xi32>, vector<16xi1>
    }
    %scan3A_25 = arith.constant 32 : i32
    %scan3A_26 = arith.constant 0 : i32
    %scan3A_27 = arith.constant 0 : i32
    %scan3A_28 = arith.constant 784 : i32
    %scan3A_29 = arith.addi %scan3A_27, %scan3A_28 : i32
    %scan3A_30 = arith.constant 1 : i32
    scf.for %scan3A_60 = %scan3A_27 to %scan3A_29 step %scan3A_30  : i32 {
      %mul3A_61 = arith.constant 16 : i32
      %mul3A_62 = arith.muli %scan3A_60, %mul3A_61 : i32
      %get3A = arith.index_cast %mul3A_62 : i32 to index
      %get3A_63 = tpu.vector_load %arg7[%get3A] {strides = array<i32>} : memref<12544xi32, #tpu.memory_space<vmem>>, vector<16xi32>,
      %shift_right_logical3A = arith.constant 13 : i32
      %shift_right_logical3A_64 = vector.broadcast %shift_right_logical3A : i32 to vector<16xi32>
      %shift_right_logical3A_65 = arith.shrui %get3A_63, %shift_right_logical3A_64 : vector<16xi32>
      %lt3A_66 = arith.constant 32 : i32
      %lt3A_67 = vector.broadcast %lt3A_66 : i32 to vector<16xi32>
      %lt3A_68 = arith.cmpi slt, %shift_right_logical3A_65, %lt3A_67 : vector<16xi32>
      %min3A = arith.constant 31 : i32
      %min3A_69 = vector.broadcast %min3A : i32 to vector<16xi32>
      %min3A_70 = arith.minsi %shift_right_logical3A_65, %min3A_69 : vector<16xi32>
      %add3A_71 = arith.addi %mul3A_6, %min3A_70 : vector<16xi32>
      %gather3A = tpu.vector_load_idx %arg8[%add3A_71] masked %lt3A_68 : memref<512xi32, #tpu.memory_space<vmem>>[vector<16xi32>], vector<16xi32>, vector<16xi1>
      %add3A_72 = arith.addi %mul3A_6, %min3A_70 : vector<16xi32>
      %add3A_73 = arith.constant 1 : i32
      %add3A_74 = vector.broadcast %add3A_73 : i32 to vector<16xi32>
      %add3A_75 = arith.addi %gather3A, %add3A_74 : vector<16xi32>
      tpu.vector_store_idx %arg8[%add3A_72], %add3A_75 masked %lt3A_68 : memref<512xi32, #tpu.memory_space<vmem>>[vector<16xi32>], vector<16xi32>, vector<16xi1>
    }
    %scan3A_31 = arith.constant 784 : i32
    %scan3A_32 = arith.constant 0 : i32
    %scan3A_33 = arith.constant 0 : i32
    %scan3A_34 = arith.constant 32 : i32
    %scan3A_35 = arith.addi %scan3A_33, %scan3A_34 : i32
    %scan3A_36 = arith.constant 1 : i32
    %scan3A_37 = scf.for %scan3A_60 = %scan3A_33 to %scan3A_35 step %scan3A_36 iter_args(%scan3A_61 = %scan3A_32) -> (i32)  : i32 {
      %add3A_62 = vector.broadcast %scan3A_60 : i32 to vector<16xi32>
      %add3A_63 = arith.addi %broadcast_in_dim3A_1, %add3A_62 : vector<16xi32>
      %add3A_64 = arith.addi %mul3A_6, %add3A_63 : vector<16xi32>
      %gather3A = tpu.vector_load_idx %arg8[%add3A_64] masked %lt3A_3 : memref<512xi32, #tpu.memory_space<vmem>>[vector<16xi32>], vector<16xi32>, vector<16xi1>
      %broadcast_in_dim3A_65 = arith.constant true
      %broadcast_in_dim3A_66 = vector.broadcast %broadcast_in_dim3A_65 : i1 to vector<16xi1>
      %masked_cumsum3A = tpu.scan <sum>, %gather3A masked %broadcast_in_dim3A_66 : vector<16xi32>, vector<16xi1> -> vector<16xi32>
      %slice3A = vector.extract_strided_slice %masked_cumsum3A {offsets = [15], sizes = [1], strides = [1]} : vector<16xi32> to vector<1xi32>
      %squeeze3A = vector.extract %slice3A[0] : i32 from vector<1xi32>
      %add3A_67 = arith.addi %mul3A_6, %add3A_63 : vector<16xi32>
      %add3A_68 = vector.broadcast %scan3A_61 : i32 to vector<16xi32>
      %add3A_69 = arith.addi %add3A_68, %masked_cumsum3A : vector<16xi32>
      %sub3A = arith.subi %add3A_69, %gather3A : vector<16xi32>
      tpu.vector_store_idx %arg9[%add3A_67], %sub3A masked %lt3A_3 : memref<512xi32, #tpu.memory_space<vmem>>[vector<16xi32>], vector<16xi32>, vector<16xi1>
      %lt3A_70 = arith.constant 1 : i32
      %lt3A_71 = vector.broadcast %lt3A_70 : i32 to vector<16xi32>
      %lt3A_72 = arith.cmpi slt, %iota3A, %lt3A_71 : vector<16xi32>
      %add3A_73 = vector.broadcast %scan3A_61 : i32 to vector<16xi32>
      %add3A_74 = arith.addi %broadcast_in_dim3A_1, %add3A_73 : vector<16xi32>
      tpu.vector_store_idx %arg10[%add3A_63], %add3A_74 masked %lt3A_72 : memref<32xi32, #tpu.memory_space<vmem>>[vector<16xi32>], vector<16xi32>, vector<16xi1>
      %add3A_75 = vector.broadcast %squeeze3A : i32 to vector<16xi32>
      %add3A_76 = arith.addi %broadcast_in_dim3A_1, %add3A_75 : vector<16xi32>
      tpu.vector_store_idx %arg11[%add3A_63], %add3A_76 masked %lt3A_72 : memref<32xi32, #tpu.memory_space<vmem>>[vector<16xi32>], vector<16xi32>, vector<16xi1>
      %jit3A = arith.constant 128 : i32
      %div3A = arith.divsi %squeeze3A, %jit3A : i32
      %sign3A = arith.constant 0 : i32
      %sign3A_77 = arith.cmpi sgt, %squeeze3A, %sign3A : i32
      %sign3A_78 = arith.extui %sign3A_77 : i1 to i32
      %sign3A_79 = arith.constant 0 : i32
      %sign3A_80 = arith.cmpi slt, %squeeze3A, %sign3A_79 : i32
      %sign3A_81 = arith.extui %sign3A_80 : i1 to i32
      %sign3A_82 = arith.subi %sign3A_78, %sign3A_81 : i32
      %sign3A_83 = arith.constant 0 : i32
      %sign3A_84 = arith.cmpi sgt, %jit3A, %sign3A_83 : i32
      %sign3A_85 = arith.extui %sign3A_84 : i1 to i32
      %sign3A_86 = arith.constant 0 : i32
      %sign3A_87 = arith.cmpi slt, %jit3A, %sign3A_86 : i32
      %sign3A_88 = arith.extui %sign3A_87 : i1 to i32
      %sign3A_89 = arith.subi %sign3A_85, %sign3A_88 : i32
      %ne3A = arith.cmpi ne, %sign3A_82, %sign3A_89 : i32
      %rem3A = arith.remsi %squeeze3A, %jit3A : i32
      %ne3A_90 = arith.constant 0 : i32
      %ne3A_91 = arith.cmpi ne, %rem3A, %ne3A_90 : i32
      %and3A = arith.andi %ne3A, %ne3A_91 : i1
      %sub3A_92 = arith.constant 1 : i32
      %sub3A_93 = arith.subi %div3A, %sub3A_92 : i32
      %select_n3A = arith.select %and3A, %sub3A_93, %div3A : i32
      %add3A_94 = arith.constant 1 : i32
      %add3A_95 = arith.addi %select_n3A, %add3A_94 : i32
      %mul3A_96 = arith.constant 128 : i32
      %mul3A_97 = arith.muli %add3A_95, %mul3A_96 : i32
      %add3A_98 = arith.addi %scan3A_61, %mul3A_97 : i32
      scf.yield %add3A_98 : i32
    }
    %scan3A_38 = arith.constant 32 : i32
    %scan3A_39 = arith.constant 0 : i32
    %scan3A_40 = arith.constant 0 : i32
    %scan3A_41 = arith.constant 784 : i32
    %scan3A_42 = arith.addi %scan3A_40, %scan3A_41 : i32
    %scan3A_43 = arith.constant 1 : i32
    scf.for %scan3A_60 = %scan3A_40 to %scan3A_42 step %scan3A_43  : i32 {
      %mul3A_61 = arith.constant 16 : i32
      %mul3A_62 = arith.muli %scan3A_60, %mul3A_61 : i32
      %get3A = arith.index_cast %mul3A_62 : i32 to index
      %get3A_63 = tpu.vector_load %arg7[%get3A] {strides = array<i32>} : memref<12544xi32, #tpu.memory_space<vmem>>, vector<16xi32>,
      %shift_right_logical3A = arith.constant 13 : i32
      %shift_right_logical3A_64 = vector.broadcast %shift_right_logical3A : i32 to vector<16xi32>
      %shift_right_logical3A_65 = arith.shrui %get3A_63, %shift_right_logical3A_64 : vector<16xi32>
      %lt3A_66 = arith.constant 32 : i32
      %lt3A_67 = vector.broadcast %lt3A_66 : i32 to vector<16xi32>
      %lt3A_68 = arith.cmpi slt, %shift_right_logical3A_65, %lt3A_67 : vector<16xi32>
      %min3A = arith.constant 31 : i32
      %min3A_69 = vector.broadcast %min3A : i32 to vector<16xi32>
      %min3A_70 = arith.minsi %shift_right_logical3A_65, %min3A_69 : vector<16xi32>
      %add3A_71 = arith.addi %mul3A_6, %min3A_70 : vector<16xi32>
      %gather3A = tpu.vector_load_idx %arg9[%add3A_71] masked %lt3A_68 : memref<512xi32, #tpu.memory_space<vmem>>[vector<16xi32>], vector<16xi32>, vector<16xi1>
      %mul3A_72 = arith.constant 16 : i32
      %mul3A_73 = arith.muli %scan3A_60, %mul3A_72 : i32
      %add3A_74 = arith.addi %mul3A_0, %mul3A_73 : i32
      %add3A_75 = vector.broadcast %add3A_74 : i32 to vector<16xi32>
      %add3A_76 = arith.addi %iota3A, %add3A_75 : vector<16xi32>
      tpu.vector_store_idx %arg6[%gather3A], %add3A_76 masked %lt3A_68 : memref<16640xi32, #tpu.memory_space<vmem>>[vector<16xi32>], vector<16xi32>, vector<16xi1>
      %add3A_77 = arith.addi %mul3A_6, %min3A_70 : vector<16xi32>
      %add3A_78 = arith.constant 1 : i32
      %add3A_79 = vector.broadcast %add3A_78 : i32 to vector<16xi32>
      %add3A_80 = arith.addi %gather3A, %add3A_79 : vector<16xi32>
      tpu.vector_store_idx %arg9[%add3A_77], %add3A_80 masked %lt3A_68 : memref<512xi32, #tpu.memory_space<vmem>>[vector<16xi32>], vector<16xi32>, vector<16xi1>
    }
    %scan3A_44 = arith.constant 784 : i32
    %add3A = arith.constant 524288 : i32
    %add3A_45 = arith.addi %mul3A_0, %add3A : i32
    %add3A_46 = vector.broadcast %add3A_45 : i32 to vector<16xi32>
    %add3A_47 = arith.addi %broadcast_in_dim3A_1, %add3A_46 : vector<16xi32>
    %scan3A_48 = arith.constant 0 : i32
    %scan3A_49 = arith.constant 0 : i32
    %scan3A_50 = arith.constant 32 : i32
    %scan3A_51 = arith.addi %scan3A_49, %scan3A_50 : i32
    %scan3A_52 = arith.constant 1 : i32
    scf.for %scan3A_60 = %scan3A_49 to %scan3A_51 step %scan3A_52  : i32 {
      %add3A_61 = vector.broadcast %scan3A_60 : i32 to vector<16xi32>
      %add3A_62 = arith.addi %broadcast_in_dim3A_1, %add3A_61 : vector<16xi32>
      %gather3A = tpu.vector_load_idx %arg10[%add3A_62] : memref<32xi32, #tpu.memory_space<vmem>>[vector<16xi32>], vector<16xi32>,
      %slice3A = vector.extract_strided_slice %gather3A {offsets = [0], sizes = [1], strides = [1]} : vector<16xi32> to vector<1xi32>
      %squeeze3A = vector.extract %slice3A[0] : i32 from vector<1xi32>
      %gather3A_63 = tpu.vector_load_idx %arg11[%add3A_62] : memref<32xi32, #tpu.memory_space<vmem>>[vector<16xi32>], vector<16xi32>,
      %slice3A_64 = vector.extract_strided_slice %gather3A_63 {offsets = [0], sizes = [1], strides = [1]} : vector<16xi32> to vector<1xi32>
      %squeeze3A_65 = vector.extract %slice3A_64[0] : i32 from vector<1xi32>
      %add3A_66 = arith.addi %squeeze3A, %squeeze3A_65 : i32
      %add3A_67 = arith.constant 128 : i32
      %add3A_68 = arith.addi %squeeze3A_65, %add3A_67 : i32
      %sub3A = arith.constant 1 : i32
      %sub3A_69 = arith.subi %add3A_68, %sub3A : i32
      %jit3A = arith.constant 128 : i32
      %div3A = arith.divsi %sub3A_69, %jit3A : i32
      %sign3A = arith.constant 0 : i32
      %sign3A_70 = arith.cmpi sgt, %sub3A_69, %sign3A : i32
      %sign3A_71 = arith.extui %sign3A_70 : i1 to i32
      %sign3A_72 = arith.constant 0 : i32
      %sign3A_73 = arith.cmpi slt, %sub3A_69, %sign3A_72 : i32
      %sign3A_74 = arith.extui %sign3A_73 : i1 to i32
      %sign3A_75 = arith.subi %sign3A_71, %sign3A_74 : i32
      %sign3A_76 = arith.constant 0 : i32
      %sign3A_77 = arith.cmpi sgt, %jit3A, %sign3A_76 : i32
      %sign3A_78 = arith.extui %sign3A_77 : i1 to i32
      %sign3A_79 = arith.constant 0 : i32
      %sign3A_80 = arith.cmpi slt, %jit3A, %sign3A_79 : i32
      %sign3A_81 = arith.extui %sign3A_80 : i1 to i32
      %sign3A_82 = arith.subi %sign3A_78, %sign3A_81 : i32
      %ne3A = arith.cmpi ne, %sign3A_75, %sign3A_82 : i32
      %rem3A = arith.remsi %sub3A_69, %jit3A : i32
      %ne3A_83 = arith.constant 0 : i32
      %ne3A_84 = arith.cmpi ne, %rem3A, %ne3A_83 : i32
      %and3A = arith.andi %ne3A, %ne3A_84 : i1
      %sub3A_85 = arith.constant 1 : i32
      %sub3A_86 = arith.subi %div3A, %sub3A_85 : i32
      %select_n3A = arith.select %and3A, %sub3A_86, %div3A : i32
      %mul3A_87 = arith.constant 128 : i32
      %mul3A_88 = arith.muli %select_n3A, %mul3A_87 : i32
      %add3A_89 = arith.addi %squeeze3A, %mul3A_88 : i32
      %add3A_90 = arith.constant 0 : i32
      %add3A_91 = arith.addi %add3A_66, %add3A_90 : i32
      %add3A_92 = vector.broadcast %add3A_91 : i32 to vector<16xi32>
      %add3A_93 = arith.addi %add3A_92, %iota3A : vector<16xi32>
      %lt3A_94 = vector.broadcast %add3A_89 : i32 to vector<16xi32>
      %lt3A_95 = arith.cmpi slt, %add3A_93, %lt3A_94 : vector<16xi32>
      tpu.vector_store_idx %arg6[%add3A_93], %add3A_47 masked %lt3A_95 : memref<16640xi32, #tpu.memory_space<vmem>>[vector<16xi32>], vector<16xi32>, vector<16xi1>
      %add3A_96 = arith.constant 16 : i32
      %add3A_97 = arith.addi %add3A_66, %add3A_96 : i32
      %add3A_98 = vector.broadcast %add3A_97 : i32 to vector<16xi32>
      %add3A_99 = arith.addi %add3A_98, %iota3A : vector<16xi32>
      %lt3A_100 = vector.broadcast %add3A_89 : i32 to vector<16xi32>
      %lt3A_101 = arith.cmpi slt, %add3A_99, %lt3A_100 : vector<16xi32>
      tpu.vector_store_idx %arg6[%add3A_99], %add3A_47 masked %lt3A_101 : memref<16640xi32, #tpu.memory_space<vmem>>[vector<16xi32>], vector<16xi32>, vector<16xi1>
      %add3A_102 = arith.constant 32 : i32
      %add3A_103 = arith.addi %add3A_66, %add3A_102 : i32
      %add3A_104 = vector.broadcast %add3A_103 : i32 to vector<16xi32>
      %add3A_105 = arith.addi %add3A_104, %iota3A : vector<16xi32>
      %lt3A_106 = vector.broadcast %add3A_89 : i32 to vector<16xi32>
      %lt3A_107 = arith.cmpi slt, %add3A_105, %lt3A_106 : vector<16xi32>
      tpu.vector_store_idx %arg6[%add3A_105], %add3A_47 masked %lt3A_107 : memref<16640xi32, #tpu.memory_space<vmem>>[vector<16xi32>], vector<16xi32>, vector<16xi1>
      %add3A_108 = arith.constant 48 : i32
      %add3A_109 = arith.addi %add3A_66, %add3A_108 : i32
      %add3A_110 = vector.broadcast %add3A_109 : i32 to vector<16xi32>
      %add3A_111 = arith.addi %add3A_110, %iota3A : vector<16xi32>
      %lt3A_112 = vector.broadcast %add3A_89 : i32 to vector<16xi32>
      %lt3A_113 = arith.cmpi slt, %add3A_111, %lt3A_112 : vector<16xi32>
      tpu.vector_store_idx %arg6[%add3A_111], %add3A_47 masked %lt3A_113 : memref<16640xi32, #tpu.memory_space<vmem>>[vector<16xi32>], vector<16xi32>, vector<16xi1>
      %add3A_114 = arith.constant 64 : i32
      %add3A_115 = arith.addi %add3A_66, %add3A_114 : i32
      %add3A_116 = vector.broadcast %add3A_115 : i32 to vector<16xi32>
      %add3A_117 = arith.addi %add3A_116, %iota3A : vector<16xi32>
      %lt3A_118 = vector.broadcast %add3A_89 : i32 to vector<16xi32>
      %lt3A_119 = arith.cmpi slt, %add3A_117, %lt3A_118 : vector<16xi32>
      tpu.vector_store_idx %arg6[%add3A_117], %add3A_47 masked %lt3A_119 : memref<16640xi32, #tpu.memory_space<vmem>>[vector<16xi32>], vector<16xi32>, vector<16xi1>
      %add3A_120 = arith.constant 80 : i32
      %add3A_121 = arith.addi %add3A_66, %add3A_120 : i32
      %add3A_122 = vector.broadcast %add3A_121 : i32 to vector<16xi32>
      %add3A_123 = arith.addi %add3A_122, %iota3A : vector<16xi32>
      %lt3A_124 = vector.broadcast %add3A_89 : i32 to vector<16xi32>
      %lt3A_125 = arith.cmpi slt, %add3A_123, %lt3A_124 : vector<16xi32>
      tpu.vector_store_idx %arg6[%add3A_123], %add3A_47 masked %lt3A_125 : memref<16640xi32, #tpu.memory_space<vmem>>[vector<16xi32>], vector<16xi32>, vector<16xi1>
      %add3A_126 = arith.constant 96 : i32
      %add3A_127 = arith.addi %add3A_66, %add3A_126 : i32
      %add3A_128 = vector.broadcast %add3A_127 : i32 to vector<16xi32>
      %add3A_129 = arith.addi %add3A_128, %iota3A : vector<16xi32>
      %lt3A_130 = vector.broadcast %add3A_89 : i32 to vector<16xi32>
      %lt3A_131 = arith.cmpi slt, %add3A_129, %lt3A_130 : vector<16xi32>
      tpu.vector_store_idx %arg6[%add3A_129], %add3A_47 masked %lt3A_131 : memref<16640xi32, #tpu.memory_space<vmem>>[vector<16xi32>], vector<16xi32>, vector<16xi1>
      %add3A_132 = arith.constant 112 : i32
      %add3A_133 = arith.addi %add3A_66, %add3A_132 : i32
      %add3A_134 = vector.broadcast %add3A_133 : i32 to vector<16xi32>
      %add3A_135 = arith.addi %add3A_134, %iota3A : vector<16xi32>
      %lt3A_136 = vector.broadcast %add3A_89 : i32 to vector<16xi32>
      %lt3A_137 = arith.cmpi slt, %add3A_135, %lt3A_136 : vector<16xi32>
      tpu.vector_store_idx %arg6[%add3A_135], %add3A_47 masked %lt3A_137 : memref<16640xi32, #tpu.memory_space<vmem>>[vector<16xi32>], vector<16xi32>, vector<16xi1>
    }
    %scan3A_53 = arith.constant 32 : i32
    %scan3A_54 = arith.constant 0 : i32
    %scan3A_55 = arith.constant 0 : i32
    %scan3A_56 = arith.constant 16 : i32
    %scan3A_57 = arith.addi %scan3A_55, %scan3A_56 : i32
    %scan3A_58 = arith.constant 1 : i32
    scf.for %scan3A_60 = %scan3A_55 to %scan3A_57 step %scan3A_58  : i32 {
      %mul3A_61 = arith.constant 16 : i32
      %mul3A_62 = arith.muli %arg0, %mul3A_61 : i32
      %add3A_63 = arith.addi %mul3A_62, %scan3A_60 : i32
      %mul3A_64 = arith.constant 8192 : i32
      %mul3A_65 = arith.muli %add3A_63, %mul3A_64 : i32
      %add3A_66 = vector.broadcast %add3A_63 : i32 to vector<16xi32>
      %add3A_67 = arith.addi %broadcast_in_dim3A_1, %add3A_66 : vector<16xi32>
      %gather3A = tpu.vector_load_idx %arg10[%add3A_67] : memref<32xi32, #tpu.memory_space<vmem>>[vector<16xi32>], vector<16xi32>,
      %slice3A = vector.extract_strided_slice %gather3A {offsets = [0], sizes = [1], strides = [1]} : vector<16xi32> to vector<1xi32>
      %squeeze3A = vector.extract %slice3A[0] : i32 from vector<1xi32>
      %multiple_of3A = tpu.assume_multiple %squeeze3A, 128 : i32
      %gather3A_68 = tpu.vector_load_idx %arg11[%add3A_67] : memref<32xi32, #tpu.memory_space<vmem>>[vector<16xi32>], vector<16xi32>,
      %slice3A_69 = vector.extract_strided_slice %gather3A_68 {offsets = [0], sizes = [1], strides = [1]} : vector<16xi32> to vector<1xi32>
      %squeeze3A_70 = vector.extract %slice3A_69[0] : i32 from vector<1xi32>
      %add3A_71 = arith.constant 128 : i32
      %add3A_72 = arith.addi %squeeze3A_70, %add3A_71 : i32
      %sub3A = arith.constant 1 : i32
      %sub3A_73 = arith.subi %add3A_72, %sub3A : i32
      %jit3A = arith.constant 128 : i32
      %div3A = arith.divsi %sub3A_73, %jit3A : i32
      %sign3A = arith.constant 0 : i32
      %sign3A_74 = arith.cmpi sgt, %sub3A_73, %sign3A : i32
      %sign3A_75 = arith.extui %sign3A_74 : i1 to i32
      %sign3A_76 = arith.constant 0 : i32
      %sign3A_77 = arith.cmpi slt, %sub3A_73, %sign3A_76 : i32
      %sign3A_78 = arith.extui %sign3A_77 : i1 to i32
      %sign3A_79 = arith.subi %sign3A_75, %sign3A_78 : i32
      %sign3A_80 = arith.constant 0 : i32
      %sign3A_81 = arith.cmpi sgt, %jit3A, %sign3A_80 : i32
      %sign3A_82 = arith.extui %sign3A_81 : i1 to i32
      %sign3A_83 = arith.constant 0 : i32
      %sign3A_84 = arith.cmpi slt, %jit3A, %sign3A_83 : i32
      %sign3A_85 = arith.extui %sign3A_84 : i1 to i32
      %sign3A_86 = arith.subi %sign3A_82, %sign3A_85 : i32
      %ne3A = arith.cmpi ne, %sign3A_79, %sign3A_86 : i32
      %rem3A = arith.remsi %sub3A_73, %jit3A : i32
      %ne3A_87 = arith.constant 0 : i32
      %ne3A_88 = arith.cmpi ne, %rem3A, %ne3A_87 : i32
      %and3A = arith.andi %ne3A, %ne3A_88 : i1
      %sub3A_89 = arith.constant 1 : i32
      %sub3A_90 = arith.subi %div3A, %sub3A_89 : i32
      %select_n3A = arith.select %and3A, %sub3A_90, %div3A : i32
      %scan3A_91 = arith.constant 0 : i32
      %scan3A_92 = arith.constant 0 : i32
      %scan3A_93 = arith.constant 4 : i32
      %scan3A_94 = arith.addi %scan3A_92, %scan3A_93 : i32
      %scan3A_95 = arith.constant 1 : i32
      scf.for %scan3A_181 = %scan3A_92 to %scan3A_94 step %scan3A_95  : i32 {
        %mul3A_182 = arith.constant 512 : i32
        %mul3A_183 = arith.muli %arg1, %mul3A_182 : i32
        %mul3A_184 = arith.constant 128 : i32
        %mul3A_185 = arith.muli %scan3A_181, %mul3A_184 : i32
        %add3A_186 = arith.addi %mul3A_183, %mul3A_185 : i32
        "tpu.region"() ({
          %run_scoped3A = tpu.sem_alloc : memref<!tpu.dma_semaphore, #tpu.memory_space<semaphore_mem>>
          %dma_start3A = arith.constant 0 : i32
          %dma_start3A_187 = tpu.memref_slice %arg26[%add3A_186, %dma_start3A] : memref<8200x64xf32, #tpu.memory_space<vmem_shared>> -> memref<128x64xf32, #tpu.memory_space<vmem_shared>>
          %dma_start3A_188 = arith.constant 0 : i32
          %dma_start3A_189 = tpu.memref_slice %arg26[%add3A_186, %dma_start3A_188] : memref<8200x64xf32, #tpu.memory_space<vmem_shared>> -> memref<128x64xf32, #tpu.memory_space<vmem_shared>>
          tpu.enqueue_dma source(%arg25 : memref<128x64xf32, #tpu.memory_space<vmem>>) target(%dma_start3A_189 : memref<128x64xf32, #tpu.memory_space<vmem_shared>>) target_semaphore(%run_scoped3A : memref<!tpu.dma_semaphore, #tpu.memory_space<semaphore_mem>>)
          %dma_wait3A = arith.constant 0 : i32
          %dma_wait3A_190 = tpu.memref_slice %arg26[%add3A_186, %dma_wait3A] : memref<8200x64xf32, #tpu.memory_space<vmem_shared>> -> memref<128x64xf32, #tpu.memory_space<vmem_shared>>
          %dma_wait3A_191 = arith.constant 0 : i32
          %dma_wait3A_192 = tpu.memref_slice %arg26[%add3A_186, %dma_wait3A_191] : memref<8200x64xf32, #tpu.memory_space<vmem_shared>> -> memref<128x64xf32, #tpu.memory_space<vmem_shared>>
          tpu.wait_dma2 semaphore(%run_scoped3A : memref<!tpu.dma_semaphore, #tpu.memory_space<semaphore_mem>>) src(%arg25 : memref<128x64xf32, #tpu.memory_space<vmem>>) dst(%dma_wait3A_192 : memref<128x64xf32, #tpu.memory_space<vmem_shared>>)
          tpu.yield
        }) : () -> ()
      }
      %scan3A_96 = arith.constant 4 : i32
      %barrier3A = arith.constant 0 : index
      tpu.barrier barrier_id(%barrier3A)
      %jit3A_97 = arith.constant 256 : i32
      %div3A_98 = arith.divsi %squeeze3A_70, %jit3A_97 : i32
      %sign3A_99 = arith.constant 0 : i32
      %sign3A_100 = arith.cmpi sgt, %squeeze3A_70, %sign3A_99 : i32
      %sign3A_101 = arith.extui %sign3A_100 : i1 to i32
      %sign3A_102 = arith.constant 0 : i32
      %sign3A_103 = arith.cmpi slt, %squeeze3A_70, %sign3A_102 : i32
      %sign3A_104 = arith.extui %sign3A_103 : i1 to i32
      %sign3A_105 = arith.subi %sign3A_101, %sign3A_104 : i32
      %sign3A_106 = arith.constant 0 : i32
      %sign3A_107 = arith.cmpi sgt, %jit3A_97, %sign3A_106 : i32
      %sign3A_108 = arith.extui %sign3A_107 : i1 to i32
      %sign3A_109 = arith.constant 0 : i32
      %sign3A_110 = arith.cmpi slt, %jit3A_97, %sign3A_109 : i32
      %sign3A_111 = arith.extui %sign3A_110 : i1 to i32
      %sign3A_112 = arith.subi %sign3A_108, %sign3A_111 : i32
      %ne3A_113 = arith.cmpi ne, %sign3A_105, %sign3A_112 : i32
      %rem3A_114 = arith.remsi %squeeze3A_70, %jit3A_97 : i32
      %ne3A_115 = arith.constant 0 : i32
      %ne3A_116 = arith.cmpi ne, %rem3A_114, %ne3A_115 : i32
      %and3A_117 = arith.andi %ne3A_113, %ne3A_116 : i1
      %sub3A_118 = arith.constant 1 : i32
      %sub3A_119 = arith.subi %div3A_98, %sub3A_118 : i32
      %select_n3A_120 = arith.select %and3A_117, %sub3A_119, %div3A_98 : i32
      %add3A_121 = arith.constant 1 : i32
      %add3A_122 = arith.addi %select_n3A_120, %add3A_121 : i32
      %jit3A_123 = arith.constant 2 : i32
      %div3A_124 = arith.divsi %add3A_122, %jit3A_123 : i32
      %sign3A_125 = arith.constant 0 : i32
      %sign3A_126 = arith.cmpi sgt, %add3A_122, %sign3A_125 : i32
      %sign3A_127 = arith.extui %sign3A_126 : i1 to i32
      %sign3A_128 = arith.constant 0 : i32
      %sign3A_129 = arith.cmpi slt, %add3A_122, %sign3A_128 : i32
      %sign3A_130 = arith.extui %sign3A_129 : i1 to i32
      %sign3A_131 = arith.subi %sign3A_127, %sign3A_130 : i32
      %sign3A_132 = arith.constant 0 : i32
      %sign3A_133 = arith.cmpi sgt, %jit3A_123, %sign3A_132 : i32
      %sign3A_134 = arith.extui %sign3A_133 : i1 to i32
      %sign3A_135 = arith.constant 0 : i32
      %sign3A_136 = arith.cmpi slt, %jit3A_123, %sign3A_135 : i32
      %sign3A_137 = arith.extui %sign3A_136 : i1 to i32
      %sign3A_138 = arith.subi %sign3A_134, %sign3A_137 : i32
      %ne3A_139 = arith.cmpi ne, %sign3A_131, %sign3A_138 : i32
      %rem3A_140 = arith.remsi %add3A_122, %jit3A_123 : i32
      %ne3A_141 = arith.constant 0 : i32
      %ne3A_142 = arith.cmpi ne, %rem3A_140, %ne3A_141 : i32
      %and3A_143 = arith.andi %ne3A_139, %ne3A_142 : i1
      %sub3A_144 = arith.constant 1 : i32
      %sub3A_145 = arith.subi %div3A_124, %sub3A_144 : i32
      %select_n3A_146 = arith.select %and3A_143, %sub3A_145, %div3A_124 : i32
      %while3A = arith.constant 0 : i32
      %while3A_147 = arith.constant 0 : i32
      %while3A_148 = arith.subi %select_n3A_146, %while3A_147 : i32
      %while3A_149 = arith.addi %while3A_147, %while3A_148 : i32
      %while3A_150 = arith.constant 1 : i32
      %while3A_151 = arith.divsi %while3A_148, %while3A_150 : i32
      %while3A_152 = arith.muli %while3A_151, %while3A_150 : i32
      %while3A_153 = arith.addi %while3A_147, %while3A_152 : i32
      %while3A_154 = arith.constant 1 : i32
      scf.for %while3A_181 = %while3A_147 to %while3A_153 step %while3A_154  : i32 {
        %mul3A_182 = arith.constant 2 : i32
        %mul3A_183 = arith.muli %while3A_181, %mul3A_182 : i32
        %add3A_184 = arith.constant 0 : i32
        %add3A_185 = arith.addi %mul3A_183, %add3A_184 : i32
        %lt3A_186 = arith.cmpi slt, %add3A_185, %select_n3A_120 : i32
        %convert_element_type3A_187 = arith.extui %lt3A_186 : i1 to i32
        %cond3A_188 = arith.constant 0 : i32
        %cond3A_189 = arith.cmpi ne, %convert_element_type3A_187, %cond3A_188 : i32
        scf.if %cond3A_189 {
          %ge3A = arith.constant 2 : i32
          %ge3A_214 = arith.cmpi sge, %add3A_185, %ge3A : i32
          %convert_element_type3A_215 = arith.extui %ge3A_214 : i1 to i32
          %cond3A_216 = arith.constant 0 : i32
          %cond3A_217 = arith.cmpi ne, %convert_element_type3A_215, %cond3A_216 : i32
          scf.if %cond3A_217 {
            %dma_wait3A = arith.constant 0 : i32
            %dma_wait3A_589 = arith.constant 0 : i32
            %dma_wait3A_590 = tpu.memref_slice %arg26[%dma_wait3A, %dma_wait3A_589] : memref<8200x64xf32, #tpu.memory_space<vmem_shared>> -> memref<8200x64xf32, #tpu.memory_space<vmem_shared>>
            tpu.wait_indirect_dma semaphore(%arg23 : memref<!tpu.dma_semaphore, #tpu.memory_space<semaphore_mem>>) src(%arg17 : memref<256x64xf32, #tpu.memory_space<vmem>>) dst(%dma_wait3A_590 : memref<8200x64xf32, #tpu.memory_space<vmem_shared>>)
          } else {
          }
          %mul3A_218 = arith.constant 256 : i32
          %mul3A_219 = arith.muli %add3A_185, %mul3A_218 : i32
          %add3A_220 = arith.addi %multiple_of3A, %mul3A_219 : i32
          %add3A_221 = arith.constant 0 : i32
          %add3A_222 = arith.addi %add3A_220, %add3A_221 : i32
          %get3A = arith.index_cast %add3A_222 : i32 to index
          %get3A_223 = tpu.vector_load %arg6[%get3A] {strides = array<i32>} : memref<16640xi32, #tpu.memory_space<vmem>>, vector<16xi32>,
          %ge3A_224 = arith.constant 524288 : i32
          %ge3A_225 = vector.broadcast %ge3A_224 : i32 to vector<16xi32>
          %ge3A_226 = arith.cmpi sge, %get3A_223, %ge3A_225 : vector<16xi32>
          %and3A_227 = arith.constant 524287 : i32
          %and3A_228 = vector.broadcast %and3A_227 : i32 to vector<16xi32>
          %and3A_229 = arith.andi %get3A_223, %and3A_228 : vector<16xi32>
          %swap3A = arith.constant 0 : index
          %swap3A_230 = tpu.vector_load %arg16[%swap3A] {strides = array<i32>} : memref<256xi32, #tpu.memory_space<vmem>>, vector<16xi32>,
          tpu.vector_store %arg16[%swap3A], %and3A_229 {strides = array<i32>} : memref<256xi32, #tpu.memory_space<vmem>>, vector<16xi32>,
          %sub3A_231 = vector.broadcast %mul3A_0 : i32 to vector<16xi32>
          %sub3A_232 = arith.subi %and3A_229, %sub3A_231 : vector<16xi32>
          %gather3A_233 = tpu.vector_load_idx %arg7[%sub3A_232] : memref<12544xi32, #tpu.memory_space<vmem>>[vector<16xi32>], vector<16xi32>,
          %and3A_234 = arith.constant 8191 : i32
          %and3A_235 = vector.broadcast %and3A_234 : i32 to vector<16xi32>
          %and3A_236 = arith.andi %gather3A_233, %and3A_235 : vector<16xi32>
          %jit3A_237 = arith.constant 8192 : i32
          %broadcast_in_dim3A_238 = vector.broadcast %jit3A_237 : i32 to vector<16xi32>
          %select_n3A_239 = arith.select %ge3A_226, %broadcast_in_dim3A_238, %and3A_236 : vector<16xi1>, vector<16xi32>
          %swap3A_240 = arith.constant 0 : index
          %swap3A_241 = tpu.vector_load %arg15[%swap3A_240] {strides = array<i32>} : memref<256xi32, #tpu.memory_space<vmem>>, vector<16xi32>,
          tpu.vector_store %arg15[%swap3A_240], %select_n3A_239 {strides = array<i32>} : memref<256xi32, #tpu.memory_space<vmem>>, vector<16xi32>,
          %add3A_242 = arith.constant 16 : i32
          %add3A_243 = arith.addi %add3A_220, %add3A_242 : i32
          %get3A_244 = arith.index_cast %add3A_243 : i32 to index
          %get3A_245 = tpu.vector_load %arg6[%get3A_244] {strides = array<i32>} : memref<16640xi32, #tpu.memory_space<vmem>>, vector<16xi32>,
          %ge3A_246 = arith.constant 524288 : i32
          %ge3A_247 = vector.broadcast %ge3A_246 : i32 to vector<16xi32>
          %ge3A_248 = arith.cmpi sge, %get3A_245, %ge3A_247 : vector<16xi32>
          %and3A_249 = arith.constant 524287 : i32
          %and3A_250 = vector.broadcast %and3A_249 : i32 to vector<16xi32>
          %and3A_251 = arith.andi %get3A_245, %and3A_250 : vector<16xi32>
          %swap3A_252 = arith.constant 16 : index
          %swap3A_253 = tpu.vector_load %arg16[%swap3A_252] {strides = array<i32>} : memref<256xi32, #tpu.memory_space<vmem>>, vector<16xi32>,
          tpu.vector_store %arg16[%swap3A_252], %and3A_251 {strides = array<i32>} : memref<256xi32, #tpu.memory_space<vmem>>, vector<16xi32>,
          %sub3A_254 = vector.broadcast %mul3A_0 : i32 to vector<16xi32>
          %sub3A_255 = arith.subi %and3A_251, %sub3A_254 : vector<16xi32>
          %gather3A_256 = tpu.vector_load_idx %arg7[%sub3A_255] : memref<12544xi32, #tpu.memory_space<vmem>>[vector<16xi32>], vector<16xi32>,
          %and3A_257 = arith.constant 8191 : i32
          %and3A_258 = vector.broadcast %and3A_257 : i32 to vector<16xi32>
          %and3A_259 = arith.andi %gather3A_256, %and3A_258 : vector<16xi32>
          %jit3A_260 = arith.constant 8192 : i32
          %broadcast_in_dim3A_261 = vector.broadcast %jit3A_260 : i32 to vector<16xi32>
          %select_n3A_262 = arith.select %ge3A_248, %broadcast_in_dim3A_261, %and3A_259 : vector<16xi1>, vector<16xi32>
          %swap3A_263 = arith.constant 16 : index
          %swap3A_264 = tpu.vector_load %arg15[%swap3A_263] {strides = array<i32>} : memref<256xi32, #tpu.memory_space<vmem>>, vector<16xi32>,
          tpu.vector_store %arg15[%swap3A_263], %select_n3A_262 {strides = array<i32>} : memref<256xi32, #tpu.memory_space<vmem>>, vector<16xi32>,
          %add3A_265 = arith.constant 32 : i32
          %add3A_266 = arith.addi %add3A_220, %add3A_265 : i32
          %get3A_267 = arith.index_cast %add3A_266 : i32 to index
          %get3A_268 = tpu.vector_load %arg6[%get3A_267] {strides = array<i32>} : memref<16640xi32, #tpu.memory_space<vmem>>, vector<16xi32>,
          %ge3A_269 = arith.constant 524288 : i32
          %ge3A_270 = vector.broadcast %ge3A_269 : i32 to vector<16xi32>
          %ge3A_271 = arith.cmpi sge, %get3A_268, %ge3A_270 : vector<16xi32>
          %and3A_272 = arith.constant 524287 : i32
          %and3A_273 = vector.broadcast %and3A_272 : i32 to vector<16xi32>
          %and3A_274 = arith.andi %get3A_268, %and3A_273 : vector<16xi32>
          %swap3A_275 = arith.constant 32 : index
          %swap3A_276 = tpu.vector_load %arg16[%swap3A_275] {strides = array<i32>} : memref<256xi32, #tpu.memory_space<vmem>>, vector<16xi32>,
          tpu.vector_store %arg16[%swap3A_275], %and3A_274 {strides = array<i32>} : memref<256xi32, #tpu.memory_space<vmem>>, vector<16xi32>,
          %sub3A_277 = vector.broadcast %mul3A_0 : i32 to vector<16xi32>
          %sub3A_278 = arith.subi %and3A_274, %sub3A_277 : vector<16xi32>
          %gather3A_279 = tpu.vector_load_idx %arg7[%sub3A_278] : memref<12544xi32, #tpu.memory_space<vmem>>[vector<16xi32>], vector<16xi32>,
          %and3A_280 = arith.constant 8191 : i32
          %and3A_281 = vector.broadcast %and3A_280 : i32 to vector<16xi32>
          %and3A_282 = arith.andi %gather3A_279, %and3A_281 : vector<16xi32>
          %jit3A_283 = arith.constant 8192 : i32
          %broadcast_in_dim3A_284 = vector.broadcast %jit3A_283 : i32 to vector<16xi32>
          %select_n3A_285 = arith.select %ge3A_271, %broadcast_in_dim3A_284, %and3A_282 : vector<16xi1>, vector<16xi32>
          %swap3A_286 = arith.constant 32 : index
          %swap3A_287 = tpu.vector_load %arg15[%swap3A_286] {strides = array<i32>} : memref<256xi32, #tpu.memory_space<vmem>>, vector<16xi32>,
          tpu.vector_store %arg15[%swap3A_286], %select_n3A_285 {strides = array<i32>} : memref<256xi32, #tpu.memory_space<vmem>>, vector<16xi32>,
          %add3A_288 = arith.constant 48 : i32
          %add3A_289 = arith.addi %add3A_220, %add3A_288 : i32
          %get3A_290 = arith.index_cast %add3A_289 : i32 to index
          %get3A_291 = tpu.vector_load %arg6[%get3A_290] {strides = array<i32>} : memref<16640xi32, #tpu.memory_space<vmem>>, vector<16xi32>,
          %ge3A_292 = arith.constant 524288 : i32
          %ge3A_293 = vector.broadcast %ge3A_292 : i32 to vector<16xi32>
          %ge3A_294 = arith.cmpi sge, %get3A_291, %ge3A_293 : vector<16xi32>
          %and3A_295 = arith.constant 524287 : i32
          %and3A_296 = vector.broadcast %and3A_295 : i32 to vector<16xi32>
          %and3A_297 = arith.andi %get3A_291, %and3A_296 : vector<16xi32>
          %swap3A_298 = arith.constant 48 : index
          %swap3A_299 = tpu.vector_load %arg16[%swap3A_298] {strides = array<i32>} : memref<256xi32, #tpu.memory_space<vmem>>, vector<16xi32>,
          tpu.vector_store %arg16[%swap3A_298], %and3A_297 {strides = array<i32>} : memref<256xi32, #tpu.memory_space<vmem>>, vector<16xi32>,
          %sub3A_300 = vector.broadcast %mul3A_0 : i32 to vector<16xi32>
          %sub3A_301 = arith.subi %and3A_297, %sub3A_300 : vector<16xi32>
          %gather3A_302 = tpu.vector_load_idx %arg7[%sub3A_301] : memref<12544xi32, #tpu.memory_space<vmem>>[vector<16xi32>], vector<16xi32>,
          %and3A_303 = arith.constant 8191 : i32
          %and3A_304 = vector.broadcast %and3A_303 : i32 to vector<16xi32>
          %and3A_305 = arith.andi %gather3A_302, %and3A_304 : vector<16xi32>
          %jit3A_306 = arith.constant 8192 : i32
          %broadcast_in_dim3A_307 = vector.broadcast %jit3A_306 : i32 to vector<16xi32>
          %select_n3A_308 = arith.select %ge3A_294, %broadcast_in_dim3A_307, %and3A_305 : vector<16xi1>, vector<16xi32>
          %swap3A_309 = arith.constant 48 : index
          %swap3A_310 = tpu.vector_load %arg15[%swap3A_309] {strides = array<i32>} : memref<256xi32, #tpu.memory_space<vmem>>, vector<16xi32>,
          tpu.vector_store %arg15[%swap3A_309], %select_n3A_308 {strides = array<i32>} : memref<256xi32, #tpu.memory_space<vmem>>, vector<16xi32>,
          %add3A_311 = arith.constant 64 : i32
          %add3A_312 = arith.addi %add3A_220, %add3A_311 : i32
          %get3A_313 = arith.index_cast %add3A_312 : i32 to index
          %get3A_314 = tpu.vector_load %arg6[%get3A_313] {strides = array<i32>} : memref<16640xi32, #tpu.memory_space<vmem>>, vector<16xi32>,
          %ge3A_315 = arith.constant 524288 : i32
          %ge3A_316 = vector.broadcast %ge3A_315 : i32 to vector<16xi32>
          %ge3A_317 = arith.cmpi sge, %get3A_314, %ge3A_316 : vector<16xi32>
          %and3A_318 = arith.constant 524287 : i32
          %and3A_319 = vector.broadcast %and3A_318 : i32 to vector<16xi32>
          %and3A_320 = arith.andi %get3A_314, %and3A_319 : vector<16xi32>
          %swap3A_321 = arith.constant 64 : index
          %swap3A_322 = tpu.vector_load %arg16[%swap3A_321] {strides = array<i32>} : memref<256xi32, #tpu.memory_space<vmem>>, vector<16xi32>,
          tpu.vector_store %arg16[%swap3A_321], %and3A_320 {strides = array<i32>} : memref<256xi32, #tpu.memory_space<vmem>>, vector<16xi32>,
          %sub3A_323 = vector.broadcast %mul3A_0 : i32 to vector<16xi32>
          %sub3A_324 = arith.subi %and3A_320, %sub3A_323 : vector<16xi32>
          %gather3A_325 = tpu.vector_load_idx %arg7[%sub3A_324] : memref<12544xi32, #tpu.memory_space<vmem>>[vector<16xi32>], vector<16xi32>,
          %and3A_326 = arith.constant 8191 : i32
          %and3A_327 = vector.broadcast %and3A_326 : i32 to vector<16xi32>
          %and3A_328 = arith.andi %gather3A_325, %and3A_327 : vector<16xi32>
          %jit3A_329 = arith.constant 8192 : i32
          %broadcast_in_dim3A_330 = vector.broadcast %jit3A_329 : i32 to vector<16xi32>
          %select_n3A_331 = arith.select %ge3A_317, %broadcast_in_dim3A_330, %and3A_328 : vector<16xi1>, vector<16xi32>
          %swap3A_332 = arith.constant 64 : index
          %swap3A_333 = tpu.vector_load %arg15[%swap3A_332] {strides = array<i32>} : memref<256xi32, #tpu.memory_space<vmem>>, vector<16xi32>,
          tpu.vector_store %arg15[%swap3A_332], %select_n3A_331 {strides = array<i32>} : memref<256xi32, #tpu.memory_space<vmem>>, vector<16xi32>,
          %add3A_334 = arith.constant 80 : i32
          %add3A_335 = arith.addi %add3A_220, %add3A_334 : i32
          %get3A_336 = arith.index_cast %add3A_335 : i32 to index
          %get3A_337 = tpu.vector_load %arg6[%get3A_336] {strides = array<i32>} : memref<16640xi32, #tpu.memory_space<vmem>>, vector<16xi32>,
          %ge3A_338 = arith.constant 524288 : i32
          %ge3A_339 = vector.broadcast %ge3A_338 : i32 to vector<16xi32>
          %ge3A_340 = arith.cmpi sge, %get3A_337, %ge3A_339 : vector<16xi32>
          %and3A_341 = arith.constant 524287 : i32
          %and3A_342 = vector.broadcast %and3A_341 : i32 to vector<16xi32>
          %and3A_343 = arith.andi %get3A_337, %and3A_342 : vector<16xi32>
          %swap3A_344 = arith.constant 80 : index
          %swap3A_345 = tpu.vector_load %arg16[%swap3A_344] {strides = array<i32>} : memref<256xi32, #tpu.memory_space<vmem>>, vector<16xi32>,
          tpu.vector_store %arg16[%swap3A_344], %and3A_343 {strides = array<i32>} : memref<256xi32, #tpu.memory_space<vmem>>, vector<16xi32>,
          %sub3A_346 = vector.broadcast %mul3A_0 : i32 to vector<16xi32>
          %sub3A_347 = arith.subi %and3A_343, %sub3A_346 : vector<16xi32>
          %gather3A_348 = tpu.vector_load_idx %arg7[%sub3A_347] : memref<12544xi32, #tpu.memory_space<vmem>>[vector<16xi32>], vector<16xi32>,
          %and3A_349 = arith.constant 8191 : i32
          %and3A_350 = vector.broadcast %and3A_349 : i32 to vector<16xi32>
          %and3A_351 = arith.andi %gather3A_348, %and3A_350 : vector<16xi32>
          %jit3A_352 = arith.constant 8192 : i32
          %broadcast_in_dim3A_353 = vector.broadcast %jit3A_352 : i32 to vector<16xi32>
          %select_n3A_354 = arith.select %ge3A_340, %broadcast_in_dim3A_353, %and3A_351 : vector<16xi1>, vector<16xi32>
          %swap3A_355 = arith.constant 80 : index
          %swap3A_356 = tpu.vector_load %arg15[%swap3A_355] {strides = array<i32>} : memref<256xi32, #tpu.memory_space<vmem>>, vector<16xi32>,
          tpu.vector_store %arg15[%swap3A_355], %select_n3A_354 {strides = array<i32>} : memref<256xi32, #tpu.memory_space<vmem>>, vector<16xi32>,
          %add3A_357 = arith.constant 96 : i32
          %add3A_358 = arith.addi %add3A_220, %add3A_357 : i32
          %get3A_359 = arith.index_cast %add3A_358 : i32 to index
          %get3A_360 = tpu.vector_load %arg6[%get3A_359] {strides = array<i32>} : memref<16640xi32, #tpu.memory_space<vmem>>, vector<16xi32>,
          %ge3A_361 = arith.constant 524288 : i32
          %ge3A_362 = vector.broadcast %ge3A_361 : i32 to vector<16xi32>
          %ge3A_363 = arith.cmpi sge, %get3A_360, %ge3A_362 : vector<16xi32>
          %and3A_364 = arith.constant 524287 : i32
          %and3A_365 = vector.broadcast %and3A_364 : i32 to vector<16xi32>
          %and3A_366 = arith.andi %get3A_360, %and3A_365 : vector<16xi32>
          %swap3A_367 = arith.constant 96 : index
          %swap3A_368 = tpu.vector_load %arg16[%swap3A_367] {strides = array<i32>} : memref<256xi32, #tpu.memory_space<vmem>>, vector<16xi32>,
          tpu.vector_store %arg16[%swap3A_367], %and3A_366 {strides = array<i32>} : memref<256xi32, #tpu.memory_space<vmem>>, vector<16xi32>,
          %sub3A_369 = vector.broadcast %mul3A_0 : i32 to vector<16xi32>
          %sub3A_370 = arith.subi %and3A_366, %sub3A_369 : vector<16xi32>
          %gather3A_371 = tpu.vector_load_idx %arg7[%sub3A_370] : memref<12544xi32, #tpu.memory_space<vmem>>[vector<16xi32>], vector<16xi32>,
          %and3A_372 = arith.constant 8191 : i32
          %and3A_373 = vector.broadcast %and3A_372 : i32 to vector<16xi32>
          %and3A_374 = arith.andi %gather3A_371, %and3A_373 : vector<16xi32>
          %jit3A_375 = arith.constant 8192 : i32
          %broadcast_in_dim3A_376 = vector.broadcast %jit3A_375 : i32 to vector<16xi32>
          %select_n3A_377 = arith.select %ge3A_363, %broadcast_in_dim3A_376, %and3A_374 : vector<16xi1>, vector<16xi32>
          %swap3A_378 = arith.constant 96 : index
          %swap3A_379 = tpu.vector_load %arg15[%swap3A_378] {strides = array<i32>} : memref<256xi32, #tpu.memory_space<vmem>>, vector<16xi32>,
          tpu.vector_store %arg15[%swap3A_378], %select_n3A_377 {strides = array<i32>} : memref<256xi32, #tpu.memory_space<vmem>>, vector<16xi32>,
          %add3A_380 = arith.constant 112 : i32
          %add3A_381 = arith.addi %add3A_220, %add3A_380 : i32
          %get3A_382 = arith.index_cast %add3A_381 : i32 to index
          %get3A_383 = tpu.vector_load %arg6[%get3A_382] {strides = array<i32>} : memref<16640xi32, #tpu.memory_space<vmem>>, vector<16xi32>,
          %ge3A_384 = arith.constant 524288 : i32
          %ge3A_385 = vector.broadcast %ge3A_384 : i32 to vector<16xi32>
          %ge3A_386 = arith.cmpi sge, %get3A_383, %ge3A_385 : vector<16xi32>
          %and3A_387 = arith.constant 524287 : i32
          %and3A_388 = vector.broadcast %and3A_387 : i32 to vector<16xi32>
          %and3A_389 = arith.andi %get3A_383, %and3A_388 : vector<16xi32>
          %swap3A_390 = arith.constant 112 : index
          %swap3A_391 = tpu.vector_load %arg16[%swap3A_390] {strides = array<i32>} : memref<256xi32, #tpu.memory_space<vmem>>, vector<16xi32>,
          tpu.vector_store %arg16[%swap3A_390], %and3A_389 {strides = array<i32>} : memref<256xi32, #tpu.memory_space<vmem>>, vector<16xi32>,
          %sub3A_392 = vector.broadcast %mul3A_0 : i32 to vector<16xi32>
          %sub3A_393 = arith.subi %and3A_389, %sub3A_392 : vector<16xi32>
          %gather3A_394 = tpu.vector_load_idx %arg7[%sub3A_393] : memref<12544xi32, #tpu.memory_space<vmem>>[vector<16xi32>], vector<16xi32>,
          %and3A_395 = arith.constant 8191 : i32
          %and3A_396 = vector.broadcast %and3A_395 : i32 to vector<16xi32>
          %and3A_397 = arith.andi %gather3A_394, %and3A_396 : vector<16xi32>
          %jit3A_398 = arith.constant 8192 : i32
          %broadcast_in_dim3A_399 = vector.broadcast %jit3A_398 : i32 to vector<16xi32>
          %select_n3A_400 = arith.select %ge3A_386, %broadcast_in_dim3A_399, %and3A_397 : vector<16xi1>, vector<16xi32>
          %swap3A_401 = arith.constant 112 : index
          %swap3A_402 = tpu.vector_load %arg15[%swap3A_401] {strides = array<i32>} : memref<256xi32, #tpu.memory_space<vmem>>, vector<16xi32>,
          tpu.vector_store %arg15[%swap3A_401], %select_n3A_400 {strides = array<i32>} : memref<256xi32, #tpu.memory_space<vmem>>, vector<16xi32>,
          %add3A_403 = arith.constant 128 : i32
          %add3A_404 = arith.addi %add3A_220, %add3A_403 : i32
          %get3A_405 = arith.index_cast %add3A_404 : i32 to index
          %get3A_406 = tpu.vector_load %arg6[%get3A_405] {strides = array<i32>} : memref<16640xi32, #tpu.memory_space<vmem>>, vector<16xi32>,
          %ge3A_407 = arith.constant 524288 : i32
          %ge3A_408 = vector.broadcast %ge3A_407 : i32 to vector<16xi32>
          %ge3A_409 = arith.cmpi sge, %get3A_406, %ge3A_408 : vector<16xi32>
          %and3A_410 = arith.constant 524287 : i32
          %and3A_411 = vector.broadcast %and3A_410 : i32 to vector<16xi32>
          %and3A_412 = arith.andi %get3A_406, %and3A_411 : vector<16xi32>
          %swap3A_413 = arith.constant 128 : index
          %swap3A_414 = tpu.vector_load %arg16[%swap3A_413] {strides = array<i32>} : memref<256xi32, #tpu.memory_space<vmem>>, vector<16xi32>,
          tpu.vector_store %arg16[%swap3A_413], %and3A_412 {strides = array<i32>} : memref<256xi32, #tpu.memory_space<vmem>>, vector<16xi32>,
          %sub3A_415 = vector.broadcast %mul3A_0 : i32 to vector<16xi32>
          %sub3A_416 = arith.subi %and3A_412, %sub3A_415 : vector<16xi32>
          %gather3A_417 = tpu.vector_load_idx %arg7[%sub3A_416] : memref<12544xi32, #tpu.memory_space<vmem>>[vector<16xi32>], vector<16xi32>,
          %and3A_418 = arith.constant 8191 : i32
          %and3A_419 = vector.broadcast %and3A_418 : i32 to vector<16xi32>
          %and3A_420 = arith.andi %gather3A_417, %and3A_419 : vector<16xi32>
          %jit3A_421 = arith.constant 8192 : i32
          %broadcast_in_dim3A_422 = vector.broadcast %jit3A_421 : i32 to vector<16xi32>
          %select_n3A_423 = arith.select %ge3A_409, %broadcast_in_dim3A_422, %and3A_420 : vector<16xi1>, vector<16xi32>
          %swap3A_424 = arith.constant 128 : index
          %swap3A_425 = tpu.vector_load %arg15[%swap3A_424] {strides = array<i32>} : memref<256xi32, #tpu.memory_space<vmem>>, vector<16xi32>,
          tpu.vector_store %arg15[%swap3A_424], %select_n3A_423 {strides = array<i32>} : memref<256xi32, #tpu.memory_space<vmem>>, vector<16xi32>,
          %add3A_426 = arith.constant 144 : i32
          %add3A_427 = arith.addi %add3A_220, %add3A_426 : i32
          %get3A_428 = arith.index_cast %add3A_427 : i32 to index
          %get3A_429 = tpu.vector_load %arg6[%get3A_428] {strides = array<i32>} : memref<16640xi32, #tpu.memory_space<vmem>>, vector<16xi32>,
          %ge3A_430 = arith.constant 524288 : i32
          %ge3A_431 = vector.broadcast %ge3A_430 : i32 to vector<16xi32>
          %ge3A_432 = arith.cmpi sge, %get3A_429, %ge3A_431 : vector<16xi32>
          %and3A_433 = arith.constant 524287 : i32
          %and3A_434 = vector.broadcast %and3A_433 : i32 to vector<16xi32>
          %and3A_435 = arith.andi %get3A_429, %and3A_434 : vector<16xi32>
          %swap3A_436 = arith.constant 144 : index
          %swap3A_437 = tpu.vector_load %arg16[%swap3A_436] {strides = array<i32>} : memref<256xi32, #tpu.memory_space<vmem>>, vector<16xi32>,
          tpu.vector_store %arg16[%swap3A_436], %and3A_435 {strides = array<i32>} : memref<256xi32, #tpu.memory_space<vmem>>, vector<16xi32>,
          %sub3A_438 = vector.broadcast %mul3A_0 : i32 to vector<16xi32>
          %sub3A_439 = arith.subi %and3A_435, %sub3A_438 : vector<16xi32>
          %gather3A_440 = tpu.vector_load_idx %arg7[%sub3A_439] : memref<12544xi32, #tpu.memory_space<vmem>>[vector<16xi32>], vector<16xi32>,
          %and3A_441 = arith.constant 8191 : i32
          %and3A_442 = vector.broadcast %and3A_441 : i32 to vector<16xi32>
          %and3A_443 = arith.andi %gather3A_440, %and3A_442 : vector<16xi32>
          %jit3A_444 = arith.constant 8192 : i32
          %broadcast_in_dim3A_445 = vector.broadcast %jit3A_444 : i32 to vector<16xi32>
          %select_n3A_446 = arith.select %ge3A_432, %broadcast_in_dim3A_445, %and3A_443 : vector<16xi1>, vector<16xi32>
          %swap3A_447 = arith.constant 144 : index
          %swap3A_448 = tpu.vector_load %arg15[%swap3A_447] {strides = array<i32>} : memref<256xi32, #tpu.memory_space<vmem>>, vector<16xi32>,
          tpu.vector_store %arg15[%swap3A_447], %select_n3A_446 {strides = array<i32>} : memref<256xi32, #tpu.memory_space<vmem>>, vector<16xi32>,
          %add3A_449 = arith.constant 160 : i32
          %add3A_450 = arith.addi %add3A_220, %add3A_449 : i32
          %get3A_451 = arith.index_cast %add3A_450 : i32 to index
          %get3A_452 = tpu.vector_load %arg6[%get3A_451] {strides = array<i32>} : memref<16640xi32, #tpu.memory_space<vmem>>, vector<16xi32>,
          %ge3A_453 = arith.constant 524288 : i32
          %ge3A_454 = vector.broadcast %ge3A_453 : i32 to vector<16xi32>
          %ge3A_455 = arith.cmpi sge, %get3A_452, %ge3A_454 : vector<16xi32>
          %and3A_456 = arith.constant 524287 : i32
          %and3A_457 = vector.broadcast %and3A_456 : i32 to vector<16xi32>
          %and3A_458 = arith.andi %get3A_452, %and3A_457 : vector<16xi32>
          %swap3A_459 = arith.constant 160 : index
          %swap3A_460 = tpu.vector_load %arg16[%swap3A_459] {strides = array<i32>} : memref<256xi32, #tpu.memory_space<vmem>>, vector<16xi32>,
          tpu.vector_store %arg16[%swap3A_459], %and3A_458 {strides = array<i32>} : memref<256xi32, #tpu.memory_space<vmem>>, vector<16xi32>,
          %sub3A_461 = vector.broadcast %mul3A_0 : i32 to vector<16xi32>
          %sub3A_462 = arith.subi %and3A_458, %sub3A_461 : vector<16xi32>
          %gather3A_463 = tpu.vector_load_idx %arg7[%sub3A_462] : memref<12544xi32, #tpu.memory_space<vmem>>[vector<16xi32>], vector<16xi32>,
          %and3A_464 = arith.constant 8191 : i32
          %and3A_465 = vector.broadcast %and3A_464 : i32 to vector<16xi32>
          %and3A_466 = arith.andi %gather3A_463, %and3A_465 : vector<16xi32>
          %jit3A_467 = arith.constant 8192 : i32
          %broadcast_in_dim3A_468 = vector.broadcast %jit3A_467 : i32 to vector<16xi32>
          %select_n3A_469 = arith.select %ge3A_455, %broadcast_in_dim3A_468, %and3A_466 : vector<16xi1>, vector<16xi32>
          %swap3A_470 = arith.constant 160 : index
          %swap3A_471 = tpu.vector_load %arg15[%swap3A_470] {strides = array<i32>} : memref<256xi32, #tpu.memory_space<vmem>>, vector<16xi32>,
          tpu.vector_store %arg15[%swap3A_470], %select_n3A_469 {strides = array<i32>} : memref<256xi32, #tpu.memory_space<vmem>>, vector<16xi32>,
          %add3A_472 = arith.constant 176 : i32
          %add3A_473 = arith.addi %add3A_220, %add3A_472 : i32
          %get3A_474 = arith.index_cast %add3A_473 : i32 to index
          %get3A_475 = tpu.vector_load %arg6[%get3A_474] {strides = array<i32>} : memref<16640xi32, #tpu.memory_space<vmem>>, vector<16xi32>,
          %ge3A_476 = arith.constant 524288 : i32
          %ge3A_477 = vector.broadcast %ge3A_476 : i32 to vector<16xi32>
          %ge3A_478 = arith.cmpi sge, %get3A_475, %ge3A_477 : vector<16xi32>
          %and3A_479 = arith.constant 524287 : i32
          %and3A_480 = vector.broadcast %and3A_479 : i32 to vector<16xi32>
          %and3A_481 = arith.andi %get3A_475, %and3A_480 : vector<16xi32>
          %swap3A_482 = arith.constant 176 : index
          %swap3A_483 = tpu.vector_load %arg16[%swap3A_482] {strides = array<i32>} : memref<256xi32, #tpu.memory_space<vmem>>, vector<16xi32>,
          tpu.vector_store %arg16[%swap3A_482], %and3A_481 {strides = array<i32>} : memref<256xi32, #tpu.memory_space<vmem>>, vector<16xi32>,
          %sub3A_484 = vector.broadcast %mul3A_0 : i32 to vector<16xi32>
          %sub3A_485 = arith.subi %and3A_481, %sub3A_484 : vector<16xi32>
          %gather3A_486 = tpu.vector_load_idx %arg7[%sub3A_485] : memref<12544xi32, #tpu.memory_space<vmem>>[vector<16xi32>], vector<16xi32>,
          %and3A_487 = arith.constant 8191 : i32
          %and3A_488 = vector.broadcast %and3A_487 : i32 to vector<16xi32>
          %and3A_489 = arith.andi %gather3A_486, %and3A_488 : vector<16xi32>
          %jit3A_490 = arith.constant 8192 : i32
          %broadcast_in_dim3A_491 = vector.broadcast %jit3A_490 : i32 to vector<16xi32>
          %select_n3A_492 = arith.select %ge3A_478, %broadcast_in_dim3A_491, %and3A_489 : vector<16xi1>, vector<16xi32>
          %swap3A_493 = arith.constant 176 : index
          %swap3A_494 = tpu.vector_load %arg15[%swap3A_493] {strides = array<i32>} : memref<256xi32, #tpu.memory_space<vmem>>, vector<16xi32>,
          tpu.vector_store %arg15[%swap3A_493], %select_n3A_492 {strides = array<i32>} : memref<256xi32, #tpu.memory_space<vmem>>, vector<16xi32>,
          %add3A_495 = arith.constant 192 : i32
          %add3A_496 = arith.addi %add3A_220, %add3A_495 : i32
          %get3A_497 = arith.index_cast %add3A_496 : i32 to index
          %get3A_498 = tpu.vector_load %arg6[%get3A_497] {strides = array<i32>} : memref<16640xi32, #tpu.memory_space<vmem>>, vector<16xi32>,
          %ge3A_499 = arith.constant 524288 : i32
          %ge3A_500 = vector.broadcast %ge3A_499 : i32 to vector<16xi32>
          %ge3A_501 = arith.cmpi sge, %get3A_498, %ge3A_500 : vector<16xi32>
          %and3A_502 = arith.constant 524287 : i32
          %and3A_503 = vector.broadcast %and3A_502 : i32 to vector<16xi32>
          %and3A_504 = arith.andi %get3A_498, %and3A_503 : vector<16xi32>
          %swap3A_505 = arith.constant 192 : index
          %swap3A_506 = tpu.vector_load %arg16[%swap3A_505] {strides = array<i32>} : memref<256xi32, #tpu.memory_space<vmem>>, vector<16xi32>,
          tpu.vector_store %arg16[%swap3A_505], %and3A_504 {strides = array<i32>} : memref<256xi32, #tpu.memory_space<vmem>>, vector<16xi32>,
          %sub3A_507 = vector.broadcast %mul3A_0 : i32 to vector<16xi32>
          %sub3A_508 = arith.subi %and3A_504, %sub3A_507 : vector<16xi32>
          %gather3A_509 = tpu.vector_load_idx %arg7[%sub3A_508] : memref<12544xi32, #tpu.memory_space<vmem>>[vector<16xi32>], vector<16xi32>,
          %and3A_510 = arith.constant 8191 : i32
          %and3A_511 = vector.broadcast %and3A_510 : i32 to vector<16xi32>
          %and3A_512 = arith.andi %gather3A_509, %and3A_511 : vector<16xi32>
          %jit3A_513 = arith.constant 8192 : i32
          %broadcast_in_dim3A_514 = vector.broadcast %jit3A_513 : i32 to vector<16xi32>
          %select_n3A_515 = arith.select %ge3A_501, %broadcast_in_dim3A_514, %and3A_512 : vector<16xi1>, vector<16xi32>
          %swap3A_516 = arith.constant 192 : index
          %swap3A_517 = tpu.vector_load %arg15[%swap3A_516] {strides = array<i32>} : memref<256xi32, #tpu.memory_space<vmem>>, vector<16xi32>,
          tpu.vector_store %arg15[%swap3A_516], %select_n3A_515 {strides = array<i32>} : memref<256xi32, #tpu.memory_space<vmem>>, vector<16xi32>,
          %add3A_518 = arith.constant 208 : i32
          %add3A_519 = arith.addi %add3A_220, %add3A_518 : i32
          %get3A_520 = arith.index_cast %add3A_519 : i32 to index
          %get3A_521 = tpu.vector_load %arg6[%get3A_520] {strides = array<i32>} : memref<16640xi32, #tpu.memory_space<vmem>>, vector<16xi32>,
          %ge3A_522 = arith.constant 524288 : i32
          %ge3A_523 = vector.broadcast %ge3A_522 : i32 to vector<16xi32>
          %ge3A_524 = arith.cmpi sge, %get3A_521, %ge3A_523 : vector<16xi32>
          %and3A_525 = arith.constant 524287 : i32
          %and3A_526 = vector.broadcast %and3A_525 : i32 to vector<16xi32>
          %and3A_527 = arith.andi %get3A_521, %and3A_526 : vector<16xi32>
          %swap3A_528 = arith.constant 208 : index
          %swap3A_529 = tpu.vector_load %arg16[%swap3A_528] {strides = array<i32>} : memref<256xi32, #tpu.memory_space<vmem>>, vector<16xi32>,
          tpu.vector_store %arg16[%swap3A_528], %and3A_527 {strides = array<i32>} : memref<256xi32, #tpu.memory_space<vmem>>, vector<16xi32>,
          %sub3A_530 = vector.broadcast %mul3A_0 : i32 to vector<16xi32>
          %sub3A_531 = arith.subi %and3A_527, %sub3A_530 : vector<16xi32>
          %gather3A_532 = tpu.vector_load_idx %arg7[%sub3A_531] : memref<12544xi32, #tpu.memory_space<vmem>>[vector<16xi32>], vector<16xi32>,
          %and3A_533 = arith.constant 8191 : i32
          %and3A_534 = vector.broadcast %and3A_533 : i32 to vector<16xi32>
          %and3A_535 = arith.andi %gather3A_532, %and3A_534 : vector<16xi32>
          %jit3A_536 = arith.constant 8192 : i32
          %broadcast_in_dim3A_537 = vector.broadcast %jit3A_536 : i32 to vector<16xi32>
          %select_n3A_538 = arith.select %ge3A_524, %broadcast_in_dim3A_537, %and3A_535 : vector<16xi1>, vector<16xi32>
          %swap3A_539 = arith.constant 208 : index
          %swap3A_540 = tpu.vector_load %arg15[%swap3A_539] {strides = array<i32>} : memref<256xi32, #tpu.memory_space<vmem>>, vector<16xi32>,
          tpu.vector_store %arg15[%swap3A_539], %select_n3A_538 {strides = array<i32>} : memref<256xi32, #tpu.memory_space<vmem>>, vector<16xi32>,
          %add3A_541 = arith.constant 224 : i32
          %add3A_542 = arith.addi %add3A_220, %add3A_541 : i32
          %get3A_543 = arith.index_cast %add3A_542 : i32 to index
          %get3A_544 = tpu.vector_load %arg6[%get3A_543] {strides = array<i32>} : memref<16640xi32, #tpu.memory_space<vmem>>, vector<16xi32>,
          %ge3A_545 = arith.constant 524288 : i32
          %ge3A_546 = vector.broadcast %ge3A_545 : i32 to vector<16xi32>
          %ge3A_547 = arith.cmpi sge, %get3A_544, %ge3A_546 : vector<16xi32>
          %and3A_548 = arith.constant 524287 : i32
          %and3A_549 = vector.broadcast %and3A_548 : i32 to vector<16xi32>
          %and3A_550 = arith.andi %get3A_544, %and3A_549 : vector<16xi32>
          %swap3A_551 = arith.constant 224 : index
          %swap3A_552 = tpu.vector_load %arg16[%swap3A_551] {strides = array<i32>} : memref<256xi32, #tpu.memory_space<vmem>>, vector<16xi32>,
          tpu.vector_store %arg16[%swap3A_551], %and3A_550 {strides = array<i32>} : memref<256xi32, #tpu.memory_space<vmem>>, vector<16xi32>,
          %sub3A_553 = vector.broadcast %mul3A_0 : i32 to vector<16xi32>
          %sub3A_554 = arith.subi %and3A_550, %sub3A_553 : vector<16xi32>
          %gather3A_555 = tpu.vector_load_idx %arg7[%sub3A_554] : memref<12544xi32, #tpu.memory_space<vmem>>[vector<16xi32>], vector<16xi32>,
          %and3A_556 = arith.constant 8191 : i32
          %and3A_557 = vector.broadcast %and3A_556 : i32 to vector<16xi32>
          %and3A_558 = arith.andi %gather3A_555, %and3A_557 : vector<16xi32>
          %jit3A_559 = arith.constant 8192 : i32
          %broadcast_in_dim3A_560 = vector.broadcast %jit3A_559 : i32 to vector<16xi32>
          %select_n3A_561 = arith.select %ge3A_547, %broadcast_in_dim3A_560, %and3A_558 : vector<16xi1>, vector<16xi32>
          %swap3A_562 = arith.constant 224 : index
          %swap3A_563 = tpu.vector_load %arg15[%swap3A_562] {strides = array<i32>} : memref<256xi32, #tpu.memory_space<vmem>>, vector<16xi32>,
          tpu.vector_store %arg15[%swap3A_562], %select_n3A_561 {strides = array<i32>} : memref<256xi32, #tpu.memory_space<vmem>>, vector<16xi32>,
          %add3A_564 = arith.constant 240 : i32
          %add3A_565 = arith.addi %add3A_220, %add3A_564 : i32
          %get3A_566 = arith.index_cast %add3A_565 : i32 to index
          %get3A_567 = tpu.vector_load %arg6[%get3A_566] {strides = array<i32>} : memref<16640xi32, #tpu.memory_space<vmem>>, vector<16xi32>,
          %ge3A_568 = arith.constant 524288 : i32
          %ge3A_569 = vector.broadcast %ge3A_568 : i32 to vector<16xi32>
          %ge3A_570 = arith.cmpi sge, %get3A_567, %ge3A_569 : vector<16xi32>
          %and3A_571 = arith.constant 524287 : i32
          %and3A_572 = vector.broadcast %and3A_571 : i32 to vector<16xi32>
          %and3A_573 = arith.andi %get3A_567, %and3A_572 : vector<16xi32>
          %swap3A_574 = arith.constant 240 : index
          %swap3A_575 = tpu.vector_load %arg16[%swap3A_574] {strides = array<i32>} : memref<256xi32, #tpu.memory_space<vmem>>, vector<16xi32>,
          tpu.vector_store %arg16[%swap3A_574], %and3A_573 {strides = array<i32>} : memref<256xi32, #tpu.memory_space<vmem>>, vector<16xi32>,
          %sub3A_576 = vector.broadcast %mul3A_0 : i32 to vector<16xi32>
          %sub3A_577 = arith.subi %and3A_573, %sub3A_576 : vector<16xi32>
          %gather3A_578 = tpu.vector_load_idx %arg7[%sub3A_577] : memref<12544xi32, #tpu.memory_space<vmem>>[vector<16xi32>], vector<16xi32>,
          %and3A_579 = arith.constant 8191 : i32
          %and3A_580 = vector.broadcast %and3A_579 : i32 to vector<16xi32>
          %and3A_581 = arith.andi %gather3A_578, %and3A_580 : vector<16xi32>
          %jit3A_582 = arith.constant 8192 : i32
          %broadcast_in_dim3A_583 = vector.broadcast %jit3A_582 : i32 to vector<16xi32>
          %select_n3A_584 = arith.select %ge3A_570, %broadcast_in_dim3A_583, %and3A_581 : vector<16xi1>, vector<16xi32>
          %swap3A_585 = arith.constant 240 : index
          %swap3A_586 = tpu.vector_load %arg15[%swap3A_585] {strides = array<i32>} : memref<256xi32, #tpu.memory_space<vmem>>, vector<16xi32>,
          tpu.vector_store %arg15[%swap3A_585], %select_n3A_584 {strides = array<i32>} : memref<256xi32, #tpu.memory_space<vmem>>, vector<16xi32>,
          %dma_start3A = arith.constant 0 : i32
          %dma_start3A_587 = arith.constant 0 : i32
          %dma_start3A_588 = tpu.memref_slice %arg4[%dma_start3A, %dma_start3A_587] : memref<200704x64xf32, #tpu.memory_space<hbm>> -> memref<200704x64xf32, #tpu.memory_space<hbm>>
          tpu.enqueue_indirect_dma source(%dma_start3A_588 : memref<200704x64xf32, #tpu.memory_space<hbm>>) target(%arg17 : memref<256x64xf32, #tpu.memory_space<vmem>>) offsets(%arg16 : memref<256xi32, #tpu.memory_space<vmem>>) semaphore(%arg21 : memref<!tpu.dma_semaphore, #tpu.memory_space<semaphore_mem>>)
        } else {
        }
        %mul3A_190 = arith.constant 2 : i32
        %mul3A_191 = arith.muli %while3A_181, %mul3A_190 : i32
        %add3A_192 = arith.constant 1 : i32
        %add3A_193 = arith.addi %mul3A_191, %add3A_192 : i32
        %lt3A_194 = arith.cmpi slt, %add3A_193, %select_n3A_120 : i32
        %convert_element_type3A_195 = arith.extui %lt3A_194 : i1 to i32
        %cond3A_196 = arith.constant 0 : i32
        %cond3A_197 = arith.cmpi ne, %convert_element_type3A_195, %cond3A_196 : i32
        scf.if %cond3A_197 {
          %ge3A = arith.constant 2 : i32
          %ge3A_214 = arith.cmpi sge, %add3A_193, %ge3A : i32
          %convert_element_type3A_215 = arith.extui %ge3A_214 : i1 to i32
          %cond3A_216 = arith.constant 0 : i32
          %cond3A_217 = arith.cmpi ne, %convert_element_type3A_215, %cond3A_216 : i32
          scf.if %cond3A_217 {
            %dma_wait3A = arith.constant 0 : i32
            %dma_wait3A_589 = arith.constant 0 : i32
            %dma_wait3A_590 = tpu.memref_slice %arg26[%dma_wait3A, %dma_wait3A_589] : memref<8200x64xf32, #tpu.memory_space<vmem_shared>> -> memref<8200x64xf32, #tpu.memory_space<vmem_shared>>
            tpu.wait_indirect_dma semaphore(%arg24 : memref<!tpu.dma_semaphore, #tpu.memory_space<semaphore_mem>>) src(%arg20 : memref<256x64xf32, #tpu.memory_space<vmem>>) dst(%dma_wait3A_590 : memref<8200x64xf32, #tpu.memory_space<vmem_shared>>)
          } else {
          }
          %mul3A_218 = arith.constant 256 : i32
          %mul3A_219 = arith.muli %add3A_193, %mul3A_218 : i32
          %add3A_220 = arith.addi %multiple_of3A, %mul3A_219 : i32
          %add3A_221 = arith.constant 0 : i32
          %add3A_222 = arith.addi %add3A_220, %add3A_221 : i32
          %get3A = arith.index_cast %add3A_222 : i32 to index
          %get3A_223 = tpu.vector_load %arg6[%get3A] {strides = array<i32>} : memref<16640xi32, #tpu.memory_space<vmem>>, vector<16xi32>,
          %ge3A_224 = arith.constant 524288 : i32
          %ge3A_225 = vector.broadcast %ge3A_224 : i32 to vector<16xi32>
          %ge3A_226 = arith.cmpi sge, %get3A_223, %ge3A_225 : vector<16xi32>
          %and3A_227 = arith.constant 524287 : i32
          %and3A_228 = vector.broadcast %and3A_227 : i32 to vector<16xi32>
          %and3A_229 = arith.andi %get3A_223, %and3A_228 : vector<16xi32>
          %swap3A = arith.constant 0 : index
          %swap3A_230 = tpu.vector_load %arg19[%swap3A] {strides = array<i32>} : memref<256xi32, #tpu.memory_space<vmem>>, vector<16xi32>,
          tpu.vector_store %arg19[%swap3A], %and3A_229 {strides = array<i32>} : memref<256xi32, #tpu.memory_space<vmem>>, vector<16xi32>,
          %sub3A_231 = vector.broadcast %mul3A_0 : i32 to vector<16xi32>
          %sub3A_232 = arith.subi %and3A_229, %sub3A_231 : vector<16xi32>
          %gather3A_233 = tpu.vector_load_idx %arg7[%sub3A_232] : memref<12544xi32, #tpu.memory_space<vmem>>[vector<16xi32>], vector<16xi32>,
          %and3A_234 = arith.constant 8191 : i32
          %and3A_235 = vector.broadcast %and3A_234 : i32 to vector<16xi32>
          %and3A_236 = arith.andi %gather3A_233, %and3A_235 : vector<16xi32>
          %jit3A_237 = arith.constant 8192 : i32
          %broadcast_in_dim3A_238 = vector.broadcast %jit3A_237 : i32 to vector<16xi32>
          %select_n3A_239 = arith.select %ge3A_226, %broadcast_in_dim3A_238, %and3A_236 : vector<16xi1>, vector<16xi32>
          %swap3A_240 = arith.constant 0 : index
          %swap3A_241 = tpu.vector_load %arg18[%swap3A_240] {strides = array<i32>} : memref<256xi32, #tpu.memory_space<vmem>>, vector<16xi32>,
          tpu.vector_store %arg18[%swap3A_240], %select_n3A_239 {strides = array<i32>} : memref<256xi32, #tpu.memory_space<vmem>>, vector<16xi32>,
          %add3A_242 = arith.constant 16 : i32
          %add3A_243 = arith.addi %add3A_220, %add3A_242 : i32
          %get3A_244 = arith.index_cast %add3A_243 : i32 to index
          %get3A_245 = tpu.vector_load %arg6[%get3A_244] {strides = array<i32>} : memref<16640xi32, #tpu.memory_space<vmem>>, vector<16xi32>,
          %ge3A_246 = arith.constant 524288 : i32
          %ge3A_247 = vector.broadcast %ge3A_246 : i32 to vector<16xi32>
          %ge3A_248 = arith.cmpi sge, %get3A_245, %ge3A_247 : vector<16xi32>
          %and3A_249 = arith.constant 524287 : i32
          %and3A_250 = vector.broadcast %and3A_249 : i32 to vector<16xi32>
          %and3A_251 = arith.andi %get3A_245, %and3A_250 : vector<16xi32>
          %swap3A_252 = arith.constant 16 : index
          %swap3A_253 = tpu.vector_load %arg19[%swap3A_252] {strides = array<i32>} : memref<256xi32, #tpu.memory_space<vmem>>, vector<16xi32>,
          tpu.vector_store %arg19[%swap3A_252], %and3A_251 {strides = array<i32>} : memref<256xi32, #tpu.memory_space<vmem>>, vector<16xi32>,
          %sub3A_254 = vector.broadcast %mul3A_0 : i32 to vector<16xi32>
          %sub3A_255 = arith.subi %and3A_251, %sub3A_254 : vector<16xi32>
          %gather3A_256 = tpu.vector_load_idx %arg7[%sub3A_255] : memref<12544xi32, #tpu.memory_space<vmem>>[vector<16xi32>], vector<16xi32>,
          %and3A_257 = arith.constant 8191 : i32
          %and3A_258 = vector.broadcast %and3A_257 : i32 to vector<16xi32>
          %and3A_259 = arith.andi %gather3A_256, %and3A_258 : vector<16xi32>
          %jit3A_260 = arith.constant 8192 : i32
          %broadcast_in_dim3A_261 = vector.broadcast %jit3A_260 : i32 to vector<16xi32>
          %select_n3A_262 = arith.select %ge3A_248, %broadcast_in_dim3A_261, %and3A_259 : vector<16xi1>, vector<16xi32>
          %swap3A_263 = arith.constant 16 : index
          %swap3A_264 = tpu.vector_load %arg18[%swap3A_263] {strides = array<i32>} : memref<256xi32, #tpu.memory_space<vmem>>, vector<16xi32>,
          tpu.vector_store %arg18[%swap3A_263], %select_n3A_262 {strides = array<i32>} : memref<256xi32, #tpu.memory_space<vmem>>, vector<16xi32>,
          %add3A_265 = arith.constant 32 : i32
          %add3A_266 = arith.addi %add3A_220, %add3A_265 : i32
          %get3A_267 = arith.index_cast %add3A_266 : i32 to index
          %get3A_268 = tpu.vector_load %arg6[%get3A_267] {strides = array<i32>} : memref<16640xi32, #tpu.memory_space<vmem>>, vector<16xi32>,
          %ge3A_269 = arith.constant 524288 : i32
          %ge3A_270 = vector.broadcast %ge3A_269 : i32 to vector<16xi32>
          %ge3A_271 = arith.cmpi sge, %get3A_268, %ge3A_270 : vector<16xi32>
          %and3A_272 = arith.constant 524287 : i32
          %and3A_273 = vector.broadcast %and3A_272 : i32 to vector<16xi32>
          %and3A_274 = arith.andi %get3A_268, %and3A_273 : vector<16xi32>
          %swap3A_275 = arith.constant 32 : index
          %swap3A_276 = tpu.vector_load %arg19[%swap3A_275] {strides = array<i32>} : memref<256xi32, #tpu.memory_space<vmem>>, vector<16xi32>,
          tpu.vector_store %arg19[%swap3A_275], %and3A_274 {strides = array<i32>} : memref<256xi32, #tpu.memory_space<vmem>>, vector<16xi32>,
          %sub3A_277 = vector.broadcast %mul3A_0 : i32 to vector<16xi32>
          %sub3A_278 = arith.subi %and3A_274, %sub3A_277 : vector<16xi32>
          %gather3A_279 = tpu.vector_load_idx %arg7[%sub3A_278] : memref<12544xi32, #tpu.memory_space<vmem>>[vector<16xi32>], vector<16xi32>,
          %and3A_280 = arith.constant 8191 : i32
          %and3A_281 = vector.broadcast %and3A_280 : i32 to vector<16xi32>
          %and3A_282 = arith.andi %gather3A_279, %and3A_281 : vector<16xi32>
          %jit3A_283 = arith.constant 8192 : i32
          %broadcast_in_dim3A_284 = vector.broadcast %jit3A_283 : i32 to vector<16xi32>
          %select_n3A_285 = arith.select %ge3A_271, %broadcast_in_dim3A_284, %and3A_282 : vector<16xi1>, vector<16xi32>
          %swap3A_286 = arith.constant 32 : index
          %swap3A_287 = tpu.vector_load %arg18[%swap3A_286] {strides = array<i32>} : memref<256xi32, #tpu.memory_space<vmem>>, vector<16xi32>,
          tpu.vector_store %arg18[%swap3A_286], %select_n3A_285 {strides = array<i32>} : memref<256xi32, #tpu.memory_space<vmem>>, vector<16xi32>,
          %add3A_288 = arith.constant 48 : i32
          %add3A_289 = arith.addi %add3A_220, %add3A_288 : i32
          %get3A_290 = arith.index_cast %add3A_289 : i32 to index
          %get3A_291 = tpu.vector_load %arg6[%get3A_290] {strides = array<i32>} : memref<16640xi32, #tpu.memory_space<vmem>>, vector<16xi32>,
          %ge3A_292 = arith.constant 524288 : i32
          %ge3A_293 = vector.broadcast %ge3A_292 : i32 to vector<16xi32>
          %ge3A_294 = arith.cmpi sge, %get3A_291, %ge3A_293 : vector<16xi32>
          %and3A_295 = arith.constant 524287 : i32
          %and3A_296 = vector.broadcast %and3A_295 : i32 to vector<16xi32>
          %and3A_297 = arith.andi %get3A_291, %and3A_296 : vector<16xi32>
          %swap3A_298 = arith.constant 48 : index
          %swap3A_299 = tpu.vector_load %arg19[%swap3A_298] {strides = array<i32>} : memref<256xi32, #tpu.memory_space<vmem>>, vector<16xi32>,
          tpu.vector_store %arg19[%swap3A_298], %and3A_297 {strides = array<i32>} : memref<256xi32, #tpu.memory_space<vmem>>, vector<16xi32>,
          %sub3A_300 = vector.broadcast %mul3A_0 : i32 to vector<16xi32>
          %sub3A_301 = arith.subi %and3A_297, %sub3A_300 : vector<16xi32>
          %gather3A_302 = tpu.vector_load_idx %arg7[%sub3A_301] : memref<12544xi32, #tpu.memory_space<vmem>>[vector<16xi32>], vector<16xi32>,
          %and3A_303 = arith.constant 8191 : i32
          %and3A_304 = vector.broadcast %and3A_303 : i32 to vector<16xi32>
          %and3A_305 = arith.andi %gather3A_302, %and3A_304 : vector<16xi32>
          %jit3A_306 = arith.constant 8192 : i32
          %broadcast_in_dim3A_307 = vector.broadcast %jit3A_306 : i32 to vector<16xi32>
          %select_n3A_308 = arith.select %ge3A_294, %broadcast_in_dim3A_307, %and3A_305 : vector<16xi1>, vector<16xi32>
          %swap3A_309 = arith.constant 48 : index
          %swap3A_310 = tpu.vector_load %arg18[%swap3A_309] {strides = array<i32>} : memref<256xi32, #tpu.memory_space<vmem>>, vector<16xi32>,
          tpu.vector_store %arg18[%swap3A_309], %select_n3A_308 {strides = array<i32>} : memref<256xi32, #tpu.memory_space<vmem>>, vector<16xi32>,
          %add3A_311 = arith.constant 64 : i32
          %add3A_312 = arith.addi %add3A_220, %add3A_311 : i32
          %get3A_313 = arith.index_cast %add3A_312 : i32 to index
          %get3A_314 = tpu.vector_load %arg6[%get3A_313] {strides = array<i32>} : memref<16640xi32, #tpu.memory_space<vmem>>, vector<16xi32>,
          %ge3A_315 = arith.constant 524288 : i32
          %ge3A_316 = vector.broadcast %ge3A_315 : i32 to vector<16xi32>
          %ge3A_317 = arith.cmpi sge, %get3A_314, %ge3A_316 : vector<16xi32>
          %and3A_318 = arith.constant 524287 : i32
          %and3A_319 = vector.broadcast %and3A_318 : i32 to vector<16xi32>
          %and3A_320 = arith.andi %get3A_314, %and3A_319 : vector<16xi32>
          %swap3A_321 = arith.constant 64 : index
          %swap3A_322 = tpu.vector_load %arg19[%swap3A_321] {strides = array<i32>} : memref<256xi32, #tpu.memory_space<vmem>>, vector<16xi32>,
          tpu.vector_store %arg19[%swap3A_321], %and3A_320 {strides = array<i32>} : memref<256xi32, #tpu.memory_space<vmem>>, vector<16xi32>,
          %sub3A_323 = vector.broadcast %mul3A_0 : i32 to vector<16xi32>
          %sub3A_324 = arith.subi %and3A_320, %sub3A_323 : vector<16xi32>
          %gather3A_325 = tpu.vector_load_idx %arg7[%sub3A_324] : memref<12544xi32, #tpu.memory_space<vmem>>[vector<16xi32>], vector<16xi32>,
          %and3A_326 = arith.constant 8191 : i32
          %and3A_327 = vector.broadcast %and3A_326 : i32 to vector<16xi32>
          %and3A_328 = arith.andi %gather3A_325, %and3A_327 : vector<16xi32>
          %jit3A_329 = arith.constant 8192 : i32
          %broadcast_in_dim3A_330 = vector.broadcast %jit3A_329 : i32 to vector<16xi32>
          %select_n3A_331 = arith.select %ge3A_317, %broadcast_in_dim3A_330, %and3A_328 : vector<16xi1>, vector<16xi32>
          %swap3A_332 = arith.constant 64 : index
          %swap3A_333 = tpu.vector_load %arg18[%swap3A_332] {strides = array<i32>} : memref<256xi32, #tpu.memory_space<vmem>>, vector<16xi32>,
          tpu.vector_store %arg18[%swap3A_332], %select_n3A_331 {strides = array<i32>} : memref<256xi32, #tpu.memory_space<vmem>>, vector<16xi32>,
          %add3A_334 = arith.constant 80 : i32
          %add3A_335 = arith.addi %add3A_220, %add3A_334 : i32
          %get3A_336 = arith.index_cast %add3A_335 : i32 to index
          %get3A_337 = tpu.vector_load %arg6[%get3A_336] {strides = array<i32>} : memref<16640xi32, #tpu.memory_space<vmem>>, vector<16xi32>,
          %ge3A_338 = arith.constant 524288 : i32
          %ge3A_339 = vector.broadcast %ge3A_338 : i32 to vector<16xi32>
          %ge3A_340 = arith.cmpi sge, %get3A_337, %ge3A_339 : vector<16xi32>
          %and3A_341 = arith.constant 524287 : i32
          %and3A_342 = vector.broadcast %and3A_341 : i32 to vector<16xi32>
          %and3A_343 = arith.andi %get3A_337, %and3A_342 : vector<16xi32>
          %swap3A_344 = arith.constant 80 : index
          %swap3A_345 = tpu.vector_load %arg19[%swap3A_344] {strides = array<i32>} : memref<256xi32, #tpu.memory_space<vmem>>, vector<16xi32>,
          tpu.vector_store %arg19[%swap3A_344], %and3A_343 {strides = array<i32>} : memref<256xi32, #tpu.memory_space<vmem>>, vector<16xi32>,
          %sub3A_346 = vector.broadcast %mul3A_0 : i32 to vector<16xi32>
          %sub3A_347 = arith.subi %and3A_343, %sub3A_346 : vector<16xi32>
          %gather3A_348 = tpu.vector_load_idx %arg7[%sub3A_347] : memref<12544xi32, #tpu.memory_space<vmem>>[vector<16xi32>], vector<16xi32>,
          %and3A_349 = arith.constant 8191 : i32
          %and3A_350 = vector.broadcast %and3A_349 : i32 to vector<16xi32>
          %and3A_351 = arith.andi %gather3A_348, %and3A_350 : vector<16xi32>
          %jit3A_352 = arith.constant 8192 : i32
          %broadcast_in_dim3A_353 = vector.broadcast %jit3A_352 : i32 to vector<16xi32>
          %select_n3A_354 = arith.select %ge3A_340, %broadcast_in_dim3A_353, %and3A_351 : vector<16xi1>, vector<16xi32>
          %swap3A_355 = arith.constant 80 : index
          %swap3A_356 = tpu.vector_load %arg18[%swap3A_355] {strides = array<i32>} : memref<256xi32, #tpu.memory_space<vmem>>, vector<16xi32>,
          tpu.vector_store %arg18[%swap3A_355], %select_n3A_354 {strides = array<i32>} : memref<256xi32, #tpu.memory_space<vmem>>, vector<16xi32>,
          %add3A_357 = arith.constant 96 : i32
          %add3A_358 = arith.addi %add3A_220, %add3A_357 : i32
          %get3A_359 = arith.index_cast %add3A_358 : i32 to index
          %get3A_360 = tpu.vector_load %arg6[%get3A_359] {strides = array<i32>} : memref<16640xi32, #tpu.memory_space<vmem>>, vector<16xi32>,
          %ge3A_361 = arith.constant 524288 : i32
          %ge3A_362 = vector.broadcast %ge3A_361 : i32 to vector<16xi32>
          %ge3A_363 = arith.cmpi sge, %get3A_360, %ge3A_362 : vector<16xi32>
          %and3A_364 = arith.constant 524287 : i32
          %and3A_365 = vector.broadcast %and3A_364 : i32 to vector<16xi32>
          %and3A_366 = arith.andi %get3A_360, %and3A_365 : vector<16xi32>
          %swap3A_367 = arith.constant 96 : index
          %swap3A_368 = tpu.vector_load %arg19[%swap3A_367] {strides = array<i32>} : memref<256xi32, #tpu.memory_space<vmem>>, vector<16xi32>,
          tpu.vector_store %arg19[%swap3A_367], %and3A_366 {strides = array<i32>} : memref<256xi32, #tpu.memory_space<vmem>>, vector<16xi32>,
          %sub3A_369 = vector.broadcast %mul3A_0 : i32 to vector<16xi32>
          %sub3A_370 = arith.subi %and3A_366, %sub3A_369 : vector<16xi32>
          %gather3A_371 = tpu.vector_load_idx %arg7[%sub3A_370] : memref<12544xi32, #tpu.memory_space<vmem>>[vector<16xi32>], vector<16xi32>,
          %and3A_372 = arith.constant 8191 : i32
          %and3A_373 = vector.broadcast %and3A_372 : i32 to vector<16xi32>
          %and3A_374 = arith.andi %gather3A_371, %and3A_373 : vector<16xi32>
          %jit3A_375 = arith.constant 8192 : i32
          %broadcast_in_dim3A_376 = vector.broadcast %jit3A_375 : i32 to vector<16xi32>
          %select_n3A_377 = arith.select %ge3A_363, %broadcast_in_dim3A_376, %and3A_374 : vector<16xi1>, vector<16xi32>
          %swap3A_378 = arith.constant 96 : index
          %swap3A_379 = tpu.vector_load %arg18[%swap3A_378] {strides = array<i32>} : memref<256xi32, #tpu.memory_space<vmem>>, vector<16xi32>,
          tpu.vector_store %arg18[%swap3A_378], %select_n3A_377 {strides = array<i32>} : memref<256xi32, #tpu.memory_space<vmem>>, vector<16xi32>,
          %add3A_380 = arith.constant 112 : i32
          %add3A_381 = arith.addi %add3A_220, %add3A_380 : i32
          %get3A_382 = arith.index_cast %add3A_381 : i32 to index
          %get3A_383 = tpu.vector_load %arg6[%get3A_382] {strides = array<i32>} : memref<16640xi32, #tpu.memory_space<vmem>>, vector<16xi32>,
          %ge3A_384 = arith.constant 524288 : i32
          %ge3A_385 = vector.broadcast %ge3A_384 : i32 to vector<16xi32>
          %ge3A_386 = arith.cmpi sge, %get3A_383, %ge3A_385 : vector<16xi32>
          %and3A_387 = arith.constant 524287 : i32
          %and3A_388 = vector.broadcast %and3A_387 : i32 to vector<16xi32>
          %and3A_389 = arith.andi %get3A_383, %and3A_388 : vector<16xi32>
          %swap3A_390 = arith.constant 112 : index
          %swap3A_391 = tpu.vector_load %arg19[%swap3A_390] {strides = array<i32>} : memref<256xi32, #tpu.memory_space<vmem>>, vector<16xi32>,
          tpu.vector_store %arg19[%swap3A_390], %and3A_389 {strides = array<i32>} : memref<256xi32, #tpu.memory_space<vmem>>, vector<16xi32>,
          %sub3A_392 = vector.broadcast %mul3A_0 : i32 to vector<16xi32>
          %sub3A_393 = arith.subi %and3A_389, %sub3A_392 : vector<16xi32>
          %gather3A_394 = tpu.vector_load_idx %arg7[%sub3A_393] : memref<12544xi32, #tpu.memory_space<vmem>>[vector<16xi32>], vector<16xi32>,
          %and3A_395 = arith.constant 8191 : i32
          %and3A_396 = vector.broadcast %and3A_395 : i32 to vector<16xi32>
          %and3A_397 = arith.andi %gather3A_394, %and3A_396 : vector<16xi32>
          %jit3A_398 = arith.constant 8192 : i32
          %broadcast_in_dim3A_399 = vector.broadcast %jit3A_398 : i32 to vector<16xi32>
          %select_n3A_400 = arith.select %ge3A_386, %broadcast_in_dim3A_399, %and3A_397 : vector<16xi1>, vector<16xi32>
          %swap3A_401 = arith.constant 112 : index
          %swap3A_402 = tpu.vector_load %arg18[%swap3A_401] {strides = array<i32>} : memref<256xi32, #tpu.memory_space<vmem>>, vector<16xi32>,
          tpu.vector_store %arg18[%swap3A_401], %select_n3A_400 {strides = array<i32>} : memref<256xi32, #tpu.memory_space<vmem>>, vector<16xi32>,
          %add3A_403 = arith.constant 128 : i32
          %add3A_404 = arith.addi %add3A_220, %add3A_403 : i32
          %get3A_405 = arith.index_cast %add3A_404 : i32 to index
          %get3A_406 = tpu.vector_load %arg6[%get3A_405] {strides = array<i32>} : memref<16640xi32, #tpu.memory_space<vmem>>, vector<16xi32>,
          %ge3A_407 = arith.constant 524288 : i32
          %ge3A_408 = vector.broadcast %ge3A_407 : i32 to vector<16xi32>
          %ge3A_409 = arith.cmpi sge, %get3A_406, %ge3A_408 : vector<16xi32>
          %and3A_410 = arith.constant 524287 : i32
          %and3A_411 = vector.broadcast %and3A_410 : i32 to vector<16xi32>
          %and3A_412 = arith.andi %get3A_406, %and3A_411 : vector<16xi32>
          %swap3A_413 = arith.constant 128 : index
          %swap3A_414 = tpu.vector_load %arg19[%swap3A_413] {strides = array<i32>} : memref<256xi32, #tpu.memory_space<vmem>>, vector<16xi32>,
          tpu.vector_store %arg19[%swap3A_413], %and3A_412 {strides = array<i32>} : memref<256xi32, #tpu.memory_space<vmem>>, vector<16xi32>,
          %sub3A_415 = vector.broadcast %mul3A_0 : i32 to vector<16xi32>
          %sub3A_416 = arith.subi %and3A_412, %sub3A_415 : vector<16xi32>
          %gather3A_417 = tpu.vector_load_idx %arg7[%sub3A_416] : memref<12544xi32, #tpu.memory_space<vmem>>[vector<16xi32>], vector<16xi32>,
          %and3A_418 = arith.constant 8191 : i32
          %and3A_419 = vector.broadcast %and3A_418 : i32 to vector<16xi32>
          %and3A_420 = arith.andi %gather3A_417, %and3A_419 : vector<16xi32>
          %jit3A_421 = arith.constant 8192 : i32
          %broadcast_in_dim3A_422 = vector.broadcast %jit3A_421 : i32 to vector<16xi32>
          %select_n3A_423 = arith.select %ge3A_409, %broadcast_in_dim3A_422, %and3A_420 : vector<16xi1>, vector<16xi32>
          %swap3A_424 = arith.constant 128 : index
          %swap3A_425 = tpu.vector_load %arg18[%swap3A_424] {strides = array<i32>} : memref<256xi32, #tpu.memory_space<vmem>>, vector<16xi32>,
          tpu.vector_store %arg18[%swap3A_424], %select_n3A_423 {strides = array<i32>} : memref<256xi32, #tpu.memory_space<vmem>>, vector<16xi32>,
          %add3A_426 = arith.constant 144 : i32
          %add3A_427 = arith.addi %add3A_220, %add3A_426 : i32
          %get3A_428 = arith.index_cast %add3A_427 : i32 to index
          %get3A_429 = tpu.vector_load %arg6[%get3A_428] {strides = array<i32>} : memref<16640xi32, #tpu.memory_space<vmem>>, vector<16xi32>,
          %ge3A_430 = arith.constant 524288 : i32
          %ge3A_431 = vector.broadcast %ge3A_430 : i32 to vector<16xi32>
          %ge3A_432 = arith.cmpi sge, %get3A_429, %ge3A_431 : vector<16xi32>
          %and3A_433 = arith.constant 524287 : i32
          %and3A_434 = vector.broadcast %and3A_433 : i32 to vector<16xi32>
          %and3A_435 = arith.andi %get3A_429, %and3A_434 : vector<16xi32>
          %swap3A_436 = arith.constant 144 : index
          %swap3A_437 = tpu.vector_load %arg19[%swap3A_436] {strides = array<i32>} : memref<256xi32, #tpu.memory_space<vmem>>, vector<16xi32>,
          tpu.vector_store %arg19[%swap3A_436], %and3A_435 {strides = array<i32>} : memref<256xi32, #tpu.memory_space<vmem>>, vector<16xi32>,
          %sub3A_438 = vector.broadcast %mul3A_0 : i32 to vector<16xi32>
          %sub3A_439 = arith.subi %and3A_435, %sub3A_438 : vector<16xi32>
          %gather3A_440 = tpu.vector_load_idx %arg7[%sub3A_439] : memref<12544xi32, #tpu.memory_space<vmem>>[vector<16xi32>], vector<16xi32>,
          %and3A_441 = arith.constant 8191 : i32
          %and3A_442 = vector.broadcast %and3A_441 : i32 to vector<16xi32>
          %and3A_443 = arith.andi %gather3A_440, %and3A_442 : vector<16xi32>
          %jit3A_444 = arith.constant 8192 : i32
          %broadcast_in_dim3A_445 = vector.broadcast %jit3A_444 : i32 to vector<16xi32>
          %select_n3A_446 = arith.select %ge3A_432, %broadcast_in_dim3A_445, %and3A_443 : vector<16xi1>, vector<16xi32>
          %swap3A_447 = arith.constant 144 : index
          %swap3A_448 = tpu.vector_load %arg18[%swap3A_447] {strides = array<i32>} : memref<256xi32, #tpu.memory_space<vmem>>, vector<16xi32>,
          tpu.vector_store %arg18[%swap3A_447], %select_n3A_446 {strides = array<i32>} : memref<256xi32, #tpu.memory_space<vmem>>, vector<16xi32>,
          %add3A_449 = arith.constant 160 : i32
          %add3A_450 = arith.addi %add3A_220, %add3A_449 : i32
          %get3A_451 = arith.index_cast %add3A_450 : i32 to index
          %get3A_452 = tpu.vector_load %arg6[%get3A_451] {strides = array<i32>} : memref<16640xi32, #tpu.memory_space<vmem>>, vector<16xi32>,
          %ge3A_453 = arith.constant 524288 : i32
          %ge3A_454 = vector.broadcast %ge3A_453 : i32 to vector<16xi32>
          %ge3A_455 = arith.cmpi sge, %get3A_452, %ge3A_454 : vector<16xi32>
          %and3A_456 = arith.constant 524287 : i32
          %and3A_457 = vector.broadcast %and3A_456 : i32 to vector<16xi32>
          %and3A_458 = arith.andi %get3A_452, %and3A_457 : vector<16xi32>
          %swap3A_459 = arith.constant 160 : index
          %swap3A_460 = tpu.vector_load %arg19[%swap3A_459] {strides = array<i32>} : memref<256xi32, #tpu.memory_space<vmem>>, vector<16xi32>,
          tpu.vector_store %arg19[%swap3A_459], %and3A_458 {strides = array<i32>} : memref<256xi32, #tpu.memory_space<vmem>>, vector<16xi32>,
          %sub3A_461 = vector.broadcast %mul3A_0 : i32 to vector<16xi32>
          %sub3A_462 = arith.subi %and3A_458, %sub3A_461 : vector<16xi32>
          %gather3A_463 = tpu.vector_load_idx %arg7[%sub3A_462] : memref<12544xi32, #tpu.memory_space<vmem>>[vector<16xi32>], vector<16xi32>,
          %and3A_464 = arith.constant 8191 : i32
          %and3A_465 = vector.broadcast %and3A_464 : i32 to vector<16xi32>
          %and3A_466 = arith.andi %gather3A_463, %and3A_465 : vector<16xi32>
          %jit3A_467 = arith.constant 8192 : i32
          %broadcast_in_dim3A_468 = vector.broadcast %jit3A_467 : i32 to vector<16xi32>
          %select_n3A_469 = arith.select %ge3A_455, %broadcast_in_dim3A_468, %and3A_466 : vector<16xi1>, vector<16xi32>
          %swap3A_470 = arith.constant 160 : index
          %swap3A_471 = tpu.vector_load %arg18[%swap3A_470] {strides = array<i32>} : memref<256xi32, #tpu.memory_space<vmem>>, vector<16xi32>,
          tpu.vector_store %arg18[%swap3A_470], %select_n3A_469 {strides = array<i32>} : memref<256xi32, #tpu.memory_space<vmem>>, vector<16xi32>,
          %add3A_472 = arith.constant 176 : i32
          %add3A_473 = arith.addi %add3A_220, %add3A_472 : i32
          %get3A_474 = arith.index_cast %add3A_473 : i32 to index
          %get3A_475 = tpu.vector_load %arg6[%get3A_474] {strides = array<i32>} : memref<16640xi32, #tpu.memory_space<vmem>>, vector<16xi32>,
          %ge3A_476 = arith.constant 524288 : i32
          %ge3A_477 = vector.broadcast %ge3A_476 : i32 to vector<16xi32>
          %ge3A_478 = arith.cmpi sge, %get3A_475, %ge3A_477 : vector<16xi32>
          %and3A_479 = arith.constant 524287 : i32
          %and3A_480 = vector.broadcast %and3A_479 : i32 to vector<16xi32>
          %and3A_481 = arith.andi %get3A_475, %and3A_480 : vector<16xi32>
          %swap3A_482 = arith.constant 176 : index
          %swap3A_483 = tpu.vector_load %arg19[%swap3A_482] {strides = array<i32>} : memref<256xi32, #tpu.memory_space<vmem>>, vector<16xi32>,
          tpu.vector_store %arg19[%swap3A_482], %and3A_481 {strides = array<i32>} : memref<256xi32, #tpu.memory_space<vmem>>, vector<16xi32>,
          %sub3A_484 = vector.broadcast %mul3A_0 : i32 to vector<16xi32>
          %sub3A_485 = arith.subi %and3A_481, %sub3A_484 : vector<16xi32>
          %gather3A_486 = tpu.vector_load_idx %arg7[%sub3A_485] : memref<12544xi32, #tpu.memory_space<vmem>>[vector<16xi32>], vector<16xi32>,
          %and3A_487 = arith.constant 8191 : i32
          %and3A_488 = vector.broadcast %and3A_487 : i32 to vector<16xi32>
          %and3A_489 = arith.andi %gather3A_486, %and3A_488 : vector<16xi32>
          %jit3A_490 = arith.constant 8192 : i32
          %broadcast_in_dim3A_491 = vector.broadcast %jit3A_490 : i32 to vector<16xi32>
          %select_n3A_492 = arith.select %ge3A_478, %broadcast_in_dim3A_491, %and3A_489 : vector<16xi1>, vector<16xi32>
          %swap3A_493 = arith.constant 176 : index
          %swap3A_494 = tpu.vector_load %arg18[%swap3A_493] {strides = array<i32>} : memref<256xi32, #tpu.memory_space<vmem>>, vector<16xi32>,
          tpu.vector_store %arg18[%swap3A_493], %select_n3A_492 {strides = array<i32>} : memref<256xi32, #tpu.memory_space<vmem>>, vector<16xi32>,
          %add3A_495 = arith.constant 192 : i32
          %add3A_496 = arith.addi %add3A_220, %add3A_495 : i32
          %get3A_497 = arith.index_cast %add3A_496 : i32 to index
          %get3A_498 = tpu.vector_load %arg6[%get3A_497] {strides = array<i32>} : memref<16640xi32, #tpu.memory_space<vmem>>, vector<16xi32>,
          %ge3A_499 = arith.constant 524288 : i32
          %ge3A_500 = vector.broadcast %ge3A_499 : i32 to vector<16xi32>
          %ge3A_501 = arith.cmpi sge, %get3A_498, %ge3A_500 : vector<16xi32>
          %and3A_502 = arith.constant 524287 : i32
          %and3A_503 = vector.broadcast %and3A_502 : i32 to vector<16xi32>
          %and3A_504 = arith.andi %get3A_498, %and3A_503 : vector<16xi32>
          %swap3A_505 = arith.constant 192 : index
          %swap3A_506 = tpu.vector_load %arg19[%swap3A_505] {strides = array<i32>} : memref<256xi32, #tpu.memory_space<vmem>>, vector<16xi32>,
          tpu.vector_store %arg19[%swap3A_505], %and3A_504 {strides = array<i32>} : memref<256xi32, #tpu.memory_space<vmem>>, vector<16xi32>,
          %sub3A_507 = vector.broadcast %mul3A_0 : i32 to vector<16xi32>
          %sub3A_508 = arith.subi %and3A_504, %sub3A_507 : vector<16xi32>
          %gather3A_509 = tpu.vector_load_idx %arg7[%sub3A_508] : memref<12544xi32, #tpu.memory_space<vmem>>[vector<16xi32>], vector<16xi32>,
          %and3A_510 = arith.constant 8191 : i32
          %and3A_511 = vector.broadcast %and3A_510 : i32 to vector<16xi32>
          %and3A_512 = arith.andi %gather3A_509, %and3A_511 : vector<16xi32>
          %jit3A_513 = arith.constant 8192 : i32
          %broadcast_in_dim3A_514 = vector.broadcast %jit3A_513 : i32 to vector<16xi32>
          %select_n3A_515 = arith.select %ge3A_501, %broadcast_in_dim3A_514, %and3A_512 : vector<16xi1>, vector<16xi32>
          %swap3A_516 = arith.constant 192 : index
          %swap3A_517 = tpu.vector_load %arg18[%swap3A_516] {strides = array<i32>} : memref<256xi32, #tpu.memory_space<vmem>>, vector<16xi32>,
          tpu.vector_store %arg18[%swap3A_516], %select_n3A_515 {strides = array<i32>} : memref<256xi32, #tpu.memory_space<vmem>>, vector<16xi32>,
          %add3A_518 = arith.constant 208 : i32
          %add3A_519 = arith.addi %add3A_220, %add3A_518 : i32
          %get3A_520 = arith.index_cast %add3A_519 : i32 to index
          %get3A_521 = tpu.vector_load %arg6[%get3A_520] {strides = array<i32>} : memref<16640xi32, #tpu.memory_space<vmem>>, vector<16xi32>,
          %ge3A_522 = arith.constant 524288 : i32
          %ge3A_523 = vector.broadcast %ge3A_522 : i32 to vector<16xi32>
          %ge3A_524 = arith.cmpi sge, %get3A_521, %ge3A_523 : vector<16xi32>
          %and3A_525 = arith.constant 524287 : i32
          %and3A_526 = vector.broadcast %and3A_525 : i32 to vector<16xi32>
          %and3A_527 = arith.andi %get3A_521, %and3A_526 : vector<16xi32>
          %swap3A_528 = arith.constant 208 : index
          %swap3A_529 = tpu.vector_load %arg19[%swap3A_528] {strides = array<i32>} : memref<256xi32, #tpu.memory_space<vmem>>, vector<16xi32>,
          tpu.vector_store %arg19[%swap3A_528], %and3A_527 {strides = array<i32>} : memref<256xi32, #tpu.memory_space<vmem>>, vector<16xi32>,
          %sub3A_530 = vector.broadcast %mul3A_0 : i32 to vector<16xi32>
          %sub3A_531 = arith.subi %and3A_527, %sub3A_530 : vector<16xi32>
          %gather3A_532 = tpu.vector_load_idx %arg7[%sub3A_531] : memref<12544xi32, #tpu.memory_space<vmem>>[vector<16xi32>], vector<16xi32>,
          %and3A_533 = arith.constant 8191 : i32
          %and3A_534 = vector.broadcast %and3A_533 : i32 to vector<16xi32>
          %and3A_535 = arith.andi %gather3A_532, %and3A_534 : vector<16xi32>
          %jit3A_536 = arith.constant 8192 : i32
          %broadcast_in_dim3A_537 = vector.broadcast %jit3A_536 : i32 to vector<16xi32>
          %select_n3A_538 = arith.select %ge3A_524, %broadcast_in_dim3A_537, %and3A_535 : vector<16xi1>, vector<16xi32>
          %swap3A_539 = arith.constant 208 : index
          %swap3A_540 = tpu.vector_load %arg18[%swap3A_539] {strides = array<i32>} : memref<256xi32, #tpu.memory_space<vmem>>, vector<16xi32>,
          tpu.vector_store %arg18[%swap3A_539], %select_n3A_538 {strides = array<i32>} : memref<256xi32, #tpu.memory_space<vmem>>, vector<16xi32>,
          %add3A_541 = arith.constant 224 : i32
          %add3A_542 = arith.addi %add3A_220, %add3A_541 : i32
          %get3A_543 = arith.index_cast %add3A_542 : i32 to index
          %get3A_544 = tpu.vector_load %arg6[%get3A_543] {strides = array<i32>} : memref<16640xi32, #tpu.memory_space<vmem>>, vector<16xi32>,
          %ge3A_545 = arith.constant 524288 : i32
          %ge3A_546 = vector.broadcast %ge3A_545 : i32 to vector<16xi32>
          %ge3A_547 = arith.cmpi sge, %get3A_544, %ge3A_546 : vector<16xi32>
          %and3A_548 = arith.constant 524287 : i32
          %and3A_549 = vector.broadcast %and3A_548 : i32 to vector<16xi32>
          %and3A_550 = arith.andi %get3A_544, %and3A_549 : vector<16xi32>
          %swap3A_551 = arith.constant 224 : index
          %swap3A_552 = tpu.vector_load %arg19[%swap3A_551] {strides = array<i32>} : memref<256xi32, #tpu.memory_space<vmem>>, vector<16xi32>,
          tpu.vector_store %arg19[%swap3A_551], %and3A_550 {strides = array<i32>} : memref<256xi32, #tpu.memory_space<vmem>>, vector<16xi32>,
          %sub3A_553 = vector.broadcast %mul3A_0 : i32 to vector<16xi32>
          %sub3A_554 = arith.subi %and3A_550, %sub3A_553 : vector<16xi32>
          %gather3A_555 = tpu.vector_load_idx %arg7[%sub3A_554] : memref<12544xi32, #tpu.memory_space<vmem>>[vector<16xi32>], vector<16xi32>,
          %and3A_556 = arith.constant 8191 : i32
          %and3A_557 = vector.broadcast %and3A_556 : i32 to vector<16xi32>
          %and3A_558 = arith.andi %gather3A_555, %and3A_557 : vector<16xi32>
          %jit3A_559 = arith.constant 8192 : i32
          %broadcast_in_dim3A_560 = vector.broadcast %jit3A_559 : i32 to vector<16xi32>
          %select_n3A_561 = arith.select %ge3A_547, %broadcast_in_dim3A_560, %and3A_558 : vector<16xi1>, vector<16xi32>
          %swap3A_562 = arith.constant 224 : index
          %swap3A_563 = tpu.vector_load %arg18[%swap3A_562] {strides = array<i32>} : memref<256xi32, #tpu.memory_space<vmem>>, vector<16xi32>,
          tpu.vector_store %arg18[%swap3A_562], %select_n3A_561 {strides = array<i32>} : memref<256xi32, #tpu.memory_space<vmem>>, vector<16xi32>,
          %add3A_564 = arith.constant 240 : i32
          %add3A_565 = arith.addi %add3A_220, %add3A_564 : i32
          %get3A_566 = arith.index_cast %add3A_565 : i32 to index
          %get3A_567 = tpu.vector_load %arg6[%get3A_566] {strides = array<i32>} : memref<16640xi32, #tpu.memory_space<vmem>>, vector<16xi32>,
          %ge3A_568 = arith.constant 524288 : i32
          %ge3A_569 = vector.broadcast %ge3A_568 : i32 to vector<16xi32>
          %ge3A_570 = arith.cmpi sge, %get3A_567, %ge3A_569 : vector<16xi32>
          %and3A_571 = arith.constant 524287 : i32
          %and3A_572 = vector.broadcast %and3A_571 : i32 to vector<16xi32>
          %and3A_573 = arith.andi %get3A_567, %and3A_572 : vector<16xi32>
          %swap3A_574 = arith.constant 240 : index
          %swap3A_575 = tpu.vector_load %arg19[%swap3A_574] {strides = array<i32>} : memref<256xi32, #tpu.memory_space<vmem>>, vector<16xi32>,
          tpu.vector_store %arg19[%swap3A_574], %and3A_573 {strides = array<i32>} : memref<256xi32, #tpu.memory_space<vmem>>, vector<16xi32>,
          %sub3A_576 = vector.broadcast %mul3A_0 : i32 to vector<16xi32>
          %sub3A_577 = arith.subi %and3A_573, %sub3A_576 : vector<16xi32>
          %gather3A_578 = tpu.vector_load_idx %arg7[%sub3A_577] : memref<12544xi32, #tpu.memory_space<vmem>>[vector<16xi32>], vector<16xi32>,
          %and3A_579 = arith.constant 8191 : i32
          %and3A_580 = vector.broadcast %and3A_579 : i32 to vector<16xi32>
          %and3A_581 = arith.andi %gather3A_578, %and3A_580 : vector<16xi32>
          %jit3A_582 = arith.constant 8192 : i32
          %broadcast_in_dim3A_583 = vector.broadcast %jit3A_582 : i32 to vector<16xi32>
          %select_n3A_584 = arith.select %ge3A_570, %broadcast_in_dim3A_583, %and3A_581 : vector<16xi1>, vector<16xi32>
          %swap3A_585 = arith.constant 240 : index
          %swap3A_586 = tpu.vector_load %arg18[%swap3A_585] {strides = array<i32>} : memref<256xi32, #tpu.memory_space<vmem>>, vector<16xi32>,
          tpu.vector_store %arg18[%swap3A_585], %select_n3A_584 {strides = array<i32>} : memref<256xi32, #tpu.memory_space<vmem>>, vector<16xi32>,
          %dma_start3A = arith.constant 0 : i32
          %dma_start3A_587 = arith.constant 0 : i32
          %dma_start3A_588 = tpu.memref_slice %arg4[%dma_start3A, %dma_start3A_587] : memref<200704x64xf32, #tpu.memory_space<hbm>> -> memref<200704x64xf32, #tpu.memory_space<hbm>>
          tpu.enqueue_indirect_dma source(%dma_start3A_588 : memref<200704x64xf32, #tpu.memory_space<hbm>>) target(%arg20 : memref<256x64xf32, #tpu.memory_space<vmem>>) offsets(%arg19 : memref<256xi32, #tpu.memory_space<vmem>>) semaphore(%arg22 : memref<!tpu.dma_semaphore, #tpu.memory_space<semaphore_mem>>)
        } else {
        }
        %mul3A_198 = arith.constant 2 : i32
        %mul3A_199 = arith.muli %while3A_181, %mul3A_198 : i32
        %add3A_200 = arith.constant 0 : i32
        %add3A_201 = arith.addi %mul3A_199, %add3A_200 : i32
        %lt3A_202 = arith.cmpi slt, %add3A_201, %select_n3A_120 : i32
        %convert_element_type3A_203 = arith.extui %lt3A_202 : i1 to i32
        %cond3A_204 = arith.constant 0 : i32
        %cond3A_205 = arith.cmpi ne, %convert_element_type3A_203, %cond3A_204 : i32
        scf.if %cond3A_205 {
          %dma_wait3A = arith.constant 0 : i32
          %dma_wait3A_214 = arith.constant 0 : i32
          %dma_wait3A_215 = tpu.memref_slice %arg4[%dma_wait3A, %dma_wait3A_214] : memref<200704x64xf32, #tpu.memory_space<hbm>> -> memref<200704x64xf32, #tpu.memory_space<hbm>>
          tpu.wait_indirect_dma semaphore(%arg21 : memref<!tpu.dma_semaphore, #tpu.memory_space<semaphore_mem>>) src(%dma_wait3A_215 : memref<200704x64xf32, #tpu.memory_space<hbm>>) dst(%arg17 : memref<256x64xf32, #tpu.memory_space<vmem>>)
          %dma_start3A = arith.constant 0 : i32
          %dma_start3A_216 = arith.constant 0 : i32
          %dma_start3A_217 = tpu.memref_slice %arg26[%dma_start3A, %dma_start3A_216] : memref<8200x64xf32, #tpu.memory_space<vmem_shared>> -> memref<8200x64xf32, #tpu.memory_space<vmem_shared>>
          tpu.enqueue_indirect_dma source(%arg17 : memref<256x64xf32, #tpu.memory_space<vmem>>) target(%dma_start3A_217 : memref<8200x64xf32, #tpu.memory_space<vmem_shared>>) offsets(%arg15 : memref<256xi32, #tpu.memory_space<vmem>>) semaphore(%arg23 : memref<!tpu.dma_semaphore, #tpu.memory_space<semaphore_mem>>) {add = true}
        } else {
        }
        %mul3A_206 = arith.constant 2 : i32
        %mul3A_207 = arith.muli %while3A_181, %mul3A_206 : i32
        %add3A_208 = arith.constant 1 : i32
        %add3A_209 = arith.addi %mul3A_207, %add3A_208 : i32
        %lt3A_210 = arith.cmpi slt, %add3A_209, %select_n3A_120 : i32
        %convert_element_type3A_211 = arith.extui %lt3A_210 : i1 to i32
        %cond3A_212 = arith.constant 0 : i32
        %cond3A_213 = arith.cmpi ne, %convert_element_type3A_211, %cond3A_212 : i32
        scf.if %cond3A_213 {
          %dma_wait3A = arith.constant 0 : i32
          %dma_wait3A_214 = arith.constant 0 : i32
          %dma_wait3A_215 = tpu.memref_slice %arg4[%dma_wait3A, %dma_wait3A_214] : memref<200704x64xf32, #tpu.memory_space<hbm>> -> memref<200704x64xf32, #tpu.memory_space<hbm>>
          tpu.wait_indirect_dma semaphore(%arg22 : memref<!tpu.dma_semaphore, #tpu.memory_space<semaphore_mem>>) src(%dma_wait3A_215 : memref<200704x64xf32, #tpu.memory_space<hbm>>) dst(%arg20 : memref<256x64xf32, #tpu.memory_space<vmem>>)
          %dma_start3A = arith.constant 0 : i32
          %dma_start3A_216 = arith.constant 0 : i32
          %dma_start3A_217 = tpu.memref_slice %arg26[%dma_start3A, %dma_start3A_216] : memref<8200x64xf32, #tpu.memory_space<vmem_shared>> -> memref<8200x64xf32, #tpu.memory_space<vmem_shared>>
          tpu.enqueue_indirect_dma source(%arg20 : memref<256x64xf32, #tpu.memory_space<vmem>>) target(%dma_start3A_217 : memref<8200x64xf32, #tpu.memory_space<vmem_shared>>) offsets(%arg18 : memref<256xi32, #tpu.memory_space<vmem>>) semaphore(%arg24 : memref<!tpu.dma_semaphore, #tpu.memory_space<semaphore_mem>>) {add = true}
        } else {
        }
      }
      %while3A_155 = arith.constant 1 : i32
      scf.for %while3A_181 = %while3A_153 to %while3A_149 step %while3A_155  : i32 {
        %mul3A_182 = arith.constant 2 : i32
        %mul3A_183 = arith.muli %while3A_181, %mul3A_182 : i32
        %add3A_184 = arith.constant 0 : i32
        %add3A_185 = arith.addi %mul3A_183, %add3A_184 : i32
        %lt3A_186 = arith.cmpi slt, %add3A_185, %select_n3A_120 : i32
        %convert_element_type3A_187 = arith.extui %lt3A_186 : i1 to i32
        %cond3A_188 = arith.constant 0 : i32
        %cond3A_189 = arith.cmpi ne, %convert_element_type3A_187, %cond3A_188 : i32
        scf.if %cond3A_189 {
          %ge3A = arith.constant 2 : i32
          %ge3A_214 = arith.cmpi sge, %add3A_185, %ge3A : i32
          %convert_element_type3A_215 = arith.extui %ge3A_214 : i1 to i32
          %cond3A_216 = arith.constant 0 : i32
          %cond3A_217 = arith.cmpi ne, %convert_element_type3A_215, %cond3A_216 : i32
          scf.if %cond3A_217 {
            %dma_wait3A = arith.constant 0 : i32
            %dma_wait3A_589 = arith.constant 0 : i32
            %dma_wait3A_590 = tpu.memref_slice %arg26[%dma_wait3A, %dma_wait3A_589] : memref<8200x64xf32, #tpu.memory_space<vmem_shared>> -> memref<8200x64xf32, #tpu.memory_space<vmem_shared>>
            tpu.wait_indirect_dma semaphore(%arg23 : memref<!tpu.dma_semaphore, #tpu.memory_space<semaphore_mem>>) src(%arg17 : memref<256x64xf32, #tpu.memory_space<vmem>>) dst(%dma_wait3A_590 : memref<8200x64xf32, #tpu.memory_space<vmem_shared>>)
          } else {
          }
          %mul3A_218 = arith.constant 256 : i32
          %mul3A_219 = arith.muli %add3A_185, %mul3A_218 : i32
          %add3A_220 = arith.addi %multiple_of3A, %mul3A_219 : i32
          %add3A_221 = arith.constant 0 : i32
          %add3A_222 = arith.addi %add3A_220, %add3A_221 : i32
          %get3A = arith.index_cast %add3A_222 : i32 to index
          %get3A_223 = tpu.vector_load %arg6[%get3A] {strides = array<i32>} : memref<16640xi32, #tpu.memory_space<vmem>>, vector<16xi32>,
          %ge3A_224 = arith.constant 524288 : i32
          %ge3A_225 = vector.broadcast %ge3A_224 : i32 to vector<16xi32>
          %ge3A_226 = arith.cmpi sge, %get3A_223, %ge3A_225 : vector<16xi32>
          %and3A_227 = arith.constant 524287 : i32
          %and3A_228 = vector.broadcast %and3A_227 : i32 to vector<16xi32>
          %and3A_229 = arith.andi %get3A_223, %and3A_228 : vector<16xi32>
          %swap3A = arith.constant 0 : index
          %swap3A_230 = tpu.vector_load %arg16[%swap3A] {strides = array<i32>} : memref<256xi32, #tpu.memory_space<vmem>>, vector<16xi32>,
          tpu.vector_store %arg16[%swap3A], %and3A_229 {strides = array<i32>} : memref<256xi32, #tpu.memory_space<vmem>>, vector<16xi32>,
          %sub3A_231 = vector.broadcast %mul3A_0 : i32 to vector<16xi32>
          %sub3A_232 = arith.subi %and3A_229, %sub3A_231 : vector<16xi32>
          %gather3A_233 = tpu.vector_load_idx %arg7[%sub3A_232] : memref<12544xi32, #tpu.memory_space<vmem>>[vector<16xi32>], vector<16xi32>,
          %and3A_234 = arith.constant 8191 : i32
          %and3A_235 = vector.broadcast %and3A_234 : i32 to vector<16xi32>
          %and3A_236 = arith.andi %gather3A_233, %and3A_235 : vector<16xi32>
          %jit3A_237 = arith.constant 8192 : i32
          %broadcast_in_dim3A_238 = vector.broadcast %jit3A_237 : i32 to vector<16xi32>
          %select_n3A_239 = arith.select %ge3A_226, %broadcast_in_dim3A_238, %and3A_236 : vector<16xi1>, vector<16xi32>
          %swap3A_240 = arith.constant 0 : index
          %swap3A_241 = tpu.vector_load %arg15[%swap3A_240] {strides = array<i32>} : memref<256xi32, #tpu.memory_space<vmem>>, vector<16xi32>,
          tpu.vector_store %arg15[%swap3A_240], %select_n3A_239 {strides = array<i32>} : memref<256xi32, #tpu.memory_space<vmem>>, vector<16xi32>,
          %add3A_242 = arith.constant 16 : i32
          %add3A_243 = arith.addi %add3A_220, %add3A_242 : i32
          %get3A_244 = arith.index_cast %add3A_243 : i32 to index
          %get3A_245 = tpu.vector_load %arg6[%get3A_244] {strides = array<i32>} : memref<16640xi32, #tpu.memory_space<vmem>>, vector<16xi32>,
          %ge3A_246 = arith.constant 524288 : i32
          %ge3A_247 = vector.broadcast %ge3A_246 : i32 to vector<16xi32>
          %ge3A_248 = arith.cmpi sge, %get3A_245, %ge3A_247 : vector<16xi32>
          %and3A_249 = arith.constant 524287 : i32
          %and3A_250 = vector.broadcast %and3A_249 : i32 to vector<16xi32>
          %and3A_251 = arith.andi %get3A_245, %and3A_250 : vector<16xi32>
          %swap3A_252 = arith.constant 16 : index
          %swap3A_253 = tpu.vector_load %arg16[%swap3A_252] {strides = array<i32>} : memref<256xi32, #tpu.memory_space<vmem>>, vector<16xi32>,
          tpu.vector_store %arg16[%swap3A_252], %and3A_251 {strides = array<i32>} : memref<256xi32, #tpu.memory_space<vmem>>, vector<16xi32>,
          %sub3A_254 = vector.broadcast %mul3A_0 : i32 to vector<16xi32>
          %sub3A_255 = arith.subi %and3A_251, %sub3A_254 : vector<16xi32>
          %gather3A_256 = tpu.vector_load_idx %arg7[%sub3A_255] : memref<12544xi32, #tpu.memory_space<vmem>>[vector<16xi32>], vector<16xi32>,
          %and3A_257 = arith.constant 8191 : i32
          %and3A_258 = vector.broadcast %and3A_257 : i32 to vector<16xi32>
          %and3A_259 = arith.andi %gather3A_256, %and3A_258 : vector<16xi32>
          %jit3A_260 = arith.constant 8192 : i32
          %broadcast_in_dim3A_261 = vector.broadcast %jit3A_260 : i32 to vector<16xi32>
          %select_n3A_262 = arith.select %ge3A_248, %broadcast_in_dim3A_261, %and3A_259 : vector<16xi1>, vector<16xi32>
          %swap3A_263 = arith.constant 16 : index
          %swap3A_264 = tpu.vector_load %arg15[%swap3A_263] {strides = array<i32>} : memref<256xi32, #tpu.memory_space<vmem>>, vector<16xi32>,
          tpu.vector_store %arg15[%swap3A_263], %select_n3A_262 {strides = array<i32>} : memref<256xi32, #tpu.memory_space<vmem>>, vector<16xi32>,
          %add3A_265 = arith.constant 32 : i32
          %add3A_266 = arith.addi %add3A_220, %add3A_265 : i32
          %get3A_267 = arith.index_cast %add3A_266 : i32 to index
          %get3A_268 = tpu.vector_load %arg6[%get3A_267] {strides = array<i32>} : memref<16640xi32, #tpu.memory_space<vmem>>, vector<16xi32>,
          %ge3A_269 = arith.constant 524288 : i32
          %ge3A_270 = vector.broadcast %ge3A_269 : i32 to vector<16xi32>
          %ge3A_271 = arith.cmpi sge, %get3A_268, %ge3A_270 : vector<16xi32>
          %and3A_272 = arith.constant 524287 : i32
          %and3A_273 = vector.broadcast %and3A_272 : i32 to vector<16xi32>
          %and3A_274 = arith.andi %get3A_268, %and3A_273 : vector<16xi32>
          %swap3A_275 = arith.constant 32 : index
          %swap3A_276 = tpu.vector_load %arg16[%swap3A_275] {strides = array<i32>} : memref<256xi32, #tpu.memory_space<vmem>>, vector<16xi32>,
          tpu.vector_store %arg16[%swap3A_275], %and3A_274 {strides = array<i32>} : memref<256xi32, #tpu.memory_space<vmem>>, vector<16xi32>,
          %sub3A_277 = vector.broadcast %mul3A_0 : i32 to vector<16xi32>
          %sub3A_278 = arith.subi %and3A_274, %sub3A_277 : vector<16xi32>
          %gather3A_279 = tpu.vector_load_idx %arg7[%sub3A_278] : memref<12544xi32, #tpu.memory_space<vmem>>[vector<16xi32>], vector<16xi32>,
          %and3A_280 = arith.constant 8191 : i32
          %and3A_281 = vector.broadcast %and3A_280 : i32 to vector<16xi32>
          %and3A_282 = arith.andi %gather3A_279, %and3A_281 : vector<16xi32>
          %jit3A_283 = arith.constant 8192 : i32
          %broadcast_in_dim3A_284 = vector.broadcast %jit3A_283 : i32 to vector<16xi32>
          %select_n3A_285 = arith.select %ge3A_271, %broadcast_in_dim3A_284, %and3A_282 : vector<16xi1>, vector<16xi32>
          %swap3A_286 = arith.constant 32 : index
          %swap3A_287 = tpu.vector_load %arg15[%swap3A_286] {strides = array<i32>} : memref<256xi32, #tpu.memory_space<vmem>>, vector<16xi32>,
          tpu.vector_store %arg15[%swap3A_286], %select_n3A_285 {strides = array<i32>} : memref<256xi32, #tpu.memory_space<vmem>>, vector<16xi32>,
          %add3A_288 = arith.constant 48 : i32
          %add3A_289 = arith.addi %add3A_220, %add3A_288 : i32
          %get3A_290 = arith.index_cast %add3A_289 : i32 to index
          %get3A_291 = tpu.vector_load %arg6[%get3A_290] {strides = array<i32>} : memref<16640xi32, #tpu.memory_space<vmem>>, vector<16xi32>,
          %ge3A_292 = arith.constant 524288 : i32
          %ge3A_293 = vector.broadcast %ge3A_292 : i32 to vector<16xi32>
          %ge3A_294 = arith.cmpi sge, %get3A_291, %ge3A_293 : vector<16xi32>
          %and3A_295 = arith.constant 524287 : i32
          %and3A_296 = vector.broadcast %and3A_295 : i32 to vector<16xi32>
          %and3A_297 = arith.andi %get3A_291, %and3A_296 : vector<16xi32>
          %swap3A_298 = arith.constant 48 : index
          %swap3A_299 = tpu.vector_load %arg16[%swap3A_298] {strides = array<i32>} : memref<256xi32, #tpu.memory_space<vmem>>, vector<16xi32>,
          tpu.vector_store %arg16[%swap3A_298], %and3A_297 {strides = array<i32>} : memref<256xi32, #tpu.memory_space<vmem>>, vector<16xi32>,
          %sub3A_300 = vector.broadcast %mul3A_0 : i32 to vector<16xi32>
          %sub3A_301 = arith.subi %and3A_297, %sub3A_300 : vector<16xi32>
          %gather3A_302 = tpu.vector_load_idx %arg7[%sub3A_301] : memref<12544xi32, #tpu.memory_space<vmem>>[vector<16xi32>], vector<16xi32>,
          %and3A_303 = arith.constant 8191 : i32
          %and3A_304 = vector.broadcast %and3A_303 : i32 to vector<16xi32>
          %and3A_305 = arith.andi %gather3A_302, %and3A_304 : vector<16xi32>
          %jit3A_306 = arith.constant 8192 : i32
          %broadcast_in_dim3A_307 = vector.broadcast %jit3A_306 : i32 to vector<16xi32>
          %select_n3A_308 = arith.select %ge3A_294, %broadcast_in_dim3A_307, %and3A_305 : vector<16xi1>, vector<16xi32>
          %swap3A_309 = arith.constant 48 : index
          %swap3A_310 = tpu.vector_load %arg15[%swap3A_309] {strides = array<i32>} : memref<256xi32, #tpu.memory_space<vmem>>, vector<16xi32>,
          tpu.vector_store %arg15[%swap3A_309], %select_n3A_308 {strides = array<i32>} : memref<256xi32, #tpu.memory_space<vmem>>, vector<16xi32>,
          %add3A_311 = arith.constant 64 : i32
          %add3A_312 = arith.addi %add3A_220, %add3A_311 : i32
          %get3A_313 = arith.index_cast %add3A_312 : i32 to index
          %get3A_314 = tpu.vector_load %arg6[%get3A_313] {strides = array<i32>} : memref<16640xi32, #tpu.memory_space<vmem>>, vector<16xi32>,
          %ge3A_315 = arith.constant 524288 : i32
          %ge3A_316 = vector.broadcast %ge3A_315 : i32 to vector<16xi32>
          %ge3A_317 = arith.cmpi sge, %get3A_314, %ge3A_316 : vector<16xi32>
          %and3A_318 = arith.constant 524287 : i32
          %and3A_319 = vector.broadcast %and3A_318 : i32 to vector<16xi32>
          %and3A_320 = arith.andi %get3A_314, %and3A_319 : vector<16xi32>
          %swap3A_321 = arith.constant 64 : index
          %swap3A_322 = tpu.vector_load %arg16[%swap3A_321] {strides = array<i32>} : memref<256xi32, #tpu.memory_space<vmem>>, vector<16xi32>,
          tpu.vector_store %arg16[%swap3A_321], %and3A_320 {strides = array<i32>} : memref<256xi32, #tpu.memory_space<vmem>>, vector<16xi32>,
          %sub3A_323 = vector.broadcast %mul3A_0 : i32 to vector<16xi32>
          %sub3A_324 = arith.subi %and3A_320, %sub3A_323 : vector<16xi32>
          %gather3A_325 = tpu.vector_load_idx %arg7[%sub3A_324] : memref<12544xi32, #tpu.memory_space<vmem>>[vector<16xi32>], vector<16xi32>,
          %and3A_326 = arith.constant 8191 : i32
          %and3A_327 = vector.broadcast %and3A_326 : i32 to vector<16xi32>
          %and3A_328 = arith.andi %gather3A_325, %and3A_327 : vector<16xi32>
          %jit3A_329 = arith.constant 8192 : i32
          %broadcast_in_dim3A_330 = vector.broadcast %jit3A_329 : i32 to vector<16xi32>
          %select_n3A_331 = arith.select %ge3A_317, %broadcast_in_dim3A_330, %and3A_328 : vector<16xi1>, vector<16xi32>
          %swap3A_332 = arith.constant 64 : index
          %swap3A_333 = tpu.vector_load %arg15[%swap3A_332] {strides = array<i32>} : memref<256xi32, #tpu.memory_space<vmem>>, vector<16xi32>,
          tpu.vector_store %arg15[%swap3A_332], %select_n3A_331 {strides = array<i32>} : memref<256xi32, #tpu.memory_space<vmem>>, vector<16xi32>,
          %add3A_334 = arith.constant 80 : i32
          %add3A_335 = arith.addi %add3A_220, %add3A_334 : i32
          %get3A_336 = arith.index_cast %add3A_335 : i32 to index
          %get3A_337 = tpu.vector_load %arg6[%get3A_336] {strides = array<i32>} : memref<16640xi32, #tpu.memory_space<vmem>>, vector<16xi32>,
          %ge3A_338 = arith.constant 524288 : i32
          %ge3A_339 = vector.broadcast %ge3A_338 : i32 to vector<16xi32>
          %ge3A_340 = arith.cmpi sge, %get3A_337, %ge3A_339 : vector<16xi32>
          %and3A_341 = arith.constant 524287 : i32
          %and3A_342 = vector.broadcast %and3A_341 : i32 to vector<16xi32>
          %and3A_343 = arith.andi %get3A_337, %and3A_342 : vector<16xi32>
          %swap3A_344 = arith.constant 80 : index
          %swap3A_345 = tpu.vector_load %arg16[%swap3A_344] {strides = array<i32>} : memref<256xi32, #tpu.memory_space<vmem>>, vector<16xi32>,
          tpu.vector_store %arg16[%swap3A_344], %and3A_343 {strides = array<i32>} : memref<256xi32, #tpu.memory_space<vmem>>, vector<16xi32>,
          %sub3A_346 = vector.broadcast %mul3A_0 : i32 to vector<16xi32>
          %sub3A_347 = arith.subi %and3A_343, %sub3A_346 : vector<16xi32>
          %gather3A_348 = tpu.vector_load_idx %arg7[%sub3A_347] : memref<12544xi32, #tpu.memory_space<vmem>>[vector<16xi32>], vector<16xi32>,
          %and3A_349 = arith.constant 8191 : i32
          %and3A_350 = vector.broadcast %and3A_349 : i32 to vector<16xi32>
          %and3A_351 = arith.andi %gather3A_348, %and3A_350 : vector<16xi32>
          %jit3A_352 = arith.constant 8192 : i32
          %broadcast_in_dim3A_353 = vector.broadcast %jit3A_352 : i32 to vector<16xi32>
          %select_n3A_354 = arith.select %ge3A_340, %broadcast_in_dim3A_353, %and3A_351 : vector<16xi1>, vector<16xi32>
          %swap3A_355 = arith.constant 80 : index
          %swap3A_356 = tpu.vector_load %arg15[%swap3A_355] {strides = array<i32>} : memref<256xi32, #tpu.memory_space<vmem>>, vector<16xi32>,
          tpu.vector_store %arg15[%swap3A_355], %select_n3A_354 {strides = array<i32>} : memref<256xi32, #tpu.memory_space<vmem>>, vector<16xi32>,
          %add3A_357 = arith.constant 96 : i32
          %add3A_358 = arith.addi %add3A_220, %add3A_357 : i32
          %get3A_359 = arith.index_cast %add3A_358 : i32 to index
          %get3A_360 = tpu.vector_load %arg6[%get3A_359] {strides = array<i32>} : memref<16640xi32, #tpu.memory_space<vmem>>, vector<16xi32>,
          %ge3A_361 = arith.constant 524288 : i32
          %ge3A_362 = vector.broadcast %ge3A_361 : i32 to vector<16xi32>
          %ge3A_363 = arith.cmpi sge, %get3A_360, %ge3A_362 : vector<16xi32>
          %and3A_364 = arith.constant 524287 : i32
          %and3A_365 = vector.broadcast %and3A_364 : i32 to vector<16xi32>
          %and3A_366 = arith.andi %get3A_360, %and3A_365 : vector<16xi32>
          %swap3A_367 = arith.constant 96 : index
          %swap3A_368 = tpu.vector_load %arg16[%swap3A_367] {strides = array<i32>} : memref<256xi32, #tpu.memory_space<vmem>>, vector<16xi32>,
          tpu.vector_store %arg16[%swap3A_367], %and3A_366 {strides = array<i32>} : memref<256xi32, #tpu.memory_space<vmem>>, vector<16xi32>,
          %sub3A_369 = vector.broadcast %mul3A_0 : i32 to vector<16xi32>
          %sub3A_370 = arith.subi %and3A_366, %sub3A_369 : vector<16xi32>
          %gather3A_371 = tpu.vector_load_idx %arg7[%sub3A_370] : memref<12544xi32, #tpu.memory_space<vmem>>[vector<16xi32>], vector<16xi32>,
          %and3A_372 = arith.constant 8191 : i32
          %and3A_373 = vector.broadcast %and3A_372 : i32 to vector<16xi32>
          %and3A_374 = arith.andi %gather3A_371, %and3A_373 : vector<16xi32>
          %jit3A_375 = arith.constant 8192 : i32
          %broadcast_in_dim3A_376 = vector.broadcast %jit3A_375 : i32 to vector<16xi32>
          %select_n3A_377 = arith.select %ge3A_363, %broadcast_in_dim3A_376, %and3A_374 : vector<16xi1>, vector<16xi32>
          %swap3A_378 = arith.constant 96 : index
          %swap3A_379 = tpu.vector_load %arg15[%swap3A_378] {strides = array<i32>} : memref<256xi32, #tpu.memory_space<vmem>>, vector<16xi32>,
          tpu.vector_store %arg15[%swap3A_378], %select_n3A_377 {strides = array<i32>} : memref<256xi32, #tpu.memory_space<vmem>>, vector<16xi32>,
          %add3A_380 = arith.constant 112 : i32
          %add3A_381 = arith.addi %add3A_220, %add3A_380 : i32
          %get3A_382 = arith.index_cast %add3A_381 : i32 to index
          %get3A_383 = tpu.vector_load %arg6[%get3A_382] {strides = array<i32>} : memref<16640xi32, #tpu.memory_space<vmem>>, vector<16xi32>,
          %ge3A_384 = arith.constant 524288 : i32
          %ge3A_385 = vector.broadcast %ge3A_384 : i32 to vector<16xi32>
          %ge3A_386 = arith.cmpi sge, %get3A_383, %ge3A_385 : vector<16xi32>
          %and3A_387 = arith.constant 524287 : i32
          %and3A_388 = vector.broadcast %and3A_387 : i32 to vector<16xi32>
          %and3A_389 = arith.andi %get3A_383, %and3A_388 : vector<16xi32>
          %swap3A_390 = arith.constant 112 : index
          %swap3A_391 = tpu.vector_load %arg16[%swap3A_390] {strides = array<i32>} : memref<256xi32, #tpu.memory_space<vmem>>, vector<16xi32>,
          tpu.vector_store %arg16[%swap3A_390], %and3A_389 {strides = array<i32>} : memref<256xi32, #tpu.memory_space<vmem>>, vector<16xi32>,
          %sub3A_392 = vector.broadcast %mul3A_0 : i32 to vector<16xi32>
          %sub3A_393 = arith.subi %and3A_389, %sub3A_392 : vector<16xi32>
          %gather3A_394 = tpu.vector_load_idx %arg7[%sub3A_393] : memref<12544xi32, #tpu.memory_space<vmem>>[vector<16xi32>], vector<16xi32>,
          %and3A_395 = arith.constant 8191 : i32
          %and3A_396 = vector.broadcast %and3A_395 : i32 to vector<16xi32>
          %and3A_397 = arith.andi %gather3A_394, %and3A_396 : vector<16xi32>
          %jit3A_398 = arith.constant 8192 : i32
          %broadcast_in_dim3A_399 = vector.broadcast %jit3A_398 : i32 to vector<16xi32>
          %select_n3A_400 = arith.select %ge3A_386, %broadcast_in_dim3A_399, %and3A_397 : vector<16xi1>, vector<16xi32>
          %swap3A_401 = arith.constant 112 : index
          %swap3A_402 = tpu.vector_load %arg15[%swap3A_401] {strides = array<i32>} : memref<256xi32, #tpu.memory_space<vmem>>, vector<16xi32>,
          tpu.vector_store %arg15[%swap3A_401], %select_n3A_400 {strides = array<i32>} : memref<256xi32, #tpu.memory_space<vmem>>, vector<16xi32>,
          %add3A_403 = arith.constant 128 : i32
          %add3A_404 = arith.addi %add3A_220, %add3A_403 : i32
          %get3A_405 = arith.index_cast %add3A_404 : i32 to index
          %get3A_406 = tpu.vector_load %arg6[%get3A_405] {strides = array<i32>} : memref<16640xi32, #tpu.memory_space<vmem>>, vector<16xi32>,
          %ge3A_407 = arith.constant 524288 : i32
          %ge3A_408 = vector.broadcast %ge3A_407 : i32 to vector<16xi32>
          %ge3A_409 = arith.cmpi sge, %get3A_406, %ge3A_408 : vector<16xi32>
          %and3A_410 = arith.constant 524287 : i32
          %and3A_411 = vector.broadcast %and3A_410 : i32 to vector<16xi32>
          %and3A_412 = arith.andi %get3A_406, %and3A_411 : vector<16xi32>
          %swap3A_413 = arith.constant 128 : index
          %swap3A_414 = tpu.vector_load %arg16[%swap3A_413] {strides = array<i32>} : memref<256xi32, #tpu.memory_space<vmem>>, vector<16xi32>,
          tpu.vector_store %arg16[%swap3A_413], %and3A_412 {strides = array<i32>} : memref<256xi32, #tpu.memory_space<vmem>>, vector<16xi32>,
          %sub3A_415 = vector.broadcast %mul3A_0 : i32 to vector<16xi32>
          %sub3A_416 = arith.subi %and3A_412, %sub3A_415 : vector<16xi32>
          %gather3A_417 = tpu.vector_load_idx %arg7[%sub3A_416] : memref<12544xi32, #tpu.memory_space<vmem>>[vector<16xi32>], vector<16xi32>,
          %and3A_418 = arith.constant 8191 : i32
          %and3A_419 = vector.broadcast %and3A_418 : i32 to vector<16xi32>
          %and3A_420 = arith.andi %gather3A_417, %and3A_419 : vector<16xi32>
          %jit3A_421 = arith.constant 8192 : i32
          %broadcast_in_dim3A_422 = vector.broadcast %jit3A_421 : i32 to vector<16xi32>
          %select_n3A_423 = arith.select %ge3A_409, %broadcast_in_dim3A_422, %and3A_420 : vector<16xi1>, vector<16xi32>
          %swap3A_424 = arith.constant 128 : index
          %swap3A_425 = tpu.vector_load %arg15[%swap3A_424] {strides = array<i32>} : memref<256xi32, #tpu.memory_space<vmem>>, vector<16xi32>,
          tpu.vector_store %arg15[%swap3A_424], %select_n3A_423 {strides = array<i32>} : memref<256xi32, #tpu.memory_space<vmem>>, vector<16xi32>,
          %add3A_426 = arith.constant 144 : i32
          %add3A_427 = arith.addi %add3A_220, %add3A_426 : i32
          %get3A_428 = arith.index_cast %add3A_427 : i32 to index
          %get3A_429 = tpu.vector_load %arg6[%get3A_428] {strides = array<i32>} : memref<16640xi32, #tpu.memory_space<vmem>>, vector<16xi32>,
          %ge3A_430 = arith.constant 524288 : i32
          %ge3A_431 = vector.broadcast %ge3A_430 : i32 to vector<16xi32>
          %ge3A_432 = arith.cmpi sge, %get3A_429, %ge3A_431 : vector<16xi32>
          %and3A_433 = arith.constant 524287 : i32
          %and3A_434 = vector.broadcast %and3A_433 : i32 to vector<16xi32>
          %and3A_435 = arith.andi %get3A_429, %and3A_434 : vector<16xi32>
          %swap3A_436 = arith.constant 144 : index
          %swap3A_437 = tpu.vector_load %arg16[%swap3A_436] {strides = array<i32>} : memref<256xi32, #tpu.memory_space<vmem>>, vector<16xi32>,
          tpu.vector_store %arg16[%swap3A_436], %and3A_435 {strides = array<i32>} : memref<256xi32, #tpu.memory_space<vmem>>, vector<16xi32>,
          %sub3A_438 = vector.broadcast %mul3A_0 : i32 to vector<16xi32>
          %sub3A_439 = arith.subi %and3A_435, %sub3A_438 : vector<16xi32>
          %gather3A_440 = tpu.vector_load_idx %arg7[%sub3A_439] : memref<12544xi32, #tpu.memory_space<vmem>>[vector<16xi32>], vector<16xi32>,
          %and3A_441 = arith.constant 8191 : i32
          %and3A_442 = vector.broadcast %and3A_441 : i32 to vector<16xi32>
          %and3A_443 = arith.andi %gather3A_440, %and3A_442 : vector<16xi32>
          %jit3A_444 = arith.constant 8192 : i32
          %broadcast_in_dim3A_445 = vector.broadcast %jit3A_444 : i32 to vector<16xi32>
          %select_n3A_446 = arith.select %ge3A_432, %broadcast_in_dim3A_445, %and3A_443 : vector<16xi1>, vector<16xi32>
          %swap3A_447 = arith.constant 144 : index
          %swap3A_448 = tpu.vector_load %arg15[%swap3A_447] {strides = array<i32>} : memref<256xi32, #tpu.memory_space<vmem>>, vector<16xi32>,
          tpu.vector_store %arg15[%swap3A_447], %select_n3A_446 {strides = array<i32>} : memref<256xi32, #tpu.memory_space<vmem>>, vector<16xi32>,
          %add3A_449 = arith.constant 160 : i32
          %add3A_450 = arith.addi %add3A_220, %add3A_449 : i32
          %get3A_451 = arith.index_cast %add3A_450 : i32 to index
          %get3A_452 = tpu.vector_load %arg6[%get3A_451] {strides = array<i32>} : memref<16640xi32, #tpu.memory_space<vmem>>, vector<16xi32>,
          %ge3A_453 = arith.constant 524288 : i32
          %ge3A_454 = vector.broadcast %ge3A_453 : i32 to vector<16xi32>
          %ge3A_455 = arith.cmpi sge, %get3A_452, %ge3A_454 : vector<16xi32>
          %and3A_456 = arith.constant 524287 : i32
          %and3A_457 = vector.broadcast %and3A_456 : i32 to vector<16xi32>
          %and3A_458 = arith.andi %get3A_452, %and3A_457 : vector<16xi32>
          %swap3A_459 = arith.constant 160 : index
          %swap3A_460 = tpu.vector_load %arg16[%swap3A_459] {strides = array<i32>} : memref<256xi32, #tpu.memory_space<vmem>>, vector<16xi32>,
          tpu.vector_store %arg16[%swap3A_459], %and3A_458 {strides = array<i32>} : memref<256xi32, #tpu.memory_space<vmem>>, vector<16xi32>,
          %sub3A_461 = vector.broadcast %mul3A_0 : i32 to vector<16xi32>
          %sub3A_462 = arith.subi %and3A_458, %sub3A_461 : vector<16xi32>
          %gather3A_463 = tpu.vector_load_idx %arg7[%sub3A_462] : memref<12544xi32, #tpu.memory_space<vmem>>[vector<16xi32>], vector<16xi32>,
          %and3A_464 = arith.constant 8191 : i32
          %and3A_465 = vector.broadcast %and3A_464 : i32 to vector<16xi32>
          %and3A_466 = arith.andi %gather3A_463, %and3A_465 : vector<16xi32>
          %jit3A_467 = arith.constant 8192 : i32
          %broadcast_in_dim3A_468 = vector.broadcast %jit3A_467 : i32 to vector<16xi32>
          %select_n3A_469 = arith.select %ge3A_455, %broadcast_in_dim3A_468, %and3A_466 : vector<16xi1>, vector<16xi32>
          %swap3A_470 = arith.constant 160 : index
          %swap3A_471 = tpu.vector_load %arg15[%swap3A_470] {strides = array<i32>} : memref<256xi32, #tpu.memory_space<vmem>>, vector<16xi32>,
          tpu.vector_store %arg15[%swap3A_470], %select_n3A_469 {strides = array<i32>} : memref<256xi32, #tpu.memory_space<vmem>>, vector<16xi32>,
          %add3A_472 = arith.constant 176 : i32
          %add3A_473 = arith.addi %add3A_220, %add3A_472 : i32
          %get3A_474 = arith.index_cast %add3A_473 : i32 to index
          %get3A_475 = tpu.vector_load %arg6[%get3A_474] {strides = array<i32>} : memref<16640xi32, #tpu.memory_space<vmem>>, vector<16xi32>,
          %ge3A_476 = arith.constant 524288 : i32
          %ge3A_477 = vector.broadcast %ge3A_476 : i32 to vector<16xi32>
          %ge3A_478 = arith.cmpi sge, %get3A_475, %ge3A_477 : vector<16xi32>
          %and3A_479 = arith.constant 524287 : i32
          %and3A_480 = vector.broadcast %and3A_479 : i32 to vector<16xi32>
          %and3A_481 = arith.andi %get3A_475, %and3A_480 : vector<16xi32>
          %swap3A_482 = arith.constant 176 : index
          %swap3A_483 = tpu.vector_load %arg16[%swap3A_482] {strides = array<i32>} : memref<256xi32, #tpu.memory_space<vmem>>, vector<16xi32>,
          tpu.vector_store %arg16[%swap3A_482], %and3A_481 {strides = array<i32>} : memref<256xi32, #tpu.memory_space<vmem>>, vector<16xi32>,
          %sub3A_484 = vector.broadcast %mul3A_0 : i32 to vector<16xi32>
          %sub3A_485 = arith.subi %and3A_481, %sub3A_484 : vector<16xi32>
          %gather3A_486 = tpu.vector_load_idx %arg7[%sub3A_485] : memref<12544xi32, #tpu.memory_space<vmem>>[vector<16xi32>], vector<16xi32>,
          %and3A_487 = arith.constant 8191 : i32
          %and3A_488 = vector.broadcast %and3A_487 : i32 to vector<16xi32>
          %and3A_489 = arith.andi %gather3A_486, %and3A_488 : vector<16xi32>
          %jit3A_490 = arith.constant 8192 : i32
          %broadcast_in_dim3A_491 = vector.broadcast %jit3A_490 : i32 to vector<16xi32>
          %select_n3A_492 = arith.select %ge3A_478, %broadcast_in_dim3A_491, %and3A_489 : vector<16xi1>, vector<16xi32>
          %swap3A_493 = arith.constant 176 : index
          %swap3A_494 = tpu.vector_load %arg15[%swap3A_493] {strides = array<i32>} : memref<256xi32, #tpu.memory_space<vmem>>, vector<16xi32>,
          tpu.vector_store %arg15[%swap3A_493], %select_n3A_492 {strides = array<i32>} : memref<256xi32, #tpu.memory_space<vmem>>, vector<16xi32>,
          %add3A_495 = arith.constant 192 : i32
          %add3A_496 = arith.addi %add3A_220, %add3A_495 : i32
          %get3A_497 = arith.index_cast %add3A_496 : i32 to index
          %get3A_498 = tpu.vector_load %arg6[%get3A_497] {strides = array<i32>} : memref<16640xi32, #tpu.memory_space<vmem>>, vector<16xi32>,
          %ge3A_499 = arith.constant 524288 : i32
          %ge3A_500 = vector.broadcast %ge3A_499 : i32 to vector<16xi32>
          %ge3A_501 = arith.cmpi sge, %get3A_498, %ge3A_500 : vector<16xi32>
          %and3A_502 = arith.constant 524287 : i32
          %and3A_503 = vector.broadcast %and3A_502 : i32 to vector<16xi32>
          %and3A_504 = arith.andi %get3A_498, %and3A_503 : vector<16xi32>
          %swap3A_505 = arith.constant 192 : index
          %swap3A_506 = tpu.vector_load %arg16[%swap3A_505] {strides = array<i32>} : memref<256xi32, #tpu.memory_space<vmem>>, vector<16xi32>,
          tpu.vector_store %arg16[%swap3A_505], %and3A_504 {strides = array<i32>} : memref<256xi32, #tpu.memory_space<vmem>>, vector<16xi32>,
          %sub3A_507 = vector.broadcast %mul3A_0 : i32 to vector<16xi32>
          %sub3A_508 = arith.subi %and3A_504, %sub3A_507 : vector<16xi32>
          %gather3A_509 = tpu.vector_load_idx %arg7[%sub3A_508] : memref<12544xi32, #tpu.memory_space<vmem>>[vector<16xi32>], vector<16xi32>,
          %and3A_510 = arith.constant 8191 : i32
          %and3A_511 = vector.broadcast %and3A_510 : i32 to vector<16xi32>
          %and3A_512 = arith.andi %gather3A_509, %and3A_511 : vector<16xi32>
          %jit3A_513 = arith.constant 8192 : i32
          %broadcast_in_dim3A_514 = vector.broadcast %jit3A_513 : i32 to vector<16xi32>
          %select_n3A_515 = arith.select %ge3A_501, %broadcast_in_dim3A_514, %and3A_512 : vector<16xi1>, vector<16xi32>
          %swap3A_516 = arith.constant 192 : index
          %swap3A_517 = tpu.vector_load %arg15[%swap3A_516] {strides = array<i32>} : memref<256xi32, #tpu.memory_space<vmem>>, vector<16xi32>,
          tpu.vector_store %arg15[%swap3A_516], %select_n3A_515 {strides = array<i32>} : memref<256xi32, #tpu.memory_space<vmem>>, vector<16xi32>,
          %add3A_518 = arith.constant 208 : i32
          %add3A_519 = arith.addi %add3A_220, %add3A_518 : i32
          %get3A_520 = arith.index_cast %add3A_519 : i32 to index
          %get3A_521 = tpu.vector_load %arg6[%get3A_520] {strides = array<i32>} : memref<16640xi32, #tpu.memory_space<vmem>>, vector<16xi32>,
          %ge3A_522 = arith.constant 524288 : i32
          %ge3A_523 = vector.broadcast %ge3A_522 : i32 to vector<16xi32>
          %ge3A_524 = arith.cmpi sge, %get3A_521, %ge3A_523 : vector<16xi32>
          %and3A_525 = arith.constant 524287 : i32
          %and3A_526 = vector.broadcast %and3A_525 : i32 to vector<16xi32>
          %and3A_527 = arith.andi %get3A_521, %and3A_526 : vector<16xi32>
          %swap3A_528 = arith.constant 208 : index
          %swap3A_529 = tpu.vector_load %arg16[%swap3A_528] {strides = array<i32>} : memref<256xi32, #tpu.memory_space<vmem>>, vector<16xi32>,
          tpu.vector_store %arg16[%swap3A_528], %and3A_527 {strides = array<i32>} : memref<256xi32, #tpu.memory_space<vmem>>, vector<16xi32>,
          %sub3A_530 = vector.broadcast %mul3A_0 : i32 to vector<16xi32>
          %sub3A_531 = arith.subi %and3A_527, %sub3A_530 : vector<16xi32>
          %gather3A_532 = tpu.vector_load_idx %arg7[%sub3A_531] : memref<12544xi32, #tpu.memory_space<vmem>>[vector<16xi32>], vector<16xi32>,
          %and3A_533 = arith.constant 8191 : i32
          %and3A_534 = vector.broadcast %and3A_533 : i32 to vector<16xi32>
          %and3A_535 = arith.andi %gather3A_532, %and3A_534 : vector<16xi32>
          %jit3A_536 = arith.constant 8192 : i32
          %broadcast_in_dim3A_537 = vector.broadcast %jit3A_536 : i32 to vector<16xi32>
          %select_n3A_538 = arith.select %ge3A_524, %broadcast_in_dim3A_537, %and3A_535 : vector<16xi1>, vector<16xi32>
          %swap3A_539 = arith.constant 208 : index
          %swap3A_540 = tpu.vector_load %arg15[%swap3A_539] {strides = array<i32>} : memref<256xi32, #tpu.memory_space<vmem>>, vector<16xi32>,
          tpu.vector_store %arg15[%swap3A_539], %select_n3A_538 {strides = array<i32>} : memref<256xi32, #tpu.memory_space<vmem>>, vector<16xi32>,
          %add3A_541 = arith.constant 224 : i32
          %add3A_542 = arith.addi %add3A_220, %add3A_541 : i32
          %get3A_543 = arith.index_cast %add3A_542 : i32 to index
          %get3A_544 = tpu.vector_load %arg6[%get3A_543] {strides = array<i32>} : memref<16640xi32, #tpu.memory_space<vmem>>, vector<16xi32>,
          %ge3A_545 = arith.constant 524288 : i32
          %ge3A_546 = vector.broadcast %ge3A_545 : i32 to vector<16xi32>
          %ge3A_547 = arith.cmpi sge, %get3A_544, %ge3A_546 : vector<16xi32>
          %and3A_548 = arith.constant 524287 : i32
          %and3A_549 = vector.broadcast %and3A_548 : i32 to vector<16xi32>
          %and3A_550 = arith.andi %get3A_544, %and3A_549 : vector<16xi32>
          %swap3A_551 = arith.constant 224 : index
          %swap3A_552 = tpu.vector_load %arg16[%swap3A_551] {strides = array<i32>} : memref<256xi32, #tpu.memory_space<vmem>>, vector<16xi32>,
          tpu.vector_store %arg16[%swap3A_551], %and3A_550 {strides = array<i32>} : memref<256xi32, #tpu.memory_space<vmem>>, vector<16xi32>,
          %sub3A_553 = vector.broadcast %mul3A_0 : i32 to vector<16xi32>
          %sub3A_554 = arith.subi %and3A_550, %sub3A_553 : vector<16xi32>
          %gather3A_555 = tpu.vector_load_idx %arg7[%sub3A_554] : memref<12544xi32, #tpu.memory_space<vmem>>[vector<16xi32>], vector<16xi32>,
          %and3A_556 = arith.constant 8191 : i32
          %and3A_557 = vector.broadcast %and3A_556 : i32 to vector<16xi32>
          %and3A_558 = arith.andi %gather3A_555, %and3A_557 : vector<16xi32>
          %jit3A_559 = arith.constant 8192 : i32
          %broadcast_in_dim3A_560 = vector.broadcast %jit3A_559 : i32 to vector<16xi32>
          %select_n3A_561 = arith.select %ge3A_547, %broadcast_in_dim3A_560, %and3A_558 : vector<16xi1>, vector<16xi32>
          %swap3A_562 = arith.constant 224 : index
          %swap3A_563 = tpu.vector_load %arg15[%swap3A_562] {strides = array<i32>} : memref<256xi32, #tpu.memory_space<vmem>>, vector<16xi32>,
          tpu.vector_store %arg15[%swap3A_562], %select_n3A_561 {strides = array<i32>} : memref<256xi32, #tpu.memory_space<vmem>>, vector<16xi32>,
          %add3A_564 = arith.constant 240 : i32
          %add3A_565 = arith.addi %add3A_220, %add3A_564 : i32
          %get3A_566 = arith.index_cast %add3A_565 : i32 to index
          %get3A_567 = tpu.vector_load %arg6[%get3A_566] {strides = array<i32>} : memref<16640xi32, #tpu.memory_space<vmem>>, vector<16xi32>,
          %ge3A_568 = arith.constant 524288 : i32
          %ge3A_569 = vector.broadcast %ge3A_568 : i32 to vector<16xi32>
          %ge3A_570 = arith.cmpi sge, %get3A_567, %ge3A_569 : vector<16xi32>
          %and3A_571 = arith.constant 524287 : i32
          %and3A_572 = vector.broadcast %and3A_571 : i32 to vector<16xi32>
          %and3A_573 = arith.andi %get3A_567, %and3A_572 : vector<16xi32>
          %swap3A_574 = arith.constant 240 : index
          %swap3A_575 = tpu.vector_load %arg16[%swap3A_574] {strides = array<i32>} : memref<256xi32, #tpu.memory_space<vmem>>, vector<16xi32>,
          tpu.vector_store %arg16[%swap3A_574], %and3A_573 {strides = array<i32>} : memref<256xi32, #tpu.memory_space<vmem>>, vector<16xi32>,
          %sub3A_576 = vector.broadcast %mul3A_0 : i32 to vector<16xi32>
          %sub3A_577 = arith.subi %and3A_573, %sub3A_576 : vector<16xi32>
          %gather3A_578 = tpu.vector_load_idx %arg7[%sub3A_577] : memref<12544xi32, #tpu.memory_space<vmem>>[vector<16xi32>], vector<16xi32>,
          %and3A_579 = arith.constant 8191 : i32
          %and3A_580 = vector.broadcast %and3A_579 : i32 to vector<16xi32>
          %and3A_581 = arith.andi %gather3A_578, %and3A_580 : vector<16xi32>
          %jit3A_582 = arith.constant 8192 : i32
          %broadcast_in_dim3A_583 = vector.broadcast %jit3A_582 : i32 to vector<16xi32>
          %select_n3A_584 = arith.select %ge3A_570, %broadcast_in_dim3A_583, %and3A_581 : vector<16xi1>, vector<16xi32>
          %swap3A_585 = arith.constant 240 : index
          %swap3A_586 = tpu.vector_load %arg15[%swap3A_585] {strides = array<i32>} : memref<256xi32, #tpu.memory_space<vmem>>, vector<16xi32>,
          tpu.vector_store %arg15[%swap3A_585], %select_n3A_584 {strides = array<i32>} : memref<256xi32, #tpu.memory_space<vmem>>, vector<16xi32>,
          %dma_start3A = arith.constant 0 : i32
          %dma_start3A_587 = arith.constant 0 : i32
          %dma_start3A_588 = tpu.memref_slice %arg4[%dma_start3A, %dma_start3A_587] : memref<200704x64xf32, #tpu.memory_space<hbm>> -> memref<200704x64xf32, #tpu.memory_space<hbm>>
          tpu.enqueue_indirect_dma source(%dma_start3A_588 : memref<200704x64xf32, #tpu.memory_space<hbm>>) target(%arg17 : memref<256x64xf32, #tpu.memory_space<vmem>>) offsets(%arg16 : memref<256xi32, #tpu.memory_space<vmem>>) semaphore(%arg21 : memref<!tpu.dma_semaphore, #tpu.memory_space<semaphore_mem>>)
        } else {
        }
        %mul3A_190 = arith.constant 2 : i32
        %mul3A_191 = arith.muli %while3A_181, %mul3A_190 : i32
        %add3A_192 = arith.constant 1 : i32
        %add3A_193 = arith.addi %mul3A_191, %add3A_192 : i32
        %lt3A_194 = arith.cmpi slt, %add3A_193, %select_n3A_120 : i32
        %convert_element_type3A_195 = arith.extui %lt3A_194 : i1 to i32
        %cond3A_196 = arith.constant 0 : i32
        %cond3A_197 = arith.cmpi ne, %convert_element_type3A_195, %cond3A_196 : i32
        scf.if %cond3A_197 {
          %ge3A = arith.constant 2 : i32
          %ge3A_214 = arith.cmpi sge, %add3A_193, %ge3A : i32
          %convert_element_type3A_215 = arith.extui %ge3A_214 : i1 to i32
          %cond3A_216 = arith.constant 0 : i32
          %cond3A_217 = arith.cmpi ne, %convert_element_type3A_215, %cond3A_216 : i32
          scf.if %cond3A_217 {
            %dma_wait3A = arith.constant 0 : i32
            %dma_wait3A_589 = arith.constant 0 : i32
            %dma_wait3A_590 = tpu.memref_slice %arg26[%dma_wait3A, %dma_wait3A_589] : memref<8200x64xf32, #tpu.memory_space<vmem_shared>> -> memref<8200x64xf32, #tpu.memory_space<vmem_shared>>
            tpu.wait_indirect_dma semaphore(%arg24 : memref<!tpu.dma_semaphore, #tpu.memory_space<semaphore_mem>>) src(%arg20 : memref<256x64xf32, #tpu.memory_space<vmem>>) dst(%dma_wait3A_590 : memref<8200x64xf32, #tpu.memory_space<vmem_shared>>)
          } else {
          }
          %mul3A_218 = arith.constant 256 : i32
          %mul3A_219 = arith.muli %add3A_193, %mul3A_218 : i32
          %add3A_220 = arith.addi %multiple_of3A, %mul3A_219 : i32
          %add3A_221 = arith.constant 0 : i32
          %add3A_222 = arith.addi %add3A_220, %add3A_221 : i32
          %get3A = arith.index_cast %add3A_222 : i32 to index
          %get3A_223 = tpu.vector_load %arg6[%get3A] {strides = array<i32>} : memref<16640xi32, #tpu.memory_space<vmem>>, vector<16xi32>,
          %ge3A_224 = arith.constant 524288 : i32
          %ge3A_225 = vector.broadcast %ge3A_224 : i32 to vector<16xi32>
          %ge3A_226 = arith.cmpi sge, %get3A_223, %ge3A_225 : vector<16xi32>
          %and3A_227 = arith.constant 524287 : i32
          %and3A_228 = vector.broadcast %and3A_227 : i32 to vector<16xi32>
          %and3A_229 = arith.andi %get3A_223, %and3A_228 : vector<16xi32>
          %swap3A = arith.constant 0 : index
          %swap3A_230 = tpu.vector_load %arg19[%swap3A] {strides = array<i32>} : memref<256xi32, #tpu.memory_space<vmem>>, vector<16xi32>,
          tpu.vector_store %arg19[%swap3A], %and3A_229 {strides = array<i32>} : memref<256xi32, #tpu.memory_space<vmem>>, vector<16xi32>,
          %sub3A_231 = vector.broadcast %mul3A_0 : i32 to vector<16xi32>
          %sub3A_232 = arith.subi %and3A_229, %sub3A_231 : vector<16xi32>
          %gather3A_233 = tpu.vector_load_idx %arg7[%sub3A_232] : memref<12544xi32, #tpu.memory_space<vmem>>[vector<16xi32>], vector<16xi32>,
          %and3A_234 = arith.constant 8191 : i32
          %and3A_235 = vector.broadcast %and3A_234 : i32 to vector<16xi32>
          %and3A_236 = arith.andi %gather3A_233, %and3A_235 : vector<16xi32>
          %jit3A_237 = arith.constant 8192 : i32
          %broadcast_in_dim3A_238 = vector.broadcast %jit3A_237 : i32 to vector<16xi32>
          %select_n3A_239 = arith.select %ge3A_226, %broadcast_in_dim3A_238, %and3A_236 : vector<16xi1>, vector<16xi32>
          %swap3A_240 = arith.constant 0 : index
          %swap3A_241 = tpu.vector_load %arg18[%swap3A_240] {strides = array<i32>} : memref<256xi32, #tpu.memory_space<vmem>>, vector<16xi32>,
          tpu.vector_store %arg18[%swap3A_240], %select_n3A_239 {strides = array<i32>} : memref<256xi32, #tpu.memory_space<vmem>>, vector<16xi32>,
          %add3A_242 = arith.constant 16 : i32
          %add3A_243 = arith.addi %add3A_220, %add3A_242 : i32
          %get3A_244 = arith.index_cast %add3A_243 : i32 to index
          %get3A_245 = tpu.vector_load %arg6[%get3A_244] {strides = array<i32>} : memref<16640xi32, #tpu.memory_space<vmem>>, vector<16xi32>,
          %ge3A_246 = arith.constant 524288 : i32
          %ge3A_247 = vector.broadcast %ge3A_246 : i32 to vector<16xi32>
          %ge3A_248 = arith.cmpi sge, %get3A_245, %ge3A_247 : vector<16xi32>
          %and3A_249 = arith.constant 524287 : i32
          %and3A_250 = vector.broadcast %and3A_249 : i32 to vector<16xi32>
          %and3A_251 = arith.andi %get3A_245, %and3A_250 : vector<16xi32>
          %swap3A_252 = arith.constant 16 : index
          %swap3A_253 = tpu.vector_load %arg19[%swap3A_252] {strides = array<i32>} : memref<256xi32, #tpu.memory_space<vmem>>, vector<16xi32>,
          tpu.vector_store %arg19[%swap3A_252], %and3A_251 {strides = array<i32>} : memref<256xi32, #tpu.memory_space<vmem>>, vector<16xi32>,
          %sub3A_254 = vector.broadcast %mul3A_0 : i32 to vector<16xi32>
          %sub3A_255 = arith.subi %and3A_251, %sub3A_254 : vector<16xi32>
          %gather3A_256 = tpu.vector_load_idx %arg7[%sub3A_255] : memref<12544xi32, #tpu.memory_space<vmem>>[vector<16xi32>], vector<16xi32>,
          %and3A_257 = arith.constant 8191 : i32
          %and3A_258 = vector.broadcast %and3A_257 : i32 to vector<16xi32>
          %and3A_259 = arith.andi %gather3A_256, %and3A_258 : vector<16xi32>
          %jit3A_260 = arith.constant 8192 : i32
          %broadcast_in_dim3A_261 = vector.broadcast %jit3A_260 : i32 to vector<16xi32>
          %select_n3A_262 = arith.select %ge3A_248, %broadcast_in_dim3A_261, %and3A_259 : vector<16xi1>, vector<16xi32>
          %swap3A_263 = arith.constant 16 : index
          %swap3A_264 = tpu.vector_load %arg18[%swap3A_263] {strides = array<i32>} : memref<256xi32, #tpu.memory_space<vmem>>, vector<16xi32>,
          tpu.vector_store %arg18[%swap3A_263], %select_n3A_262 {strides = array<i32>} : memref<256xi32, #tpu.memory_space<vmem>>, vector<16xi32>,
          %add3A_265 = arith.constant 32 : i32
          %add3A_266 = arith.addi %add3A_220, %add3A_265 : i32
          %get3A_267 = arith.index_cast %add3A_266 : i32 to index
          %get3A_268 = tpu.vector_load %arg6[%get3A_267] {strides = array<i32>} : memref<16640xi32, #tpu.memory_space<vmem>>, vector<16xi32>,
          %ge3A_269 = arith.constant 524288 : i32
          %ge3A_270 = vector.broadcast %ge3A_269 : i32 to vector<16xi32>
          %ge3A_271 = arith.cmpi sge, %get3A_268, %ge3A_270 : vector<16xi32>
          %and3A_272 = arith.constant 524287 : i32
          %and3A_273 = vector.broadcast %and3A_272 : i32 to vector<16xi32>
          %and3A_274 = arith.andi %get3A_268, %and3A_273 : vector<16xi32>
          %swap3A_275 = arith.constant 32 : index
          %swap3A_276 = tpu.vector_load %arg19[%swap3A_275] {strides = array<i32>} : memref<256xi32, #tpu.memory_space<vmem>>, vector<16xi32>,
          tpu.vector_store %arg19[%swap3A_275], %and3A_274 {strides = array<i32>} : memref<256xi32, #tpu.memory_space<vmem>>, vector<16xi32>,
          %sub3A_277 = vector.broadcast %mul3A_0 : i32 to vector<16xi32>
          %sub3A_278 = arith.subi %and3A_274, %sub3A_277 : vector<16xi32>
          %gather3A_279 = tpu.vector_load_idx %arg7[%sub3A_278] : memref<12544xi32, #tpu.memory_space<vmem>>[vector<16xi32>], vector<16xi32>,
          %and3A_280 = arith.constant 8191 : i32
          %and3A_281 = vector.broadcast %and3A_280 : i32 to vector<16xi32>
          %and3A_282 = arith.andi %gather3A_279, %and3A_281 : vector<16xi32>
          %jit3A_283 = arith.constant 8192 : i32
          %broadcast_in_dim3A_284 = vector.broadcast %jit3A_283 : i32 to vector<16xi32>
          %select_n3A_285 = arith.select %ge3A_271, %broadcast_in_dim3A_284, %and3A_282 : vector<16xi1>, vector<16xi32>
          %swap3A_286 = arith.constant 32 : index
          %swap3A_287 = tpu.vector_load %arg18[%swap3A_286] {strides = array<i32>} : memref<256xi32, #tpu.memory_space<vmem>>, vector<16xi32>,
          tpu.vector_store %arg18[%swap3A_286], %select_n3A_285 {strides = array<i32>} : memref<256xi32, #tpu.memory_space<vmem>>, vector<16xi32>,
          %add3A_288 = arith.constant 48 : i32
          %add3A_289 = arith.addi %add3A_220, %add3A_288 : i32
          %get3A_290 = arith.index_cast %add3A_289 : i32 to index
          %get3A_291 = tpu.vector_load %arg6[%get3A_290] {strides = array<i32>} : memref<16640xi32, #tpu.memory_space<vmem>>, vector<16xi32>,
          %ge3A_292 = arith.constant 524288 : i32
          %ge3A_293 = vector.broadcast %ge3A_292 : i32 to vector<16xi32>
          %ge3A_294 = arith.cmpi sge, %get3A_291, %ge3A_293 : vector<16xi32>
          %and3A_295 = arith.constant 524287 : i32
          %and3A_296 = vector.broadcast %and3A_295 : i32 to vector<16xi32>
          %and3A_297 = arith.andi %get3A_291, %and3A_296 : vector<16xi32>
          %swap3A_298 = arith.constant 48 : index
          %swap3A_299 = tpu.vector_load %arg19[%swap3A_298] {strides = array<i32>} : memref<256xi32, #tpu.memory_space<vmem>>, vector<16xi32>,
          tpu.vector_store %arg19[%swap3A_298], %and3A_297 {strides = array<i32>} : memref<256xi32, #tpu.memory_space<vmem>>, vector<16xi32>,
          %sub3A_300 = vector.broadcast %mul3A_0 : i32 to vector<16xi32>
          %sub3A_301 = arith.subi %and3A_297, %sub3A_300 : vector<16xi32>
          %gather3A_302 = tpu.vector_load_idx %arg7[%sub3A_301] : memref<12544xi32, #tpu.memory_space<vmem>>[vector<16xi32>], vector<16xi32>,
          %and3A_303 = arith.constant 8191 : i32
          %and3A_304 = vector.broadcast %and3A_303 : i32 to vector<16xi32>
          %and3A_305 = arith.andi %gather3A_302, %and3A_304 : vector<16xi32>
          %jit3A_306 = arith.constant 8192 : i32
          %broadcast_in_dim3A_307 = vector.broadcast %jit3A_306 : i32 to vector<16xi32>
          %select_n3A_308 = arith.select %ge3A_294, %broadcast_in_dim3A_307, %and3A_305 : vector<16xi1>, vector<16xi32>
          %swap3A_309 = arith.constant 48 : index
          %swap3A_310 = tpu.vector_load %arg18[%swap3A_309] {strides = array<i32>} : memref<256xi32, #tpu.memory_space<vmem>>, vector<16xi32>,
          tpu.vector_store %arg18[%swap3A_309], %select_n3A_308 {strides = array<i32>} : memref<256xi32, #tpu.memory_space<vmem>>, vector<16xi32>,
          %add3A_311 = arith.constant 64 : i32
          %add3A_312 = arith.addi %add3A_220, %add3A_311 : i32
          %get3A_313 = arith.index_cast %add3A_312 : i32 to index
          %get3A_314 = tpu.vector_load %arg6[%get3A_313] {strides = array<i32>} : memref<16640xi32, #tpu.memory_space<vmem>>, vector<16xi32>,
          %ge3A_315 = arith.constant 524288 : i32
          %ge3A_316 = vector.broadcast %ge3A_315 : i32 to vector<16xi32>
          %ge3A_317 = arith.cmpi sge, %get3A_314, %ge3A_316 : vector<16xi32>
          %and3A_318 = arith.constant 524287 : i32
          %and3A_319 = vector.broadcast %and3A_318 : i32 to vector<16xi32>
          %and3A_320 = arith.andi %get3A_314, %and3A_319 : vector<16xi32>
          %swap3A_321 = arith.constant 64 : index
          %swap3A_322 = tpu.vector_load %arg19[%swap3A_321] {strides = array<i32>} : memref<256xi32, #tpu.memory_space<vmem>>, vector<16xi32>,
          tpu.vector_store %arg19[%swap3A_321], %and3A_320 {strides = array<i32>} : memref<256xi32, #tpu.memory_space<vmem>>, vector<16xi32>,
          %sub3A_323 = vector.broadcast %mul3A_0 : i32 to vector<16xi32>
          %sub3A_324 = arith.subi %and3A_320, %sub3A_323 : vector<16xi32>
          %gather3A_325 = tpu.vector_load_idx %arg7[%sub3A_324] : memref<12544xi32, #tpu.memory_space<vmem>>[vector<16xi32>], vector<16xi32>,
          %and3A_326 = arith.constant 8191 : i32
          %and3A_327 = vector.broadcast %and3A_326 : i32 to vector<16xi32>
          %and3A_328 = arith.andi %gather3A_325, %and3A_327 : vector<16xi32>
          %jit3A_329 = arith.constant 8192 : i32
          %broadcast_in_dim3A_330 = vector.broadcast %jit3A_329 : i32 to vector<16xi32>
          %select_n3A_331 = arith.select %ge3A_317, %broadcast_in_dim3A_330, %and3A_328 : vector<16xi1>, vector<16xi32>
          %swap3A_332 = arith.constant 64 : index
          %swap3A_333 = tpu.vector_load %arg18[%swap3A_332] {strides = array<i32>} : memref<256xi32, #tpu.memory_space<vmem>>, vector<16xi32>,
          tpu.vector_store %arg18[%swap3A_332], %select_n3A_331 {strides = array<i32>} : memref<256xi32, #tpu.memory_space<vmem>>, vector<16xi32>,
          %add3A_334 = arith.constant 80 : i32
          %add3A_335 = arith.addi %add3A_220, %add3A_334 : i32
          %get3A_336 = arith.index_cast %add3A_335 : i32 to index
          %get3A_337 = tpu.vector_load %arg6[%get3A_336] {strides = array<i32>} : memref<16640xi32, #tpu.memory_space<vmem>>, vector<16xi32>,
          %ge3A_338 = arith.constant 524288 : i32
          %ge3A_339 = vector.broadcast %ge3A_338 : i32 to vector<16xi32>
          %ge3A_340 = arith.cmpi sge, %get3A_337, %ge3A_339 : vector<16xi32>
          %and3A_341 = arith.constant 524287 : i32
          %and3A_342 = vector.broadcast %and3A_341 : i32 to vector<16xi32>
          %and3A_343 = arith.andi %get3A_337, %and3A_342 : vector<16xi32>
          %swap3A_344 = arith.constant 80 : index
          %swap3A_345 = tpu.vector_load %arg19[%swap3A_344] {strides = array<i32>} : memref<256xi32, #tpu.memory_space<vmem>>, vector<16xi32>,
          tpu.vector_store %arg19[%swap3A_344], %and3A_343 {strides = array<i32>} : memref<256xi32, #tpu.memory_space<vmem>>, vector<16xi32>,
          %sub3A_346 = vector.broadcast %mul3A_0 : i32 to vector<16xi32>
          %sub3A_347 = arith.subi %and3A_343, %sub3A_346 : vector<16xi32>
          %gather3A_348 = tpu.vector_load_idx %arg7[%sub3A_347] : memref<12544xi32, #tpu.memory_space<vmem>>[vector<16xi32>], vector<16xi32>,
          %and3A_349 = arith.constant 8191 : i32
          %and3A_350 = vector.broadcast %and3A_349 : i32 to vector<16xi32>
          %and3A_351 = arith.andi %gather3A_348, %and3A_350 : vector<16xi32>
          %jit3A_352 = arith.constant 8192 : i32
          %broadcast_in_dim3A_353 = vector.broadcast %jit3A_352 : i32 to vector<16xi32>
          %select_n3A_354 = arith.select %ge3A_340, %broadcast_in_dim3A_353, %and3A_351 : vector<16xi1>, vector<16xi32>
          %swap3A_355 = arith.constant 80 : index
          %swap3A_356 = tpu.vector_load %arg18[%swap3A_355] {strides = array<i32>} : memref<256xi32, #tpu.memory_space<vmem>>, vector<16xi32>,
          tpu.vector_store %arg18[%swap3A_355], %select_n3A_354 {strides = array<i32>} : memref<256xi32, #tpu.memory_space<vmem>>, vector<16xi32>,
          %add3A_357 = arith.constant 96 : i32
          %add3A_358 = arith.addi %add3A_220, %add3A_357 : i32
          %get3A_359 = arith.index_cast %add3A_358 : i32 to index
          %get3A_360 = tpu.vector_load %arg6[%get3A_359] {strides = array<i32>} : memref<16640xi32, #tpu.memory_space<vmem>>, vector<16xi32>,
          %ge3A_361 = arith.constant 524288 : i32
          %ge3A_362 = vector.broadcast %ge3A_361 : i32 to vector<16xi32>
          %ge3A_363 = arith.cmpi sge, %get3A_360, %ge3A_362 : vector<16xi32>
          %and3A_364 = arith.constant 524287 : i32
          %and3A_365 = vector.broadcast %and3A_364 : i32 to vector<16xi32>
          %and3A_366 = arith.andi %get3A_360, %and3A_365 : vector<16xi32>
          %swap3A_367 = arith.constant 96 : index
          %swap3A_368 = tpu.vector_load %arg19[%swap3A_367] {strides = array<i32>} : memref<256xi32, #tpu.memory_space<vmem>>, vector<16xi32>,
          tpu.vector_store %arg19[%swap3A_367], %and3A_366 {strides = array<i32>} : memref<256xi32, #tpu.memory_space<vmem>>, vector<16xi32>,
          %sub3A_369 = vector.broadcast %mul3A_0 : i32 to vector<16xi32>
          %sub3A_370 = arith.subi %and3A_366, %sub3A_369 : vector<16xi32>
          %gather3A_371 = tpu.vector_load_idx %arg7[%sub3A_370] : memref<12544xi32, #tpu.memory_space<vmem>>[vector<16xi32>], vector<16xi32>,
          %and3A_372 = arith.constant 8191 : i32
          %and3A_373 = vector.broadcast %and3A_372 : i32 to vector<16xi32>
          %and3A_374 = arith.andi %gather3A_371, %and3A_373 : vector<16xi32>
          %jit3A_375 = arith.constant 8192 : i32
          %broadcast_in_dim3A_376 = vector.broadcast %jit3A_375 : i32 to vector<16xi32>
          %select_n3A_377 = arith.select %ge3A_363, %broadcast_in_dim3A_376, %and3A_374 : vector<16xi1>, vector<16xi32>
          %swap3A_378 = arith.constant 96 : index
          %swap3A_379 = tpu.vector_load %arg18[%swap3A_378] {strides = array<i32>} : memref<256xi32, #tpu.memory_space<vmem>>, vector<16xi32>,
          tpu.vector_store %arg18[%swap3A_378], %select_n3A_377 {strides = array<i32>} : memref<256xi32, #tpu.memory_space<vmem>>, vector<16xi32>,
          %add3A_380 = arith.constant 112 : i32
          %add3A_381 = arith.addi %add3A_220, %add3A_380 : i32
          %get3A_382 = arith.index_cast %add3A_381 : i32 to index
          %get3A_383 = tpu.vector_load %arg6[%get3A_382] {strides = array<i32>} : memref<16640xi32, #tpu.memory_space<vmem>>, vector<16xi32>,
          %ge3A_384 = arith.constant 524288 : i32
          %ge3A_385 = vector.broadcast %ge3A_384 : i32 to vector<16xi32>
          %ge3A_386 = arith.cmpi sge, %get3A_383, %ge3A_385 : vector<16xi32>
          %and3A_387 = arith.constant 524287 : i32
          %and3A_388 = vector.broadcast %and3A_387 : i32 to vector<16xi32>
          %and3A_389 = arith.andi %get3A_383, %and3A_388 : vector<16xi32>
          %swap3A_390 = arith.constant 112 : index
          %swap3A_391 = tpu.vector_load %arg19[%swap3A_390] {strides = array<i32>} : memref<256xi32, #tpu.memory_space<vmem>>, vector<16xi32>,
          tpu.vector_store %arg19[%swap3A_390], %and3A_389 {strides = array<i32>} : memref<256xi32, #tpu.memory_space<vmem>>, vector<16xi32>,
          %sub3A_392 = vector.broadcast %mul3A_0 : i32 to vector<16xi32>
          %sub3A_393 = arith.subi %and3A_389, %sub3A_392 : vector<16xi32>
          %gather3A_394 = tpu.vector_load_idx %arg7[%sub3A_393] : memref<12544xi32, #tpu.memory_space<vmem>>[vector<16xi32>], vector<16xi32>,
          %and3A_395 = arith.constant 8191 : i32
          %and3A_396 = vector.broadcast %and3A_395 : i32 to vector<16xi32>
          %and3A_397 = arith.andi %gather3A_394, %and3A_396 : vector<16xi32>
          %jit3A_398 = arith.constant 8192 : i32
          %broadcast_in_dim3A_399 = vector.broadcast %jit3A_398 : i32 to vector<16xi32>
          %select_n3A_400 = arith.select %ge3A_386, %broadcast_in_dim3A_399, %and3A_397 : vector<16xi1>, vector<16xi32>
          %swap3A_401 = arith.constant 112 : index
          %swap3A_402 = tpu.vector_load %arg18[%swap3A_401] {strides = array<i32>} : memref<256xi32, #tpu.memory_space<vmem>>, vector<16xi32>,
          tpu.vector_store %arg18[%swap3A_401], %select_n3A_400 {strides = array<i32>} : memref<256xi32, #tpu.memory_space<vmem>>, vector<16xi32>,
          %add3A_403 = arith.constant 128 : i32
          %add3A_404 = arith.addi %add3A_220, %add3A_403 : i32
          %get3A_405 = arith.index_cast %add3A_404 : i32 to index
          %get3A_406 = tpu.vector_load %arg6[%get3A_405] {strides = array<i32>} : memref<16640xi32, #tpu.memory_space<vmem>>, vector<16xi32>,
          %ge3A_407 = arith.constant 524288 : i32
          %ge3A_408 = vector.broadcast %ge3A_407 : i32 to vector<16xi32>
          %ge3A_409 = arith.cmpi sge, %get3A_406, %ge3A_408 : vector<16xi32>
          %and3A_410 = arith.constant 524287 : i32
          %and3A_411 = vector.broadcast %and3A_410 : i32 to vector<16xi32>
          %and3A_412 = arith.andi %get3A_406, %and3A_411 : vector<16xi32>
          %swap3A_413 = arith.constant 128 : index
          %swap3A_414 = tpu.vector_load %arg19[%swap3A_413] {strides = array<i32>} : memref<256xi32, #tpu.memory_space<vmem>>, vector<16xi32>,
          tpu.vector_store %arg19[%swap3A_413], %and3A_412 {strides = array<i32>} : memref<256xi32, #tpu.memory_space<vmem>>, vector<16xi32>,
          %sub3A_415 = vector.broadcast %mul3A_0 : i32 to vector<16xi32>
          %sub3A_416 = arith.subi %and3A_412, %sub3A_415 : vector<16xi32>
          %gather3A_417 = tpu.vector_load_idx %arg7[%sub3A_416] : memref<12544xi32, #tpu.memory_space<vmem>>[vector<16xi32>], vector<16xi32>,
          %and3A_418 = arith.constant 8191 : i32
          %and3A_419 = vector.broadcast %and3A_418 : i32 to vector<16xi32>
          %and3A_420 = arith.andi %gather3A_417, %and3A_419 : vector<16xi32>
          %jit3A_421 = arith.constant 8192 : i32
          %broadcast_in_dim3A_422 = vector.broadcast %jit3A_421 : i32 to vector<16xi32>
          %select_n3A_423 = arith.select %ge3A_409, %broadcast_in_dim3A_422, %and3A_420 : vector<16xi1>, vector<16xi32>
          %swap3A_424 = arith.constant 128 : index
          %swap3A_425 = tpu.vector_load %arg18[%swap3A_424] {strides = array<i32>} : memref<256xi32, #tpu.memory_space<vmem>>, vector<16xi32>,
          tpu.vector_store %arg18[%swap3A_424], %select_n3A_423 {strides = array<i32>} : memref<256xi32, #tpu.memory_space<vmem>>, vector<16xi32>,
          %add3A_426 = arith.constant 144 : i32
          %add3A_427 = arith.addi %add3A_220, %add3A_426 : i32
          %get3A_428 = arith.index_cast %add3A_427 : i32 to index
          %get3A_429 = tpu.vector_load %arg6[%get3A_428] {strides = array<i32>} : memref<16640xi32, #tpu.memory_space<vmem>>, vector<16xi32>,
          %ge3A_430 = arith.constant 524288 : i32
          %ge3A_431 = vector.broadcast %ge3A_430 : i32 to vector<16xi32>
          %ge3A_432 = arith.cmpi sge, %get3A_429, %ge3A_431 : vector<16xi32>
          %and3A_433 = arith.constant 524287 : i32
          %and3A_434 = vector.broadcast %and3A_433 : i32 to vector<16xi32>
          %and3A_435 = arith.andi %get3A_429, %and3A_434 : vector<16xi32>
          %swap3A_436 = arith.constant 144 : index
          %swap3A_437 = tpu.vector_load %arg19[%swap3A_436] {strides = array<i32>} : memref<256xi32, #tpu.memory_space<vmem>>, vector<16xi32>,
          tpu.vector_store %arg19[%swap3A_436], %and3A_435 {strides = array<i32>} : memref<256xi32, #tpu.memory_space<vmem>>, vector<16xi32>,
          %sub3A_438 = vector.broadcast %mul3A_0 : i32 to vector<16xi32>
          %sub3A_439 = arith.subi %and3A_435, %sub3A_438 : vector<16xi32>
          %gather3A_440 = tpu.vector_load_idx %arg7[%sub3A_439] : memref<12544xi32, #tpu.memory_space<vmem>>[vector<16xi32>], vector<16xi32>,
          %and3A_441 = arith.constant 8191 : i32
          %and3A_442 = vector.broadcast %and3A_441 : i32 to vector<16xi32>
          %and3A_443 = arith.andi %gather3A_440, %and3A_442 : vector<16xi32>
          %jit3A_444 = arith.constant 8192 : i32
          %broadcast_in_dim3A_445 = vector.broadcast %jit3A_444 : i32 to vector<16xi32>
          %select_n3A_446 = arith.select %ge3A_432, %broadcast_in_dim3A_445, %and3A_443 : vector<16xi1>, vector<16xi32>
          %swap3A_447 = arith.constant 144 : index
          %swap3A_448 = tpu.vector_load %arg18[%swap3A_447] {strides = array<i32>} : memref<256xi32, #tpu.memory_space<vmem>>, vector<16xi32>,
          tpu.vector_store %arg18[%swap3A_447], %select_n3A_446 {strides = array<i32>} : memref<256xi32, #tpu.memory_space<vmem>>, vector<16xi32>,
          %add3A_449 = arith.constant 160 : i32
          %add3A_450 = arith.addi %add3A_220, %add3A_449 : i32
          %get3A_451 = arith.index_cast %add3A_450 : i32 to index
          %get3A_452 = tpu.vector_load %arg6[%get3A_451] {strides = array<i32>} : memref<16640xi32, #tpu.memory_space<vmem>>, vector<16xi32>,
          %ge3A_453 = arith.constant 524288 : i32
          %ge3A_454 = vector.broadcast %ge3A_453 : i32 to vector<16xi32>
          %ge3A_455 = arith.cmpi sge, %get3A_452, %ge3A_454 : vector<16xi32>
          %and3A_456 = arith.constant 524287 : i32
          %and3A_457 = vector.broadcast %and3A_456 : i32 to vector<16xi32>
          %and3A_458 = arith.andi %get3A_452, %and3A_457 : vector<16xi32>
          %swap3A_459 = arith.constant 160 : index
          %swap3A_460 = tpu.vector_load %arg19[%swap3A_459] {strides = array<i32>} : memref<256xi32, #tpu.memory_space<vmem>>, vector<16xi32>,
          tpu.vector_store %arg19[%swap3A_459], %and3A_458 {strides = array<i32>} : memref<256xi32, #tpu.memory_space<vmem>>, vector<16xi32>,
          %sub3A_461 = vector.broadcast %mul3A_0 : i32 to vector<16xi32>
          %sub3A_462 = arith.subi %and3A_458, %sub3A_461 : vector<16xi32>
          %gather3A_463 = tpu.vector_load_idx %arg7[%sub3A_462] : memref<12544xi32, #tpu.memory_space<vmem>>[vector<16xi32>], vector<16xi32>,
          %and3A_464 = arith.constant 8191 : i32
          %and3A_465 = vector.broadcast %and3A_464 : i32 to vector<16xi32>
          %and3A_466 = arith.andi %gather3A_463, %and3A_465 : vector<16xi32>
          %jit3A_467 = arith.constant 8192 : i32
          %broadcast_in_dim3A_468 = vector.broadcast %jit3A_467 : i32 to vector<16xi32>
          %select_n3A_469 = arith.select %ge3A_455, %broadcast_in_dim3A_468, %and3A_466 : vector<16xi1>, vector<16xi32>
          %swap3A_470 = arith.constant 160 : index
          %swap3A_471 = tpu.vector_load %arg18[%swap3A_470] {strides = array<i32>} : memref<256xi32, #tpu.memory_space<vmem>>, vector<16xi32>,
          tpu.vector_store %arg18[%swap3A_470], %select_n3A_469 {strides = array<i32>} : memref<256xi32, #tpu.memory_space<vmem>>, vector<16xi32>,
          %add3A_472 = arith.constant 176 : i32
          %add3A_473 = arith.addi %add3A_220, %add3A_472 : i32
          %get3A_474 = arith.index_cast %add3A_473 : i32 to index
          %get3A_475 = tpu.vector_load %arg6[%get3A_474] {strides = array<i32>} : memref<16640xi32, #tpu.memory_space<vmem>>, vector<16xi32>,
          %ge3A_476 = arith.constant 524288 : i32
          %ge3A_477 = vector.broadcast %ge3A_476 : i32 to vector<16xi32>
          %ge3A_478 = arith.cmpi sge, %get3A_475, %ge3A_477 : vector<16xi32>
          %and3A_479 = arith.constant 524287 : i32
          %and3A_480 = vector.broadcast %and3A_479 : i32 to vector<16xi32>
          %and3A_481 = arith.andi %get3A_475, %and3A_480 : vector<16xi32>
          %swap3A_482 = arith.constant 176 : index
          %swap3A_483 = tpu.vector_load %arg19[%swap3A_482] {strides = array<i32>} : memref<256xi32, #tpu.memory_space<vmem>>, vector<16xi32>,
          tpu.vector_store %arg19[%swap3A_482], %and3A_481 {strides = array<i32>} : memref<256xi32, #tpu.memory_space<vmem>>, vector<16xi32>,
          %sub3A_484 = vector.broadcast %mul3A_0 : i32 to vector<16xi32>
          %sub3A_485 = arith.subi %and3A_481, %sub3A_484 : vector<16xi32>
          %gather3A_486 = tpu.vector_load_idx %arg7[%sub3A_485] : memref<12544xi32, #tpu.memory_space<vmem>>[vector<16xi32>], vector<16xi32>,
          %and3A_487 = arith.constant 8191 : i32
          %and3A_488 = vector.broadcast %and3A_487 : i32 to vector<16xi32>
          %and3A_489 = arith.andi %gather3A_486, %and3A_488 : vector<16xi32>
          %jit3A_490 = arith.constant 8192 : i32
          %broadcast_in_dim3A_491 = vector.broadcast %jit3A_490 : i32 to vector<16xi32>
          %select_n3A_492 = arith.select %ge3A_478, %broadcast_in_dim3A_491, %and3A_489 : vector<16xi1>, vector<16xi32>
          %swap3A_493 = arith.constant 176 : index
          %swap3A_494 = tpu.vector_load %arg18[%swap3A_493] {strides = array<i32>} : memref<256xi32, #tpu.memory_space<vmem>>, vector<16xi32>,
          tpu.vector_store %arg18[%swap3A_493], %select_n3A_492 {strides = array<i32>} : memref<256xi32, #tpu.memory_space<vmem>>, vector<16xi32>,
          %add3A_495 = arith.constant 192 : i32
          %add3A_496 = arith.addi %add3A_220, %add3A_495 : i32
          %get3A_497 = arith.index_cast %add3A_496 : i32 to index
          %get3A_498 = tpu.vector_load %arg6[%get3A_497] {strides = array<i32>} : memref<16640xi32, #tpu.memory_space<vmem>>, vector<16xi32>,
          %ge3A_499 = arith.constant 524288 : i32
          %ge3A_500 = vector.broadcast %ge3A_499 : i32 to vector<16xi32>
          %ge3A_501 = arith.cmpi sge, %get3A_498, %ge3A_500 : vector<16xi32>
          %and3A_502 = arith.constant 524287 : i32
          %and3A_503 = vector.broadcast %and3A_502 : i32 to vector<16xi32>
          %and3A_504 = arith.andi %get3A_498, %and3A_503 : vector<16xi32>
          %swap3A_505 = arith.constant 192 : index
          %swap3A_506 = tpu.vector_load %arg19[%swap3A_505] {strides = array<i32>} : memref<256xi32, #tpu.memory_space<vmem>>, vector<16xi32>,
          tpu.vector_store %arg19[%swap3A_505], %and3A_504 {strides = array<i32>} : memref<256xi32, #tpu.memory_space<vmem>>, vector<16xi32>,
          %sub3A_507 = vector.broadcast %mul3A_0 : i32 to vector<16xi32>
          %sub3A_508 = arith.subi %and3A_504, %sub3A_507 : vector<16xi32>
          %gather3A_509 = tpu.vector_load_idx %arg7[%sub3A_508] : memref<12544xi32, #tpu.memory_space<vmem>>[vector<16xi32>], vector<16xi32>,
          %and3A_510 = arith.constant 8191 : i32
          %and3A_511 = vector.broadcast %and3A_510 : i32 to vector<16xi32>
          %and3A_512 = arith.andi %gather3A_509, %and3A_511 : vector<16xi32>
          %jit3A_513 = arith.constant 8192 : i32
          %broadcast_in_dim3A_514 = vector.broadcast %jit3A_513 : i32 to vector<16xi32>
          %select_n3A_515 = arith.select %ge3A_501, %broadcast_in_dim3A_514, %and3A_512 : vector<16xi1>, vector<16xi32>
          %swap3A_516 = arith.constant 192 : index
          %swap3A_517 = tpu.vector_load %arg18[%swap3A_516] {strides = array<i32>} : memref<256xi32, #tpu.memory_space<vmem>>, vector<16xi32>,
          tpu.vector_store %arg18[%swap3A_516], %select_n3A_515 {strides = array<i32>} : memref<256xi32, #tpu.memory_space<vmem>>, vector<16xi32>,
          %add3A_518 = arith.constant 208 : i32
          %add3A_519 = arith.addi %add3A_220, %add3A_518 : i32
          %get3A_520 = arith.index_cast %add3A_519 : i32 to index
          %get3A_521 = tpu.vector_load %arg6[%get3A_520] {strides = array<i32>} : memref<16640xi32, #tpu.memory_space<vmem>>, vector<16xi32>,
          %ge3A_522 = arith.constant 524288 : i32
          %ge3A_523 = vector.broadcast %ge3A_522 : i32 to vector<16xi32>
          %ge3A_524 = arith.cmpi sge, %get3A_521, %ge3A_523 : vector<16xi32>
          %and3A_525 = arith.constant 524287 : i32
          %and3A_526 = vector.broadcast %and3A_525 : i32 to vector<16xi32>
          %and3A_527 = arith.andi %get3A_521, %and3A_526 : vector<16xi32>
          %swap3A_528 = arith.constant 208 : index
          %swap3A_529 = tpu.vector_load %arg19[%swap3A_528] {strides = array<i32>} : memref<256xi32, #tpu.memory_space<vmem>>, vector<16xi32>,
          tpu.vector_store %arg19[%swap3A_528], %and3A_527 {strides = array<i32>} : memref<256xi32, #tpu.memory_space<vmem>>, vector<16xi32>,
          %sub3A_530 = vector.broadcast %mul3A_0 : i32 to vector<16xi32>
          %sub3A_531 = arith.subi %and3A_527, %sub3A_530 : vector<16xi32>
          %gather3A_532 = tpu.vector_load_idx %arg7[%sub3A_531] : memref<12544xi32, #tpu.memory_space<vmem>>[vector<16xi32>], vector<16xi32>,
          %and3A_533 = arith.constant 8191 : i32
          %and3A_534 = vector.broadcast %and3A_533 : i32 to vector<16xi32>
          %and3A_535 = arith.andi %gather3A_532, %and3A_534 : vector<16xi32>
          %jit3A_536 = arith.constant 8192 : i32
          %broadcast_in_dim3A_537 = vector.broadcast %jit3A_536 : i32 to vector<16xi32>
          %select_n3A_538 = arith.select %ge3A_524, %broadcast_in_dim3A_537, %and3A_535 : vector<16xi1>, vector<16xi32>
          %swap3A_539 = arith.constant 208 : index
          %swap3A_540 = tpu.vector_load %arg18[%swap3A_539] {strides = array<i32>} : memref<256xi32, #tpu.memory_space<vmem>>, vector<16xi32>,
          tpu.vector_store %arg18[%swap3A_539], %select_n3A_538 {strides = array<i32>} : memref<256xi32, #tpu.memory_space<vmem>>, vector<16xi32>,
          %add3A_541 = arith.constant 224 : i32
          %add3A_542 = arith.addi %add3A_220, %add3A_541 : i32
          %get3A_543 = arith.index_cast %add3A_542 : i32 to index
          %get3A_544 = tpu.vector_load %arg6[%get3A_543] {strides = array<i32>} : memref<16640xi32, #tpu.memory_space<vmem>>, vector<16xi32>,
          %ge3A_545 = arith.constant 524288 : i32
          %ge3A_546 = vector.broadcast %ge3A_545 : i32 to vector<16xi32>
          %ge3A_547 = arith.cmpi sge, %get3A_544, %ge3A_546 : vector<16xi32>
          %and3A_548 = arith.constant 524287 : i32
          %and3A_549 = vector.broadcast %and3A_548 : i32 to vector<16xi32>
          %and3A_550 = arith.andi %get3A_544, %and3A_549 : vector<16xi32>
          %swap3A_551 = arith.constant 224 : index
          %swap3A_552 = tpu.vector_load %arg19[%swap3A_551] {strides = array<i32>} : memref<256xi32, #tpu.memory_space<vmem>>, vector<16xi32>,
          tpu.vector_store %arg19[%swap3A_551], %and3A_550 {strides = array<i32>} : memref<256xi32, #tpu.memory_space<vmem>>, vector<16xi32>,
          %sub3A_553 = vector.broadcast %mul3A_0 : i32 to vector<16xi32>
          %sub3A_554 = arith.subi %and3A_550, %sub3A_553 : vector<16xi32>
          %gather3A_555 = tpu.vector_load_idx %arg7[%sub3A_554] : memref<12544xi32, #tpu.memory_space<vmem>>[vector<16xi32>], vector<16xi32>,
          %and3A_556 = arith.constant 8191 : i32
          %and3A_557 = vector.broadcast %and3A_556 : i32 to vector<16xi32>
          %and3A_558 = arith.andi %gather3A_555, %and3A_557 : vector<16xi32>
          %jit3A_559 = arith.constant 8192 : i32
          %broadcast_in_dim3A_560 = vector.broadcast %jit3A_559 : i32 to vector<16xi32>
          %select_n3A_561 = arith.select %ge3A_547, %broadcast_in_dim3A_560, %and3A_558 : vector<16xi1>, vector<16xi32>
          %swap3A_562 = arith.constant 224 : index
          %swap3A_563 = tpu.vector_load %arg18[%swap3A_562] {strides = array<i32>} : memref<256xi32, #tpu.memory_space<vmem>>, vector<16xi32>,
          tpu.vector_store %arg18[%swap3A_562], %select_n3A_561 {strides = array<i32>} : memref<256xi32, #tpu.memory_space<vmem>>, vector<16xi32>,
          %add3A_564 = arith.constant 240 : i32
          %add3A_565 = arith.addi %add3A_220, %add3A_564 : i32
          %get3A_566 = arith.index_cast %add3A_565 : i32 to index
          %get3A_567 = tpu.vector_load %arg6[%get3A_566] {strides = array<i32>} : memref<16640xi32, #tpu.memory_space<vmem>>, vector<16xi32>,
          %ge3A_568 = arith.constant 524288 : i32
          %ge3A_569 = vector.broadcast %ge3A_568 : i32 to vector<16xi32>
          %ge3A_570 = arith.cmpi sge, %get3A_567, %ge3A_569 : vector<16xi32>
          %and3A_571 = arith.constant 524287 : i32
          %and3A_572 = vector.broadcast %and3A_571 : i32 to vector<16xi32>
          %and3A_573 = arith.andi %get3A_567, %and3A_572 : vector<16xi32>
          %swap3A_574 = arith.constant 240 : index
          %swap3A_575 = tpu.vector_load %arg19[%swap3A_574] {strides = array<i32>} : memref<256xi32, #tpu.memory_space<vmem>>, vector<16xi32>,
          tpu.vector_store %arg19[%swap3A_574], %and3A_573 {strides = array<i32>} : memref<256xi32, #tpu.memory_space<vmem>>, vector<16xi32>,
          %sub3A_576 = vector.broadcast %mul3A_0 : i32 to vector<16xi32>
          %sub3A_577 = arith.subi %and3A_573, %sub3A_576 : vector<16xi32>
          %gather3A_578 = tpu.vector_load_idx %arg7[%sub3A_577] : memref<12544xi32, #tpu.memory_space<vmem>>[vector<16xi32>], vector<16xi32>,
          %and3A_579 = arith.constant 8191 : i32
          %and3A_580 = vector.broadcast %and3A_579 : i32 to vector<16xi32>
          %and3A_581 = arith.andi %gather3A_578, %and3A_580 : vector<16xi32>
          %jit3A_582 = arith.constant 8192 : i32
          %broadcast_in_dim3A_583 = vector.broadcast %jit3A_582 : i32 to vector<16xi32>
          %select_n3A_584 = arith.select %ge3A_570, %broadcast_in_dim3A_583, %and3A_581 : vector<16xi1>, vector<16xi32>
          %swap3A_585 = arith.constant 240 : index
          %swap3A_586 = tpu.vector_load %arg18[%swap3A_585] {strides = array<i32>} : memref<256xi32, #tpu.memory_space<vmem>>, vector<16xi32>,
          tpu.vector_store %arg18[%swap3A_585], %select_n3A_584 {strides = array<i32>} : memref<256xi32, #tpu.memory_space<vmem>>, vector<16xi32>,
          %dma_start3A = arith.constant 0 : i32
          %dma_start3A_587 = arith.constant 0 : i32
          %dma_start3A_588 = tpu.memref_slice %arg4[%dma_start3A, %dma_start3A_587] : memref<200704x64xf32, #tpu.memory_space<hbm>> -> memref<200704x64xf32, #tpu.memory_space<hbm>>
          tpu.enqueue_indirect_dma source(%dma_start3A_588 : memref<200704x64xf32, #tpu.memory_space<hbm>>) target(%arg20 : memref<256x64xf32, #tpu.memory_space<vmem>>) offsets(%arg19 : memref<256xi32, #tpu.memory_space<vmem>>) semaphore(%arg22 : memref<!tpu.dma_semaphore, #tpu.memory_space<semaphore_mem>>)
        } else {
        }
        %mul3A_198 = arith.constant 2 : i32
        %mul3A_199 = arith.muli %while3A_181, %mul3A_198 : i32
        %add3A_200 = arith.constant 0 : i32
        %add3A_201 = arith.addi %mul3A_199, %add3A_200 : i32
        %lt3A_202 = arith.cmpi slt, %add3A_201, %select_n3A_120 : i32
        %convert_element_type3A_203 = arith.extui %lt3A_202 : i1 to i32
        %cond3A_204 = arith.constant 0 : i32
        %cond3A_205 = arith.cmpi ne, %convert_element_type3A_203, %cond3A_204 : i32
        scf.if %cond3A_205 {
          %dma_wait3A = arith.constant 0 : i32
          %dma_wait3A_214 = arith.constant 0 : i32
          %dma_wait3A_215 = tpu.memref_slice %arg4[%dma_wait3A, %dma_wait3A_214] : memref<200704x64xf32, #tpu.memory_space<hbm>> -> memref<200704x64xf32, #tpu.memory_space<hbm>>
          tpu.wait_indirect_dma semaphore(%arg21 : memref<!tpu.dma_semaphore, #tpu.memory_space<semaphore_mem>>) src(%dma_wait3A_215 : memref<200704x64xf32, #tpu.memory_space<hbm>>) dst(%arg17 : memref<256x64xf32, #tpu.memory_space<vmem>>)
          %dma_start3A = arith.constant 0 : i32
          %dma_start3A_216 = arith.constant 0 : i32
          %dma_start3A_217 = tpu.memref_slice %arg26[%dma_start3A, %dma_start3A_216] : memref<8200x64xf32, #tpu.memory_space<vmem_shared>> -> memref<8200x64xf32, #tpu.memory_space<vmem_shared>>
          tpu.enqueue_indirect_dma source(%arg17 : memref<256x64xf32, #tpu.memory_space<vmem>>) target(%dma_start3A_217 : memref<8200x64xf32, #tpu.memory_space<vmem_shared>>) offsets(%arg15 : memref<256xi32, #tpu.memory_space<vmem>>) semaphore(%arg23 : memref<!tpu.dma_semaphore, #tpu.memory_space<semaphore_mem>>) {add = true}
        } else {
        }
        %mul3A_206 = arith.constant 2 : i32
        %mul3A_207 = arith.muli %while3A_181, %mul3A_206 : i32
        %add3A_208 = arith.constant 1 : i32
        %add3A_209 = arith.addi %mul3A_207, %add3A_208 : i32
        %lt3A_210 = arith.cmpi slt, %add3A_209, %select_n3A_120 : i32
        %convert_element_type3A_211 = arith.extui %lt3A_210 : i1 to i32
        %cond3A_212 = arith.constant 0 : i32
        %cond3A_213 = arith.cmpi ne, %convert_element_type3A_211, %cond3A_212 : i32
        scf.if %cond3A_213 {
          %dma_wait3A = arith.constant 0 : i32
          %dma_wait3A_214 = arith.constant 0 : i32
          %dma_wait3A_215 = tpu.memref_slice %arg4[%dma_wait3A, %dma_wait3A_214] : memref<200704x64xf32, #tpu.memory_space<hbm>> -> memref<200704x64xf32, #tpu.memory_space<hbm>>
          tpu.wait_indirect_dma semaphore(%arg22 : memref<!tpu.dma_semaphore, #tpu.memory_space<semaphore_mem>>) src(%dma_wait3A_215 : memref<200704x64xf32, #tpu.memory_space<hbm>>) dst(%arg20 : memref<256x64xf32, #tpu.memory_space<vmem>>)
          %dma_start3A = arith.constant 0 : i32
          %dma_start3A_216 = arith.constant 0 : i32
          %dma_start3A_217 = tpu.memref_slice %arg26[%dma_start3A, %dma_start3A_216] : memref<8200x64xf32, #tpu.memory_space<vmem_shared>> -> memref<8200x64xf32, #tpu.memory_space<vmem_shared>>
          tpu.enqueue_indirect_dma source(%arg20 : memref<256x64xf32, #tpu.memory_space<vmem>>) target(%dma_start3A_217 : memref<8200x64xf32, #tpu.memory_space<vmem_shared>>) offsets(%arg18 : memref<256xi32, #tpu.memory_space<vmem>>) semaphore(%arg24 : memref<!tpu.dma_semaphore, #tpu.memory_space<semaphore_mem>>) {add = true}
        } else {
        }
      }
      %gt3A = arith.constant 0 : i32
      %gt3A_156 = arith.cmpi sgt, %select_n3A_120, %gt3A : i32
      %convert_element_type3A = arith.extui %gt3A_156 : i1 to i32
      %cond3A = arith.constant 0 : i32
      %cond3A_157 = arith.cmpi ne, %convert_element_type3A, %cond3A : i32
      scf.if %cond3A_157 {
        %dma_wait3A = arith.constant 0 : i32
        %dma_wait3A_181 = arith.constant 0 : i32
        %dma_wait3A_182 = tpu.memref_slice %arg26[%dma_wait3A, %dma_wait3A_181] : memref<8200x64xf32, #tpu.memory_space<vmem_shared>> -> memref<8200x64xf32, #tpu.memory_space<vmem_shared>>
        tpu.wait_indirect_dma semaphore(%arg23 : memref<!tpu.dma_semaphore, #tpu.memory_space<semaphore_mem>>) src(%arg17 : memref<256x64xf32, #tpu.memory_space<vmem>>) dst(%dma_wait3A_182 : memref<8200x64xf32, #tpu.memory_space<vmem_shared>>)
      } else {
      }
      %gt3A_158 = arith.constant 1 : i32
      %gt3A_159 = arith.cmpi sgt, %select_n3A_120, %gt3A_158 : i32
      %convert_element_type3A_160 = arith.extui %gt3A_159 : i1 to i32
      %cond3A_161 = arith.constant 0 : i32
      %cond3A_162 = arith.cmpi ne, %convert_element_type3A_160, %cond3A_161 : i32
      scf.if %cond3A_162 {
        %dma_wait3A = arith.constant 0 : i32
        %dma_wait3A_181 = arith.constant 0 : i32
        %dma_wait3A_182 = tpu.memref_slice %arg26[%dma_wait3A, %dma_wait3A_181] : memref<8200x64xf32, #tpu.memory_space<vmem_shared>> -> memref<8200x64xf32, #tpu.memory_space<vmem_shared>>
        tpu.wait_indirect_dma semaphore(%arg24 : memref<!tpu.dma_semaphore, #tpu.memory_space<semaphore_mem>>) src(%arg20 : memref<256x64xf32, #tpu.memory_space<vmem>>) dst(%dma_wait3A_182 : memref<8200x64xf32, #tpu.memory_space<vmem_shared>>)
      } else {
      }
      %mul3A_163 = arith.constant 2 : i32
      %mul3A_164 = arith.muli %select_n3A_120, %mul3A_163 : i32
      %while3A_165 = arith.constant 0 : i32
      %while3A_166 = arith.subi %select_n3A, %mul3A_164 : i32
      %while3A_167 = arith.addi %mul3A_164, %while3A_166 : i32
      %while3A_168 = arith.constant 1 : i32
      %while3A_169 = arith.divsi %while3A_166, %while3A_168 : i32
      %while3A_170 = arith.muli %while3A_169, %while3A_168 : i32
      %while3A_171 = arith.addi %mul3A_164, %while3A_170 : i32
      %while3A_172 = arith.constant 1 : i32
      scf.for %while3A_181 = %mul3A_164 to %while3A_171 step %while3A_172  : i32 {
        %mul3A_182 = arith.constant 128 : i32
        %mul3A_183 = arith.muli %while3A_181, %mul3A_182 : i32
        %add3A_184 = arith.addi %multiple_of3A, %mul3A_183 : i32
        %add3A_185 = arith.constant 0 : i32
        %add3A_186 = arith.addi %add3A_184, %add3A_185 : i32
        %get3A = arith.index_cast %add3A_186 : i32 to index
        %get3A_187 = tpu.vector_load %arg6[%get3A] {strides = array<i32>} : memref<16640xi32, #tpu.memory_space<vmem>>, vector<16xi32>,
        %ge3A = arith.constant 524288 : i32
        %ge3A_188 = vector.broadcast %ge3A : i32 to vector<16xi32>
        %ge3A_189 = arith.cmpi sge, %get3A_187, %ge3A_188 : vector<16xi32>
        %and3A_190 = arith.constant 524287 : i32
        %and3A_191 = vector.broadcast %and3A_190 : i32 to vector<16xi32>
        %and3A_192 = arith.andi %get3A_187, %and3A_191 : vector<16xi32>
        %swap3A = arith.constant 0 : index
        %swap3A_193 = tpu.vector_load %arg13[%swap3A] {strides = array<i32>} : memref<128xi32, #tpu.memory_space<vmem>>, vector<16xi32>,
        tpu.vector_store %arg13[%swap3A], %and3A_192 {strides = array<i32>} : memref<128xi32, #tpu.memory_space<vmem>>, vector<16xi32>,
        %sub3A_194 = vector.broadcast %mul3A_0 : i32 to vector<16xi32>
        %sub3A_195 = arith.subi %and3A_192, %sub3A_194 : vector<16xi32>
        %gather3A_196 = tpu.vector_load_idx %arg7[%sub3A_195] : memref<12544xi32, #tpu.memory_space<vmem>>[vector<16xi32>], vector<16xi32>,
        %and3A_197 = arith.constant 8191 : i32
        %and3A_198 = vector.broadcast %and3A_197 : i32 to vector<16xi32>
        %and3A_199 = arith.andi %gather3A_196, %and3A_198 : vector<16xi32>
        %jit3A_200 = arith.constant 8192 : i32
        %broadcast_in_dim3A_201 = vector.broadcast %jit3A_200 : i32 to vector<16xi32>
        %select_n3A_202 = arith.select %ge3A_189, %broadcast_in_dim3A_201, %and3A_199 : vector<16xi1>, vector<16xi32>
        %swap3A_203 = arith.constant 0 : index
        %swap3A_204 = tpu.vector_load %arg12[%swap3A_203] {strides = array<i32>} : memref<128xi32, #tpu.memory_space<vmem>>, vector<16xi32>,
        tpu.vector_store %arg12[%swap3A_203], %select_n3A_202 {strides = array<i32>} : memref<128xi32, #tpu.memory_space<vmem>>, vector<16xi32>,
        %add3A_205 = arith.constant 16 : i32
        %add3A_206 = arith.addi %add3A_184, %add3A_205 : i32
        %get3A_207 = arith.index_cast %add3A_206 : i32 to index
        %get3A_208 = tpu.vector_load %arg6[%get3A_207] {strides = array<i32>} : memref<16640xi32, #tpu.memory_space<vmem>>, vector<16xi32>,
        %ge3A_209 = arith.constant 524288 : i32
        %ge3A_210 = vector.broadcast %ge3A_209 : i32 to vector<16xi32>
        %ge3A_211 = arith.cmpi sge, %get3A_208, %ge3A_210 : vector<16xi32>
        %and3A_212 = arith.constant 524287 : i32
        %and3A_213 = vector.broadcast %and3A_212 : i32 to vector<16xi32>
        %and3A_214 = arith.andi %get3A_208, %and3A_213 : vector<16xi32>
        %swap3A_215 = arith.constant 16 : index
        %swap3A_216 = tpu.vector_load %arg13[%swap3A_215] {strides = array<i32>} : memref<128xi32, #tpu.memory_space<vmem>>, vector<16xi32>,
        tpu.vector_store %arg13[%swap3A_215], %and3A_214 {strides = array<i32>} : memref<128xi32, #tpu.memory_space<vmem>>, vector<16xi32>,
        %sub3A_217 = vector.broadcast %mul3A_0 : i32 to vector<16xi32>
        %sub3A_218 = arith.subi %and3A_214, %sub3A_217 : vector<16xi32>
        %gather3A_219 = tpu.vector_load_idx %arg7[%sub3A_218] : memref<12544xi32, #tpu.memory_space<vmem>>[vector<16xi32>], vector<16xi32>,
        %and3A_220 = arith.constant 8191 : i32
        %and3A_221 = vector.broadcast %and3A_220 : i32 to vector<16xi32>
        %and3A_222 = arith.andi %gather3A_219, %and3A_221 : vector<16xi32>
        %jit3A_223 = arith.constant 8192 : i32
        %broadcast_in_dim3A_224 = vector.broadcast %jit3A_223 : i32 to vector<16xi32>
        %select_n3A_225 = arith.select %ge3A_211, %broadcast_in_dim3A_224, %and3A_222 : vector<16xi1>, vector<16xi32>
        %swap3A_226 = arith.constant 16 : index
        %swap3A_227 = tpu.vector_load %arg12[%swap3A_226] {strides = array<i32>} : memref<128xi32, #tpu.memory_space<vmem>>, vector<16xi32>,
        tpu.vector_store %arg12[%swap3A_226], %select_n3A_225 {strides = array<i32>} : memref<128xi32, #tpu.memory_space<vmem>>, vector<16xi32>,
        %add3A_228 = arith.constant 32 : i32
        %add3A_229 = arith.addi %add3A_184, %add3A_228 : i32
        %get3A_230 = arith.index_cast %add3A_229 : i32 to index
        %get3A_231 = tpu.vector_load %arg6[%get3A_230] {strides = array<i32>} : memref<16640xi32, #tpu.memory_space<vmem>>, vector<16xi32>,
        %ge3A_232 = arith.constant 524288 : i32
        %ge3A_233 = vector.broadcast %ge3A_232 : i32 to vector<16xi32>
        %ge3A_234 = arith.cmpi sge, %get3A_231, %ge3A_233 : vector<16xi32>
        %and3A_235 = arith.constant 524287 : i32
        %and3A_236 = vector.broadcast %and3A_235 : i32 to vector<16xi32>
        %and3A_237 = arith.andi %get3A_231, %and3A_236 : vector<16xi32>
        %swap3A_238 = arith.constant 32 : index
        %swap3A_239 = tpu.vector_load %arg13[%swap3A_238] {strides = array<i32>} : memref<128xi32, #tpu.memory_space<vmem>>, vector<16xi32>,
        tpu.vector_store %arg13[%swap3A_238], %and3A_237 {strides = array<i32>} : memref<128xi32, #tpu.memory_space<vmem>>, vector<16xi32>,
        %sub3A_240 = vector.broadcast %mul3A_0 : i32 to vector<16xi32>
        %sub3A_241 = arith.subi %and3A_237, %sub3A_240 : vector<16xi32>
        %gather3A_242 = tpu.vector_load_idx %arg7[%sub3A_241] : memref<12544xi32, #tpu.memory_space<vmem>>[vector<16xi32>], vector<16xi32>,
        %and3A_243 = arith.constant 8191 : i32
        %and3A_244 = vector.broadcast %and3A_243 : i32 to vector<16xi32>
        %and3A_245 = arith.andi %gather3A_242, %and3A_244 : vector<16xi32>
        %jit3A_246 = arith.constant 8192 : i32
        %broadcast_in_dim3A_247 = vector.broadcast %jit3A_246 : i32 to vector<16xi32>
        %select_n3A_248 = arith.select %ge3A_234, %broadcast_in_dim3A_247, %and3A_245 : vector<16xi1>, vector<16xi32>
        %swap3A_249 = arith.constant 32 : index
        %swap3A_250 = tpu.vector_load %arg12[%swap3A_249] {strides = array<i32>} : memref<128xi32, #tpu.memory_space<vmem>>, vector<16xi32>,
        tpu.vector_store %arg12[%swap3A_249], %select_n3A_248 {strides = array<i32>} : memref<128xi32, #tpu.memory_space<vmem>>, vector<16xi32>,
        %add3A_251 = arith.constant 48 : i32
        %add3A_252 = arith.addi %add3A_184, %add3A_251 : i32
        %get3A_253 = arith.index_cast %add3A_252 : i32 to index
        %get3A_254 = tpu.vector_load %arg6[%get3A_253] {strides = array<i32>} : memref<16640xi32, #tpu.memory_space<vmem>>, vector<16xi32>,
        %ge3A_255 = arith.constant 524288 : i32
        %ge3A_256 = vector.broadcast %ge3A_255 : i32 to vector<16xi32>
        %ge3A_257 = arith.cmpi sge, %get3A_254, %ge3A_256 : vector<16xi32>
        %and3A_258 = arith.constant 524287 : i32
        %and3A_259 = vector.broadcast %and3A_258 : i32 to vector<16xi32>
        %and3A_260 = arith.andi %get3A_254, %and3A_259 : vector<16xi32>
        %swap3A_261 = arith.constant 48 : index
        %swap3A_262 = tpu.vector_load %arg13[%swap3A_261] {strides = array<i32>} : memref<128xi32, #tpu.memory_space<vmem>>, vector<16xi32>,
        tpu.vector_store %arg13[%swap3A_261], %and3A_260 {strides = array<i32>} : memref<128xi32, #tpu.memory_space<vmem>>, vector<16xi32>,
        %sub3A_263 = vector.broadcast %mul3A_0 : i32 to vector<16xi32>
        %sub3A_264 = arith.subi %and3A_260, %sub3A_263 : vector<16xi32>
        %gather3A_265 = tpu.vector_load_idx %arg7[%sub3A_264] : memref<12544xi32, #tpu.memory_space<vmem>>[vector<16xi32>], vector<16xi32>,
        %and3A_266 = arith.constant 8191 : i32
        %and3A_267 = vector.broadcast %and3A_266 : i32 to vector<16xi32>
        %and3A_268 = arith.andi %gather3A_265, %and3A_267 : vector<16xi32>
        %jit3A_269 = arith.constant 8192 : i32
        %broadcast_in_dim3A_270 = vector.broadcast %jit3A_269 : i32 to vector<16xi32>
        %select_n3A_271 = arith.select %ge3A_257, %broadcast_in_dim3A_270, %and3A_268 : vector<16xi1>, vector<16xi32>
        %swap3A_272 = arith.constant 48 : index
        %swap3A_273 = tpu.vector_load %arg12[%swap3A_272] {strides = array<i32>} : memref<128xi32, #tpu.memory_space<vmem>>, vector<16xi32>,
        tpu.vector_store %arg12[%swap3A_272], %select_n3A_271 {strides = array<i32>} : memref<128xi32, #tpu.memory_space<vmem>>, vector<16xi32>,
        %add3A_274 = arith.constant 64 : i32
        %add3A_275 = arith.addi %add3A_184, %add3A_274 : i32
        %get3A_276 = arith.index_cast %add3A_275 : i32 to index
        %get3A_277 = tpu.vector_load %arg6[%get3A_276] {strides = array<i32>} : memref<16640xi32, #tpu.memory_space<vmem>>, vector<16xi32>,
        %ge3A_278 = arith.constant 524288 : i32
        %ge3A_279 = vector.broadcast %ge3A_278 : i32 to vector<16xi32>
        %ge3A_280 = arith.cmpi sge, %get3A_277, %ge3A_279 : vector<16xi32>
        %and3A_281 = arith.constant 524287 : i32
        %and3A_282 = vector.broadcast %and3A_281 : i32 to vector<16xi32>
        %and3A_283 = arith.andi %get3A_277, %and3A_282 : vector<16xi32>
        %swap3A_284 = arith.constant 64 : index
        %swap3A_285 = tpu.vector_load %arg13[%swap3A_284] {strides = array<i32>} : memref<128xi32, #tpu.memory_space<vmem>>, vector<16xi32>,
        tpu.vector_store %arg13[%swap3A_284], %and3A_283 {strides = array<i32>} : memref<128xi32, #tpu.memory_space<vmem>>, vector<16xi32>,
        %sub3A_286 = vector.broadcast %mul3A_0 : i32 to vector<16xi32>
        %sub3A_287 = arith.subi %and3A_283, %sub3A_286 : vector<16xi32>
        %gather3A_288 = tpu.vector_load_idx %arg7[%sub3A_287] : memref<12544xi32, #tpu.memory_space<vmem>>[vector<16xi32>], vector<16xi32>,
        %and3A_289 = arith.constant 8191 : i32
        %and3A_290 = vector.broadcast %and3A_289 : i32 to vector<16xi32>
        %and3A_291 = arith.andi %gather3A_288, %and3A_290 : vector<16xi32>
        %jit3A_292 = arith.constant 8192 : i32
        %broadcast_in_dim3A_293 = vector.broadcast %jit3A_292 : i32 to vector<16xi32>
        %select_n3A_294 = arith.select %ge3A_280, %broadcast_in_dim3A_293, %and3A_291 : vector<16xi1>, vector<16xi32>
        %swap3A_295 = arith.constant 64 : index
        %swap3A_296 = tpu.vector_load %arg12[%swap3A_295] {strides = array<i32>} : memref<128xi32, #tpu.memory_space<vmem>>, vector<16xi32>,
        tpu.vector_store %arg12[%swap3A_295], %select_n3A_294 {strides = array<i32>} : memref<128xi32, #tpu.memory_space<vmem>>, vector<16xi32>,
        %add3A_297 = arith.constant 80 : i32
        %add3A_298 = arith.addi %add3A_184, %add3A_297 : i32
        %get3A_299 = arith.index_cast %add3A_298 : i32 to index
        %get3A_300 = tpu.vector_load %arg6[%get3A_299] {strides = array<i32>} : memref<16640xi32, #tpu.memory_space<vmem>>, vector<16xi32>,
        %ge3A_301 = arith.constant 524288 : i32
        %ge3A_302 = vector.broadcast %ge3A_301 : i32 to vector<16xi32>
        %ge3A_303 = arith.cmpi sge, %get3A_300, %ge3A_302 : vector<16xi32>
        %and3A_304 = arith.constant 524287 : i32
        %and3A_305 = vector.broadcast %and3A_304 : i32 to vector<16xi32>
        %and3A_306 = arith.andi %get3A_300, %and3A_305 : vector<16xi32>
        %swap3A_307 = arith.constant 80 : index
        %swap3A_308 = tpu.vector_load %arg13[%swap3A_307] {strides = array<i32>} : memref<128xi32, #tpu.memory_space<vmem>>, vector<16xi32>,
        tpu.vector_store %arg13[%swap3A_307], %and3A_306 {strides = array<i32>} : memref<128xi32, #tpu.memory_space<vmem>>, vector<16xi32>,
        %sub3A_309 = vector.broadcast %mul3A_0 : i32 to vector<16xi32>
        %sub3A_310 = arith.subi %and3A_306, %sub3A_309 : vector<16xi32>
        %gather3A_311 = tpu.vector_load_idx %arg7[%sub3A_310] : memref<12544xi32, #tpu.memory_space<vmem>>[vector<16xi32>], vector<16xi32>,
        %and3A_312 = arith.constant 8191 : i32
        %and3A_313 = vector.broadcast %and3A_312 : i32 to vector<16xi32>
        %and3A_314 = arith.andi %gather3A_311, %and3A_313 : vector<16xi32>
        %jit3A_315 = arith.constant 8192 : i32
        %broadcast_in_dim3A_316 = vector.broadcast %jit3A_315 : i32 to vector<16xi32>
        %select_n3A_317 = arith.select %ge3A_303, %broadcast_in_dim3A_316, %and3A_314 : vector<16xi1>, vector<16xi32>
        %swap3A_318 = arith.constant 80 : index
        %swap3A_319 = tpu.vector_load %arg12[%swap3A_318] {strides = array<i32>} : memref<128xi32, #tpu.memory_space<vmem>>, vector<16xi32>,
        tpu.vector_store %arg12[%swap3A_318], %select_n3A_317 {strides = array<i32>} : memref<128xi32, #tpu.memory_space<vmem>>, vector<16xi32>,
        %add3A_320 = arith.constant 96 : i32
        %add3A_321 = arith.addi %add3A_184, %add3A_320 : i32
        %get3A_322 = arith.index_cast %add3A_321 : i32 to index
        %get3A_323 = tpu.vector_load %arg6[%get3A_322] {strides = array<i32>} : memref<16640xi32, #tpu.memory_space<vmem>>, vector<16xi32>,
        %ge3A_324 = arith.constant 524288 : i32
        %ge3A_325 = vector.broadcast %ge3A_324 : i32 to vector<16xi32>
        %ge3A_326 = arith.cmpi sge, %get3A_323, %ge3A_325 : vector<16xi32>
        %and3A_327 = arith.constant 524287 : i32
        %and3A_328 = vector.broadcast %and3A_327 : i32 to vector<16xi32>
        %and3A_329 = arith.andi %get3A_323, %and3A_328 : vector<16xi32>
        %swap3A_330 = arith.constant 96 : index
        %swap3A_331 = tpu.vector_load %arg13[%swap3A_330] {strides = array<i32>} : memref<128xi32, #tpu.memory_space<vmem>>, vector<16xi32>,
        tpu.vector_store %arg13[%swap3A_330], %and3A_329 {strides = array<i32>} : memref<128xi32, #tpu.memory_space<vmem>>, vector<16xi32>,
        %sub3A_332 = vector.broadcast %mul3A_0 : i32 to vector<16xi32>
        %sub3A_333 = arith.subi %and3A_329, %sub3A_332 : vector<16xi32>
        %gather3A_334 = tpu.vector_load_idx %arg7[%sub3A_333] : memref<12544xi32, #tpu.memory_space<vmem>>[vector<16xi32>], vector<16xi32>,
        %and3A_335 = arith.constant 8191 : i32
        %and3A_336 = vector.broadcast %and3A_335 : i32 to vector<16xi32>
        %and3A_337 = arith.andi %gather3A_334, %and3A_336 : vector<16xi32>
        %jit3A_338 = arith.constant 8192 : i32
        %broadcast_in_dim3A_339 = vector.broadcast %jit3A_338 : i32 to vector<16xi32>
        %select_n3A_340 = arith.select %ge3A_326, %broadcast_in_dim3A_339, %and3A_337 : vector<16xi1>, vector<16xi32>
        %swap3A_341 = arith.constant 96 : index
        %swap3A_342 = tpu.vector_load %arg12[%swap3A_341] {strides = array<i32>} : memref<128xi32, #tpu.memory_space<vmem>>, vector<16xi32>,
        tpu.vector_store %arg12[%swap3A_341], %select_n3A_340 {strides = array<i32>} : memref<128xi32, #tpu.memory_space<vmem>>, vector<16xi32>,
        %add3A_343 = arith.constant 112 : i32
        %add3A_344 = arith.addi %add3A_184, %add3A_343 : i32
        %get3A_345 = arith.index_cast %add3A_344 : i32 to index
        %get3A_346 = tpu.vector_load %arg6[%get3A_345] {strides = array<i32>} : memref<16640xi32, #tpu.memory_space<vmem>>, vector<16xi32>,
        %ge3A_347 = arith.constant 524288 : i32
        %ge3A_348 = vector.broadcast %ge3A_347 : i32 to vector<16xi32>
        %ge3A_349 = arith.cmpi sge, %get3A_346, %ge3A_348 : vector<16xi32>
        %and3A_350 = arith.constant 524287 : i32
        %and3A_351 = vector.broadcast %and3A_350 : i32 to vector<16xi32>
        %and3A_352 = arith.andi %get3A_346, %and3A_351 : vector<16xi32>
        %swap3A_353 = arith.constant 112 : index
        %swap3A_354 = tpu.vector_load %arg13[%swap3A_353] {strides = array<i32>} : memref<128xi32, #tpu.memory_space<vmem>>, vector<16xi32>,
        tpu.vector_store %arg13[%swap3A_353], %and3A_352 {strides = array<i32>} : memref<128xi32, #tpu.memory_space<vmem>>, vector<16xi32>,
        %sub3A_355 = vector.broadcast %mul3A_0 : i32 to vector<16xi32>
        %sub3A_356 = arith.subi %and3A_352, %sub3A_355 : vector<16xi32>
        %gather3A_357 = tpu.vector_load_idx %arg7[%sub3A_356] : memref<12544xi32, #tpu.memory_space<vmem>>[vector<16xi32>], vector<16xi32>,
        %and3A_358 = arith.constant 8191 : i32
        %and3A_359 = vector.broadcast %and3A_358 : i32 to vector<16xi32>
        %and3A_360 = arith.andi %gather3A_357, %and3A_359 : vector<16xi32>
        %jit3A_361 = arith.constant 8192 : i32
        %broadcast_in_dim3A_362 = vector.broadcast %jit3A_361 : i32 to vector<16xi32>
        %select_n3A_363 = arith.select %ge3A_349, %broadcast_in_dim3A_362, %and3A_360 : vector<16xi1>, vector<16xi32>
        %swap3A_364 = arith.constant 112 : index
        %swap3A_365 = tpu.vector_load %arg12[%swap3A_364] {strides = array<i32>} : memref<128xi32, #tpu.memory_space<vmem>>, vector<16xi32>,
        tpu.vector_store %arg12[%swap3A_364], %select_n3A_363 {strides = array<i32>} : memref<128xi32, #tpu.memory_space<vmem>>, vector<16xi32>,
        "tpu.region"() ({
          %run_scoped3A = tpu.sem_alloc : memref<!tpu.dma_semaphore, #tpu.memory_space<semaphore_mem>>
          %dma_start3A = arith.constant 0 : i32
          %dma_start3A_366 = arith.constant 0 : i32
          %dma_start3A_367 = tpu.memref_slice %arg4[%dma_start3A, %dma_start3A_366] : memref<200704x64xf32, #tpu.memory_space<hbm>> -> memref<200704x64xf32, #tpu.memory_space<hbm>>
          tpu.enqueue_indirect_dma source(%dma_start3A_367 : memref<200704x64xf32, #tpu.memory_space<hbm>>) target(%arg14 : memref<128x64xf32, #tpu.memory_space<vmem>>) offsets(%arg13 : memref<128xi32, #tpu.memory_space<vmem>>) semaphore(%run_scoped3A : memref<!tpu.dma_semaphore, #tpu.memory_space<semaphore_mem>>)
          %dma_wait3A = arith.constant 0 : i32
          %dma_wait3A_368 = arith.constant 0 : i32
          %dma_wait3A_369 = tpu.memref_slice %arg4[%dma_wait3A, %dma_wait3A_368] : memref<200704x64xf32, #tpu.memory_space<hbm>> -> memref<200704x64xf32, #tpu.memory_space<hbm>>
          tpu.wait_indirect_dma semaphore(%run_scoped3A : memref<!tpu.dma_semaphore, #tpu.memory_space<semaphore_mem>>) src(%dma_wait3A_369 : memref<200704x64xf32, #tpu.memory_space<hbm>>) dst(%arg14 : memref<128x64xf32, #tpu.memory_space<vmem>>)
          tpu.yield
        }) : () -> ()
        "tpu.region"() ({
          %run_scoped3A = tpu.sem_alloc : memref<!tpu.dma_semaphore, #tpu.memory_space<semaphore_mem>>
          %dma_start3A = arith.constant 0 : i32
          %dma_start3A_366 = arith.constant 0 : i32
          %dma_start3A_367 = tpu.memref_slice %arg26[%dma_start3A, %dma_start3A_366] : memref<8200x64xf32, #tpu.memory_space<vmem_shared>> -> memref<8200x64xf32, #tpu.memory_space<vmem_shared>>
          tpu.enqueue_indirect_dma source(%arg14 : memref<128x64xf32, #tpu.memory_space<vmem>>) target(%dma_start3A_367 : memref<8200x64xf32, #tpu.memory_space<vmem_shared>>) offsets(%arg12 : memref<128xi32, #tpu.memory_space<vmem>>) semaphore(%run_scoped3A : memref<!tpu.dma_semaphore, #tpu.memory_space<semaphore_mem>>) {add = true}
          %dma_wait3A = arith.constant 0 : i32
          %dma_wait3A_368 = arith.constant 0 : i32
          %dma_wait3A_369 = tpu.memref_slice %arg26[%dma_wait3A, %dma_wait3A_368] : memref<8200x64xf32, #tpu.memory_space<vmem_shared>> -> memref<8200x64xf32, #tpu.memory_space<vmem_shared>>
          tpu.wait_indirect_dma semaphore(%run_scoped3A : memref<!tpu.dma_semaphore, #tpu.memory_space<semaphore_mem>>) src(%arg14 : memref<128x64xf32, #tpu.memory_space<vmem>>) dst(%dma_wait3A_369 : memref<8200x64xf32, #tpu.memory_space<vmem_shared>>)
          tpu.yield
        }) : () -> ()
      }
      %while3A_173 = arith.constant 1 : i32
      scf.for %while3A_181 = %while3A_171 to %while3A_167 step %while3A_173  : i32 {
        %mul3A_182 = arith.constant 128 : i32
        %mul3A_183 = arith.muli %while3A_181, %mul3A_182 : i32
        %add3A_184 = arith.addi %multiple_of3A, %mul3A_183 : i32
        %add3A_185 = arith.constant 0 : i32
        %add3A_186 = arith.addi %add3A_184, %add3A_185 : i32
        %get3A = arith.index_cast %add3A_186 : i32 to index
        %get3A_187 = tpu.vector_load %arg6[%get3A] {strides = array<i32>} : memref<16640xi32, #tpu.memory_space<vmem>>, vector<16xi32>,
        %ge3A = arith.constant 524288 : i32
        %ge3A_188 = vector.broadcast %ge3A : i32 to vector<16xi32>
        %ge3A_189 = arith.cmpi sge, %get3A_187, %ge3A_188 : vector<16xi32>
        %and3A_190 = arith.constant 524287 : i32
        %and3A_191 = vector.broadcast %and3A_190 : i32 to vector<16xi32>
        %and3A_192 = arith.andi %get3A_187, %and3A_191 : vector<16xi32>
        %swap3A = arith.constant 0 : index
        %swap3A_193 = tpu.vector_load %arg13[%swap3A] {strides = array<i32>} : memref<128xi32, #tpu.memory_space<vmem>>, vector<16xi32>,
        tpu.vector_store %arg13[%swap3A], %and3A_192 {strides = array<i32>} : memref<128xi32, #tpu.memory_space<vmem>>, vector<16xi32>,
        %sub3A_194 = vector.broadcast %mul3A_0 : i32 to vector<16xi32>
        %sub3A_195 = arith.subi %and3A_192, %sub3A_194 : vector<16xi32>
        %gather3A_196 = tpu.vector_load_idx %arg7[%sub3A_195] : memref<12544xi32, #tpu.memory_space<vmem>>[vector<16xi32>], vector<16xi32>,
        %and3A_197 = arith.constant 8191 : i32
        %and3A_198 = vector.broadcast %and3A_197 : i32 to vector<16xi32>
        %and3A_199 = arith.andi %gather3A_196, %and3A_198 : vector<16xi32>
        %jit3A_200 = arith.constant 8192 : i32
        %broadcast_in_dim3A_201 = vector.broadcast %jit3A_200 : i32 to vector<16xi32>
        %select_n3A_202 = arith.select %ge3A_189, %broadcast_in_dim3A_201, %and3A_199 : vector<16xi1>, vector<16xi32>
        %swap3A_203 = arith.constant 0 : index
        %swap3A_204 = tpu.vector_load %arg12[%swap3A_203] {strides = array<i32>} : memref<128xi32, #tpu.memory_space<vmem>>, vector<16xi32>,
        tpu.vector_store %arg12[%swap3A_203], %select_n3A_202 {strides = array<i32>} : memref<128xi32, #tpu.memory_space<vmem>>, vector<16xi32>,
        %add3A_205 = arith.constant 16 : i32
        %add3A_206 = arith.addi %add3A_184, %add3A_205 : i32
        %get3A_207 = arith.index_cast %add3A_206 : i32 to index
        %get3A_208 = tpu.vector_load %arg6[%get3A_207] {strides = array<i32>} : memref<16640xi32, #tpu.memory_space<vmem>>, vector<16xi32>,
        %ge3A_209 = arith.constant 524288 : i32
        %ge3A_210 = vector.broadcast %ge3A_209 : i32 to vector<16xi32>
        %ge3A_211 = arith.cmpi sge, %get3A_208, %ge3A_210 : vector<16xi32>
        %and3A_212 = arith.constant 524287 : i32
        %and3A_213 = vector.broadcast %and3A_212 : i32 to vector<16xi32>
        %and3A_214 = arith.andi %get3A_208, %and3A_213 : vector<16xi32>
        %swap3A_215 = arith.constant 16 : index
        %swap3A_216 = tpu.vector_load %arg13[%swap3A_215] {strides = array<i32>} : memref<128xi32, #tpu.memory_space<vmem>>, vector<16xi32>,
        tpu.vector_store %arg13[%swap3A_215], %and3A_214 {strides = array<i32>} : memref<128xi32, #tpu.memory_space<vmem>>, vector<16xi32>,
        %sub3A_217 = vector.broadcast %mul3A_0 : i32 to vector<16xi32>
        %sub3A_218 = arith.subi %and3A_214, %sub3A_217 : vector<16xi32>
        %gather3A_219 = tpu.vector_load_idx %arg7[%sub3A_218] : memref<12544xi32, #tpu.memory_space<vmem>>[vector<16xi32>], vector<16xi32>,
        %and3A_220 = arith.constant 8191 : i32
        %and3A_221 = vector.broadcast %and3A_220 : i32 to vector<16xi32>
        %and3A_222 = arith.andi %gather3A_219, %and3A_221 : vector<16xi32>
        %jit3A_223 = arith.constant 8192 : i32
        %broadcast_in_dim3A_224 = vector.broadcast %jit3A_223 : i32 to vector<16xi32>
        %select_n3A_225 = arith.select %ge3A_211, %broadcast_in_dim3A_224, %and3A_222 : vector<16xi1>, vector<16xi32>
        %swap3A_226 = arith.constant 16 : index
        %swap3A_227 = tpu.vector_load %arg12[%swap3A_226] {strides = array<i32>} : memref<128xi32, #tpu.memory_space<vmem>>, vector<16xi32>,
        tpu.vector_store %arg12[%swap3A_226], %select_n3A_225 {strides = array<i32>} : memref<128xi32, #tpu.memory_space<vmem>>, vector<16xi32>,
        %add3A_228 = arith.constant 32 : i32
        %add3A_229 = arith.addi %add3A_184, %add3A_228 : i32
        %get3A_230 = arith.index_cast %add3A_229 : i32 to index
        %get3A_231 = tpu.vector_load %arg6[%get3A_230] {strides = array<i32>} : memref<16640xi32, #tpu.memory_space<vmem>>, vector<16xi32>,
        %ge3A_232 = arith.constant 524288 : i32
        %ge3A_233 = vector.broadcast %ge3A_232 : i32 to vector<16xi32>
        %ge3A_234 = arith.cmpi sge, %get3A_231, %ge3A_233 : vector<16xi32>
        %and3A_235 = arith.constant 524287 : i32
        %and3A_236 = vector.broadcast %and3A_235 : i32 to vector<16xi32>
        %and3A_237 = arith.andi %get3A_231, %and3A_236 : vector<16xi32>
        %swap3A_238 = arith.constant 32 : index
        %swap3A_239 = tpu.vector_load %arg13[%swap3A_238] {strides = array<i32>} : memref<128xi32, #tpu.memory_space<vmem>>, vector<16xi32>,
        tpu.vector_store %arg13[%swap3A_238], %and3A_237 {strides = array<i32>} : memref<128xi32, #tpu.memory_space<vmem>>, vector<16xi32>,
        %sub3A_240 = vector.broadcast %mul3A_0 : i32 to vector<16xi32>
        %sub3A_241 = arith.subi %and3A_237, %sub3A_240 : vector<16xi32>
        %gather3A_242 = tpu.vector_load_idx %arg7[%sub3A_241] : memref<12544xi32, #tpu.memory_space<vmem>>[vector<16xi32>], vector<16xi32>,
        %and3A_243 = arith.constant 8191 : i32
        %and3A_244 = vector.broadcast %and3A_243 : i32 to vector<16xi32>
        %and3A_245 = arith.andi %gather3A_242, %and3A_244 : vector<16xi32>
        %jit3A_246 = arith.constant 8192 : i32
        %broadcast_in_dim3A_247 = vector.broadcast %jit3A_246 : i32 to vector<16xi32>
        %select_n3A_248 = arith.select %ge3A_234, %broadcast_in_dim3A_247, %and3A_245 : vector<16xi1>, vector<16xi32>
        %swap3A_249 = arith.constant 32 : index
        %swap3A_250 = tpu.vector_load %arg12[%swap3A_249] {strides = array<i32>} : memref<128xi32, #tpu.memory_space<vmem>>, vector<16xi32>,
        tpu.vector_store %arg12[%swap3A_249], %select_n3A_248 {strides = array<i32>} : memref<128xi32, #tpu.memory_space<vmem>>, vector<16xi32>,
        %add3A_251 = arith.constant 48 : i32
        %add3A_252 = arith.addi %add3A_184, %add3A_251 : i32
        %get3A_253 = arith.index_cast %add3A_252 : i32 to index
        %get3A_254 = tpu.vector_load %arg6[%get3A_253] {strides = array<i32>} : memref<16640xi32, #tpu.memory_space<vmem>>, vector<16xi32>,
        %ge3A_255 = arith.constant 524288 : i32
        %ge3A_256 = vector.broadcast %ge3A_255 : i32 to vector<16xi32>
        %ge3A_257 = arith.cmpi sge, %get3A_254, %ge3A_256 : vector<16xi32>
        %and3A_258 = arith.constant 524287 : i32
        %and3A_259 = vector.broadcast %and3A_258 : i32 to vector<16xi32>
        %and3A_260 = arith.andi %get3A_254, %and3A_259 : vector<16xi32>
        %swap3A_261 = arith.constant 48 : index
        %swap3A_262 = tpu.vector_load %arg13[%swap3A_261] {strides = array<i32>} : memref<128xi32, #tpu.memory_space<vmem>>, vector<16xi32>,
        tpu.vector_store %arg13[%swap3A_261], %and3A_260 {strides = array<i32>} : memref<128xi32, #tpu.memory_space<vmem>>, vector<16xi32>,
        %sub3A_263 = vector.broadcast %mul3A_0 : i32 to vector<16xi32>
        %sub3A_264 = arith.subi %and3A_260, %sub3A_263 : vector<16xi32>
        %gather3A_265 = tpu.vector_load_idx %arg7[%sub3A_264] : memref<12544xi32, #tpu.memory_space<vmem>>[vector<16xi32>], vector<16xi32>,
        %and3A_266 = arith.constant 8191 : i32
        %and3A_267 = vector.broadcast %and3A_266 : i32 to vector<16xi32>
        %and3A_268 = arith.andi %gather3A_265, %and3A_267 : vector<16xi32>
        %jit3A_269 = arith.constant 8192 : i32
        %broadcast_in_dim3A_270 = vector.broadcast %jit3A_269 : i32 to vector<16xi32>
        %select_n3A_271 = arith.select %ge3A_257, %broadcast_in_dim3A_270, %and3A_268 : vector<16xi1>, vector<16xi32>
        %swap3A_272 = arith.constant 48 : index
        %swap3A_273 = tpu.vector_load %arg12[%swap3A_272] {strides = array<i32>} : memref<128xi32, #tpu.memory_space<vmem>>, vector<16xi32>,
        tpu.vector_store %arg12[%swap3A_272], %select_n3A_271 {strides = array<i32>} : memref<128xi32, #tpu.memory_space<vmem>>, vector<16xi32>,
        %add3A_274 = arith.constant 64 : i32
        %add3A_275 = arith.addi %add3A_184, %add3A_274 : i32
        %get3A_276 = arith.index_cast %add3A_275 : i32 to index
        %get3A_277 = tpu.vector_load %arg6[%get3A_276] {strides = array<i32>} : memref<16640xi32, #tpu.memory_space<vmem>>, vector<16xi32>,
        %ge3A_278 = arith.constant 524288 : i32
        %ge3A_279 = vector.broadcast %ge3A_278 : i32 to vector<16xi32>
        %ge3A_280 = arith.cmpi sge, %get3A_277, %ge3A_279 : vector<16xi32>
        %and3A_281 = arith.constant 524287 : i32
        %and3A_282 = vector.broadcast %and3A_281 : i32 to vector<16xi32>
        %and3A_283 = arith.andi %get3A_277, %and3A_282 : vector<16xi32>
        %swap3A_284 = arith.constant 64 : index
        %swap3A_285 = tpu.vector_load %arg13[%swap3A_284] {strides = array<i32>} : memref<128xi32, #tpu.memory_space<vmem>>, vector<16xi32>,
        tpu.vector_store %arg13[%swap3A_284], %and3A_283 {strides = array<i32>} : memref<128xi32, #tpu.memory_space<vmem>>, vector<16xi32>,
        %sub3A_286 = vector.broadcast %mul3A_0 : i32 to vector<16xi32>
        %sub3A_287 = arith.subi %and3A_283, %sub3A_286 : vector<16xi32>
        %gather3A_288 = tpu.vector_load_idx %arg7[%sub3A_287] : memref<12544xi32, #tpu.memory_space<vmem>>[vector<16xi32>], vector<16xi32>,
        %and3A_289 = arith.constant 8191 : i32
        %and3A_290 = vector.broadcast %and3A_289 : i32 to vector<16xi32>
        %and3A_291 = arith.andi %gather3A_288, %and3A_290 : vector<16xi32>
        %jit3A_292 = arith.constant 8192 : i32
        %broadcast_in_dim3A_293 = vector.broadcast %jit3A_292 : i32 to vector<16xi32>
        %select_n3A_294 = arith.select %ge3A_280, %broadcast_in_dim3A_293, %and3A_291 : vector<16xi1>, vector<16xi32>
        %swap3A_295 = arith.constant 64 : index
        %swap3A_296 = tpu.vector_load %arg12[%swap3A_295] {strides = array<i32>} : memref<128xi32, #tpu.memory_space<vmem>>, vector<16xi32>,
        tpu.vector_store %arg12[%swap3A_295], %select_n3A_294 {strides = array<i32>} : memref<128xi32, #tpu.memory_space<vmem>>, vector<16xi32>,
        %add3A_297 = arith.constant 80 : i32
        %add3A_298 = arith.addi %add3A_184, %add3A_297 : i32
        %get3A_299 = arith.index_cast %add3A_298 : i32 to index
        %get3A_300 = tpu.vector_load %arg6[%get3A_299] {strides = array<i32>} : memref<16640xi32, #tpu.memory_space<vmem>>, vector<16xi32>,
        %ge3A_301 = arith.constant 524288 : i32
        %ge3A_302 = vector.broadcast %ge3A_301 : i32 to vector<16xi32>
        %ge3A_303 = arith.cmpi sge, %get3A_300, %ge3A_302 : vector<16xi32>
        %and3A_304 = arith.constant 524287 : i32
        %and3A_305 = vector.broadcast %and3A_304 : i32 to vector<16xi32>
        %and3A_306 = arith.andi %get3A_300, %and3A_305 : vector<16xi32>
        %swap3A_307 = arith.constant 80 : index
        %swap3A_308 = tpu.vector_load %arg13[%swap3A_307] {strides = array<i32>} : memref<128xi32, #tpu.memory_space<vmem>>, vector<16xi32>,
        tpu.vector_store %arg13[%swap3A_307], %and3A_306 {strides = array<i32>} : memref<128xi32, #tpu.memory_space<vmem>>, vector<16xi32>,
        %sub3A_309 = vector.broadcast %mul3A_0 : i32 to vector<16xi32>
        %sub3A_310 = arith.subi %and3A_306, %sub3A_309 : vector<16xi32>
        %gather3A_311 = tpu.vector_load_idx %arg7[%sub3A_310] : memref<12544xi32, #tpu.memory_space<vmem>>[vector<16xi32>], vector<16xi32>,
        %and3A_312 = arith.constant 8191 : i32
        %and3A_313 = vector.broadcast %and3A_312 : i32 to vector<16xi32>
        %and3A_314 = arith.andi %gather3A_311, %and3A_313 : vector<16xi32>
        %jit3A_315 = arith.constant 8192 : i32
        %broadcast_in_dim3A_316 = vector.broadcast %jit3A_315 : i32 to vector<16xi32>
        %select_n3A_317 = arith.select %ge3A_303, %broadcast_in_dim3A_316, %and3A_314 : vector<16xi1>, vector<16xi32>
        %swap3A_318 = arith.constant 80 : index
        %swap3A_319 = tpu.vector_load %arg12[%swap3A_318] {strides = array<i32>} : memref<128xi32, #tpu.memory_space<vmem>>, vector<16xi32>,
        tpu.vector_store %arg12[%swap3A_318], %select_n3A_317 {strides = array<i32>} : memref<128xi32, #tpu.memory_space<vmem>>, vector<16xi32>,
        %add3A_320 = arith.constant 96 : i32
        %add3A_321 = arith.addi %add3A_184, %add3A_320 : i32
        %get3A_322 = arith.index_cast %add3A_321 : i32 to index
        %get3A_323 = tpu.vector_load %arg6[%get3A_322] {strides = array<i32>} : memref<16640xi32, #tpu.memory_space<vmem>>, vector<16xi32>,
        %ge3A_324 = arith.constant 524288 : i32
        %ge3A_325 = vector.broadcast %ge3A_324 : i32 to vector<16xi32>
        %ge3A_326 = arith.cmpi sge, %get3A_323, %ge3A_325 : vector<16xi32>
        %and3A_327 = arith.constant 524287 : i32
        %and3A_328 = vector.broadcast %and3A_327 : i32 to vector<16xi32>
        %and3A_329 = arith.andi %get3A_323, %and3A_328 : vector<16xi32>
        %swap3A_330 = arith.constant 96 : index
        %swap3A_331 = tpu.vector_load %arg13[%swap3A_330] {strides = array<i32>} : memref<128xi32, #tpu.memory_space<vmem>>, vector<16xi32>,
        tpu.vector_store %arg13[%swap3A_330], %and3A_329 {strides = array<i32>} : memref<128xi32, #tpu.memory_space<vmem>>, vector<16xi32>,
        %sub3A_332 = vector.broadcast %mul3A_0 : i32 to vector<16xi32>
        %sub3A_333 = arith.subi %and3A_329, %sub3A_332 : vector<16xi32>
        %gather3A_334 = tpu.vector_load_idx %arg7[%sub3A_333] : memref<12544xi32, #tpu.memory_space<vmem>>[vector<16xi32>], vector<16xi32>,
        %and3A_335 = arith.constant 8191 : i32
        %and3A_336 = vector.broadcast %and3A_335 : i32 to vector<16xi32>
        %and3A_337 = arith.andi %gather3A_334, %and3A_336 : vector<16xi32>
        %jit3A_338 = arith.constant 8192 : i32
        %broadcast_in_dim3A_339 = vector.broadcast %jit3A_338 : i32 to vector<16xi32>
        %select_n3A_340 = arith.select %ge3A_326, %broadcast_in_dim3A_339, %and3A_337 : vector<16xi1>, vector<16xi32>
        %swap3A_341 = arith.constant 96 : index
        %swap3A_342 = tpu.vector_load %arg12[%swap3A_341] {strides = array<i32>} : memref<128xi32, #tpu.memory_space<vmem>>, vector<16xi32>,
        tpu.vector_store %arg12[%swap3A_341], %select_n3A_340 {strides = array<i32>} : memref<128xi32, #tpu.memory_space<vmem>>, vector<16xi32>,
        %add3A_343 = arith.constant 112 : i32
        %add3A_344 = arith.addi %add3A_184, %add3A_343 : i32
        %get3A_345 = arith.index_cast %add3A_344 : i32 to index
        %get3A_346 = tpu.vector_load %arg6[%get3A_345] {strides = array<i32>} : memref<16640xi32, #tpu.memory_space<vmem>>, vector<16xi32>,
        %ge3A_347 = arith.constant 524288 : i32
        %ge3A_348 = vector.broadcast %ge3A_347 : i32 to vector<16xi32>
        %ge3A_349 = arith.cmpi sge, %get3A_346, %ge3A_348 : vector<16xi32>
        %and3A_350 = arith.constant 524287 : i32
        %and3A_351 = vector.broadcast %and3A_350 : i32 to vector<16xi32>
        %and3A_352 = arith.andi %get3A_346, %and3A_351 : vector<16xi32>
        %swap3A_353 = arith.constant 112 : index
        %swap3A_354 = tpu.vector_load %arg13[%swap3A_353] {strides = array<i32>} : memref<128xi32, #tpu.memory_space<vmem>>, vector<16xi32>,
        tpu.vector_store %arg13[%swap3A_353], %and3A_352 {strides = array<i32>} : memref<128xi32, #tpu.memory_space<vmem>>, vector<16xi32>,
        %sub3A_355 = vector.broadcast %mul3A_0 : i32 to vector<16xi32>
        %sub3A_356 = arith.subi %and3A_352, %sub3A_355 : vector<16xi32>
        %gather3A_357 = tpu.vector_load_idx %arg7[%sub3A_356] : memref<12544xi32, #tpu.memory_space<vmem>>[vector<16xi32>], vector<16xi32>,
        %and3A_358 = arith.constant 8191 : i32
        %and3A_359 = vector.broadcast %and3A_358 : i32 to vector<16xi32>
        %and3A_360 = arith.andi %gather3A_357, %and3A_359 : vector<16xi32>
        %jit3A_361 = arith.constant 8192 : i32
        %broadcast_in_dim3A_362 = vector.broadcast %jit3A_361 : i32 to vector<16xi32>
        %select_n3A_363 = arith.select %ge3A_349, %broadcast_in_dim3A_362, %and3A_360 : vector<16xi1>, vector<16xi32>
        %swap3A_364 = arith.constant 112 : index
        %swap3A_365 = tpu.vector_load %arg12[%swap3A_364] {strides = array<i32>} : memref<128xi32, #tpu.memory_space<vmem>>, vector<16xi32>,
        tpu.vector_store %arg12[%swap3A_364], %select_n3A_363 {strides = array<i32>} : memref<128xi32, #tpu.memory_space<vmem>>, vector<16xi32>,
        "tpu.region"() ({
          %run_scoped3A = tpu.sem_alloc : memref<!tpu.dma_semaphore, #tpu.memory_space<semaphore_mem>>
          %dma_start3A = arith.constant 0 : i32
          %dma_start3A_366 = arith.constant 0 : i32
          %dma_start3A_367 = tpu.memref_slice %arg4[%dma_start3A, %dma_start3A_366] : memref<200704x64xf32, #tpu.memory_space<hbm>> -> memref<200704x64xf32, #tpu.memory_space<hbm>>
          tpu.enqueue_indirect_dma source(%dma_start3A_367 : memref<200704x64xf32, #tpu.memory_space<hbm>>) target(%arg14 : memref<128x64xf32, #tpu.memory_space<vmem>>) offsets(%arg13 : memref<128xi32, #tpu.memory_space<vmem>>) semaphore(%run_scoped3A : memref<!tpu.dma_semaphore, #tpu.memory_space<semaphore_mem>>)
          %dma_wait3A = arith.constant 0 : i32
          %dma_wait3A_368 = arith.constant 0 : i32
          %dma_wait3A_369 = tpu.memref_slice %arg4[%dma_wait3A, %dma_wait3A_368] : memref<200704x64xf32, #tpu.memory_space<hbm>> -> memref<200704x64xf32, #tpu.memory_space<hbm>>
          tpu.wait_indirect_dma semaphore(%run_scoped3A : memref<!tpu.dma_semaphore, #tpu.memory_space<semaphore_mem>>) src(%dma_wait3A_369 : memref<200704x64xf32, #tpu.memory_space<hbm>>) dst(%arg14 : memref<128x64xf32, #tpu.memory_space<vmem>>)
          tpu.yield
        }) : () -> ()
        "tpu.region"() ({
          %run_scoped3A = tpu.sem_alloc : memref<!tpu.dma_semaphore, #tpu.memory_space<semaphore_mem>>
          %dma_start3A = arith.constant 0 : i32
          %dma_start3A_366 = arith.constant 0 : i32
          %dma_start3A_367 = tpu.memref_slice %arg26[%dma_start3A, %dma_start3A_366] : memref<8200x64xf32, #tpu.memory_space<vmem_shared>> -> memref<8200x64xf32, #tpu.memory_space<vmem_shared>>
          tpu.enqueue_indirect_dma source(%arg14 : memref<128x64xf32, #tpu.memory_space<vmem>>) target(%dma_start3A_367 : memref<8200x64xf32, #tpu.memory_space<vmem_shared>>) offsets(%arg12 : memref<128xi32, #tpu.memory_space<vmem>>) semaphore(%run_scoped3A : memref<!tpu.dma_semaphore, #tpu.memory_space<semaphore_mem>>) {add = true}
          %dma_wait3A = arith.constant 0 : i32
          %dma_wait3A_368 = arith.constant 0 : i32
          %dma_wait3A_369 = tpu.memref_slice %arg26[%dma_wait3A, %dma_wait3A_368] : memref<8200x64xf32, #tpu.memory_space<vmem_shared>> -> memref<8200x64xf32, #tpu.memory_space<vmem_shared>>
          tpu.wait_indirect_dma semaphore(%run_scoped3A : memref<!tpu.dma_semaphore, #tpu.memory_space<semaphore_mem>>) src(%arg14 : memref<128x64xf32, #tpu.memory_space<vmem>>) dst(%dma_wait3A_369 : memref<8200x64xf32, #tpu.memory_space<vmem_shared>>)
          tpu.yield
        }) : () -> ()
      }
      %barrier3A_174 = arith.constant 0 : index
      tpu.barrier barrier_id(%barrier3A_174)
      %mul3A_175 = arith.constant 512 : i32
      %mul3A_176 = arith.muli %arg1, %mul3A_175 : i32
      %mul3A_177 = arith.constant 512 : i32
      %mul3A_178 = arith.muli %arg1, %mul3A_177 : i32
      %add3A_179 = arith.addi %mul3A_65, %mul3A_178 : i32
      "tpu.region"() ({
        %run_scoped3A = tpu.sem_alloc : memref<!tpu.dma_semaphore, #tpu.memory_space<semaphore_mem>>
        %dma_start3A = arith.constant 0 : i32
        %dma_start3A_181 = tpu.memref_slice %arg5[%add3A_179, %dma_start3A] : memref<262144x128xf32, #tpu.memory_space<hbm>> -> memref<512x64xf32, #tpu.memory_space<hbm>>
        %dma_start3A_182 = arith.constant 0 : i32
        %dma_start3A_183 = tpu.memref_slice %arg26[%mul3A_176, %dma_start3A_182] : memref<8200x64xf32, #tpu.memory_space<vmem_shared>> -> memref<512x64xf32, #tpu.memory_space<vmem_shared>>
        tpu.enqueue_dma source(%dma_start3A_183 : memref<512x64xf32, #tpu.memory_space<vmem_shared>>) target(%dma_start3A_181 : memref<512x64xf32, #tpu.memory_space<hbm>>) target_semaphore(%run_scoped3A : memref<!tpu.dma_semaphore, #tpu.memory_space<semaphore_mem>>)
        %dma_wait3A = arith.constant 0 : i32
        %dma_wait3A_184 = tpu.memref_slice %arg5[%add3A_179, %dma_wait3A] : memref<262144x128xf32, #tpu.memory_space<hbm>> -> memref<512x64xf32, #tpu.memory_space<hbm>>
        %dma_wait3A_185 = arith.constant 0 : i32
        %dma_wait3A_186 = tpu.memref_slice %arg26[%mul3A_176, %dma_wait3A_185] : memref<8200x64xf32, #tpu.memory_space<vmem_shared>> -> memref<512x64xf32, #tpu.memory_space<vmem_shared>>
        tpu.wait_dma2 semaphore(%run_scoped3A : memref<!tpu.dma_semaphore, #tpu.memory_space<semaphore_mem>>) src(%dma_wait3A_186 : memref<512x64xf32, #tpu.memory_space<vmem_shared>>) dst(%dma_wait3A_184 : memref<512x64xf32, #tpu.memory_space<hbm>>)
        tpu.yield
      }) : () -> ()
      %barrier3A_180 = arith.constant 0 : index
      tpu.barrier barrier_id(%barrier3A_180)
    }
    %scan3A_59 = arith.constant 16 : i32
    return
  }
}

module attributes {stable_mosaic.version = 14 : i64} {
  func.func @_forward_kernel(%arg0: i32, %arg1: memref<6x4096xf32, #tpu.memory_space<vmem>>, %arg2: memref<6x64xf32, #tpu.memory_space<vmem>>, %arg3: memref<1x64xf32, #tpu.memory_space<vmem>>, %arg4: memref<4096x64xf32, #tpu.memory_space<vmem>>) attributes {dimension_semantics = [#tpu.dimension_semantics<arbitrary>], iteration_bounds = array<i64: 49>, scalar_prefetch = 0 : i64, scratch_operands = 0 : i64, tpu.core_type = #tpu.core_type<tc>, window_params = [{transform_indices = @transform_0, window_bounds = array<i64: 6, 4096>}, {pipeline_mode = #tpu.pipeline_mode<synchronous>, transform_indices = @transform_1, window_bounds = array<i64: 6, 64>}, {pipeline_mode = #tpu.pipeline_mode<synchronous>, transform_indices = @transform_2, window_bounds = array<i64: 1, 64>}, {transform_indices = @transform_3, window_bounds = array<i64: 4096, 64>}]} {
    %get3A = arith.constant 0 : index
    %get3A_0 = arith.constant 0 : index
    %get3A_1 = vector.load %arg1[%get3A, %get3A_0] : memref<6x4096xf32, #tpu.memory_space<vmem>>, vector<6x4096xf32>
    %get3A_2 = arith.constant 0 : index
    %get3A_3 = arith.constant 0 : index
    %get3A_4 = vector.load %arg2[%get3A_2, %get3A_3] : memref<6x64xf32, #tpu.memory_space<vmem>>, vector<6x64xf32>
    %dot_general3A = arith.constant dense<0.000000e+00> : vector<4096x64xf32>
    %dot_general3A_5 = tpu.matmul %get3A_1, %get3A_4, %dot_general3A {dimension_numbers = #tpu.dot_dimension_numbers<[0], [0], [1], [1], [0, 1, 1, 1], [], []>, transpose_lhs_hint = false} : vector<6x4096xf32>, vector<6x64xf32>, vector<4096x64xf32> -> vector<4096x64xf32>
    %get3A_6 = arith.constant 0 : index
    %get3A_7 = arith.constant 0 : index
    %get3A_8 = vector.load %arg3[%get3A_6, %get3A_7] : memref<1x64xf32, #tpu.memory_space<vmem>>, vector<1x64xf32>
    %add3A = vector.broadcast %get3A_8 : vector<1x64xf32> to vector<4096x64xf32>
    %add3A_9 = arith.addf %dot_general3A_5, %add3A : vector<4096x64xf32>
    %max3A = arith.constant 0.000000e+00 : f32
    %max3A_10 = vector.broadcast %max3A : f32 to vector<4096x64xf32>
    %max3A_11 = arith.maximumf %add3A_9, %max3A_10 : vector<4096x64xf32>
    %swap3A = arith.constant 0 : index
    %swap3A_12 = arith.constant 0 : index
    %swap3A_13 = vector.load %arg4[%swap3A, %swap3A_12] : memref<4096x64xf32, #tpu.memory_space<vmem>>, vector<4096x64xf32>
    tpu.vector_store %arg4[%swap3A, %swap3A_12], %max3A_11 {strides = array<i32>} : memref<4096x64xf32, #tpu.memory_space<vmem>>, vector<4096x64xf32>,
    return
  }
  func.func @transform_0(%arg0: i32) -> (i32, i32) {
    %c0_i32 = arith.constant 0 : i32
    %c0_i32_0 = arith.constant 0 : i32
    return %c0_i32, %arg0 : i32, i32
  }
  func.func @transform_1(%arg0: i32) -> (i32, i32) {
    %c0_i32 = arith.constant 0 : i32
    %c0_i32_0 = arith.constant 0 : i32
    %c0_i32_1 = arith.constant 0 : i32
    return %c0_i32, %c0_i32_0 : i32, i32
  }
  func.func @transform_2(%arg0: i32) -> (i32, i32) {
    %c0_i32 = arith.constant 0 : i32
    %c0_i32_0 = arith.constant 0 : i32
    %c0_i32_1 = arith.constant 0 : i32
    return %c0_i32, %c0_i32_0 : i32, i32
  }
  func.func @transform_3(%arg0: i32) -> (i32, i32) {
    %c0_i32 = arith.constant 0 : i32
    %c0_i32_0 = arith.constant 0 : i32
    return %arg0, %c0_i32 : i32, i32
  }
}

module attributes {stable_mosaic.version = 14 : i64} {
  func.func @_stats_fold_kernel(%arg0: memref<6x200704xf32, #tpu.memory_space<vmem>>, %arg1: memref<6x64xf32, #tpu.memory_space<vmem>>, %arg2: memref<1x64xf32, #tpu.memory_space<vmem>>, %arg3: memref<1x64xf32, #tpu.memory_space<vmem>>, %arg4: memref<1x64xf32, #tpu.memory_space<vmem>>, %arg5: memref<6x64xf32, #tpu.memory_space<vmem>>, %arg6: memref<1x64xf32, #tpu.memory_space<vmem>>) attributes {dimension_semantics = [], scalar_prefetch = 0 : i64, scratch_operands = 0 : i64, tpu.core_type = #tpu.core_type<tc>} {
    %get3A = arith.constant 0 : index
    %get3A_0 = arith.constant 0 : index
    %get3A_1 = vector.load %arg0[%get3A, %get3A_0] : memref<6x200704xf32, #tpu.memory_space<vmem>>, vector<6x200704xf32>
    %reduce_sum3A = arith.constant dense<0.000000e+00> : vector<6xf32>
    %reduce_sum3A_2 = vector.multi_reduction <add>, %get3A_1, %reduce_sum3A [1] : vector<6x200704xf32> to vector<6xf32>
    %broadcast_in_dim3A = vector.shape_cast %reduce_sum3A_2 : vector<6xf32> to vector<6x1xf32>
    %transpose3A = tpu.transpose %broadcast_in_dim3A, [1, 0] : vector<6x1xf32> -> vector<1x6xf32>
    %div3A = arith.constant 2.000000e+05 : f32
    %div3A_3 = vector.broadcast %div3A : f32 to vector<1x6xf32>
    %div3A_4 = arith.divf %transpose3A, %div3A_3 : vector<1x6xf32>
    %slice3A = vector.extract_strided_slice %get3A_1 {offsets = [0, 0], sizes = [1, 200704], strides = [1, 1]} : vector<6x200704xf32> to vector<1x200704xf32>
    %mul3A = vector.broadcast %slice3A : vector<1x200704xf32> to vector<6x200704xf32>
    %mul3A_5 = arith.mulf %mul3A, %get3A_1 : vector<6x200704xf32>
    %reduce_sum3A_6 = arith.constant dense<0.000000e+00> : vector<6xf32>
    %reduce_sum3A_7 = vector.multi_reduction <add>, %mul3A_5, %reduce_sum3A_6 [1] : vector<6x200704xf32> to vector<6xf32>
    %broadcast_in_dim3A_8 = vector.shape_cast %reduce_sum3A_7 : vector<6xf32> to vector<6x1xf32>
    %transpose3A_9 = tpu.transpose %broadcast_in_dim3A_8, [1, 0] : vector<6x1xf32> -> vector<1x6xf32>
    %slice3A_10 = vector.extract_strided_slice %get3A_1 {offsets = [1, 0], sizes = [1, 200704], strides = [1, 1]} : vector<6x200704xf32> to vector<1x200704xf32>
    %mul3A_11 = vector.broadcast %slice3A_10 : vector<1x200704xf32> to vector<6x200704xf32>
    %mul3A_12 = arith.mulf %mul3A_11, %get3A_1 : vector<6x200704xf32>
    %reduce_sum3A_13 = arith.constant dense<0.000000e+00> : vector<6xf32>
    %reduce_sum3A_14 = vector.multi_reduction <add>, %mul3A_12, %reduce_sum3A_13 [1] : vector<6x200704xf32> to vector<6xf32>
    %broadcast_in_dim3A_15 = vector.shape_cast %reduce_sum3A_14 : vector<6xf32> to vector<6x1xf32>
    %transpose3A_16 = tpu.transpose %broadcast_in_dim3A_15, [1, 0] : vector<6x1xf32> -> vector<1x6xf32>
    %slice3A_17 = vector.extract_strided_slice %get3A_1 {offsets = [2, 0], sizes = [1, 200704], strides = [1, 1]} : vector<6x200704xf32> to vector<1x200704xf32>
    %mul3A_18 = vector.broadcast %slice3A_17 : vector<1x200704xf32> to vector<6x200704xf32>
    %mul3A_19 = arith.mulf %mul3A_18, %get3A_1 : vector<6x200704xf32>
    %reduce_sum3A_20 = arith.constant dense<0.000000e+00> : vector<6xf32>
    %reduce_sum3A_21 = vector.multi_reduction <add>, %mul3A_19, %reduce_sum3A_20 [1] : vector<6x200704xf32> to vector<6xf32>
    %broadcast_in_dim3A_22 = vector.shape_cast %reduce_sum3A_21 : vector<6xf32> to vector<6x1xf32>
    %transpose3A_23 = tpu.transpose %broadcast_in_dim3A_22, [1, 0] : vector<6x1xf32> -> vector<1x6xf32>
    %slice3A_24 = vector.extract_strided_slice %get3A_1 {offsets = [3, 0], sizes = [1, 200704], strides = [1, 1]} : vector<6x200704xf32> to vector<1x200704xf32>
    %mul3A_25 = vector.broadcast %slice3A_24 : vector<1x200704xf32> to vector<6x200704xf32>
    %mul3A_26 = arith.mulf %mul3A_25, %get3A_1 : vector<6x200704xf32>
    %reduce_sum3A_27 = arith.constant dense<0.000000e+00> : vector<6xf32>
    %reduce_sum3A_28 = vector.multi_reduction <add>, %mul3A_26, %reduce_sum3A_27 [1] : vector<6x200704xf32> to vector<6xf32>
    %broadcast_in_dim3A_29 = vector.shape_cast %reduce_sum3A_28 : vector<6xf32> to vector<6x1xf32>
    %transpose3A_30 = tpu.transpose %broadcast_in_dim3A_29, [1, 0] : vector<6x1xf32> -> vector<1x6xf32>
    %slice3A_31 = vector.extract_strided_slice %get3A_1 {offsets = [4, 0], sizes = [1, 200704], strides = [1, 1]} : vector<6x200704xf32> to vector<1x200704xf32>
    %mul3A_32 = vector.broadcast %slice3A_31 : vector<1x200704xf32> to vector<6x200704xf32>
    %mul3A_33 = arith.mulf %mul3A_32, %get3A_1 : vector<6x200704xf32>
    %reduce_sum3A_34 = arith.constant dense<0.000000e+00> : vector<6xf32>
    %reduce_sum3A_35 = vector.multi_reduction <add>, %mul3A_33, %reduce_sum3A_34 [1] : vector<6x200704xf32> to vector<6xf32>
    %broadcast_in_dim3A_36 = vector.shape_cast %reduce_sum3A_35 : vector<6xf32> to vector<6x1xf32>
    %transpose3A_37 = tpu.transpose %broadcast_in_dim3A_36, [1, 0] : vector<6x1xf32> -> vector<1x6xf32>
    %slice3A_38 = vector.extract_strided_slice %get3A_1 {offsets = [5, 0], sizes = [1, 200704], strides = [1, 1]} : vector<6x200704xf32> to vector<1x200704xf32>
    %mul3A_39 = vector.broadcast %slice3A_38 : vector<1x200704xf32> to vector<6x200704xf32>
    %mul3A_40 = arith.mulf %mul3A_39, %get3A_1 : vector<6x200704xf32>
    %reduce_sum3A_41 = arith.constant dense<0.000000e+00> : vector<6xf32>
    %reduce_sum3A_42 = vector.multi_reduction <add>, %mul3A_40, %reduce_sum3A_41 [1] : vector<6x200704xf32> to vector<6xf32>
    %broadcast_in_dim3A_43 = vector.shape_cast %reduce_sum3A_42 : vector<6xf32> to vector<6x1xf32>
    %transpose3A_44 = tpu.transpose %broadcast_in_dim3A_43, [1, 0] : vector<6x1xf32> -> vector<1x6xf32>
    %concatenate3A = tpu.concatenate %transpose3A_9, %transpose3A_16, %transpose3A_23, %transpose3A_30, %transpose3A_37, %transpose3A_44 in 0 : vector<1x6xf32>, vector<1x6xf32>, vector<1x6xf32>, vector<1x6xf32>, vector<1x6xf32>, vector<1x6xf32> -> vector<6x6xf32>
    %div3A_45 = arith.constant 2.000000e+05 : f32
    %div3A_46 = vector.broadcast %div3A_45 : f32 to vector<6x6xf32>
    %div3A_47 = arith.divf %concatenate3A, %div3A_46 : vector<6x6xf32>
    %get3A_48 = arith.constant 0 : index
    %get3A_49 = arith.constant 0 : index
    %get3A_50 = vector.load %arg1[%get3A_48, %get3A_49] : memref<6x64xf32, #tpu.memory_space<vmem>>, vector<6x64xf32>
    %get3A_51 = arith.constant 0 : index
    %get3A_52 = arith.constant 0 : index
    %get3A_53 = vector.load %arg2[%get3A_51, %get3A_52] : memref<1x64xf32, #tpu.memory_space<vmem>>, vector<1x64xf32>
    %dot_general3A = arith.constant dense<0.000000e+00> : vector<1x64xf32>
    %dot_general3A_54 = tpu.matmul %div3A_4, %get3A_50, %dot_general3A {dimension_numbers = #tpu.dot_dimension_numbers<[1], [0], [0], [1], [0, 0, 1, 1], [], []>, transpose_lhs_hint = false} : vector<1x6xf32>, vector<6x64xf32>, vector<1x64xf32> -> vector<1x64xf32>
    %add3A = arith.addf %dot_general3A_54, %get3A_53 : vector<1x64xf32>
    %dot_general3A_55 = arith.constant dense<0.000000e+00> : vector<6x64xf32>
    %dot_general3A_56 = tpu.matmul %div3A_47, %get3A_50, %dot_general3A_55 {dimension_numbers = #tpu.dot_dimension_numbers<[1], [0], [0], [1], [0, 0, 1, 1], [], []>, transpose_lhs_hint = false} : vector<6x6xf32>, vector<6x64xf32>, vector<6x64xf32> -> vector<6x64xf32>
    %mul3A_57 = arith.mulf %get3A_50, %dot_general3A_56 : vector<6x64xf32>
    %reduce_sum3A_58 = arith.constant dense<0.000000e+00> : vector<64xf32>
    %reduce_sum3A_59 = vector.multi_reduction <add>, %mul3A_57, %reduce_sum3A_58 [0] : vector<6x64xf32> to vector<64xf32>
    %broadcast_in_dim3A_60 = vector.shape_cast %reduce_sum3A_59 : vector<64xf32> to vector<1x64xf32>
    %mul3A_61 = arith.constant 2.000000e+00 : f32
    %mul3A_62 = vector.broadcast %mul3A_61 : f32 to vector<1x64xf32>
    %mul3A_63 = arith.mulf %mul3A_62, %get3A_53 : vector<1x64xf32>
    %mul3A_64 = arith.mulf %mul3A_63, %add3A : vector<1x64xf32>
    %add3A_65 = arith.addf %broadcast_in_dim3A_60, %mul3A_64 : vector<1x64xf32>
    %mul3A_66 = arith.mulf %get3A_53, %get3A_53 : vector<1x64xf32>
    %sub3A = arith.subf %add3A_65, %mul3A_66 : vector<1x64xf32>
    %mul3A_67 = arith.mulf %add3A, %add3A : vector<1x64xf32>
    %sub3A_68 = arith.subf %sub3A, %mul3A_67 : vector<1x64xf32>
    %get3A_69 = arith.constant 0 : index
    %get3A_70 = arith.constant 0 : index
    %get3A_71 = vector.load %arg3[%get3A_69, %get3A_70] : memref<1x64xf32, #tpu.memory_space<vmem>>, vector<1x64xf32>
    %add3A_72 = arith.constant 9.99999974E-6 : f32
    %add3A_73 = vector.broadcast %add3A_72 : f32 to vector<1x64xf32>
    %add3A_74 = arith.addf %sub3A_68, %add3A_73 : vector<1x64xf32>
    %rsqrt3A = math.rsqrt %add3A_74 : vector<1x64xf32>
    %mul3A_75 = arith.mulf %get3A_71, %rsqrt3A : vector<1x64xf32>
    %mul3A_76 = vector.broadcast %mul3A_75 : vector<1x64xf32> to vector<6x64xf32>
    %mul3A_77 = arith.mulf %get3A_50, %mul3A_76 : vector<6x64xf32>
    %swap3A = arith.constant 0 : index
    %swap3A_78 = arith.constant 0 : index
    %swap3A_79 = vector.load %arg5[%swap3A, %swap3A_78] : memref<6x64xf32, #tpu.memory_space<vmem>>, vector<6x64xf32>
    tpu.vector_store %arg5[%swap3A, %swap3A_78], %mul3A_77 {strides = array<i32>} : memref<6x64xf32, #tpu.memory_space<vmem>>, vector<6x64xf32>,
    %sub3A_80 = arith.subf %get3A_53, %add3A : vector<1x64xf32>
    %mul3A_81 = arith.mulf %sub3A_80, %mul3A_75 : vector<1x64xf32>
    %get3A_82 = arith.constant 0 : index
    %get3A_83 = arith.constant 0 : index
    %get3A_84 = vector.load %arg4[%get3A_82, %get3A_83] : memref<1x64xf32, #tpu.memory_space<vmem>>, vector<1x64xf32>
    %add3A_85 = arith.addf %mul3A_81, %get3A_84 : vector<1x64xf32>
    %swap3A_86 = arith.constant 0 : index
    %swap3A_87 = arith.constant 0 : index
    %swap3A_88 = vector.load %arg6[%swap3A_86, %swap3A_87] : memref<1x64xf32, #tpu.memory_space<vmem>>, vector<1x64xf32>
    tpu.vector_store %arg6[%swap3A_86, %swap3A_87], %add3A_85 {strides = array<i32>} : memref<1x64xf32, #tpu.memory_space<vmem>>, vector<1x64xf32>,
    return
  }
}

</mosaic_0001>

<sc_bundles>
// kernel: kernel.5.cloned.1.call-start
scs
__scs_entry_jumppad:
0x0: {  	(pc) =	sbr.rel $0x88, $3  }
0x1: {  	(tag) =	ssettag $0x0;
	lr =	simm.s32 $0x1  }
0x2: {  	[smem:$0x3F9B] =	sst lr;
	_ =	strace $0xD0000000  }
0x3: {  	_ = 	snop  }
0x4: {  	_ = 	snop  }
0x5: {  	_ = 	snop  }
0x6: {  	_ = 	snop  }
0x7: {  	_ = 	snop  }
__scs_overlays_trampoline_lowered:
0x8: {  	[smem:$0x3FAA] =	sst s0  }
0x9: {  	[smem:$0x3FAB] =	sst s1  }
0xa: {  	[smem:$0x3FAC] =	sst s2  }
0xb: {  	[smem:$0x3FAD] =	sst s3  }
0xc: {  	[smem:$0x3FAE] =	sst s4  }
0xd: {  	[smem:$0x3FAF] =	sst s5  }
0xe: {  	[smem:$0x3FB0] =	sst s6  }
0xf: {  	[smem:$0x3FB1] =	sst s7  }
0x10: {  	[smem:$0x3FB2] =	sst s8  }
0x11: {  	[smem:$0x3FB3] =	sst s9;
	s0 =	simm.s32 @!p0 $0x0  }
0x12: {  	s1 =	sld [smem:$0x3F99];
	s0 =	simm.s32 @p0 $0x1  }
0x13: {  	[smem:$0x3FB4] =	sst s0;
	s0 =	simm.s32 @!p1 $0x0  }
0x14: {  	s2 =	sld [smem:$0x3F98];
	s0 =	simm.s32 @p1 $0x1  }
0x15: {  	[smem:$0x3FB5] =	sst s0;
	s0 =	simm.s32 @!p2 $0x0  }
0x16: {  	s3 =	sld [smem:$0x3FDB];
	s0 =	simm.s32 @p2 $0x1  }
0x17: {  	s4 =	simm.s32 $0x1BF5;
	[smem:$0x3FB7] =	sst s0  }
0x18: {  	s0 =	sld [smem:$0x3F9A];
	_ =	swait.ge [sflag:s4], $0x0  }
0x19: {  	s7 =	sld [smem:$0x3F9B]  }
0x1a: {  	s8 =	sadd.s32 $0xFFFFE003, lr  }
0x1b: {  	s9 =	sadd.s32 $0xFFFFFEF7, lr;
	s5 =	simm.s32 $0xFFFFFFFF;
	p2 =	slt.u32 s8, $0xFFFFF086  }
0x1c: {  	p1 =	slt.u32 s9, $0xF7A;
	s5 =	simm.s32 @!p2 $0x0  }
0x1d: {  	s5 =	simm.s32 @p1 $0x1;
	p0 =	seq.s32 s7, s2  }
0x1e: {  	s7 =	smul.u32 @!p0 $0xF7A, s2;
	p2 =	seq.s32 @!p0 s5, $0x0  }
0x1f: {  	s9 =	smul.u32 $0xF7A, s1;
	s8 =	simm.s32 @!p0 $0x1BF5;
	p2 =	por !p2, p0  }
0x20: {  	[sflag:s8] =	ssyncset.s32 @!p0 $0xFFFFF086;
	s6 =	sadd.s32 @!p0 s3, s7;
	s7 =	simm.s32 @!p0 $0x108  }
0x21: {  	s3 =	sadd.s32 s3, s9;
	s6 =	sadd.s32 @!p0 $0x88, s6;
	s7 =	simm.s32 @p2 $0x1082  }
0x22: {  	[simem:s7], [sflag:s8] =	dma.local @!p0 [hbm:s6], $0xF7A  }
0x23: {  	s9 =	sor.u32 $0xD0000000, s2;
	s6 =	simm.s32 $0x108;
	_ =	swait.ge @!p0 [sflag:s8], $0x0  }
0x24: {  	s3 =	sadd.s32 $0x88, s3;
	s6 =	simm.s32 @!p1 $0x1082;
	[sflag:s4] =	ssyncset.s32 $0xFFFFF086  }
0x25: {  	[simem:s6], [sflag:s4] =	dma.local [hbm:s3], $0xF7A  }
0x26: {  	[smem:$0x3F9B] =	sst s1;
	(tag) =	ssettag s2;
	_ =	strace s9  }
0x27: {  	s1 =	sld [smem:$0x3FAB]  }
0x28: {  	s2 =	sld [smem:$0x3FAC]  }
0x29: {  	s4 =	sld [smem:$0x3FAE]  }
0x2a: {  	p0 =	seq.s32 s5, $0x0;
	s5 =	sld [smem:$0x3FAF]  }
0x2b: {  	s6 =	sld [smem:$0x3FB0]  }
0x2c: {  	s7 =	sld [smem:$0x3FB1]  }
0x2d: {  	s3 =	simm.s32 $0x108;
	s8 =	sld [smem:$0x3FB2]  }
0x2e: {  	s3 =	simm.s32 @!p0 $0x1082;
	s9 =	sld [smem:$0x3FB3]  }
0x2f: {  	lr =	sadd.s32 s0, s3;
	s0 =	sld [smem:$0x3FAA]  }
0x30: {  	s3 =	sld [smem:$0x3FAD]  }
0x31: {  	[smem:$0x3FB6] =	sst s10  }
0x32: {  	s10 =	sld [smem:$0x3FB4];
	_ =	sdelay $0x3  }
0x33: {  	p0 =	seq.s32 s10, $0x1;
	s10 =	sld [smem:$0x3FB6];
	_ =	sdelay $0x3  }
0x34: {  	[smem:$0x3FB6] =	sst s10  }
0x35: {  	s10 =	sld [smem:$0x3FB5];
	_ =	sdelay $0x3  }
0x36: {  	p1 =	seq.s32 s10, $0x1;
	s10 =	sld [smem:$0x3FB6];
	_ =	sdelay $0x3  }
0x37: {  	[smem:$0x3FB6] =	sst s10  }
0x38: {  	s10 =	sld [smem:$0x3FB7]  }
0x39: {  	_ = 	snop;
	(pc) =	sbr.ind lr, $3  }
0x3a: {  	_ = 	snop  }
0x3b: {  	_ = 	snop  }
0x3c: {  	p2 =	seq.s32 s10, $0x1;
	s10 =	sld [smem:$0x3FB6]  }
0x3d: {  	_ =	shalt  }
0x3e: {  	_ =	shalt  }
0x3f: {  	_ =	shalt  }
0x40: {  	_ =	shalt  }
0x41: {  	_ =	shalt  }
0x42: {  	_ =	shalt  }
0x43: {  	_ =	shalt  }
0x44: {  	_ =	shalt  }
0x45: {  	_ =	shalt  }
0x46: {  	_ =	shalt  }
0x47: {  	_ =	shalt  }
0x48: {  	_ =	shalt  }
0x49: {  	_ =	shalt  }
0x4a: {  	_ =	shalt  }
0x4b: {  	_ =	shalt  }
0x4c: {  	_ =	shalt  }
0x4d: {  	_ =	shalt  }
0x4e: {  	_ =	shalt  }
0x4f: {  	_ =	shalt  }
0x50: {  	_ =	shalt  }
0x51: {  	_ =	shalt  }
0x52: {  	_ =	shalt  }
0x53: {  	_ =	shalt  }
0x54: {  	_ =	shalt  }
0x55: {  	_ =	shalt  }
0x56: {  	_ =	shalt  }
0x57: {  	_ =	shalt  }
0x58: {  	_ =	shalt  }
0x59: {  	_ =	shalt  }
0x5a: {  	_ =	shalt  }
0x5b: {  	_ =	shalt  }
0x5c: {  	_ =	shalt  }
0x5d: {  	_ =	shalt  }
0x5e: {  	_ =	shalt  }
0x5f: {  	_ =	shalt  }
0x60: {  	_ =	shalt  }
0x61: {  	_ =	shalt  }
0x62: {  	_ =	shalt  }
0x63: {  	_ =	shalt  }
0x64: {  	_ =	shalt  }
0x65: {  	_ =	shalt  }
0x66: {  	_ =	shalt  }
0x67: {  	_ =	shalt  }
0x68: {  	_ =	shalt  }
0x69: {  	_ =	shalt  }
0x6a: {  	_ =	shalt  }
0x6b: {  	_ =	shalt  }
0x6c: {  	_ =	shalt  }
0x6d: {  	_ =	shalt  }
0x6e: {  	_ =	shalt  }
0x6f: {  	_ =	shalt  }
0x70: {  	_ =	shalt  }
0x71: {  	_ =	shalt  }
0x72: {  	_ =	shalt  }
0x73: {  	_ =	shalt  }
0x74: {  	_ =	shalt  }
0x75: {  	_ =	shalt  }
0x76: {  	_ =	shalt  }
0x77: {  	_ =	shalt  }
0x78: {  	_ =	shalt  }
0x79: {  	_ =	shalt  }
0x7a: {  	_ =	shalt  }
0x7b: {  	_ =	shalt  }
0x7c: {  	_ =	shalt  }
0x7d: {  	_ =	shalt  }
0x7e: {  	_ =	shalt  }
0x7f: {  	_ =	shalt  }
0x80: {  	_ =	shalt  }
0x81: {  	_ =	shalt  }
0x82: {  	_ =	shalt  }
0x83: {  	_ =	shalt  }
0x84: {  	_ =	shalt  }
0x85: {  	_ =	shalt  }
0x86: {  	_ =	shalt  }
0x87: {  	_ =	shalt  }
.Lfunc_end0:
.L_simem_size_0:
called_computation.1_lowered:
.L_overlay_start_0:
0x88: {  	s2 =	sld [smem:$0x3FD9]  }
0x89: {  	s3 =	sld [smem:$0x3FFE];
	_ =	sdelay $0x1  }
0x8a: {  	s1 =	srdreg.scid  }
0x8b: {  	s0 =	sand.u32 $0x1, s1  }
0x8c: {  	s17 =	sshll.u32 s0, $0xA;
	s2 =	sadd.s32 s3, s2  }
0x8d: {  	s2 =	sadd.s32 s2, s17  }
0x8e: {  	[smem:$0x3FC2] =	sst s2  }
0x8f: {  	_ = 	snop  }
0x90: {  	s2 =	sld [smem:$0x3FD0];
	(tm) =	ssettm $0x1  }
0x91: {  	s18 =	sld [smem:$0x3FFB];
	_ =	sdelay $0x3  }
0x92: {  	_ =	strace s18  }
0x93: {  	s3 =	sld [smem:$0x3FFC];
	_ =	sdelay $0x3  }
0x94: {  	_ =	strace s3  }
0x95: {  	s3 =	sld [smem:$0x3FFD];
	_ =	sdelay $0x3  }
0x96: {  	_ =	strace s3  }
0x97: {  	_ =	strace $0x8FFFFFFF  }
0x98: {  	s19 =	sld [smem:$0x3FDB];
	_ =	sdelay $0x1  }
0x99: {  	s4 =	simm.s32 $_scs_section_size  }
0x9a: {  	s5 =	simm.s32 $_size__tile_overlayer_lowered;
	s6 =	simm.s32 $_tile_overlayer_lowered  }
0x9b: {  	s22 =	simm.s32 $0x1BFF;
	s21 =	sshll.u32 s6, $0x1;
	s3 =	sadd.s32 s4, s19  }
0x9c: {  	s7 =	simm.s32 $0x0;
	s20 =	sshll.u32 s5, $0x1;
	s5 =	sadd.s32 s21, s3  }
0x9d: {  	[timem:s7], [sflag:s22] =	dma.local [hbm:s5], s20  }
0x9e: {  	_ =	swait.ge [sflag:s22], s20  }
0x9f: {  	s4 =	ssub.s32 $0x0, s20;
	[sflag:s22] =	ssyncset.done $0x0  }
0xa0: {  	[sflag:s22] =	ssyncadd.s32 s4;
	_ =	sdelay $0x1  }
0xa1: {  	s23 =	simm.s32 $0x1B8B  }
0xa2: {  	_ =	swait.ge [sflag:s23], $0x1  }
0xa3: {  	[sflag:s23] =	ssyncset.done $0x0  }
0xa4: {  	s25 =	simm.s32 $0x1B8E;
	s24 =	sld [smem:$0x3FFE];
	[sflag:s23] =	ssyncadd.s32 $0xFFFFFFFF  }
0xa5: {  	s26 =	simm.s32 $execute0_lowered;
	[smem:$0x3FD2] =	sst s25  }
0xa6: {  	s5 =	sshll.u32 s26, $0x1;
	_ =	strace $0x80000046;
	[dreg:$0x1] =	wrdreg $0xFFFFFFFF  }
0xa7: {  	s28 =	simm.s32 $_size_execute0_lowered;
	s3 =	sadd.s32 s3, s5;
	[dreg:$0x0] =	wrdreg $0x0  }
0xa8: {  	s5 =	sshll.u32 s28, $0x1;
	[dreg:$0x2] =	wrdreg s3  }
0xa9: {  	[dreg:$0x3] =	wrdreg s5  }
0xaa: {  	[dreg:$0x4] =	wrdreg $0xC0  }
0xab: {  	_ =	task [dreg:s7], $0x5FFFF  }
0xac: {  	[dreg:$0x1] =	wrdreg $0xFFFFFFFF  }
0xad: {  	[dreg:$0x0] =	wrdreg $0x60  }
0xae: {  	[dreg:$0x2] =	wrdreg s24  }
0xaf: {  	[dreg:$0x3] =	wrdreg s2  }
0xb0: {  	[dreg:$0x4] =	wrdreg $0x13B400  }
0xb1: {  	[dreg:$0x5] =	wrdreg $0x9  }
0xb2: {  	_ =	task.clear_ibuf [dreg:s7], $0x6FFFF;
	_ =	strace $0x90000046  }
0xb3: {  	s29 =	simm.s32 $0x9;
	_ =	strace $0x80000048  }
0xb4: {  	_ =	swait.ge [sflag:s29], $0x1  }
0xb5: {  	[sflag:s29] =	ssyncadd.s32 $0xFFFFFFFF  }
0xb6: {  	_ =	strace $0x90000048  }
0xb7: {  	_ =	sfence  }
0xb8: {  	s30 =	sld [smem:$0x0];
	_ =	sdelay $0x2  }
0xb9: {  	s31 =	sshll.u32 s1, $0xD;
	s1 =	sshrl.u32 s1, $0x2  }
0xba: {  	s3 =	sand.u32 $0x4000, s31;
	s1 =	sadd.s32 s1, s30  }
0xbb: {  	s0 =	sor.u32 s3, s0;
	s1 =	sshll.u32 s1, $0x11  }
0xbc: {  	s0 =	sor.u32 s1, s0  }
0xbd: {  	s0 =	sadd.s32 $0x8F2B, s0  }
0xbe: {  	[sflag:s0] =	ssyncadd.remote.s32 $0x1  }
0xbf: {  	_ =	sfence.sel $0xFFFF  }
0xc0: {  	[dreg:$0x0] =	wrdreg $0xFFFFFFFF;
	(pc) =	sbr.abs _section_cstart, $3  }
0xc1: {  	[dreg:$0x1] =	wrdreg $0xFFFFFFFF  }
0xc2: {  	_ =	task.clear_ibuf [dreg:s7], $0x2FFFF;
	_ =	strace $0x9FFFFFFF  }
0xc3: {  	(tm) =	ssettm $0x7FFFFFFF  }
tec
execute0_lowered:
.L_overlay_start_1:
0x0: {  	(tag) =	ssettag $0x1  }
0x1: {  	s0 =	rddreg [dreg:$0x0]  }
0x2: {  	s2 =	rddreg [dreg:$0x1]  }
0x3: {  	s3 =	rddreg [dreg:$0x2]  }
0x4: {  	s8 =	stileid.u32;
	s4 =	simm.s32 $0x0;
	s1 =	srdreg.scid  }
0x5: {  	s15 =	simm.s32 $0x4100;
	s16 =	simm.s32 $0x5;
	s17 =	simm.s32 $0x7200  }
0x6: {  	s18 =	simm.s32 $0x7400;
	s22 =	simm.s32 $0x11B40;
	s28 =	simm.s32 $0xDB40  }
0x7: {  	s29 =	simm.s32 $0x80;
	s30 =	simm.s32 $0x76C0;
	s31 =	simm.s32 $0x7740  }
0x8: {  	s10 =	smul.u32 $0x3100, s8;
	[smem:$0x7FF] =	sst s4;
	s1 =	sand.u32 $0x1, s1  }
0x9: {  	s6 =	sshll.u32 s8, $0xD;
	s23 =	sshll.u32 s8, $0xF;
	_ =	strace $0x80000047  }
0xa: {  	s5 =	ssub.s32 $0x2, s1;
	s1 =	sshll.u32 s1, $0x4;
	s9 =	sadd.s32 s23, s3  }
0xb: {  	s23 =	simm.s32 $0x100;
	s19 =	sshrl.u32 s10, $0x3;
	s7 =	sshrl.u32 s5, $0x1  }
0xc: {  	s21 =	sor.u32 $0x80000, s10;
	[dreg:$0x7] =	wrdreg s1;
	s25 =	sadd.s32 $0x2000, s9  }
0xd: {  	s26 =	sadd.s32 $0x4000, s9;
	s14 =	sadd.s32 $0x6000, s9;
	[dreg:$0x4] =	wrdreg s10  }
0xe: {  	s4 =	sadd.s32 s19, s0;
	s0 =	sadd.s32 s6, s0;
	[dreg:$0xa] =	wrdreg s25  }
0xf: {  	s5 =	ssub.s32 s5, s7;
	[dreg:$0xb] =	wrdreg s26;
	s20 =	sadd.s32 $0x6C00, s4  }
.Ltmp0:
0x10: {  	s4 =	sadd.s32 $0xA00, s4;
	[dreg:$0x5] =	wrdreg s20;
	(pc) =	sbr.rel .LBB2_1-.Ltmp0, $4  }
0x11: {  	s19 =	simm.s32 $0x7600;
	s0 =	sadd.s32 $0xCE00, s0;
	[dreg:$0x6] =	wrdreg s4  }
0x12: {  	s25 =	simm.s32 $0x9940;
	s24 =	smax.u32 s5, $0x1;
	[dreg:$0x8] =	wrdreg s0  }
0x13: {  	v2 =	vlaneseq.u32;
	v3 =	vimm.f32 $0.0e+00;
	v5 =	vimm.s32 $0x0;
	s26 =	simm.s32 $0xDA40;
	[dreg:$0x9] =	wrdreg s24;
	s20 =	simm.s32 $0x7620  }
0x14: {  	v4 =	vmul.u32 $0x20, v2;
	v1 =	vmov s10;
	v0 =	vmov s21;
	s24 =	simm.s32 $0x9840;
	s0 =	simm.s32 $0x7640;
	s4 =	simm.s32 $0x0  }
.LBB2_27:
0x15: {  	s4 =	rddreg [dreg:$0xc]  }
0x16: {  	s1 =	rddreg [dreg:$0x9];
	s4 =	sadd.s32 $0x1, s4  }
0x17: {  	p0 =	sne.s32 s4, s1  }
.Ltmp1:
0x18: {  	_ = 	snop;
	(pc) =	sbr.rel @!p0 .LBB2_28-.Ltmp1, $1  }
0x19: {  	_ =	sdelay $0x3  }
.LBB2_1:
0x1a: {  	[dreg:$0xc] =	wrdreg s4  }
0x1b: {  	s1 =	simm.s32 $0x0;
	s13 =	rddreg [dreg:$0x5]  }
0x1c: {  	[tilespmem:s15], [sflag:$0x5] =	stream.linear.gather [hbm4b:s13+s1], $0x3100, $0x38;
	[tilespmem:$0x1BB60] =	vst v63  }
0x1d: {  	_ =	swait.ge [sflag:s16], $0x3100  }
0x1e: {  	[sflag:s16] =	ssyncset.done $0x0  }
0x1f: {  	s21 =	rddreg [dreg:$0x6];
	[sflag:s16] =	ssyncadd.s32 $0xFFFFCF00  }
0x20: {  	[tilespmem:s1], [sflag:$0x5] =	stream.linear.gather [hbm4b:s21+s1], $0x3100, $0x38;
	[tilespmem:$0x1BB60] =	vst v63  }
0x21: {  	_ =	swait.ge [sflag:s16], $0x3100  }
0x22: {  	[sflag:s16] =	ssyncset.done $0x0  }
0x23: {  	s4 =	simm.s32 $0x40;
	s1 =	simm.s32 $0x0;
	[sflag:s16] =	ssyncadd.s32 $0xFFFFCF00  }
.LBB2_2:
0x24: {  	p0 =	sne.s32 s4, $0xC3C0;
	v6 =	vld [tilespmem:s1+$0x4100]  }
0x25: {  	v7 =	vld [tilespmem:s1+$0x0];
	_ =	sdelay $0x1  }
.Ltmp2:
0x26: {  	(pc) =	sbr.rel @p0 .LBB2_2-.Ltmp2, $4  }
0x27: {  	_ = 	snop  }
0x28: {  	v6 =	vshll.u32 v6, $0x9  }
0x29: {  	v6 =	vadd.s32 v7, v6  }
0x2a: {  	[tilespmem:s1+$0x4100] =	vst v6;
	s1 =	sshra.s32 s4, $0x2;
	s4 =	sadd.s32 $0x40, s4  }
0x2b: {  	v6 =	vld [tilespmem:s1+$0x4100]  }
0x2c: {  	v7 =	vld [tilespmem:s1+$0x0];
	_ =	sdelay $0x3  }
0x2d: {  	v6 =	vshll.u32 v6, $0x9  }
0x2e: {  	v6 =	vadd.s32 v7, v6  }
0x2f: {  	s5 =	simm.s32 $0x100;
	s4 =	simm.s32 $0x0;
	[tilespmem:s1+$0x4100] =	vst v6;
	s1 =	simm.s32 $0x0  }
.LBB2_4:
0x30: {  	p0 =	sne.s32 s5, $0x7F00;
	[tilespmem:s4+$0x11B70] =	vst v3;
	s6 =	smov.u32 s5;
	s5 =	sadd.s32 $0x100, s5  }
.Ltmp3:
0x31: {  	[tilespmem:s4+$0x11B60] =	vst v3;
	(pc) =	sbr.rel @p0 .LBB2_4-.Ltmp3, $3  }
0x32: {  	[tilespmem:s4+$0x11B40] =	vst v3  }
0x33: {  	[tilespmem:s4+$0x11B50] =	vst v3;
	_ =	sdelay $0x1  }
0x34: {  	s4 =	sshra.s32 s6, $0x2  }
0x35: {  	[tilespmem:s4+$0x11B70] =	vst v3  }
0x36: {  	[tilespmem:s4+$0x11B60] =	vst v3  }
0x37: {  	[tilespmem:s4+$0x11B40] =	vst v3  }
0x38: {  	[tilespmem:s4+$0x11B50] =	vst v3;
	s4 =	simm.s32 $0x1;
	v6 =	vor.u32 s1, v4  }
.LBB2_6:
0x39: {  	p0 =	sne.s32 s4, $0x1F  }
.Ltmp4:
0x3a: {  	_ = 	snop;
	(pc) =	sbr.rel @p0 .LBB2_6-.Ltmp4, $3  }
0x3b: {  	_ =	sdelay $0x1  }
0x3c: {  	[tilespmem:v6+s17+$0x0] =	vst.idx.msk $0xffff, v5;
	s1 =	smov.u32 s4;
	s4 =	sadd.s32 $0x1, s4  }
0x3d: {  	v6 =	vor.u32 s1, v4  }
0x3e: {  	_ =	sdelay $0x3  }
0x3f: {  	[tilespmem:v6+s17+$0x0] =	vst.idx.msk $0xffff, v5;
	s1 =	simm.s32 $0x0;
	s5 =	simm.s32 $0x0;
	s4 =	simm.s32 $0x40  }
.LBB2_8:
0x40: {  	p0 =	sne.s32 s4, $0xC3C0;
	v6 =	vld [tilespmem:s5+$0x4100];
	_ =	sdelay $0x4  }
0x41: {  	v7 =	vshrl.u32 v6, $0xD  }
0x42: {  	vm0 =	vlt.u32 v6, $0x40000;
	v6 =	vmin.u32 v7, $0x1F  }
0x43: {  	v6 =	vor.u32 v4, v6;
	_ =	sdelay $0x4  }
0x44: {  	v7 =	vld.idx.msk [tilespmem:v6+s17+$0x0], vm0;
	_ =	sdelay $0x2  }
.Ltmp5:
0x45: {  	(pc) =	sbr.rel @p0 .LBB2_8-.Ltmp5, $3  }
0x46: {  	_ =	sdelay $0x1  }
0x47: {  	v7 =	vadd.s32 $0x1, v7  }
0x48: {  	s5 =	sshra.s32 s4, $0x2;
	s4 =	sadd.s32 $0x40, s4;
	[tilespmem:v6+s17+$0x0] =	vst.idx.msk vm0, v7  }
0x49: {  	v6 =	vld [tilespmem:s5+$0x4100];
	_ =	sdelay $0x4  }
0x4a: {  	v7 =	vshrl.u32 v6, $0xD  }
0x4b: {  	vm0 =	vlt.u32 v6, $0x40000;
	v6 =	vmin.u32 v7, $0x1F  }
0x4c: {  	v7 =	vor.u32 v4, v6;
	_ =	sdelay $0x4  }
0x4d: {  	v8 =	vld.idx.msk [tilespmem:v7+s17+$0x0], vm0;
	_ =	sdelay $0x1  }
0x4e: {  	v6 =	vor.u32 s1, v4;
	_ =	sdelay $0x2  }
0x4f: {  	v8 =	vadd.s32 $0x1, v8  }
0x50: {  	[tilespmem:v7+s17+$0x0] =	vst.idx.msk vm0, v8  }
0x51: {  	v7 =	vld.idx.msk [tilespmem:v6+s17+$0x0], $0xffff;
	_ =	sdelay $0x4  }
0x52: {  	(xrf0) =	vadd.scan.msk.s32 $0xffff, v7;
	_ =	sdelay $0x5  }
0x53: {  	v10, _, _ =	vpop (xrf0)  }
0x54: {  	(v2sf) =	vpush v10, $0xF  }
0x55: {  	v9 =	vmov s1;
	_ =	sdelay $0x1  }
0x56: {  	s4 =	simm.s32 $0x1;
	v11 =	vsub.s32 s1, v7  }
0x57: {  	s5 =	simm.s32 $0x2;
	v7 =	vor.u32 s4, v4;
	v8 =	vbroadcast v10, $0xF;
	v10 =	vadd.s32 v10, v11  }
.LBB2_10:
0x58: {  	p0 =	sne.s32 s5, $0x1F;
	v11 =	vmov s1;
	[tilespmem:v6+s18+$0x0] =	vst.idx.msk $0xffff, v10;
	v6 =	vmov v7  }
0x59: {  	[tilespmem:v9+s19+$0x0] =	vst.idx.msk $0x1, v11  }
0x5a: {  	[tilespmem:v9+s20+$0x0] =	vst.idx.msk $0x1, v8;
	_ =	sdelay $0x1  }
0x5b: {  	v7 =	vld.idx.msk [tilespmem:v7+s17+$0x0], $0xffff;
	_ =	sdelay $0x5  }
0x5c: {  	(xrf0) =	vadd.scan.msk.s32 $0xffff, v7;
	s6 =	spop (v2sf)  }
0x5d: {  	s7 =	sand.u32 $0x7F, s6  }
0x5e: {  	s8 =	sshra.s32 s6, $0x1F;
	p1 =	slt.s32 s6, $0x1;
	p2 =	sne.s32 s7, $0x0  }
0x5f: {  	s7 =	sshrl.u32 s8, $0x19;
	p1 =	por !p1, !p2  }
0x60: {  	s6 =	sadd.s32 s7, s6;
	s7 =	simm.s32 $0x1;
	p1 =	por !p1, !p1  }
0x61: {  	s6 =	sshrl.u32 s6, $0x7;
	s7 =	simm.s32 @!p1 $0x0  }
0x62: {  	v10, _, _ =	vpop (xrf0);
	s6 =	ssub.s32 s6, s7  }
.Ltmp6:
0x63: {  	v8 =	vbroadcast v10, $0xF;
	(v2sf) =	vpush v10, $0xF;
	s6 =	sshll.u32 s6, $0x7;
	(pc) =	sbr.rel @p0 .LBB2_10-.Ltmp6, $4  }
0x64: {  	v9 =	vmov s4;
	s4 =	smov.u32 s5;
	s1 =	sadd.s32 s6, s1  }
0x65: {  	s1 =	sadd.s32 $0x80, s1  }
0x66: {  	v11 =	vsub.s32 s1, v7  }
0x67: {  	s5 =	sadd.s32 $0x1, s5;
	v7 =	vor.u32 s4, v4;
	v10 =	vadd.s32 v10, v11  }
0x68: {  	_ =	sdelay $0x5  }
0x69: {  	v11 =	vmov s1;
	[tilespmem:v6+s18+$0x0] =	vst.idx.msk $0xffff, v10  }
0x6a: {  	[tilespmem:v9+s19+$0x0] =	vst.idx.msk $0x1, v11  }
0x6b: {  	[tilespmem:v9+s20+$0x0] =	vst.idx.msk $0x1, v8  }
0x6c: {  	v6 =	vld.idx.msk [tilespmem:v7+s17+$0x0], $0xffff  }
0x6d: {  	s5 =	spop (v2sf)  }
0x6e: {  	s6 =	sand.u32 $0x7F, s5  }
0x6f: {  	s7 =	sshra.s32 s5, $0x1F;
	p0 =	slt.s32 s5, $0x1;
	p1 =	sne.s32 s6, $0x0  }
0x70: {  	s10 =	sshrl.u32 s7, $0x19;
	p0 =	por !p0, !p1  }
0x71: {  	(xrf0) =	vadd.scan.msk.s32 $0xffff, v6;
	s6 =	simm.s32 $0x1;
	s5 =	sadd.s32 s10, s5;
	p0 =	por !p0, !p0  }
0x72: {  	s5 =	sshrl.u32 s5, $0x7;
	s6 =	simm.s32 @!p0 $0x0  }
0x73: {  	s5 =	ssub.s32 s5, s6  }
0x74: {  	s5 =	sshll.u32 s5, $0x7  }
0x75: {  	v8 =	vmov s4;
	s11 =	sadd.s32 s5, s1  }
0x76: {  	s1 =	sadd.s32 $0x80, s11  }
0x77: {  	v61, _, _ =	vpop (xrf0);
	v6 =	vsub.s32 s1, v6  }
0x78: {  	v6 =	vadd.s32 v61, v6  }
0x79: {  	v62 =	vbroadcast v61, $0xF;
	v63 =	vmov s1;
	[tilespmem:v7+s18+$0x0] =	vst.idx.msk $0xffff, v6  }
0x7a: {  	[tilespmem:v8+s19+$0x0] =	vst.idx.msk $0x1, v63  }
0x7b: {  	s12 =	simm.s32 $0x0;
	[tilespmem:v8+s20+$0x0] =	vst.idx.msk $0x1, v62  }
0x7c: {  	v6 =	vld [tilespmem:s12+$0x4100];
	_ =	sdelay $0x4  }
0x7d: {  	(v2sf) =	vpush v61, $0xF;
	v7 =	vshrl.u32 v6, $0xD  }
0x7e: {  	vm0 =	vlt.u32 v6, $0x40000;
	v6 =	vmin.u32 v7, $0x1F  }
0x7f: {  	v6 =	vor.u32 v4, v6;
	_ =	sdelay $0x4  }
0x80: {  	v7 =	vld.idx.msk [tilespmem:v6+s18+$0x0], vm0;
	_ =	sdelay $0x5  }
0x81: {  	s13 =	rddreg [dreg:$0x4]  }
0x82: {  	s4 =	smov.u32 s13;
	s1 =	simm.s32 $0x0;
	v8 =	vor.u32 s13, v2  }
0x83: {  	s6 =	simm.s32 $0x80;
	s5 =	simm.s32 $0x40;
	s21 =	spop (v2sf);
	[tilespmem:v7+s1+$0x0] =	vst.idx.msk vm0, v8;
	v7 =	vadd.s32 $0x1, v7  }
.LBB2_12:
0x84: {  	s7 =	sshra.s32 s5, $0x2  }
0x85: {  	[tilespmem:v6+s18+$0x0] =	vst.idx.msk vm0, v7;
	s4 =	sadd.s32 $0x10, s4;
	s5 =	smov.u32 s6;
	s8 =	sadd.s32 $0x40, s6  }
0x86: {  	p0 =	sne.s32 s6, $0xC3C0;
	v6 =	vld [tilespmem:s7+$0x4100];
	_ =	sdelay $0x4  }
0x87: {  	v7 =	vshrl.u32 v6, $0xD  }
0x88: {  	vm0 =	vlt.u32 v6, $0x40000;
	v6 =	vmin.u32 v7, $0x1F  }
0x89: {  	v6 =	vor.u32 v4, v6;
	_ =	sdelay $0x4  }
0x8a: {  	v7 =	vld.idx.msk [tilespmem:v6+s18+$0x0], vm0;
	_ =	sdelay $0x3  }
.Ltmp7:
0x8b: {  	(pc) =	sbr.rel @p0 .LBB2_12-.Ltmp7, $3  }
0x8c: {  	_ =	sdelay $0x1  }
0x8d: {  	v8 =	vor.u32 s4, v2  }
0x8e: {  	s6 =	smov.u32 s8;
	[tilespmem:v7+s1+$0x0] =	vst.idx.msk vm0, v8;
	v7 =	vadd.s32 $0x1, v7  }
0x8f: {  	_ =	sdelay $0x4  }
0x90: {  	s5 =	sshra.s32 s5, $0x2;
	[tilespmem:v6+s18+$0x0] =	vst.idx.msk vm0, v7  }
0x91: {  	v6 =	vld [tilespmem:s5+$0x4100];
	_ =	sdelay $0x4  }
0x92: {  	v7 =	vshrl.u32 v6, $0xD  }
0x93: {  	vm0 =	vlt.u32 v6, $0x40000;
	v6 =	vmin.u32 v7, $0x1F  }
0x94: {  	v6 =	vor.u32 v4, v6;
	_ =	sdelay $0x4  }
0x95: {  	v7 =	vld.idx.msk [tilespmem:v6+s18+$0x0], vm0;
	_ =	sdelay $0x4  }
0x96: {  	v8 =	vmov s1  }
0x97: {  	s4 =	sadd.s32 $0x10, s4  }
0x98: {  	v9 =	vor.u32 s4, v2  }
0x99: {  	[tilespmem:v7+s1+$0x0] =	vst.idx.msk vm0, v9;
	v7 =	vadd.s32 $0x1, v7  }
0x9a: {  	[tilespmem:v6+s18+$0x0] =	vst.idx.msk vm0, v7  }
0x9b: {  	v6 =	vld.idx.msk [tilespmem:v8+s20+$0x0], $0xffff;
	_ =	sdelay $0x4  }
0x9c: {  	(v2sf) =	vpush v6, $0x0;
	_ =	sdelay $0x1  }
0x9d: {  	v6 =	vld.idx.msk [tilespmem:v8+s19+$0x0], $0xffff;
	_ =	sdelay $0x4  }
0x9e: {  	(v2sf) =	vpush v6, $0x0;
	_ =	sdelay $0x7  }
0x9f: {  	s8 =	spop (v2sf)  }
0xa0: {  	s10 =	sadd.s32 $0x7F, s8  }
0xa1: {  	s11 =	sand.u32 $0x7F, s10  }
0xa2: {  	s6 =	sshra.s32 s10, $0x1F;
	p0 =	slt.s32 s10, $0x1;
	p1 =	sne.s32 s11, $0x0  }
0xa3: {  	s12 =	sshrl.u32 s6, $0x19;
	p0 =	por !p0, !p1  }
0xa4: {  	s5 =	simm.s32 $0x1;
	s4 =	sadd.s32 s12, s10;
	p0 =	por !p0, !p0  }
0xa5: {  	s4 =	sshrl.u32 s4, $0x7;
	s5 =	simm.s32 @!p0 $0x0  }
0xa6: {  	s13 =	spop (v2sf);
	s4 =	ssub.s32 s4, s5  }
0xa7: {  	s21 =	sadd.s32 s13, s8;
	s4 =	sshll.u32 s4, $0x7  }
0xa8: {  	v6 =	vadd.s32 s21, v2;
	s7 =	sadd.s32 $0x10, s21;
	s5 =	sadd.s32 s13, s4  }
0xa9: {  	v7 =	vadd.s32 s7, v2;
	vm0 =	vlt.s32 v6, s5  }
0xaa: {  	s8 =	sadd.s32 $0x20, s21;
	vm1 =	vlt.s32 v7, s5  }
0xab: {  	s10 =	sadd.s32 $0x30, s21;
	v8 =	vadd.s32 s8, v2  }
0xac: {  	s11 =	sadd.s32 $0x40, s21;
	v63 =	vadd.s32 s10, v2;
	vm2 =	vlt.s32 v8, s5  }
0xad: {  	s12 =	sadd.s32 $0x50, s21;
	v10 =	vadd.s32 s11, v2;
	vm3 =	vlt.s32 v63, s5  }
0xae: {  	s1 =	simm.s32 $0x0;
	s7 =	sadd.s32 $0x60, s21;
	v11 =	vadd.s32 s12, v2;
	vm4 =	vlt.s32 v10, s5  }
0xaf: {  	v12 =	vadd.s32 s7, v2;
	s13 =	sadd.s32 $0x70, s21;
	vm5 =	vlt.s32 v11, s5;
	[tilespmem:v6+s1+$0x0] =	vst.idx.msk vm0, v0  }
0xb0: {  	vm6 =	vlt.s32 v12, s5;
	[tilespmem:v7+s1+$0x0] =	vst.idx.msk vm1, v0;
	v7 =	vadd.s32 s13, v2  }
0xb1: {  	vm0 =	vlt.s32 v7, s5  }
0xb2: {  	s21 =	simm.s32 $0x1;
	[tilespmem:v8+s1+$0x0] =	vst.idx.msk vm2, v0  }
0xb3: {  	v6 =	vmov s21;
	[tilespmem:v63+s1+$0x0] =	vst.idx.msk vm3, v0  }
0xb4: {  	[tilespmem:v10+s1+$0x0] =	vst.idx.msk vm4, v0  }
0xb5: {  	[tilespmem:v11+s1+$0x0] =	vst.idx.msk vm5, v0  }
0xb6: {  	s4 =	simm.s32 $0x2;
	[tilespmem:v12+s1+$0x0] =	vst.idx.msk vm6, v0  }
.LBB2_14:
0xb7: {  	p0 =	sne.s32 s4, $0x1F;
	[tilespmem:v7+s1+$0x0] =	vst.idx.msk vm0, v0;
	s5 =	smov.u32 s4;
	s4 =	sadd.s32 $0x1, s4  }
0xb8: {  	v7 =	vld.idx.msk [tilespmem:v6+s20+$0x0], $0xffff;
	_ =	sdelay $0x5  }
0xb9: {  	(v2sf) =	vpush v7, $0x0  }
0xba: {  	v6 =	vld.idx.msk [tilespmem:v6+s19+$0x0], $0xffff;
	_ =	sdelay $0x5  }
0xbb: {  	(v2sf) =	vpush v6, $0x0;
	_ =	sdelay $0x7  }
0xbc: {  	s6 =	spop (v2sf)  }
0xbd: {  	s7 =	sadd.s32 $0x7F, s6  }
0xbe: {  	s8 =	sshra.s32 s7, $0x1F;
	s11 =	sand.u32 $0x7F, s7  }
0xbf: {  	p1 =	slt.s32 s7, $0x1;
	s8 =	sshrl.u32 s8, $0x19;
	p2 =	sne.s32 s11, $0x0  }
0xc0: {  	s7 =	sadd.s32 s8, s7;
	p1 =	por !p1, !p2  }
0xc1: {  	s8 =	simm.s32 $0x1;
	p1 =	por !p1, !p1  }
0xc2: {  	s7 =	sshrl.u32 s7, $0x7;
	s8 =	simm.s32 @!p1 $0x0  }
0xc3: {  	s7 =	ssub.s32 s7, s8;
	s8 =	spop (v2sf)  }
0xc4: {  	s6 =	sadd.s32 s8, s6;
	s7 =	sshll.u32 s7, $0x7  }
0xc5: {  	s7 =	sadd.s32 s8, s7;
	v6 =	vadd.s32 s6, v2;
	s8 =	sadd.s32 $0x10, s6;
	s11 =	sadd.s32 $0x30, s6  }
0xc6: {  	s21 =	sadd.s32 $0x40, s6;
	s10 =	sadd.s32 $0x50, s6;
	vm0 =	vlt.s32 v6, s7;
	v8 =	vadd.s32 s8, v2;
	s8 =	sadd.s32 $0x20, s6  }
0xc7: {  	vm1 =	vlt.s32 v8, s7;
	v9 =	vadd.s32 s8, v2;
	s8 =	sadd.s32 $0x60, s6;
	s6 =	sadd.s32 $0x70, s6  }
0xc8: {  	v10 =	vadd.s32 s11, v2;
	vm2 =	vlt.s32 v9, s7  }
0xc9: {  	v11 =	vadd.s32 s21, v2;
	vm3 =	vlt.s32 v10, s7  }
0xca: {  	v12 =	vadd.s32 s10, v2;
	vm4 =	vlt.s32 v11, s7  }
0xcb: {  	vm5 =	vlt.s32 v12, s7;
	v13 =	vadd.s32 s8, v2  }
0xcc: {  	v7 =	vadd.s32 s6, v2;
	vm6 =	vlt.s32 v13, s7;
	[tilespmem:v6+s1+$0x0] =	vst.idx.msk vm0, v0  }
0xcd: {  	vm0 =	vlt.s32 v7, s7;
	[tilespmem:v8+s1+$0x0] =	vst.idx.msk vm1, v0  }
.Ltmp8:
0xce: {  	[tilespmem:v9+s1+$0x0] =	vst.idx.msk vm2, v0;
	(pc) =	sbr.rel @p0 .LBB2_14-.Ltmp8, $4  }
0xcf: {  	v6 =	vmov s5;
	[tilespmem:v10+s1+$0x0] =	vst.idx.msk vm3, v0  }
0xd0: {  	[tilespmem:v11+s1+$0x0] =	vst.idx.msk vm4, v0  }
0xd1: {  	[tilespmem:v12+s1+$0x0] =	vst.idx.msk vm5, v0  }
0xd2: {  	[tilespmem:v13+s1+$0x0] =	vst.idx.msk vm6, v0  }
0xd3: {  	_ =	sdelay $0x4  }
0xd4: {  	[tilespmem:v7+s1+$0x0] =	vst.idx.msk vm0, v0  }
0xd5: {  	v7 =	vld.idx.msk [tilespmem:v6+s20+$0x0], $0xffff;
	_ =	sdelay $0x4  }
0xd6: {  	(v2sf) =	vpush v7, $0x0;
	_ =	sdelay $0x1  }
0xd7: {  	v6 =	vld.idx.msk [tilespmem:v6+s19+$0x0], $0xffff;
	_ =	sdelay $0x4  }
0xd8: {  	(v2sf) =	vpush v6, $0x0;
	_ =	sdelay $0x7  }
0xd9: {  	s21 =	spop (v2sf)  }
0xda: {  	s4 =	sadd.s32 $0x7F, s21  }
0xdb: {  	s5 =	sand.u32 $0x7F, s4  }
0xdc: {  	s6 =	sshra.s32 s4, $0x1F;
	p0 =	slt.s32 s4, $0x1;
	p1 =	sne.s32 s5, $0x0  }
0xdd: {  	s6 =	sshrl.u32 s6, $0x19;
	p0 =	por !p0, !p1  }
0xde: {  	s5 =	simm.s32 $0x1;
	s4 =	sadd.s32 s6, s4;
	p0 =	por !p0, !p0  }
0xdf: {  	s4 =	sshrl.u32 s4, $0x7;
	s5 =	simm.s32 @!p0 $0x0  }
0xe0: {  	s7 =	spop (v2sf);
	s4 =	ssub.s32 s4, s5  }
0xe1: {  	s1 =	sadd.s32 s7, s21;
	s4 =	sshll.u32 s4, $0x7  }
0xe2: {  	v6 =	vadd.s32 s1, v2;
	s8 =	sadd.s32 $0x10, s1;
	s4 =	sadd.s32 s7, s4  }
0xe3: {  	s10 =	sadd.s32 $0x20, s1;
	v7 =	vadd.s32 s8, v2;
	vm13 =	vlt.s32 v6, s4  }
0xe4: {  	s11 =	sadd.s32 $0x30, s1;
	v8 =	vadd.s32 s10, v2;
	vm1 =	vlt.s32 v7, s4  }
0xe5: {  	s12 =	sadd.s32 $0x40, s1;
	v9 =	vadd.s32 s11, v2;
	vm2 =	vlt.s32 v8, s4  }
0xe6: {  	s13 =	sadd.s32 $0x50, s1;
	v10 =	vadd.s32 s12, v2;
	vm3 =	vlt.s32 v9, s4  }
0xe7: {  	s21 =	sadd.s32 $0x60, s1;
	v11 =	vadd.s32 s13, v2;
	vm4 =	vlt.s32 v10, s4  }
0xe8: {  	s1 =	sadd.s32 $0x70, s1;
	s11 =	simm.s32 $0x0;
	v12 =	vadd.s32 s21, v2;
	vm5 =	vlt.s32 v11, s4  }
0xe9: {  	vm14 =	vlt.s32 v12, s4;
	[tilespmem:v6+s11+$0x0] =	vst.idx.msk vm13, v0;
	v6 =	vadd.s32 s1, v2  }
0xea: {  	[tilespmem:v7+s11+$0x0] =	vst.idx.msk vm1, v0;
	vm15 =	vlt.s32 v6, s4  }
0xeb: {  	[tilespmem:v8+s11+$0x0] =	vst.idx.msk vm2, v0  }
.Ltmp9:
0xec: {  	[tilespmem:v9+s11+$0x0] =	vst.idx.msk vm3, v0;
	(pc) =	sbr.rel .LBB2_16-.Ltmp9, $4  }
0xed: {  	[tilespmem:v10+s11+$0x0] =	vst.idx.msk vm4, v0  }
0xee: {  	[tilespmem:v11+s11+$0x0] =	vst.idx.msk vm5, v0  }
0xef: {  	[tilespmem:v12+s11+$0x0] =	vst.idx.msk vm14, v0  }
0xf0: {  	[tilespmem:v6+s11+$0x0] =	vst.idx.msk vm15, v0  }
.LBB2_26:
0xf1: {  	[bflag:$0x0] =	sbarrier.arrive $0xFFFF  }
0xf2: {  	s1 =	sshll.u32 s5, $0x11;
	s4 =	stileid.u32;
	s21 =	sshrl.u32 s9, $0x3  }
0xf3: {  	s6 =	simm.s32 $0x1;
	s7 =	simm.s32 $0x10;
	s8 =	simm.s32 $0x8  }
0xf4: {  	s11 =	sadd.s32 $0x1, s11;
	s4 =	sshll.u32 s4, $0x6;
	s13 =	rddreg [dreg:$0x8]  }
0xf5: {  	p0 =	sne.s32 s11, $0x10;
	s1 =	sadd.s32 s1, s13;
	s4 =	sor.u32 $0x1C05, s4  }
0xf6: {  	[hbm:s1@s7], [sflag:s4] =	dma.strided [spmem:s21@s8], $0x1000, s6, $0x8   }
.Ltmp10:
0xf7: {  	_ =	swait.ge [sflag:s16], $0x1000;
	(pc) =	sbr.rel @!p0 .LBB2_27-.Ltmp10, $3  }
0xf8: {  	[sflag:s16] =	ssyncset.done $0x0  }
0xf9: {  	[sflag:s16] =	ssyncadd.s32 $0xFFFFF000  }
0xfa: {  	[bflag:$0x0] =	sbarrier.arrive $0xFFFF;
	_ =	sdelay $0x1  }
.LBB2_16:
0xfb: {  	s1 =	rddreg [dreg:$0x7]  }
0xfc: {  	s5 =	sadd.s32 s1, s11  }
0xfd: {  	v6 =	vmov s5;
	_ =	sdelay $0x4  }
0xfe: {  	v7 =	vld.idx.msk [tilespmem:v6+s19+$0x0], $0xffff;
	_ =	sdelay $0x4  }
0xff: {  	(v2sf) =	vpush v7, $0x0;
	_ =	sdelay $0xd  }
0x100: {  	v6 =	vld.idx.msk [tilespmem:v6+s20+$0x0], $0xffff;
	[spmem:s9] =	stream.linear.scatter [tilespmem:s22], [sflag:$0x5], $0x2000, $0x38  }
0x101: {  	s1 =	spop (v2sf)  }
0x102: {  	_ =	swait.ge [sflag:s16], $0x2000  }
0x103: {  	[sflag:s16] =	ssyncset.done $0x0  }
0x104: {  	s4 =	rddreg [dreg:$0xa];
	[sflag:s16] =	ssyncadd.s32 $0xFFFFE000  }
0x105: {  	[spmem:s4] =	stream.linear.scatter [tilespmem:s22], [sflag:$0x5], $0x2000, $0x38;
	[tilespmem:$0x1BB60] =	vst v63  }
0x106: {  	_ =	swait.ge [sflag:s16], $0x2000  }
0x107: {  	[sflag:s16] =	ssyncset.done $0x0  }
0x108: {  	s7 =	rddreg [dreg:$0xb];
	[sflag:s16] =	ssyncadd.s32 $0xFFFFE000  }
0x109: {  	[spmem:s7] =	stream.linear.scatter [tilespmem:s22], [sflag:$0x5], $0x2000, $0x38;
	[tilespmem:$0x1BB60] =	vst v63  }
0x10a: {  	_ =	swait.ge [sflag:s16], $0x2000  }
0x10b: {  	[sflag:s16] =	ssyncset.done $0x0  }
0x10c: {  	[sflag:s16] =	ssyncadd.s32 $0xFFFFE000  }
0x10d: {  	[spmem:s14] =	stream.linear.scatter [tilespmem:s22], [sflag:$0x5], $0x2000, $0x38;
	[tilespmem:$0x1BB60] =	vst v63  }
0x10e: {  	_ =	swait.ge [sflag:s16], $0x2000  }
0x10f: {  	(v2sf) =	vpush v6, $0x0;
	_ =	sdelay $0xe  }
0x110: {  	s21 =	spop (v2sf)  }
0x111: {  	s8 =	sand.u32 $0xFF, s21  }
0x112: {  	s6 =	sshra.s32 s21, $0x1F;
	p0 =	slt.s32 s21, $0x1;
	p1 =	sne.s32 s8, $0x0  }
0x113: {  	s10 =	sshrl.u32 s6, $0x18;
	p0 =	por !p0, !p1  }
0x114: {  	s6 =	simm.s32 $0x1;
	s4 =	sadd.s32 s10, s21;
	p0 =	por !p0, !p0  }
0x115: {  	s4 =	sshra.s32 s4, $0x8;
	s6 =	simm.s32 @!p0 $0x0  }
0x116: {  	s7 =	ssub.s32 s4, s6  }
0x117: {  	s4 =	sadd.s32 $0x1, s7  }
0x118: {  	s12 =	sand.u32 $0x1, s4  }
0x119: {  	p5 =	slt.s32 s7, $0x0;
	p6 =	seq.s32 s12, $0x1  }
0x11a: {  	s13 =	sshrl.u32 s4, $0x1F;
	p0 =	por !p5, !p6  }
0x11b: {  	s6 =	simm.s32 $0x1;
	s4 =	sadd.s32 s13, s4;
	p0 =	por !p0, !p0  }
0x11c: {  	s4 =	sshra.s32 s4, $0x1;
	s6 =	simm.s32 @!p0 $0x0  }
0x11d: {  	s4 =	ssub.s32 s4, s6  }
0x11e: {  	p0 =	slt.s32 s4, $0x1  }
.Ltmp11:
0x11f: {  	_ = 	snop;
	(pc) =	sbr.rel @p0 .LBB2_23-.Ltmp11, $4  }
0x120: {  	[sflag:s16] =	ssyncset.done $0x0  }
0x121: {  	[sflag:s16] =	ssyncadd.s32 $0xFFFFE000  }
0x122: {  	[bflag:$0x0] =	sbarrier.arrive $0xFFFF  }
0x123: {  	s1 =	sshll.u32 s1, $0x2  }
.Ltmp12:
0x124: {  	(pc) =	sbr.rel .LBB2_18-.Ltmp12, $3  }
0x125: {  	_ =	sdelay $0x1  }
0x126: {  	s6 =	sshra.s32 s1, $0x2  }
0x127: {  	s8 =	simm.s32 $0x0;
	s6 =	sadd.s32 $0x100, s6  }
.LBB2_22:
0x128: {  	s10 =	simm.s32 @!p0 $0x1  }
0x129: {  	_ =	swait.ge @!p0 [sflag:s10], $0x4000  }
0x12a: {  	s12 =	simm.s32 @!p0 $0x9740;
	s13 =	simm.s32 @!p0 $0x9940;
	[sflag:s10] =	ssyncset.done @!p0 $0x0  }
0x12b: {  	s4 =	sadd.s32 $0xFFFFFFFF, s4;
	[sflag:s10] =	ssyncadd.s32 @!p0 $0xFFFFC000;
	s10 =	simm.s32 @!p0 $0x100  }
0x12c: {  	[spmem:s3] =	stream.indirect.scatter.add.f32 @!p0 [tilespmem:s13], [sflag:$0x3], $0x40, s12, s10, $0xb8;
	[tilespmem:$0x1BB60] =	vst v63  }
0x12d: {  	p0 =	sne.s32 s4, $0x0  }
.Ltmp13:
0x12e: {  	s10 =	simm.s32 @!p1 $0x2;
	(pc) =	sbr.rel @!p0 .LBB2_23-.Ltmp13, $4  }
0x12f: {  	s8 =	sadd.s32 $0x2, s8;
	_ =	swait.ge @!p1 [sflag:s10], $0x4000  }
0x130: {  	s6 =	sadd.s32 $0x200, s6;
	s12 =	simm.s32 @!p1 $0xD940;
	[sflag:s10] =	ssyncset.done @!p1 $0x0  }
0x131: {  	s13 =	simm.s32 @!p1 $0xDB40;
	[sflag:s10] =	ssyncadd.s32 @!p1 $0xFFFFC000;
	s10 =	simm.s32 @!p1 $0x100  }
0x132: {  	[spmem:s3] =	stream.indirect.scatter.add.f32 @!p1 [tilespmem:s13], [sflag:$0x4], $0x40, s12, s10, $0xb8;
	[tilespmem:$0x1BB60] =	vst v63  }
.LBB2_18:
0x133: {  	p0 =	sge.s32 s8, s7  }
.Ltmp14:
0x134: {  	_ = 	snop;
	(pc) =	sbr.rel @p0 .LBB2_20-.Ltmp14, $2  }
0x135: {  	_ =	sdelay $0x2  }
0x136: {  	p2 =	seq.s32 s8, $0x0  }
0x137: {  	s10 =	simm.s32 @!p2 $0x3  }
0x138: {  	_ =	swait.ge @!p2 [sflag:s10], $0x4000  }
0x139: {  	[sflag:s10] =	ssyncset.done @!p2 $0x0  }
0x13a: {  	[sflag:s10] =	ssyncadd.s32 @!p2 $0xFFFFC000  }
0x13b: {  	v6 =	vld [tilespmem:s6+$0xFFFFFF00];
	_ =	sdelay $0x4  }
0x13c: {  	v7 =	vand.u32 $0x7FFFF, v6  }
0x13d: {  	v8 =	vsub.s32 v7, v1  }
0x13e: {  	v9 =	vand.u32 $0x7, v6;
	v8 =	vand.u32 $0xFFFFFFF8, v8  }
0x13f: {  	v8 =	vor.u32 v9, v8;
	_ =	sdelay $0x3  }
0x140: {  	[tilespmem:$0x9840] =	vst v7  }
0x141: {  	v7 =	vld.idx.msk [tilespmem:v8+s15+$0x0], $0xffff;
	_ =	sdelay $0x4  }
0x142: {  	vm0 =	vgt.s32 v6, $0x7FFFF;
	v6 =	vand.u32 $0x1FFF, v7  }
0x143: {  	v6 =	vsel vm0, $0x2000, v6  }
0x144: {  	[tilespmem:$0x9740] =	vst v6  }
0x145: {  	v6 =	vld [tilespmem:s6+$0xFFFFFF10];
	_ =	sdelay $0x4  }
0x146: {  	v7 =	vand.u32 $0x7FFFF, v6  }
0x147: {  	v34 =	vsub.s32 v7, v1  }
0x148: {  	v35 =	vand.u32 $0x7, v6;
	v8 =	vand.u32 $0xFFFFFFF8, v34  }
0x149: {  	v8 =	vor.u32 v35, v8;
	_ =	sdelay $0x3  }
0x14a: {  	[tilespmem:$0x9850] =	vst v7  }
0x14b: {  	v7 =	vld.idx.msk [tilespmem:v8+s15+$0x0], $0xffff;
	_ =	sdelay $0x4  }
0x14c: {  	vm13 =	vgt.s32 v6, $0x7FFFF;
	v6 =	vand.u32 $0x1FFF, v7  }
0x14d: {  	v6 =	vsel vm13, $0x2000, v6  }
0x14e: {  	[tilespmem:$0x9750] =	vst v6  }
0x14f: {  	v6 =	vld [tilespmem:s6+$0xFFFFFF20];
	_ =	sdelay $0x4  }
0x150: {  	v7 =	vand.u32 $0x7FFFF, v6  }
0x151: {  	v36 =	vsub.s32 v7, v1  }
0x152: {  	v37 =	vand.u32 $0x7, v6;
	v8 =	vand.u32 $0xFFFFFFF8, v36  }
0x153: {  	v8 =	vor.u32 v37, v8;
	_ =	sdelay $0x3  }
0x154: {  	[tilespmem:$0x9860] =	vst v7  }
0x155: {  	v7 =	vld.idx.msk [tilespmem:v8+s15+$0x0], $0xffff;
	_ =	sdelay $0x4  }
0x156: {  	vm14 =	vgt.s32 v6, $0x7FFFF;
	v6 =	vand.u32 $0x1FFF, v7  }
0x157: {  	v6 =	vsel vm14, $0x2000, v6  }
0x158: {  	[tilespmem:$0x9760] =	vst v6  }
0x159: {  	v6 =	vld [tilespmem:s6+$0xFFFFFF30];
	_ =	sdelay $0x4  }
0x15a: {  	v7 =	vand.u32 $0x7FFFF, v6  }
0x15b: {  	v38 =	vsub.s32 v7, v1  }
0x15c: {  	v39 =	vand.u32 $0x7, v6;
	v8 =	vand.u32 $0xFFFFFFF8, v38  }
0x15d: {  	v8 =	vor.u32 v39, v8;
	_ =	sdelay $0x3  }
0x15e: {  	[tilespmem:$0x9870] =	vst v7  }
0x15f: {  	v7 =	vld.idx.msk [tilespmem:v8+s15+$0x0], $0xffff;
	_ =	sdelay $0x4  }
0x160: {  	vm15 =	vgt.s32 v6, $0x7FFFF;
	v6 =	vand.u32 $0x1FFF, v7  }
0x161: {  	v6 =	vsel vm15, $0x2000, v6  }
0x162: {  	[tilespmem:$0x9770] =	vst v6  }
0x163: {  	v6 =	vld [tilespmem:s6+$0xFFFFFF40];
	_ =	sdelay $0x4  }
0x164: {  	v7 =	vand.u32 $0x7FFFF, v6  }
0x165: {  	v40 =	vsub.s32 v7, v1  }
0x166: {  	v41 =	vand.u32 $0x7, v6;
	v8 =	vand.u32 $0xFFFFFFF8, v40  }
0x167: {  	v8 =	vor.u32 v41, v8;
	_ =	sdelay $0x3  }
0x168: {  	[tilespmem:$0x9880] =	vst v7  }
0x169: {  	v7 =	vld.idx.msk [tilespmem:v8+s15+$0x0], $0xffff;
	_ =	sdelay $0x4  }
0x16a: {  	vm4 =	vgt.s32 v6, $0x7FFFF;
	v6 =	vand.u32 $0x1FFF, v7  }
0x16b: {  	v6 =	vsel vm4, $0x2000, v6  }
0x16c: {  	[tilespmem:$0x9780] =	vst v6  }
0x16d: {  	v6 =	vld [tilespmem:s6+$0xFFFFFF50];
	_ =	sdelay $0x4  }
0x16e: {  	v7 =	vand.u32 $0x7FFFF, v6  }
0x16f: {  	v42 =	vsub.s32 v7, v1  }
0x170: {  	v43 =	vand.u32 $0x7, v6;
	v8 =	vand.u32 $0xFFFFFFF8, v42  }
0x171: {  	v8 =	vor.u32 v43, v8;
	_ =	sdelay $0x3  }
0x172: {  	[tilespmem:$0x9890] =	vst v7  }
0x173: {  	v7 =	vld.idx.msk [tilespmem:v8+s15+$0x0], $0xffff;
	_ =	sdelay $0x4  }
0x174: {  	vm5 =	vgt.s32 v6, $0x7FFFF;
	v6 =	vand.u32 $0x1FFF, v7  }
0x175: {  	v6 =	vsel vm5, $0x2000, v6  }
0x176: {  	[tilespmem:$0x9790] =	vst v6  }
0x177: {  	v6 =	vld [tilespmem:s6+$0xFFFFFF60];
	_ =	sdelay $0x4  }
0x178: {  	v7 =	vand.u32 $0x7FFFF, v6  }
0x179: {  	v44 =	vsub.s32 v7, v1  }
0x17a: {  	v45 =	vand.u32 $0x7, v6;
	v8 =	vand.u32 $0xFFFFFFF8, v44  }
0x17b: {  	v8 =	vor.u32 v45, v8;
	_ =	sdelay $0x3  }
0x17c: {  	[tilespmem:$0x98A0] =	vst v7  }
0x17d: {  	v7 =	vld.idx.msk [tilespmem:v8+s15+$0x0], $0xffff;
	_ =	sdelay $0x4  }
0x17e: {  	vm6 =	vgt.s32 v6, $0x7FFFF;
	v6 =	vand.u32 $0x1FFF, v7  }
0x17f: {  	v6 =	vsel vm6, $0x2000, v6  }
0x180: {  	[tilespmem:$0x97A0] =	vst v6  }
0x181: {  	v6 =	vld [tilespmem:s6+$0xFFFFFF70];
	_ =	sdelay $0x4  }
0x182: {  	v7 =	vand.u32 $0x7FFFF, v6  }
0x183: {  	v46 =	vsub.s32 v7, v1  }
0x184: {  	v47 =	vand.u32 $0x7, v6;
	v8 =	vand.u32 $0xFFFFFFF8, v46  }
0x185: {  	v8 =	vor.u32 v47, v8;
	_ =	sdelay $0x3  }
0x186: {  	[tilespmem:$0x98B0] =	vst v7  }
0x187: {  	v7 =	vld.idx.msk [tilespmem:v8+s15+$0x0], $0xffff;
	_ =	sdelay $0x4  }
0x188: {  	vm7 =	vgt.s32 v6, $0x7FFFF;
	v6 =	vand.u32 $0x1FFF, v7  }
0x189: {  	v6 =	vsel vm7, $0x2000, v6  }
0x18a: {  	[tilespmem:$0x97B0] =	vst v6  }
0x18b: {  	v6 =	vld [tilespmem:s6+$0xFFFFFF80];
	_ =	sdelay $0x4  }
0x18c: {  	v7 =	vand.u32 $0x7FFFF, v6  }
0x18d: {  	v48 =	vsub.s32 v7, v1  }
0x18e: {  	v49 =	vand.u32 $0x7, v6;
	v8 =	vand.u32 $0xFFFFFFF8, v48  }
0x18f: {  	v8 =	vor.u32 v49, v8;
	_ =	sdelay $0x3  }
0x190: {  	[tilespmem:$0x98C0] =	vst v7  }
0x191: {  	v7 =	vld.idx.msk [tilespmem:v8+s15+$0x0], $0xffff;
	_ =	sdelay $0x4  }
0x192: {  	vm8 =	vgt.s32 v6, $0x7FFFF;
	v6 =	vand.u32 $0x1FFF, v7  }
0x193: {  	v6 =	vsel vm8, $0x2000, v6  }
0x194: {  	[tilespmem:$0x97C0] =	vst v6  }
0x195: {  	v6 =	vld [tilespmem:s6+$0xFFFFFF90];
	_ =	sdelay $0x4  }
0x196: {  	v7 =	vand.u32 $0x7FFFF, v6  }
0x197: {  	v50 =	vsub.s32 v7, v1  }
0x198: {  	v51 =	vand.u32 $0x7, v6;
	v8 =	vand.u32 $0xFFFFFFF8, v50  }
0x199: {  	v8 =	vor.u32 v51, v8;
	_ =	sdelay $0x3  }
0x19a: {  	[tilespmem:$0x98D0] =	vst v7  }
0x19b: {  	v7 =	vld.idx.msk [tilespmem:v8+s15+$0x0], $0xffff;
	_ =	sdelay $0x4  }
0x19c: {  	vm9 =	vgt.s32 v6, $0x7FFFF;
	v6 =	vand.u32 $0x1FFF, v7  }
0x19d: {  	v6 =	vsel vm9, $0x2000, v6  }
0x19e: {  	[tilespmem:$0x97D0] =	vst v6  }
0x19f: {  	v6 =	vld [tilespmem:s6+$0xFFFFFFA0];
	_ =	sdelay $0x4  }
0x1a0: {  	v7 =	vand.u32 $0x7FFFF, v6  }
0x1a1: {  	v52 =	vsub.s32 v7, v1  }
0x1a2: {  	v53 =	vand.u32 $0x7, v6;
	v8 =	vand.u32 $0xFFFFFFF8, v52  }
0x1a3: {  	v8 =	vor.u32 v53, v8;
	_ =	sdelay $0x3  }
0x1a4: {  	[tilespmem:$0x98E0] =	vst v7  }
0x1a5: {  	v7 =	vld.idx.msk [tilespmem:v8+s15+$0x0], $0xffff;
	_ =	sdelay $0x4  }
0x1a6: {  	vm10 =	vgt.s32 v6, $0x7FFFF;
	v6 =	vand.u32 $0x1FFF, v7  }
0x1a7: {  	v6 =	vsel vm10, $0x2000, v6  }
0x1a8: {  	[tilespmem:$0x97E0] =	vst v6  }
0x1a9: {  	v6 =	vld [tilespmem:s6+$0xFFFFFFB0];
	_ =	sdelay $0x4  }
0x1aa: {  	v7 =	vand.u32 $0x7FFFF, v6  }
0x1ab: {  	v54 =	vsub.s32 v7, v1  }
0x1ac: {  	v55 =	vand.u32 $0x7, v6;
	v8 =	vand.u32 $0xFFFFFFF8, v54  }
0x1ad: {  	v8 =	vor.u32 v55, v8;
	_ =	sdelay $0x3  }
0x1ae: {  	[tilespmem:$0x98F0] =	vst v7  }
0x1af: {  	v7 =	vld.idx.msk [tilespmem:v8+s15+$0x0], $0xffff;
	_ =	sdelay $0x4  }
0x1b0: {  	vm11 =	vgt.s32 v6, $0x7FFFF;
	v6 =	vand.u32 $0x1FFF, v7  }
0x1b1: {  	v6 =	vsel vm11, $0x2000, v6  }
0x1b2: {  	[tilespmem:$0x97F0] =	vst v6  }
0x1b3: {  	v6 =	vld [tilespmem:s6+$0xFFFFFFC0];
	_ =	sdelay $0x4  }
0x1b4: {  	v7 =	vand.u32 $0x7FFFF, v6  }
0x1b5: {  	v56 =	vsub.s32 v7, v1  }
0x1b6: {  	v57 =	vand.u32 $0x7, v6;
	v8 =	vand.u32 $0xFFFFFFF8, v56  }
0x1b7: {  	v8 =	vor.u32 v57, v8;
	_ =	sdelay $0x3  }
0x1b8: {  	[tilespmem:$0x9900] =	vst v7  }
0x1b9: {  	v7 =	vld.idx.msk [tilespmem:v8+s15+$0x0], $0xffff;
	_ =	sdelay $0x4  }
0x1ba: {  	vm12 =	vgt.s32 v6, $0x7FFFF;
	v6 =	vand.u32 $0x1FFF, v7  }
0x1bb: {  	v6 =	vsel vm12, $0x2000, v6  }
0x1bc: {  	[tilespmem:$0x9800] =	vst v6  }
0x1bd: {  	v6 =	vld [tilespmem:s6+$0xFFFFFFD0];
	_ =	sdelay $0x4  }
0x1be: {  	v7 =	vand.u32 $0x7FFFF, v6  }
0x1bf: {  	v58 =	vsub.s32 v7, v1  }
0x1c0: {  	v59 =	vand.u32 $0x7, v6;
	v8 =	vand.u32 $0xFFFFFFF8, v58  }
0x1c1: {  	v8 =	vor.u32 v59, v8;
	_ =	sdelay $0x3  }
0x1c2: {  	[tilespmem:$0x9910] =	vst v7  }
0x1c3: {  	v7 =	vld.idx.msk [tilespmem:v8+s15+$0x0], $0xffff;
	_ =	sdelay $0x4  }
0x1c4: {  	vm13 =	vgt.s32 v6, $0x7FFFF;
	v6 =	vand.u32 $0x1FFF, v7  }
0x1c5: {  	v6 =	vsel vm13, $0x2000, v6  }
0x1c6: {  	[tilespmem:$0x9810] =	vst v6  }
0x1c7: {  	v6 =	vld [tilespmem:s6+$0xFFFFFFE0];
	_ =	sdelay $0x4  }
0x1c8: {  	v7 =	vand.u32 $0x7FFFF, v6  }
0x1c9: {  	v60 =	vsub.s32 v7, v1  }
0x1ca: {  	v61 =	vand.u32 $0x7, v6;
	v8 =	vand.u32 $0xFFFFFFF8, v60  }
0x1cb: {  	v8 =	vor.u32 v61, v8;
	_ =	sdelay $0x3  }
0x1cc: {  	[tilespmem:$0x9920] =	vst v7  }
0x1cd: {  	v7 =	vld.idx.msk [tilespmem:v8+s15+$0x0], $0xffff;
	_ =	sdelay $0x4  }
0x1ce: {  	vm14 =	vgt.s32 v6, $0x7FFFF;
	v6 =	vand.u32 $0x1FFF, v7  }
0x1cf: {  	v6 =	vsel vm14, $0x2000, v6  }
0x1d0: {  	[tilespmem:$0x9820] =	vst v6  }
0x1d1: {  	v6 =	vld [tilespmem:s6+$0xFFFFFFF0];
	_ =	sdelay $0x4  }
0x1d2: {  	v7 =	vand.u32 $0x7FFFF, v6  }
0x1d3: {  	v62 =	vsub.s32 v7, v1  }
0x1d4: {  	v63 =	vand.u32 $0x7, v6;
	v8 =	vand.u32 $0xFFFFFFF8, v62  }
0x1d5: {  	v8 =	vor.u32 v63, v8;
	_ =	sdelay $0x3  }
0x1d6: {  	[tilespmem:$0x9930] =	vst v7  }
0x1d7: {  	v7 =	vld.idx.msk [tilespmem:v8+s15+$0x0], $0xffff;
	_ =	sdelay $0x4  }
0x1d8: {  	vm15 =	vgt.s32 v6, $0x7FFFF;
	v6 =	vand.u32 $0x1FFF, v7  }
0x1d9: {  	v6 =	vsel vm15, $0x2000, v6  }
0x1da: {  	[tilespmem:$0x9830] =	vst v6  }
0x1db: {  	[tilespmem:s25], [sflag:$0x1] =	stream.indirect.gather [hbm4b:s2+s23], $0x40, s24, s23, $0xb8;
	[tilespmem:$0x1BB60] =	vst v63  }
.LBB2_20:
0x1dc: {  	s10 =	sadd.s32 $0x1, s8  }
0x1dd: {  	p1 =	sge.s32 s10, s7  }
.Ltmp15:
0x1de: {  	_ = 	snop;
	(pc) =	sbr.rel @p1 .LBB2_22-.Ltmp15, $1  }
0x1df: {  	_ =	sdelay $0x3  }
0x1e0: {  	s10 =	simm.s32 @!p2 $0x4  }
0x1e1: {  	_ =	swait.ge @!p2 [sflag:s10], $0x4000  }
0x1e2: {  	[sflag:s10] =	ssyncset.done @!p2 $0x0  }
0x1e3: {  	[sflag:s10] =	ssyncadd.s32 @!p2 $0xFFFFC000  }
0x1e4: {  	v6 =	vld [tilespmem:s6+$0x0];
	_ =	sdelay $0x4  }
0x1e5: {  	v7 =	vand.u32 $0x7FFFF, v6  }
0x1e6: {  	v8 =	vsub.s32 v7, v1  }
0x1e7: {  	v9 =	vand.u32 $0x7, v6;
	v8 =	vand.u32 $0xFFFFFFF8, v8  }
0x1e8: {  	v8 =	vor.u32 v9, v8;
	_ =	sdelay $0x3  }
0x1e9: {  	[tilespmem:$0xDA40] =	vst v7  }
0x1ea: {  	v7 =	vld.idx.msk [tilespmem:v8+s15+$0x0], $0xffff;
	_ =	sdelay $0x4  }
0x1eb: {  	vm0 =	vgt.s32 v6, $0x7FFFF;
	v6 =	vand.u32 $0x1FFF, v7  }
0x1ec: {  	v6 =	vsel vm0, $0x2000, v6  }
0x1ed: {  	[tilespmem:$0xD940] =	vst v6  }
0x1ee: {  	v6 =	vld [tilespmem:s6+$0x10];
	_ =	sdelay $0x4  }
0x1ef: {  	v7 =	vand.u32 $0x7FFFF, v6  }
0x1f0: {  	v34 =	vsub.s32 v7, v1  }
0x1f1: {  	v35 =	vand.u32 $0x7, v6;
	v8 =	vand.u32 $0xFFFFFFF8, v34  }
0x1f2: {  	v8 =	vor.u32 v35, v8;
	_ =	sdelay $0x3  }
0x1f3: {  	[tilespmem:$0xDA50] =	vst v7  }
0x1f4: {  	v7 =	vld.idx.msk [tilespmem:v8+s15+$0x0], $0xffff;
	_ =	sdelay $0x4  }
0x1f5: {  	vm13 =	vgt.s32 v6, $0x7FFFF;
	v6 =	vand.u32 $0x1FFF, v7  }
0x1f6: {  	v6 =	vsel vm13, $0x2000, v6  }
0x1f7: {  	[tilespmem:$0xD950] =	vst v6  }
0x1f8: {  	v6 =	vld [tilespmem:s6+$0x20];
	_ =	sdelay $0x4  }
0x1f9: {  	v7 =	vand.u32 $0x7FFFF, v6  }
0x1fa: {  	v36 =	vsub.s32 v7, v1  }
0x1fb: {  	v37 =	vand.u32 $0x7, v6;
	v8 =	vand.u32 $0xFFFFFFF8, v36  }
0x1fc: {  	v8 =	vor.u32 v37, v8;
	_ =	sdelay $0x3  }
0x1fd: {  	[tilespmem:$0xDA60] =	vst v7  }
0x1fe: {  	v7 =	vld.idx.msk [tilespmem:v8+s15+$0x0], $0xffff;
	_ =	sdelay $0x4  }
0x1ff: {  	vm14 =	vgt.s32 v6, $0x7FFFF;
	v6 =	vand.u32 $0x1FFF, v7  }
0x200: {  	v6 =	vsel vm14, $0x2000, v6  }
0x201: {  	[tilespmem:$0xD960] =	vst v6  }
0x202: {  	v6 =	vld [tilespmem:s6+$0x30];
	_ =	sdelay $0x4  }
0x203: {  	v7 =	vand.u32 $0x7FFFF, v6  }
0x204: {  	v38 =	vsub.s32 v7, v1  }
0x205: {  	v39 =	vand.u32 $0x7, v6;
	v8 =	vand.u32 $0xFFFFFFF8, v38  }
0x206: {  	v8 =	vor.u32 v39, v8;
	_ =	sdelay $0x3  }
0x207: {  	[tilespmem:$0xDA70] =	vst v7  }
0x208: {  	v7 =	vld.idx.msk [tilespmem:v8+s15+$0x0], $0xffff;
	_ =	sdelay $0x4  }
0x209: {  	vm15 =	vgt.s32 v6, $0x7FFFF;
	v6 =	vand.u32 $0x1FFF, v7  }
0x20a: {  	v6 =	vsel vm15, $0x2000, v6  }
0x20b: {  	[tilespmem:$0xD970] =	vst v6  }
0x20c: {  	v6 =	vld [tilespmem:s6+$0x40];
	_ =	sdelay $0x4  }
0x20d: {  	v7 =	vand.u32 $0x7FFFF, v6  }
0x20e: {  	v40 =	vsub.s32 v7, v1  }
0x20f: {  	v41 =	vand.u32 $0x7, v6;
	v8 =	vand.u32 $0xFFFFFFF8, v40  }
0x210: {  	v8 =	vor.u32 v41, v8;
	_ =	sdelay $0x3  }
0x211: {  	[tilespmem:$0xDA80] =	vst v7  }
0x212: {  	v7 =	vld.idx.msk [tilespmem:v8+s15+$0x0], $0xffff;
	_ =	sdelay $0x4  }
0x213: {  	vm4 =	vgt.s32 v6, $0x7FFFF;
	v6 =	vand.u32 $0x1FFF, v7  }
0x214: {  	v6 =	vsel vm4, $0x2000, v6  }
0x215: {  	[tilespmem:$0xD980] =	vst v6  }
0x216: {  	v6 =	vld [tilespmem:s6+$0x50];
	_ =	sdelay $0x4  }
0x217: {  	v7 =	vand.u32 $0x7FFFF, v6  }
0x218: {  	v42 =	vsub.s32 v7, v1  }
0x219: {  	v43 =	vand.u32 $0x7, v6;
	v8 =	vand.u32 $0xFFFFFFF8, v42  }
0x21a: {  	v8 =	vor.u32 v43, v8;
	_ =	sdelay $0x3  }
0x21b: {  	[tilespmem:$0xDA90] =	vst v7  }
0x21c: {  	v7 =	vld.idx.msk [tilespmem:v8+s15+$0x0], $0xffff;
	_ =	sdelay $0x4  }
0x21d: {  	vm5 =	vgt.s32 v6, $0x7FFFF;
	v6 =	vand.u32 $0x1FFF, v7  }
0x21e: {  	v6 =	vsel vm5, $0x2000, v6  }
0x21f: {  	[tilespmem:$0xD990] =	vst v6  }
0x220: {  	v6 =	vld [tilespmem:s6+$0x60];
	_ =	sdelay $0x4  }
0x221: {  	v7 =	vand.u32 $0x7FFFF, v6  }
0x222: {  	v44 =	vsub.s32 v7, v1  }
0x223: {  	v45 =	vand.u32 $0x7, v6;
	v8 =	vand.u32 $0xFFFFFFF8, v44  }
0x224: {  	v8 =	vor.u32 v45, v8;
	_ =	sdelay $0x3  }
0x225: {  	[tilespmem:$0xDAA0] =	vst v7  }
0x226: {  	v7 =	vld.idx.msk [tilespmem:v8+s15+$0x0], $0xffff;
	_ =	sdelay $0x4  }
0x227: {  	vm6 =	vgt.s32 v6, $0x7FFFF;
	v6 =	vand.u32 $0x1FFF, v7  }
0x228: {  	v6 =	vsel vm6, $0x2000, v6  }
0x229: {  	[tilespmem:$0xD9A0] =	vst v6  }
0x22a: {  	v6 =	vld [tilespmem:s6+$0x70];
	_ =	sdelay $0x4  }
0x22b: {  	v7 =	vand.u32 $0x7FFFF, v6  }
0x22c: {  	v46 =	vsub.s32 v7, v1  }
0x22d: {  	v47 =	vand.u32 $0x7, v6;
	v8 =	vand.u32 $0xFFFFFFF8, v46  }
0x22e: {  	v8 =	vor.u32 v47, v8;
	_ =	sdelay $0x3  }
0x22f: {  	[tilespmem:$0xDAB0] =	vst v7  }
0x230: {  	v7 =	vld.idx.msk [tilespmem:v8+s15+$0x0], $0xffff;
	_ =	sdelay $0x4  }
0x231: {  	vm7 =	vgt.s32 v6, $0x7FFFF;
	v6 =	vand.u32 $0x1FFF, v7  }
0x232: {  	v6 =	vsel vm7, $0x2000, v6  }
0x233: {  	[tilespmem:$0xD9B0] =	vst v6  }
0x234: {  	v6 =	vld [tilespmem:s6+$0x80];
	_ =	sdelay $0x4  }
0x235: {  	v7 =	vand.u32 $0x7FFFF, v6  }
0x236: {  	v48 =	vsub.s32 v7, v1  }
0x237: {  	v49 =	vand.u32 $0x7, v6;
	v8 =	vand.u32 $0xFFFFFFF8, v48  }
0x238: {  	v8 =	vor.u32 v49, v8;
	_ =	sdelay $0x3  }
0x239: {  	[tilespmem:$0xDAC0] =	vst v7  }
0x23a: {  	v7 =	vld.idx.msk [tilespmem:v8+s15+$0x0], $0xffff;
	_ =	sdelay $0x4  }
0x23b: {  	vm8 =	vgt.s32 v6, $0x7FFFF;
	v6 =	vand.u32 $0x1FFF, v7  }
0x23c: {  	v6 =	vsel vm8, $0x2000, v6  }
0x23d: {  	[tilespmem:$0xD9C0] =	vst v6  }
0x23e: {  	v6 =	vld [tilespmem:s6+$0x90];
	_ =	sdelay $0x4  }
0x23f: {  	v7 =	vand.u32 $0x7FFFF, v6  }
0x240: {  	v50 =	vsub.s32 v7, v1  }
0x241: {  	v51 =	vand.u32 $0x7, v6;
	v8 =	vand.u32 $0xFFFFFFF8, v50  }
0x242: {  	v8 =	vor.u32 v51, v8;
	_ =	sdelay $0x3  }
0x243: {  	[tilespmem:$0xDAD0] =	vst v7  }
0x244: {  	v7 =	vld.idx.msk [tilespmem:v8+s15+$0x0], $0xffff;
	_ =	sdelay $0x4  }
0x245: {  	vm9 =	vgt.s32 v6, $0x7FFFF;
	v6 =	vand.u32 $0x1FFF, v7  }
0x246: {  	v6 =	vsel vm9, $0x2000, v6  }
0x247: {  	[tilespmem:$0xD9D0] =	vst v6  }
0x248: {  	v6 =	vld [tilespmem:s6+$0xA0];
	_ =	sdelay $0x4  }
0x249: {  	v7 =	vand.u32 $0x7FFFF, v6  }
0x24a: {  	v52 =	vsub.s32 v7, v1  }
0x24b: {  	v53 =	vand.u32 $0x7, v6;
	v8 =	vand.u32 $0xFFFFFFF8, v52  }
0x24c: {  	v8 =	vor.u32 v53, v8;
	_ =	sdelay $0x3  }
0x24d: {  	[tilespmem:$0xDAE0] =	vst v7  }
0x24e: {  	v7 =	vld.idx.msk [tilespmem:v8+s15+$0x0], $0xffff;
	_ =	sdelay $0x4  }
0x24f: {  	vm10 =	vgt.s32 v6, $0x7FFFF;
	v6 =	vand.u32 $0x1FFF, v7  }
0x250: {  	v6 =	vsel vm10, $0x2000, v6  }
0x251: {  	[tilespmem:$0xD9E0] =	vst v6  }
0x252: {  	v6 =	vld [tilespmem:s6+$0xB0];
	_ =	sdelay $0x4  }
0x253: {  	v7 =	vand.u32 $0x7FFFF, v6  }
0x254: {  	v54 =	vsub.s32 v7, v1  }
0x255: {  	v55 =	vand.u32 $0x7, v6;
	v8 =	vand.u32 $0xFFFFFFF8, v54  }
0x256: {  	v8 =	vor.u32 v55, v8;
	_ =	sdelay $0x3  }
0x257: {  	[tilespmem:$0xDAF0] =	vst v7  }
0x258: {  	v7 =	vld.idx.msk [tilespmem:v8+s15+$0x0], $0xffff;
	_ =	sdelay $0x4  }
0x259: {  	vm11 =	vgt.s32 v6, $0x7FFFF;
	v6 =	vand.u32 $0x1FFF, v7  }
0x25a: {  	v6 =	vsel vm11, $0x2000, v6  }
0x25b: {  	[tilespmem:$0xD9F0] =	vst v6  }
0x25c: {  	v6 =	vld [tilespmem:s6+$0xC0];
	_ =	sdelay $0x4  }
0x25d: {  	v7 =	vand.u32 $0x7FFFF, v6  }
0x25e: {  	v56 =	vsub.s32 v7, v1  }
0x25f: {  	v57 =	vand.u32 $0x7, v6;
	v8 =	vand.u32 $0xFFFFFFF8, v56  }
0x260: {  	v8 =	vor.u32 v57, v8;
	_ =	sdelay $0x3  }
0x261: {  	[tilespmem:$0xDB00] =	vst v7  }
0x262: {  	v7 =	vld.idx.msk [tilespmem:v8+s15+$0x0], $0xffff;
	_ =	sdelay $0x4  }
0x263: {  	vm12 =	vgt.s32 v6, $0x7FFFF;
	v6 =	vand.u32 $0x1FFF, v7  }
0x264: {  	v6 =	vsel vm12, $0x2000, v6  }
0x265: {  	[tilespmem:$0xDA00] =	vst v6  }
0x266: {  	v6 =	vld [tilespmem:s6+$0xD0];
	_ =	sdelay $0x4  }
0x267: {  	v7 =	vand.u32 $0x7FFFF, v6  }
0x268: {  	v58 =	vsub.s32 v7, v1  }
0x269: {  	v59 =	vand.u32 $0x7, v6;
	v8 =	vand.u32 $0xFFFFFFF8, v58  }
0x26a: {  	v8 =	vor.u32 v59, v8;
	_ =	sdelay $0x3  }
0x26b: {  	[tilespmem:$0xDB10] =	vst v7  }
0x26c: {  	v7 =	vld.idx.msk [tilespmem:v8+s15+$0x0], $0xffff;
	_ =	sdelay $0x4  }
0x26d: {  	vm13 =	vgt.s32 v6, $0x7FFFF;
	v6 =	vand.u32 $0x1FFF, v7  }
0x26e: {  	v6 =	vsel vm13, $0x2000, v6  }
0x26f: {  	[tilespmem:$0xDA10] =	vst v6  }
0x270: {  	v6 =	vld [tilespmem:s6+$0xE0];
	_ =	sdelay $0x4  }
0x271: {  	v7 =	vand.u32 $0x7FFFF, v6  }
0x272: {  	v60 =	vsub.s32 v7, v1  }
0x273: {  	v61 =	vand.u32 $0x7, v6;
	v8 =	vand.u32 $0xFFFFFFF8, v60  }
0x274: {  	v8 =	vor.u32 v61, v8;
	_ =	sdelay $0x3  }
0x275: {  	[tilespmem:$0xDB20] =	vst v7  }
0x276: {  	v7 =	vld.idx.msk [tilespmem:v8+s15+$0x0], $0xffff;
	_ =	sdelay $0x4  }
0x277: {  	vm14 =	vgt.s32 v6, $0x7FFFF;
	v6 =	vand.u32 $0x1FFF, v7  }
0x278: {  	v6 =	vsel vm14, $0x2000, v6  }
0x279: {  	[tilespmem:$0xDA20] =	vst v6  }
0x27a: {  	v6 =	vld [tilespmem:s6+$0xF0];
	_ =	sdelay $0x4  }
0x27b: {  	v7 =	vand.u32 $0x7FFFF, v6  }
0x27c: {  	v62 =	vsub.s32 v7, v1  }
0x27d: {  	v63 =	vand.u32 $0x7, v6;
	v8 =	vand.u32 $0xFFFFFFF8, v62  }
0x27e: {  	v8 =	vor.u32 v63, v8;
	_ =	sdelay $0x3  }
0x27f: {  	[tilespmem:$0xDB30] =	vst v7  }
0x280: {  	v7 =	vld.idx.msk [tilespmem:v8+s15+$0x0], $0xffff;
	_ =	sdelay $0x3  }
.Ltmp16:
0x281: {  	_ = 	snop;
	(pc) =	sbr.rel .LBB2_22-.Ltmp16, $4  }
0x282: {  	vm15 =	vgt.s32 v6, $0x7FFFF;
	v6 =	vand.u32 $0x1FFF, v7  }
0x283: {  	v6 =	vsel vm15, $0x2000, v6  }
0x284: {  	[tilespmem:$0xDA30] =	vst v6  }
0x285: {  	[tilespmem:s28], [sflag:$0x2] =	stream.indirect.gather [hbm4b:s2+s23], $0x40, s26, s23, $0xb8;
	[tilespmem:$0x1BB60] =	vst v63  }
.LBB2_23:
0x286: {  	s4 =	sadd.s32 $0x7F, s21  }
0x287: {  	s6 =	sshra.s32 s4, $0x1F  }
0x288: {  	p2 =	slt.s32 s7, $0x1;
	s8 =	sand.u32 $0x7F, s4;
	s6 =	sshrl.u32 s6, $0x19  }
0x289: {  	p0 =	slt.s32 s4, $0x1;
	p1 =	sne.s32 s8, $0x0;
	s6 =	sadd.s32 s6, s4  }
0x28a: {  	p0 =	por !p0, !p1;
	s4 =	sshra.s32 s6, $0x7;
	s6 =	simm.s32 @!p2 $0x3  }
0x28b: {  	s8 =	simm.s32 $0x1;
	p0 =	por !p0, !p0;
	_ =	swait.ge @!p2 [sflag:s6], $0x4000  }
0x28c: {  	p1 =	seq.s32 @!p2 s7, $0x1;
	s8 =	simm.s32 @!p0 $0x0;
	[sflag:s6] =	ssyncset.done @!p2 $0x0  }
0x28d: {  	s8 =	ssub.s32 s4, s8;
	[sflag:s6] =	ssyncadd.s32 @!p2 $0xFFFFC000;
	s6 =	sshll.u32 s7, $0x1  }
0x28e: {  	p1 =	por p1, p2;
	p2 =	sge.s32 s6, s8  }
.Ltmp17:
0x28f: {  	_ = 	snop;
	(pc) =	sbr.rel @p2 .LBB2_26-.Ltmp17, $4  }
0x290: {  	s10 =	simm.s32 @!p1 $0x4  }
0x291: {  	_ =	swait.ge @!p1 [sflag:s10], $0x4000  }
0x292: {  	[sflag:s10] =	ssyncset.done @!p1 $0x0  }
0x293: {  	[sflag:s10] =	ssyncadd.s32 @!p1 $0xFFFFC000  }
0x294: {  	s8 =	simm.s32 $0xFFFFFFFF;
	s7 =	sshll.u32 s7, $0xA  }
0x295: {  	s8 =	simm.s32 @!p0 $0x0;
	s1 =	sadd.s32 s1, s7  }
0x296: {  	s4 =	sadd.s32 s8, s4;
	s7 =	sshra.s32 s1, $0x2  }
0x297: {  	s1 =	ssub.s32 s4, s6;
	s4 =	sadd.s32 $0x40, s7  }
.LBB2_25:
0x298: {  	v6 =	vld [tilespmem:s4+$0xFFFFFFC0];
	_ =	sdelay $0x4  }
0x299: {  	v7 =	vand.u32 $0x7FFFF, v6  }
0x29a: {  	v8 =	vsub.s32 v7, v1  }
0x29b: {  	v9 =	vand.u32 $0x7, v6;
	v8 =	vand.u32 $0xFFFFFFF8, v8  }
0x29c: {  	v8 =	vor.u32 v9, v8;
	_ =	sdelay $0x3  }
0x29d: {  	[tilespmem:$0x76C0] =	vst v7  }
0x29e: {  	v7 =	vld.idx.msk [tilespmem:v8+s15+$0x0], $0xffff;
	_ =	sdelay $0x4  }
0x29f: {  	vm0 =	vgt.s32 v6, $0x7FFFF;
	v6 =	vand.u32 $0x1FFF, v7  }
0x2a0: {  	v6 =	vsel vm0, $0x2000, v6  }
0x2a1: {  	[tilespmem:$0x7640] =	vst v6  }
0x2a2: {  	v6 =	vld [tilespmem:s4+$0xFFFFFFD0];
	_ =	sdelay $0x4  }
0x2a3: {  	v7 =	vand.u32 $0x7FFFF, v6  }
0x2a4: {  	v50 =	vsub.s32 v7, v1  }
0x2a5: {  	v51 =	vand.u32 $0x7, v6;
	v8 =	vand.u32 $0xFFFFFFF8, v50  }
0x2a6: {  	v8 =	vor.u32 v51, v8;
	_ =	sdelay $0x3  }
0x2a7: {  	[tilespmem:$0x76D0] =	vst v7  }
0x2a8: {  	v7 =	vld.idx.msk [tilespmem:v8+s15+$0x0], $0xffff;
	_ =	sdelay $0x4  }
0x2a9: {  	vm9 =	vgt.s32 v6, $0x7FFFF;
	v6 =	vand.u32 $0x1FFF, v7  }
0x2aa: {  	v6 =	vsel vm9, $0x2000, v6  }
0x2ab: {  	[tilespmem:$0x7650] =	vst v6  }
0x2ac: {  	v6 =	vld [tilespmem:s4+$0xFFFFFFE0];
	_ =	sdelay $0x4  }
0x2ad: {  	v7 =	vand.u32 $0x7FFFF, v6  }
0x2ae: {  	v52 =	vsub.s32 v7, v1  }
0x2af: {  	v53 =	vand.u32 $0x7, v6;
	v8 =	vand.u32 $0xFFFFFFF8, v52  }
0x2b0: {  	v8 =	vor.u32 v53, v8;
	_ =	sdelay $0x3  }
0x2b1: {  	[tilespmem:$0x76E0] =	vst v7  }
0x2b2: {  	v7 =	vld.idx.msk [tilespmem:v8+s15+$0x0], $0xffff;
	_ =	sdelay $0x4  }
0x2b3: {  	vm10 =	vgt.s32 v6, $0x7FFFF;
	v6 =	vand.u32 $0x1FFF, v7  }
0x2b4: {  	v6 =	vsel vm10, $0x2000, v6  }
0x2b5: {  	[tilespmem:$0x7660] =	vst v6  }
0x2b6: {  	v6 =	vld [tilespmem:s4+$0xFFFFFFF0];
	_ =	sdelay $0x4  }
0x2b7: {  	v7 =	vand.u32 $0x7FFFF, v6  }
0x2b8: {  	v54 =	vsub.s32 v7, v1  }
0x2b9: {  	v55 =	vand.u32 $0x7, v6;
	v8 =	vand.u32 $0xFFFFFFF8, v54  }
0x2ba: {  	v8 =	vor.u32 v55, v8;
	_ =	sdelay $0x3  }
0x2bb: {  	[tilespmem:$0x76F0] =	vst v7  }
0x2bc: {  	v7 =	vld.idx.msk [tilespmem:v8+s15+$0x0], $0xffff;
	_ =	sdelay $0x4  }
0x2bd: {  	vm11 =	vgt.s32 v6, $0x7FFFF;
	v6 =	vand.u32 $0x1FFF, v7  }
0x2be: {  	v6 =	vsel vm11, $0x2000, v6  }
0x2bf: {  	[tilespmem:$0x7670] =	vst v6  }
0x2c0: {  	v6 =	vld [tilespmem:s4+$0x0];
	_ =	sdelay $0x4  }
0x2c1: {  	v7 =	vand.u32 $0x7FFFF, v6  }
0x2c2: {  	v56 =	vsub.s32 v7, v1  }
0x2c3: {  	v57 =	vand.u32 $0x7, v6;
	v8 =	vand.u32 $0xFFFFFFF8, v56  }
0x2c4: {  	v8 =	vor.u32 v57, v8;
	_ =	sdelay $0x3  }
0x2c5: {  	[tilespmem:$0x7700] =	vst v7  }
0x2c6: {  	v7 =	vld.idx.msk [tilespmem:v8+s15+$0x0], $0xffff;
	_ =	sdelay $0x4  }
0x2c7: {  	vm12 =	vgt.s32 v6, $0x7FFFF;
	v6 =	vand.u32 $0x1FFF, v7  }
0x2c8: {  	v6 =	vsel vm12, $0x2000, v6  }
0x2c9: {  	[tilespmem:$0x7680] =	vst v6  }
0x2ca: {  	v6 =	vld [tilespmem:s4+$0x10];
	_ =	sdelay $0x4  }
0x2cb: {  	v7 =	vand.u32 $0x7FFFF, v6  }
0x2cc: {  	v58 =	vsub.s32 v7, v1  }
0x2cd: {  	v59 =	vand.u32 $0x7, v6;
	v8 =	vand.u32 $0xFFFFFFF8, v58  }
0x2ce: {  	v8 =	vor.u32 v59, v8;
	_ =	sdelay $0x3  }
0x2cf: {  	[tilespmem:$0x7710] =	vst v7  }
0x2d0: {  	v7 =	vld.idx.msk [tilespmem:v8+s15+$0x0], $0xffff;
	_ =	sdelay $0x4  }
0x2d1: {  	vm13 =	vgt.s32 v6, $0x7FFFF;
	v6 =	vand.u32 $0x1FFF, v7  }
0x2d2: {  	v6 =	vsel vm13, $0x2000, v6  }
0x2d3: {  	[tilespmem:$0x7690] =	vst v6  }
0x2d4: {  	v6 =	vld [tilespmem:s4+$0x20];
	_ =	sdelay $0x4  }
0x2d5: {  	v7 =	vand.u32 $0x7FFFF, v6  }
0x2d6: {  	v60 =	vsub.s32 v7, v1  }
0x2d7: {  	v61 =	vand.u32 $0x7, v6;
	v8 =	vand.u32 $0xFFFFFFF8, v60  }
0x2d8: {  	v8 =	vor.u32 v61, v8;
	_ =	sdelay $0x3  }
0x2d9: {  	[tilespmem:$0x7720] =	vst v7  }
0x2da: {  	v7 =	vld.idx.msk [tilespmem:v8+s15+$0x0], $0xffff;
	_ =	sdelay $0x4  }
0x2db: {  	vm14 =	vgt.s32 v6, $0x7FFFF;
	v6 =	vand.u32 $0x1FFF, v7  }
0x2dc: {  	v6 =	vsel vm14, $0x2000, v6  }
0x2dd: {  	[tilespmem:$0x76A0] =	vst v6  }
0x2de: {  	v6 =	vld [tilespmem:s4+$0x30];
	_ =	sdelay $0x4  }
0x2df: {  	v7 =	vand.u32 $0x7FFFF, v6  }
0x2e0: {  	v62 =	vsub.s32 v7, v1  }
0x2e1: {  	v63 =	vand.u32 $0x7, v6;
	v8 =	vand.u32 $0xFFFFFFF8, v62  }
0x2e2: {  	v8 =	vor.u32 v63, v8;
	_ =	sdelay $0x3  }
0x2e3: {  	[tilespmem:$0x7730] =	vst v7  }
0x2e4: {  	v7 =	vld.idx.msk [tilespmem:v8+s15+$0x0], $0xffff;
	_ =	sdelay $0x4  }
0x2e5: {  	vm15 =	vgt.s32 v6, $0x7FFFF;
	v6 =	vand.u32 $0x1FFF, v7  }
0x2e6: {  	v6 =	vsel vm15, $0x2000, v6  }
0x2e7: {  	[tilespmem:$0x76B0] =	vst v6  }
0x2e8: {  	[tilespmem:s31], [sflag:$0x5] =	stream.indirect.gather [hbm4b:s2+s29], $0x40, s30, s29, $0xb8;
	[tilespmem:$0x1BB60] =	vst v63  }
0x2e9: {  	_ =	swait.ge [sflag:s16], $0x2000  }
0x2ea: {  	p0 =	sne.s32 s1, $0x1;
	[sflag:s16] =	ssyncset.done $0x0  }
.Ltmp18:
0x2eb: {  	[sflag:s16] =	ssyncadd.s32 $0xFFFFE000;
	(pc) =	sbr.rel @p0 .LBB2_25-.Ltmp18, $4  }
0x2ec: {  	[spmem:s3] =	stream.indirect.scatter.add.f32 [tilespmem:s31], [sflag:$0x5], $0x40, s0, s29, $0xb8;
	[tilespmem:$0x1BB60] =	vst v63  }
0x2ed: {  	_ =	swait.ge [sflag:s16], $0x2000  }
0x2ee: {  	[sflag:s16] =	ssyncset.done $0x0  }
0x2ef: {  	s1 =	sadd.s32 $0xFFFFFFFF, s1;
	s4 =	sadd.s32 $0x80, s4;
	[sflag:s16] =	ssyncadd.s32 $0xFFFFE000  }
.Ltmp19:
0x2f0: {  	_ = 	snop;
	(pc) =	sbr.rel .LBB2_26-.Ltmp19, $1  }
0x2f1: {  	_ =	sdelay $0x3  }
.LBB2_28:
0x2f2: {  	_ =	sfence.sel $0x180000  }
0x2f3: {  	[bflag:$0x0] =	sbarrier.arrive $0xFFFF  }
0x2f4: {  	_ =	strace $0x90000047  }
0x2f5: {  	s0 =	stileid.u32;
	[bflag:$0x2] =	sbarrier.arrive $0xFFFF  }
0x2f6: {  	p0 =	sne.s32 s0, $0x0;
	s0 =	rddreg [dreg:$0x3]  }
0x2f7: {  	s0 =	sadd.s32 @!p0 $0x100000, s0  }
0x2f8: {  	[sflag:s0] =	ssyncadd.tile.s32 @!p0 $0x1;
	_ =	shalt  }
.Lfunc_end2:
_tile_overlayer_lowered:
.L_overlay_start_2:
0x2f9: {  	(tag) =	ssettag $0x2  }
0x2fa: {  	s0 =	rddreg [dreg:$0x0];
	s2 =	stileid.u32  }
0x2fb: {  	s1 =	rddreg [dreg:$0x1];
	p0 =	sne.s32 s2, $0x0  }
0x2fc: {  	s3 =	rddreg [dreg:$0x2];
	[bflag:$0x3] =	sbarrier.arrive $0xFFFF;
	s2 =	simm.s32 @!p0 $0x1C05  }
0x2fd: {  	[timem:s3], [sflag:s2] =	dma.local @!p0 [hbm:s0], s1  }
0x2fe: {  	s0 =	simm.s32 @!p0 $0x5  }
0x2ff: {  	_ =	swait.ge @!p0 [sflag:s0], s1  }
0x300: {  	s1 =	ssub.s32 @!p0 $0x0, s1;
	[sflag:s0] =	ssyncset.done @!p0 $0x0  }
0x301: {  	[sflag:s0] =	ssyncadd.s32 @!p0 s1  }
0x302: {  	[bflag:$0x3] =	sbarrier.arrive $0xFFFF  }
0x303: {  	_ =	shalt  }

// kernel: sparse-core-data-format-call.cloned.1.call-start
scs
called_computation_lowered:
.L_overlay_start_0:
0x0: {  	s2 =	sld [smem:$0x3FD9]  }
0x1: {  	s3 =	sld [smem:$0x3FFE];
	_ =	sdelay $0x1  }
0x2: {  	s1 =	srdreg.scid  }
0x3: {  	s0 =	sand.u32 $0x1, s1  }
0x4: {  	s18 =	sshll.u32 s0, $0xA;
	s2 =	sadd.s32 s3, s2  }
0x5: {  	s2 =	sadd.s32 s2, s18  }
0x6: {  	[smem:$0x3FC2] =	sst s2  }
0x7: {  	_ = 	snop  }
0x8: {  	s2 =	sld [smem:$0x3FD0];
	(tm) =	ssettm $0x1  }
0x9: {  	s19 =	sld [smem:$0x3FFB];
	_ =	sdelay $0x3  }
0xa: {  	_ =	strace s19  }
0xb: {  	s3 =	sld [smem:$0x3FFC];
	_ =	sdelay $0x3  }
0xc: {  	_ =	strace s3  }
0xd: {  	s3 =	sld [smem:$0x3FFD];
	_ =	sdelay $0x3  }
0xe: {  	_ =	strace s3  }
0xf: {  	_ =	strace $0x8FFFFFFF  }
0x10: {  	s20 =	sld [smem:$0x3FDB];
	_ =	sdelay $0x1  }
0x11: {  	s4 =	simm.s32 $_scs_section_size  }
0x12: {  	s5 =	simm.s32 $_size__tile_overlayer_lowered;
	s6 =	simm.s32 $_tile_overlayer_lowered  }
0x13: {  	s23 =	simm.s32 $0x1BFF;
	s22 =	sshll.u32 s6, $0x1;
	s3 =	sadd.s32 s4, s20  }
0x14: {  	s7 =	simm.s32 $0x0;
	s21 =	sshll.u32 s5, $0x1;
	s5 =	sadd.s32 s22, s3  }
0x15: {  	[timem:s7], [sflag:s23] =	dma.local [hbm:s5], s21  }
0x16: {  	_ =	swait.ge [sflag:s23], s21  }
0x17: {  	s4 =	ssub.s32 $0x0, s21;
	[sflag:s23] =	ssyncset.done $0x0  }
0x18: {  	[sflag:s23] =	ssyncadd.s32 s4;
	_ =	sdelay $0x1  }
0x19: {  	s24 =	simm.s32 $0x1B8B  }
0x1a: {  	_ =	swait.ge [sflag:s24], $0x1  }
0x1b: {  	[sflag:s24] =	ssyncset.done $0x0  }
0x1c: {  	s26 =	simm.s32 $0x1B8E;
	s25 =	sld [smem:$0x3FFE];
	[sflag:s24] =	ssyncadd.s32 $0xFFFFFFFF  }
0x1d: {  	s27 =	simm.s32 $execute0_lowered;
	[smem:$0x3FD2] =	sst s26  }
0x1e: {  	s5 =	sshll.u32 s27, $0x1;
	_ =	strace $0x80000049;
	[dreg:$0x1] =	wrdreg $0xFFFFFFFF  }
0x1f: {  	s28 =	simm.s32 $_size_execute0_lowered;
	s3 =	sadd.s32 s3, s5;
	[dreg:$0x0] =	wrdreg $0x0  }
0x20: {  	s5 =	sshll.u32 s28, $0x1;
	[dreg:$0x2] =	wrdreg s3  }
0x21: {  	[dreg:$0x3] =	wrdreg s5  }
0x22: {  	[dreg:$0x4] =	wrdreg $0xC0  }
0x23: {  	_ =	task [dreg:s7], $0x5FFFF  }
0x24: {  	[dreg:$0x1] =	wrdreg $0xFFFFFFFF  }
0x25: {  	[dreg:$0x0] =	wrdreg $0x60  }
0x26: {  	[dreg:$0x2] =	wrdreg s25  }
0x27: {  	[dreg:$0x3] =	wrdreg s2  }
0x28: {  	[dreg:$0x4] =	wrdreg $0x9  }
0x29: {  	_ =	task.clear_ibuf [dreg:s7], $0x5FFFF;
	_ =	strace $0x90000049  }
0x2a: {  	s29 =	simm.s32 $0x9;
	_ =	strace $0x8000004B  }
0x2b: {  	_ =	swait.ge [sflag:s29], $0x1  }
0x2c: {  	[sflag:s29] =	ssyncadd.s32 $0xFFFFFFFF  }
0x2d: {  	_ =	strace $0x9000004B  }
0x2e: {  	_ =	sfence  }
0x2f: {  	s30 =	sld [smem:$0x0];
	_ =	sdelay $0x2  }
0x30: {  	s31 =	sshll.u32 s1, $0xD;
	s1 =	sshrl.u32 s1, $0x2  }
0x31: {  	s3 =	sand.u32 $0x4000, s31;
	s1 =	sadd.s32 s1, s30  }
0x32: {  	s0 =	sor.u32 s3, s0;
	s1 =	sshll.u32 s1, $0x11  }
0x33: {  	s0 =	sor.u32 s1, s0  }
0x34: {  	s0 =	sadd.s32 $0x8F2B, s0  }
0x35: {  	[sflag:s0] =	ssyncadd.remote.s32 $0x1  }
0x36: {  	_ =	sfence.sel $0xFFFF  }
0x37: {  	[dreg:$0x0] =	wrdreg $0xFFFFFFFF;
	(pc) =	sbr.abs _section_cstart, $3  }
0x38: {  	[dreg:$0x1] =	wrdreg $0xFFFFFFFF  }
0x39: {  	_ =	task.clear_ibuf [dreg:s7], $0x2FFFF;
	_ =	strace $0x9FFFFFFF  }
0x3a: {  	(tm) =	ssettm $0x7FFFFFFF  }
0x3b: {  	_ =	shalt  }
tec
execute0_lowered:
.L_overlay_start_1:
0x0: {  	(tag) =	ssettag $0x1  }
0x1: {  	s0 =	srdreg.scid  }
0x2: {  	s7 =	rddreg [dreg:$0x0];
	s1 =	sshll.u32 s0, $0x4  }
0x3: {  	s3 =	rddreg [dreg:$0x1];
	s0 =	stileid.u32;
	s1 =	sand.u32 $0x10, s1  }
0x4: {  	s6 =	simm.s32 $0x1;
	s31 =	simm.s32 $0x2;
	s1 =	sor.u32 s0, s1  }
0x5: {  	s13 =	simm.s32 $0x0;
	s9 =	simm.s32 $0x1000;
	s2 =	sshll.u32 s1, $0x1  }
0x6: {  	s14 =	simm.s32 $0x0;
	s10 =	simm.s32 $0x0;
	s4 =	ssub.s32 $0x200, s2  }
0x7: {  	s12 =	simm.s32 $0x0;
	s1 =	rddreg [dreg:$0x2];
	s5 =	sand.u32 $0x3E, s4  }
.Ltmp0:
0x8: {  	_ =	strace $0x8000004A;
	p0 =	sne.s32 s5, $0x0;
	(pc) =	sbr.rel .LBB1_1-.Ltmp0, $4  }
0x9: {  	s11 =	smov.u32 s2;
	s8 =	sshrl.u32 s4, $0x6;
	s6 =	simm.s32 @!p0 $0x0  }
0xa: {  	s4 =	sadd.s32 $0xCE00, s7;
	s5 =	simm.s32 $0x1;
	s6 =	sadd.s32 s6, s8  }
0xb: {  	s7 =	sadd.s32 $0xEE00, s7;
	[sflag:s5] =	ssyncpa.u1 $0x0;
	s6 =	sshll.u32 s6, $0x2  }
0xc: {  	p0 =	por $0x0, $0x0;
	[sflag:s31] =	ssyncpa.u1 $0x0;
	s8 =	sor.u32 $0x1, s6  }
.LBB1_7:
0xd: {  	s15 =	sadd.s32 $0x80, s10  }
0xe: {  	s13 =	sadd.s32 $0x40, s11;
	s17 =	smov.u32 s11;
	p2 =	sgt.s32 s15, $0x1FF  }
0xf: {  	s17 =	smov.u32 @p2 s13  }
0x10: {  	s15 =	simm.s32 @p2 $0x0;
	p2 =	sgt.s32 s17, $0x1FF  }
0x11: {  	s17 =	smov.u32 @p2 s2;
	p2 =	sne.s32 s12, s8  }
.Ltmp1:
0x12: {  	p1 =	slt.u32 s12, $0x2;
	(pc) =	sbr.rel @!p2 .LBB1_8-.Ltmp1, $4  }
0x13: {  	s16 =	simm.s32 @!p1 $0x2  }
0x14: {  	s14 =	smov.u32 s11;
	p0 =	por !p0, !p0;
	_ =	swait.ge @!p1 [sflag:s16], $0x4000  }
0x15: {  	s13 =	smov.u32 s10;
	[sflag:s16] =	ssyncset.done @!p1 $0x0;
	s10 =	smov.u32 s15  }
0x16: {  	s12 =	sadd.s32 $0x1, s12;
	[sflag:s16] =	ssyncadd.s32 @!p1 $0xFFFFC000;
	s11 =	smov.u32 s17  }
.LBB1_1:
0x17: {  	p1 =	sge.u32 s12, s6  }
0x18: {  	s15 =	sxor.u32 @!p1 $0xFFFFFFFF, s12;
	s16 =	sshll.u32 @!p1 s11, $0xD  }
0x19: {  	s17 =	sshll.u32 @!p1 s10, $0x4;
	s19 =	simm.s32 @!p1 $0x40;
	s20 =	simm.s32 @!p1 $0x80  }
0x1a: {  	s15 =	sshll.u32 @!p1 s15, $0xE;
	s17 =	sand.u32 @!p1 $0x1FF0, s17;
	s18 =	sadd.s32 @!p1 s4, s16  }
0x1b: {  	s16 =	sadd.s32 @!p1 s16, s7;
	s15 =	sand.u32 @!p1 $0x4000, s15;
	s18 =	sadd.s32 @!p1 s17, s18  }
0x1c: {  	[tilespmem:s15], [sflag:$0x1] =	stream.strided.gather @!p1 [hbm4b:s18+s19], $0x2000, s20, s19, $0x38;
	[tilespmem:$0x10100] =	vst v63  }
0x1d: {  	s31 =	sadd.s32 $0xFFFFFFFF, s12;
	s16 =	sadd.s32 @!p1 s17, s16;
	s15 =	sor.u32 @!p1 $0x2000, s15  }
0x1e: {  	[tilespmem:s15], [sflag:$0x1] =	stream.strided.gather @!p1 [hbm4b:s16+s19], $0x2000, s20, s19, $0x38;
	[tilespmem:$0x10100] =	vst v63  }
0x1f: {  	p1 =	sge.u32 s31, s6  }
.Ltmp2:
0x20: {  	_ = 	snop;
	(pc) =	sbr.rel @p1 .LBB1_7-.Ltmp2, $1  }
0x21: {  	_ =	sdelay $0x3  }
0x22: {  	s15 =	simm.s32 $0x1;
	s17 =	sand.u32 $0x1, s12  }
0x23: {  	_ =	swait.ge [sflag:s5], $0x4000;
	s15 =	simm.s32 @!p0 $0x0;
	s17 =	smul.u32 $0x10200, s17  }
0x24: {  	p2 =	por $0x1, $0x1;
	[sflag:s5] =	ssyncset.done $0x0;
	s16 =	smul.u32 $0x10200, s15  }
0x25: {  	s18 =	sshll.u32 s15, $0x10;
	[sflag:s5] =	ssyncadd.s32 $0xFFFFC000;
	s30 =	sshrl.u32 s17, $0x2  }
0x26: {  	s31 =	sshrl.u32 s18, $0x2;
	s18 =	simm.s32 $0x0;
	s16 =	sshrl.u32 s16, $0x2  }
0x27: {  	s15 =	sor.u32 $0x8000, s30;
	s17 =	sadd.s32 $0x20, s31;
	s16 =	sor.u32 $0x8000, s16  }
.LBB1_3:
0x28: {  	s19 =	sshll.u32 s18, $0xD  }
0x29: {  	s19 =	sand.u32 $0x3FFFE000, s19  }
0x2a: {  	s21 =	sadd.s32 s19, s17  }
0x2b: {  	s31 =	smul.u32 $0x8100, s18;
	v3 =	vld [tilespmem:s21+$0x10]  }
0x2c: {  	v1 =	vld [tilespmem:s21+$0xFFFFFFF0]  }
0x2d: {  	s18 =	sshra.s32 s31, $0x2;
	v0 =	vld [tilespmem:s21+$0x0]  }
0x2e: {  	s18 =	sadd.s32 s18, s16;
	v2 =	vld [tilespmem:s21+$0xFFFFFFE0]  }
0x2f: {  	s19 =	sadd.s32 $0x0, s18  }
0x30: {  	p1 =	por p2, p2;
	s20 =	simm.s32 $0x4;
	s21 =	sadd.s32 $0x40, s21;
	[tilespmem:s19+$0x1830 ss:$0x81] =	vst.msk $0xffff, v3  }
.LBB1_4:
0x31: {  	v3 =	vld [tilespmem:s21+$0x10];
	p2 =	sne.s32 s20, $0x1FC;
	[tilespmem:s19+$0x810 ss:$0x81] =	vst.msk $0xffff, v1;
	s22 =	smov.u32 s20;
	s20 =	sadd.s32 $0x4, s20  }
.Ltmp3:
0x32: {  	v1 =	vld [tilespmem:s21+$0xFFFFFFF0];
	[tilespmem:s19+$0x1020 ss:$0x81] =	vst.msk $0xffff, v0;
	(pc) =	sbr.rel @p2 .LBB1_4-.Ltmp3, $4  }
0x33: {  	v0 =	vld [tilespmem:s21+$0x0];
	[tilespmem:s19+$0x0 ss:$0x81] =	vst.msk $0xffff, v2  }
0x34: {  	s19 =	sshra.s32 s22, $0x2;
	v2 =	vld [tilespmem:s21+$0xFFFFFFE0]  }
0x35: {  	s19 =	sadd.s32 s19, s18  }
0x36: {  	s21 =	sadd.s32 $0x40, s21;
	[tilespmem:s19+$0x1830 ss:$0x81] =	vst.msk $0xffff, v3  }
.Ltmp4:
0x37: {  	(pc) =	sbr.rel @p1 .LBB1_3-.Ltmp4, $4  }
0x38: {  	_ = 	snop  }
0x39: {  	[tilespmem:s19+$0x810 ss:$0x81] =	vst.msk $0xffff, v1  }
0x3a: {  	[tilespmem:s19+$0x1020 ss:$0x81] =	vst.msk $0xffff, v0  }
0x3b: {  	s18 =	simm.s32 $0x1;
	p2 =	por $0x0, $0x0;
	[tilespmem:s19+$0x0 ss:$0x81] =	vst.msk $0xffff, v2  }
.Ltmp5:
0x3c: {  	s16 =	sand.u32 $0xF80, s13;
	s14 =	sshll.u32 s14, $0xC;
	(pc) =	sbr.rel .LBB1_7-.Ltmp5, $4  }
0x3d: {  	s17 =	sshrl.u32 s13, $0x3;
	s31 =	sand.u32 $0x7, s13;
	s14 =	sadd.s32 s3, s14  }
0x3e: {  	s17 =	sand.u32 $0xF, s17;
	s13 =	sshll.u32 s31, $0x12;
	s14 =	sadd.s32 s16, s14  }
0x3f: {  	s13 =	sor.u32 $0x400, s13;
	s14 =	sadd.s32 s17, s14  }
0x40: {  	[hbm4b:s14+s13] =	stream.strided.scatter [tilespmem:s15], [sflag:$0x2], $0x4000, s9, s13, $0x20;
	[tilespmem:$0x10100] =	vst v63  }
.LBB1_8:
0x41: {  	_ =	sfence.sel $0x180000  }
0x42: {  	s2 =	simm.s32 $0x1;
	[bflag:$0x0] =	sbarrier.arrive $0xFFFF  }
0x43: {  	s31 =	simm.s32 $0x2;
	[sflag:s2] =	ssyncpa.u1 $0x1  }
0x44: {  	[sflag:s31] =	ssyncpa.u1 $0x1  }
0x45: {  	p0 =	sne.s32 s0, $0x0;
	_ =	strace $0x9000004A  }
0x46: {  	s0 =	sadd.s32 @!p0 $0x100000, s1;
	[bflag:$0x2] =	sbarrier.arrive $0xFFFF  }
0x47: {  	[sflag:s0] =	ssyncadd.tile.s32 @!p0 $0x1;
	_ =	shalt  }
.Lfunc_end1:
_tile_overlayer_lowered:
.L_overlay_start_2:
0x48: {  	(tag) =	ssettag $0x2  }
0x49: {  	s0 =	rddreg [dreg:$0x0];
	s2 =	stileid.u32  }
0x4a: {  	s1 =	rddreg [dreg:$0x1];
	p0 =	sne.s32 s2, $0x0  }
0x4b: {  	s3 =	rddreg [dreg:$0x2];
	[bflag:$0x3] =	sbarrier.arrive $0xFFFF;
	s2 =	simm.s32 @!p0 $0x1C01  }
0x4c: {  	[timem:s3], [sflag:s2] =	dma.local @!p0 [hbm:s0], s1  }
0x4d: {  	s0 =	simm.s32 @!p0 $0x1  }
0x4e: {  	_ =	swait.ge @!p0 [sflag:s0], s1  }
0x4f: {  	s1 =	ssub.s32 @!p0 $0x0, s1;
	[sflag:s0] =	ssyncset.done @!p0 $0x0  }
0x50: {  	[sflag:s0] =	ssyncadd.s32 @!p0 s1  }
0x51: {  	[bflag:$0x3] =	sbarrier.arrive $0xFFFF  }
0x52: {  	_ =	shalt  }

</sc_bundles>
